<compile_context>
chip_gen: v7x
topology: tpu7x:2x2x1
jax: 0.10.2.dev20260603
libtpu: 0.0.44.dev20260713+nightly
codegen_flags: <defaults>
</compile_context>

<pallas_src>
import jax
import jax.numpy as jnp
from jax import lax
from jax.experimental import pallas as pl
from jax.experimental.pallas import tpu as pltpu
from jax.experimental.pallas import tpu_sc as plsc

N = 10000
E = 320000
D = 128
DH = 256

NC = 2
NS = 16
NW = NC * NS
C = 128
CH = 80
PH = 16
NPH = CH // PH
EPW = C * CH
EPAD = EPW * NW
PAD = EPAD - E
NACC = 10240
RPT = NACC // NS
NDISC = NACC - N


def _seg_sum_body(table, src, dst, out, src_v, dst_v, rows_v, acc, gsem, ssem):
    c = lax.axis_index("c")
    s = lax.axis_index("s")
    wid = c * NS + s

    def zrow(i, carry):
        for j in range(D // 16):
            rows_v[0, i, pl.ds(j * 16, 16)] = jnp.zeros((16,), jnp.float32)
        return carry

    lax.fori_loop(0, C, zrow, 0)
    for m in range(RPT // C):
        pltpu.sync_copy(rows_v.at[0], acc.at[pl.ds(s * RPT + m * C, C)])
    plsc.subcore_barrier()

    def wait_rows(sem):
        pltpu.make_async_copy(table.at[pl.ds(0, C)], rows_v.at[0], sem).wait()

    for ph in range(NPH):
        pltpu.sync_copy(src.at[wid, pl.ds(ph * PH, PH)], src_v)
        pltpu.sync_copy(dst.at[wid, pl.ds(ph * PH, PH)], dst_v)
        pltpu.async_copy(table.at[src_v.at[0]], rows_v.at[0], gsem)

        def body(k0, carry):
            j0 = k0 * 2
            for b in range(2):
                j = j0 + b

                @pl.when(j + 1 < PH)
                def _():
                    pltpu.async_copy(
                        table.at[src_v.at[j + 1]], rows_v.at[1 - b], gsem
                    )

                wait_rows(gsem)
                pltpu.sync_copy(rows_v.at[b], acc.at[dst_v.at[j]], add=True)
            return carry

        lax.fori_loop(0, PH // 2, body, 0)

    plsc.subcore_barrier()
    pltpu.sync_copy(acc.at[pl.ds(s * RPT, RPT)], out.at[c, pl.ds(s * RPT, RPT)])


import functools


@functools.cache
def _make_seg_sum():
    return pl.kernel(
        _seg_sum_body,
        out_type=jax.ShapeDtypeStruct((NC, NACC, D), jnp.float32),
        mesh=plsc.VectorSubcoreMesh(
            core_axis_name="c", subcore_axis_name="s", num_cores=NC, num_subcores=NS
        ),
        scratch_types=[
            pltpu.VMEM((PH, C), jnp.int32),
            pltpu.VMEM((PH, C), jnp.int32),
            pltpu.VMEM((2, C, D), jnp.float32),
            pltpu.VMEM_SHARED((NACC, D), jnp.float32),
            pltpu.SemaphoreType.DMA,
            pltpu.SemaphoreType.DMA,
        ],
    )


RB = 400
GRID = N // RB


def _dense1_body(p0, p1, x, wl1, wr1, b1, g, b, wl2, wr2, b2, y2, r2):
    agg = p0[0] + p1[0]
    h = jnp.dot(agg, wl1[...], preferred_element_type=jnp.float32)
    h = h + jnp.dot(x[...], wr1[...], preferred_element_type=jnp.float32)
    h = h + b1[...]
    mu = jnp.mean(h, axis=-1, keepdims=True)
    var = jnp.mean((h - mu) ** 2, axis=-1, keepdims=True)
    hn = (h - mu) * lax.rsqrt(var + 1e-5) * g[...] + b[...]
    hr = jnp.maximum(hn, 0.0)
    y2[...] = jnp.dot(hr, wl2[...], preferred_element_type=jnp.float32)
    r2[...] = jnp.dot(hr, wr2[...], preferred_element_type=jnp.float32) + b2[...]


def _combine_body(a, b, c, o):
    o[...] = a[0] + b[0] + c[...]


_pblk0 = pl.BlockSpec((1, RB, D), lambda i: (0, i, 0))
_pblk1 = pl.BlockSpec((1, RB, D), lambda i: (1, i, 0))


def _dense1(p, x, W_l1, W_r1, b1r, gr, br, W_l2, W_r2, b2r):
    blk = lambda r, d: pl.BlockSpec((r, d), lambda i: (i, 0))
    full = lambda a, d: pl.BlockSpec((a, d), lambda i: (0, 0))
    return pl.pallas_call(
        _dense1_body,
        grid=(GRID,),
        in_specs=[
            _pblk0, _pblk1, blk(RB, D),
            full(D, DH), full(D, DH), full(1, DH), full(1, DH), full(1, DH),
            full(DH, D), full(DH, D), full(1, D),
        ],
        out_specs=[blk(RB, D), blk(RB, D)],
        out_shape=[
            jax.ShapeDtypeStruct((N, D), jnp.float32),
            jax.ShapeDtypeStruct((N, D), jnp.float32),
        ],
    )(p, p, x, W_l1, W_r1, b1r, gr, br, W_l2, W_r2, b2r)


def _combine(q, r2):
    blk = pl.BlockSpec((RB, D), lambda i: (i, 0))
    return pl.pallas_call(
        _combine_body,
        grid=(GRID,),
        in_specs=[_pblk0, _pblk1, blk],
        out_specs=blk,
        out_shape=jax.ShapeDtypeStruct((N, D), jnp.float32),
    )(q, q, r2)


def kernel(x, edge_index, W_l1, W_r1, b1, ln_g, ln_b, W_l2, W_r2, b2):
    f32 = jnp.float32
    i32 = jnp.int32
    pad_idx = jnp.arange(PAD, dtype=i32)
    pad_src = pad_idx % N
    src = jnp.concatenate([edge_index[0], pad_src]).reshape(NW, CH, C)
    pad_dst = N + pad_idx % NDISC
    dst = jnp.concatenate([edge_index[1], pad_dst]).reshape(NW, CH, C)

    seg_sum = _make_seg_sum()
    p = seg_sum(x, src, dst)

    b1r = b1.reshape(1, DH)
    gr = ln_g.reshape(1, DH)
    br = ln_b.reshape(1, DH)
    b2r = b2.reshape(1, D)
    y2, r2 = _dense1(p, x, W_l1, W_r1, b1r, gr, br, W_l2, W_r2, b2r)

    q = seg_sum(y2, src, dst)

    return _combine(q, r2)

# --- scband reference (transcript-rebuilt; emitter-appended) ---
"""Pipeline reference for scband-graph-encoder-45844480918198 (READ-ONLY COPY).

The authoritative reference and input builder live on the scoring server;
editing this copy changes nothing except your own understanding.
"""

import jax, jax.numpy as jnp
import numpy as np

N = 10000
E = 320000
D_IN = 128
D_H = 256
D_OUT = 128


def setup_inputs(seed: int = 0) -> dict:
    key = jax.random.key(seed)
    ks = jax.random.split(key, 12)
    x = jax.random.normal(ks[0], (N, D_IN), dtype=jnp.float32)
    edge_index = jax.random.randint(ks[1], (2, E), 0, N, dtype=jnp.int32)
    # SAGEConv layer 1: lin_l (applied to aggregated neighbors, has bias), lin_r (root weight, no bias)
    W_l1 = jax.random.normal(ks[2], (D_IN, D_H), dtype=jnp.float32) / np.sqrt(D_IN)
    W_r1 = jax.random.normal(ks[3], (D_IN, D_H), dtype=jnp.float32) / np.sqrt(D_IN)
    b1 = jnp.zeros((D_H,), dtype=jnp.float32)
    # LayerNorm params (affine)
    ln_g = jnp.ones((D_H,), dtype=jnp.float32)
    ln_b = jnp.zeros((D_H,), dtype=jnp.float32)
    # SAGEConv layer 2
    W_l2 = jax.random.normal(ks[4], (D_H, D_OUT), dtype=jnp.float32) / np.sqrt(D_H)
    W_r2 = jax.random.normal(ks[5], (D_H, D_OUT), dtype=jnp.float32) / np.sqrt(D_H)
    b2 = jnp.zeros((D_OUT,), dtype=jnp.float32)
    return {"x": x, "edge_index": edge_index, "W_l1": W_l1, "W_r1": W_r1, "b1": b1,
            "ln_g": ln_g, "ln_b": ln_b, "W_l2": W_l2, "W_r2": W_r2, "b2": b2}


def _sage_conv(x, edge_index, W_l, W_r, b):
    # PyG SAGEConv with aggr='sum': out = lin_l(sum_{j in N(i)} x_j) + lin_r(x_i)
    src = edge_index[0]
    dst = edge_index[1]
    msgs = jnp.take(x, src, axis=0)              # gather source-node features
    agg = jax.ops.segment_sum(msgs, dst, num_segments=x.shape[0])  # scatter-add to dst
    return agg @ W_l + b + x @ W_r


def _layer_norm(h, gamma, beta, eps=1e-5):
    mu = jnp.mean(h, axis=-1, keepdims=True)
    var = jnp.mean((h - mu) ** 2, axis=-1, keepdims=True)
    return (h - mu) / jnp.sqrt(var + eps) * gamma + beta


def reference(x, edge_index, W_l1, W_r1, b1, ln_g, ln_b, W_l2, W_r2, b2):
    # Layer 1 conv -> LayerNorm -> ReLU -> dropout (identity in eval mode)
    h = _sage_conv(x, edge_index, W_l1, W_r1, b1)
    h = _layer_norm(h, ln_g, ln_b)
    h = jax.nn.relu(h)
    # F.dropout with training=False is identity
    out = _sage_conv(h, edge_index, W_l2, W_r2, b2)
    return out

if __name__ == "__main__":
    import jax
    _d = setup_inputs()
    print(jax.jit(kernel)(*tuple(_d.values())))

</pallas_src>

<mosaic_0001>
#map = affine_map<(d0, d1) -> (0, 0)>
#map1 = affine_map<(d0, d1) -> (0, 0, 0)>
module attributes {stable_mosaic.version = 14 : i64} {
  func.func @_seg_sum_body(%arg0: i32, %arg1: i32, %arg2: memref<10000x128xf32, #tpu.memory_space<hbm>>, %arg3: memref<32x80x128xi32, #tpu.memory_space<hbm>>, %arg4: memref<32x80x128xi32, #tpu.memory_space<hbm>>, %arg5: memref<2x10240x128xf32, #tpu.memory_space<hbm>>, %arg6: memref<16x128xi32, #tpu.memory_space<vmem>>, %arg7: memref<16x128xi32, #tpu.memory_space<vmem>>, %arg8: memref<2x128x128xf32, #tpu.memory_space<vmem>>, %arg9: memref<10240x128xf32, #tpu.memory_space<vmem_shared>>, %arg10: memref<!tpu.dma_semaphore, #tpu.memory_space<semaphore_mem>>, %arg11: memref<!tpu.dma_semaphore, #tpu.memory_space<semaphore_mem>>) attributes {dimension_semantics = [#tpu.dimension_semantics<core_parallel>, #tpu.dimension_semantics<subcore_parallel>], iteration_bounds = array<i64: 2, 16>, scalar_prefetch = 0 : i64, scratch_operands = 6 : i64, tpu.core_type = #tpu.core_type<sc_vector_subcore>, window_params = [{transform_indices = #map}, {transform_indices = #map1}, {transform_indices = #map1}, {transform_indices = #map1}]} {
    %mul3A = arith.constant 16 : i32
    %mul3A_0 = arith.muli %arg0, %mul3A : i32
    %add3A = arith.addi %mul3A_0, %arg1 : i32
    %scan3A = arith.constant 0 : i32
    %scan3A_1 = arith.constant 0 : i32
    %scan3A_2 = arith.constant 128 : i32
    %scan3A_3 = arith.addi %scan3A_1, %scan3A_2 : i32
    %scan3A_4 = arith.constant 1 : i32
    scf.for %scan3A_124 = %scan3A_1 to %scan3A_3 step %scan3A_4  : i32 {
      %broadcast_in_dim3A = arith.constant 0.000000e+00 : f32
      %broadcast_in_dim3A_125 = vector.broadcast %broadcast_in_dim3A : f32 to vector<16xf32>
      %swap3A = arith.constant 0 : i32
      %swap3A_126 = arith.index_cast %swap3A : i32 to index
      %swap3A_127 = arith.index_cast %scan3A_124 : i32 to index
      %swap3A_128 = arith.constant 0 : index
      %swap3A_129 = tpu.vector_load %arg8[%swap3A_126, %swap3A_127, %swap3A_128] {strides = array<i32>} : memref<2x128x128xf32, #tpu.memory_space<vmem>>, vector<1x1x16xf32>,
      %swap3A_130 = vector.shape_cast %swap3A_129 : vector<1x1x16xf32> to vector<16xf32>
      %swap3A_131 = vector.shape_cast %broadcast_in_dim3A_125 : vector<16xf32> to vector<1x1x16xf32>
      tpu.vector_store %arg8[%swap3A_126, %swap3A_127, %swap3A_128], %swap3A_131 {strides = array<i32>} : memref<2x128x128xf32, #tpu.memory_space<vmem>>, vector<1x1x16xf32>,
      %broadcast_in_dim3A_132 = arith.constant 0.000000e+00 : f32
      %broadcast_in_dim3A_133 = vector.broadcast %broadcast_in_dim3A_132 : f32 to vector<16xf32>
      %swap3A_134 = arith.constant 0 : i32
      %swap3A_135 = arith.index_cast %swap3A_134 : i32 to index
      %swap3A_136 = arith.index_cast %scan3A_124 : i32 to index
      %swap3A_137 = arith.constant 16 : index
      %swap3A_138 = tpu.vector_load %arg8[%swap3A_135, %swap3A_136, %swap3A_137] {strides = array<i32>} : memref<2x128x128xf32, #tpu.memory_space<vmem>>, vector<1x1x16xf32>,
      %swap3A_139 = vector.shape_cast %swap3A_138 : vector<1x1x16xf32> to vector<16xf32>
      %swap3A_140 = vector.shape_cast %broadcast_in_dim3A_133 : vector<16xf32> to vector<1x1x16xf32>
      tpu.vector_store %arg8[%swap3A_135, %swap3A_136, %swap3A_137], %swap3A_140 {strides = array<i32>} : memref<2x128x128xf32, #tpu.memory_space<vmem>>, vector<1x1x16xf32>,
      %broadcast_in_dim3A_141 = arith.constant 0.000000e+00 : f32
      %broadcast_in_dim3A_142 = vector.broadcast %broadcast_in_dim3A_141 : f32 to vector<16xf32>
      %swap3A_143 = arith.constant 0 : i32
      %swap3A_144 = arith.index_cast %swap3A_143 : i32 to index
      %swap3A_145 = arith.index_cast %scan3A_124 : i32 to index
      %swap3A_146 = arith.constant 32 : index
      %swap3A_147 = tpu.vector_load %arg8[%swap3A_144, %swap3A_145, %swap3A_146] {strides = array<i32>} : memref<2x128x128xf32, #tpu.memory_space<vmem>>, vector<1x1x16xf32>,
      %swap3A_148 = vector.shape_cast %swap3A_147 : vector<1x1x16xf32> to vector<16xf32>
      %swap3A_149 = vector.shape_cast %broadcast_in_dim3A_142 : vector<16xf32> to vector<1x1x16xf32>
      tpu.vector_store %arg8[%swap3A_144, %swap3A_145, %swap3A_146], %swap3A_149 {strides = array<i32>} : memref<2x128x128xf32, #tpu.memory_space<vmem>>, vector<1x1x16xf32>,
      %broadcast_in_dim3A_150 = arith.constant 0.000000e+00 : f32
      %broadcast_in_dim3A_151 = vector.broadcast %broadcast_in_dim3A_150 : f32 to vector<16xf32>
      %swap3A_152 = arith.constant 0 : i32
      %swap3A_153 = arith.index_cast %swap3A_152 : i32 to index
      %swap3A_154 = arith.index_cast %scan3A_124 : i32 to index
      %swap3A_155 = arith.constant 48 : index
      %swap3A_156 = tpu.vector_load %arg8[%swap3A_153, %swap3A_154, %swap3A_155] {strides = array<i32>} : memref<2x128x128xf32, #tpu.memory_space<vmem>>, vector<1x1x16xf32>,
      %swap3A_157 = vector.shape_cast %swap3A_156 : vector<1x1x16xf32> to vector<16xf32>
      %swap3A_158 = vector.shape_cast %broadcast_in_dim3A_151 : vector<16xf32> to vector<1x1x16xf32>
      tpu.vector_store %arg8[%swap3A_153, %swap3A_154, %swap3A_155], %swap3A_158 {strides = array<i32>} : memref<2x128x128xf32, #tpu.memory_space<vmem>>, vector<1x1x16xf32>,
      %broadcast_in_dim3A_159 = arith.constant 0.000000e+00 : f32
      %broadcast_in_dim3A_160 = vector.broadcast %broadcast_in_dim3A_159 : f32 to vector<16xf32>
      %swap3A_161 = arith.constant 0 : i32
      %swap3A_162 = arith.index_cast %swap3A_161 : i32 to index
      %swap3A_163 = arith.index_cast %scan3A_124 : i32 to index
      %swap3A_164 = arith.constant 64 : index
      %swap3A_165 = tpu.vector_load %arg8[%swap3A_162, %swap3A_163, %swap3A_164] {strides = array<i32>} : memref<2x128x128xf32, #tpu.memory_space<vmem>>, vector<1x1x16xf32>,
      %swap3A_166 = vector.shape_cast %swap3A_165 : vector<1x1x16xf32> to vector<16xf32>
      %swap3A_167 = vector.shape_cast %broadcast_in_dim3A_160 : vector<16xf32> to vector<1x1x16xf32>
      tpu.vector_store %arg8[%swap3A_162, %swap3A_163, %swap3A_164], %swap3A_167 {strides = array<i32>} : memref<2x128x128xf32, #tpu.memory_space<vmem>>, vector<1x1x16xf32>,
      %broadcast_in_dim3A_168 = arith.constant 0.000000e+00 : f32
      %broadcast_in_dim3A_169 = vector.broadcast %broadcast_in_dim3A_168 : f32 to vector<16xf32>
      %swap3A_170 = arith.constant 0 : i32
      %swap3A_171 = arith.index_cast %swap3A_170 : i32 to index
      %swap3A_172 = arith.index_cast %scan3A_124 : i32 to index
      %swap3A_173 = arith.constant 80 : index
      %swap3A_174 = tpu.vector_load %arg8[%swap3A_171, %swap3A_172, %swap3A_173] {strides = array<i32>} : memref<2x128x128xf32, #tpu.memory_space<vmem>>, vector<1x1x16xf32>,
      %swap3A_175 = vector.shape_cast %swap3A_174 : vector<1x1x16xf32> to vector<16xf32>
      %swap3A_176 = vector.shape_cast %broadcast_in_dim3A_169 : vector<16xf32> to vector<1x1x16xf32>
      tpu.vector_store %arg8[%swap3A_171, %swap3A_172, %swap3A_173], %swap3A_176 {strides = array<i32>} : memref<2x128x128xf32, #tpu.memory_space<vmem>>, vector<1x1x16xf32>,
      %broadcast_in_dim3A_177 = arith.constant 0.000000e+00 : f32
      %broadcast_in_dim3A_178 = vector.broadcast %broadcast_in_dim3A_177 : f32 to vector<16xf32>
      %swap3A_179 = arith.constant 0 : i32
      %swap3A_180 = arith.index_cast %swap3A_179 : i32 to index
      %swap3A_181 = arith.index_cast %scan3A_124 : i32 to index
      %swap3A_182 = arith.constant 96 : index
      %swap3A_183 = tpu.vector_load %arg8[%swap3A_180, %swap3A_181, %swap3A_182] {strides = array<i32>} : memref<2x128x128xf32, #tpu.memory_space<vmem>>, vector<1x1x16xf32>,
      %swap3A_184 = vector.shape_cast %swap3A_183 : vector<1x1x16xf32> to vector<16xf32>
      %swap3A_185 = vector.shape_cast %broadcast_in_dim3A_178 : vector<16xf32> to vector<1x1x16xf32>
      tpu.vector_store %arg8[%swap3A_180, %swap3A_181, %swap3A_182], %swap3A_185 {strides = array<i32>} : memref<2x128x128xf32, #tpu.memory_space<vmem>>, vector<1x1x16xf32>,
      %broadcast_in_dim3A_186 = arith.constant 0.000000e+00 : f32
      %broadcast_in_dim3A_187 = vector.broadcast %broadcast_in_dim3A_186 : f32 to vector<16xf32>
      %swap3A_188 = arith.constant 0 : i32
      %swap3A_189 = arith.index_cast %swap3A_188 : i32 to index
      %swap3A_190 = arith.index_cast %scan3A_124 : i32 to index
      %swap3A_191 = arith.constant 112 : index
      %swap3A_192 = tpu.vector_load %arg8[%swap3A_189, %swap3A_190, %swap3A_191] {strides = array<i32>} : memref<2x128x128xf32, #tpu.memory_space<vmem>>, vector<1x1x16xf32>,
      %swap3A_193 = vector.shape_cast %swap3A_192 : vector<1x1x16xf32> to vector<16xf32>
      %swap3A_194 = vector.shape_cast %broadcast_in_dim3A_187 : vector<16xf32> to vector<1x1x16xf32>
      tpu.vector_store %arg8[%swap3A_189, %swap3A_190, %swap3A_191], %swap3A_194 {strides = array<i32>} : memref<2x128x128xf32, #tpu.memory_space<vmem>>, vector<1x1x16xf32>,
    }
    %scan3A_5 = arith.constant 128 : i32
    %mul3A_6 = arith.constant 640 : i32
    %mul3A_7 = arith.muli %arg1, %mul3A_6 : i32
    %add3A_8 = arith.constant 0 : i32
    %add3A_9 = arith.addi %mul3A_7, %add3A_8 : i32
    %run_scoped3A = arith.constant 0 : i32
    "tpu.region"() ({
      %run_scoped3A_124 = tpu.sem_alloc : memref<!tpu.dma_semaphore, #tpu.memory_space<semaphore_mem>>
      %dma_start3A_125 = arith.constant 0 : i32
      %dma_start3A_126 = arith.constant 0 : i32
      %dma_start3A_127 = tpu.memref_slice %arg8[%run_scoped3A, %dma_start3A_125, %dma_start3A_126] : memref<2x128x128xf32, #tpu.memory_space<vmem>> -> memref<1x128x128xf32, #tpu.memory_space<vmem>>
      %dma_start3A_128 = tpu.memref_squeeze %dma_start3A_127 : memref<1x128x128xf32, #tpu.memory_space<vmem>> -> memref<128x128xf32, #tpu.memory_space<vmem>>
      %dma_start3A_129 = arith.constant 0 : i32
      %dma_start3A_130 = tpu.memref_slice %arg9[%add3A_9, %dma_start3A_129] : memref<10240x128xf32, #tpu.memory_space<vmem_shared>> -> memref<128x128xf32, #tpu.memory_space<vmem_shared>>
      %dma_start3A_131 = arith.constant 0 : i32
      %dma_start3A_132 = tpu.memref_slice %arg9[%add3A_9, %dma_start3A_131] : memref<10240x128xf32, #tpu.memory_space<vmem_shared>> -> memref<128x128xf32, #tpu.memory_space<vmem_shared>>
      %dma_start3A_133 = arith.constant 0 : i32
      %dma_start3A_134 = arith.constant 0 : i32
      %dma_start3A_135 = tpu.memref_slice %arg8[%run_scoped3A, %dma_start3A_133, %dma_start3A_134] : memref<2x128x128xf32, #tpu.memory_space<vmem>> -> memref<1x128x128xf32, #tpu.memory_space<vmem>>
      %dma_start3A_136 = tpu.memref_squeeze %dma_start3A_135 : memref<1x128x128xf32, #tpu.memory_space<vmem>> -> memref<128x128xf32, #tpu.memory_space<vmem>>
      tpu.enqueue_dma source(%dma_start3A_136 : memref<128x128xf32, #tpu.memory_space<vmem>>) target(%dma_start3A_132 : memref<128x128xf32, #tpu.memory_space<vmem_shared>>) target_semaphore(%run_scoped3A_124 : memref<!tpu.dma_semaphore, #tpu.memory_space<semaphore_mem>>)
      %dma_wait3A = arith.constant 0 : i32
      %dma_wait3A_137 = arith.constant 0 : i32
      %dma_wait3A_138 = tpu.memref_slice %arg8[%run_scoped3A, %dma_wait3A, %dma_wait3A_137] : memref<2x128x128xf32, #tpu.memory_space<vmem>> -> memref<1x128x128xf32, #tpu.memory_space<vmem>>
      %dma_wait3A_139 = tpu.memref_squeeze %dma_wait3A_138 : memref<1x128x128xf32, #tpu.memory_space<vmem>> -> memref<128x128xf32, #tpu.memory_space<vmem>>
      %dma_wait3A_140 = arith.constant 0 : i32
      %dma_wait3A_141 = tpu.memref_slice %arg9[%add3A_9, %dma_wait3A_140] : memref<10240x128xf32, #tpu.memory_space<vmem_shared>> -> memref<128x128xf32, #tpu.memory_space<vmem_shared>>
      %dma_wait3A_142 = arith.constant 0 : i32
      %dma_wait3A_143 = tpu.memref_slice %arg9[%add3A_9, %dma_wait3A_142] : memref<10240x128xf32, #tpu.memory_space<vmem_shared>> -> memref<128x128xf32, #tpu.memory_space<vmem_shared>>
      %dma_wait3A_144 = arith.constant 0 : i32
      %dma_wait3A_145 = arith.constant 0 : i32
      %dma_wait3A_146 = tpu.memref_slice %arg8[%run_scoped3A, %dma_wait3A_144, %dma_wait3A_145] : memref<2x128x128xf32, #tpu.memory_space<vmem>> -> memref<1x128x128xf32, #tpu.memory_space<vmem>>
      %dma_wait3A_147 = tpu.memref_squeeze %dma_wait3A_146 : memref<1x128x128xf32, #tpu.memory_space<vmem>> -> memref<128x128xf32, #tpu.memory_space<vmem>>
      tpu.wait_dma2 semaphore(%run_scoped3A_124 : memref<!tpu.dma_semaphore, #tpu.memory_space<semaphore_mem>>) src(%dma_wait3A_147 : memref<128x128xf32, #tpu.memory_space<vmem>>) dst(%dma_wait3A_143 : memref<128x128xf32, #tpu.memory_space<vmem_shared>>)
      tpu.yield
    }) : () -> ()
    %mul3A_10 = arith.constant 640 : i32
    %mul3A_11 = arith.muli %arg1, %mul3A_10 : i32
    %add3A_12 = arith.constant 128 : i32
    %add3A_13 = arith.addi %mul3A_11, %add3A_12 : i32
    %run_scoped3A_14 = arith.constant 0 : i32
    "tpu.region"() ({
      %run_scoped3A_124 = tpu.sem_alloc : memref<!tpu.dma_semaphore, #tpu.memory_space<semaphore_mem>>
      %dma_start3A_125 = arith.constant 0 : i32
      %dma_start3A_126 = arith.constant 0 : i32
      %dma_start3A_127 = tpu.memref_slice %arg8[%run_scoped3A_14, %dma_start3A_125, %dma_start3A_126] : memref<2x128x128xf32, #tpu.memory_space<vmem>> -> memref<1x128x128xf32, #tpu.memory_space<vmem>>
      %dma_start3A_128 = tpu.memref_squeeze %dma_start3A_127 : memref<1x128x128xf32, #tpu.memory_space<vmem>> -> memref<128x128xf32, #tpu.memory_space<vmem>>
      %dma_start3A_129 = arith.constant 0 : i32
      %dma_start3A_130 = tpu.memref_slice %arg9[%add3A_13, %dma_start3A_129] : memref<10240x128xf32, #tpu.memory_space<vmem_shared>> -> memref<128x128xf32, #tpu.memory_space<vmem_shared>>
      %dma_start3A_131 = arith.constant 0 : i32
      %dma_start3A_132 = tpu.memref_slice %arg9[%add3A_13, %dma_start3A_131] : memref<10240x128xf32, #tpu.memory_space<vmem_shared>> -> memref<128x128xf32, #tpu.memory_space<vmem_shared>>
      %dma_start3A_133 = arith.constant 0 : i32
      %dma_start3A_134 = arith.constant 0 : i32
      %dma_start3A_135 = tpu.memref_slice %arg8[%run_scoped3A_14, %dma_start3A_133, %dma_start3A_134] : memref<2x128x128xf32, #tpu.memory_space<vmem>> -> memref<1x128x128xf32, #tpu.memory_space<vmem>>
      %dma_start3A_136 = tpu.memref_squeeze %dma_start3A_135 : memref<1x128x128xf32, #tpu.memory_space<vmem>> -> memref<128x128xf32, #tpu.memory_space<vmem>>
      tpu.enqueue_dma source(%dma_start3A_136 : memref<128x128xf32, #tpu.memory_space<vmem>>) target(%dma_start3A_132 : memref<128x128xf32, #tpu.memory_space<vmem_shared>>) target_semaphore(%run_scoped3A_124 : memref<!tpu.dma_semaphore, #tpu.memory_space<semaphore_mem>>)
      %dma_wait3A = arith.constant 0 : i32
      %dma_wait3A_137 = arith.constant 0 : i32
      %dma_wait3A_138 = tpu.memref_slice %arg8[%run_scoped3A_14, %dma_wait3A, %dma_wait3A_137] : memref<2x128x128xf32, #tpu.memory_space<vmem>> -> memref<1x128x128xf32, #tpu.memory_space<vmem>>
      %dma_wait3A_139 = tpu.memref_squeeze %dma_wait3A_138 : memref<1x128x128xf32, #tpu.memory_space<vmem>> -> memref<128x128xf32, #tpu.memory_space<vmem>>
      %dma_wait3A_140 = arith.constant 0 : i32
      %dma_wait3A_141 = tpu.memref_slice %arg9[%add3A_13, %dma_wait3A_140] : memref<10240x128xf32, #tpu.memory_space<vmem_shared>> -> memref<128x128xf32, #tpu.memory_space<vmem_shared>>
      %dma_wait3A_142 = arith.constant 0 : i32
      %dma_wait3A_143 = tpu.memref_slice %arg9[%add3A_13, %dma_wait3A_142] : memref<10240x128xf32, #tpu.memory_space<vmem_shared>> -> memref<128x128xf32, #tpu.memory_space<vmem_shared>>
      %dma_wait3A_144 = arith.constant 0 : i32
      %dma_wait3A_145 = arith.constant 0 : i32
      %dma_wait3A_146 = tpu.memref_slice %arg8[%run_scoped3A_14, %dma_wait3A_144, %dma_wait3A_145] : memref<2x128x128xf32, #tpu.memory_space<vmem>> -> memref<1x128x128xf32, #tpu.memory_space<vmem>>
      %dma_wait3A_147 = tpu.memref_squeeze %dma_wait3A_146 : memref<1x128x128xf32, #tpu.memory_space<vmem>> -> memref<128x128xf32, #tpu.memory_space<vmem>>
      tpu.wait_dma2 semaphore(%run_scoped3A_124 : memref<!tpu.dma_semaphore, #tpu.memory_space<semaphore_mem>>) src(%dma_wait3A_147 : memref<128x128xf32, #tpu.memory_space<vmem>>) dst(%dma_wait3A_143 : memref<128x128xf32, #tpu.memory_space<vmem_shared>>)
      tpu.yield
    }) : () -> ()
    %mul3A_15 = arith.constant 640 : i32
    %mul3A_16 = arith.muli %arg1, %mul3A_15 : i32
    %add3A_17 = arith.constant 256 : i32
    %add3A_18 = arith.addi %mul3A_16, %add3A_17 : i32
    %run_scoped3A_19 = arith.constant 0 : i32
    "tpu.region"() ({
      %run_scoped3A_124 = tpu.sem_alloc : memref<!tpu.dma_semaphore, #tpu.memory_space<semaphore_mem>>
      %dma_start3A_125 = arith.constant 0 : i32
      %dma_start3A_126 = arith.constant 0 : i32
      %dma_start3A_127 = tpu.memref_slice %arg8[%run_scoped3A_19, %dma_start3A_125, %dma_start3A_126] : memref<2x128x128xf32, #tpu.memory_space<vmem>> -> memref<1x128x128xf32, #tpu.memory_space<vmem>>
      %dma_start3A_128 = tpu.memref_squeeze %dma_start3A_127 : memref<1x128x128xf32, #tpu.memory_space<vmem>> -> memref<128x128xf32, #tpu.memory_space<vmem>>
      %dma_start3A_129 = arith.constant 0 : i32
      %dma_start3A_130 = tpu.memref_slice %arg9[%add3A_18, %dma_start3A_129] : memref<10240x128xf32, #tpu.memory_space<vmem_shared>> -> memref<128x128xf32, #tpu.memory_space<vmem_shared>>
      %dma_start3A_131 = arith.constant 0 : i32
      %dma_start3A_132 = tpu.memref_slice %arg9[%add3A_18, %dma_start3A_131] : memref<10240x128xf32, #tpu.memory_space<vmem_shared>> -> memref<128x128xf32, #tpu.memory_space<vmem_shared>>
      %dma_start3A_133 = arith.constant 0 : i32
      %dma_start3A_134 = arith.constant 0 : i32
      %dma_start3A_135 = tpu.memref_slice %arg8[%run_scoped3A_19, %dma_start3A_133, %dma_start3A_134] : memref<2x128x128xf32, #tpu.memory_space<vmem>> -> memref<1x128x128xf32, #tpu.memory_space<vmem>>
      %dma_start3A_136 = tpu.memref_squeeze %dma_start3A_135 : memref<1x128x128xf32, #tpu.memory_space<vmem>> -> memref<128x128xf32, #tpu.memory_space<vmem>>
      tpu.enqueue_dma source(%dma_start3A_136 : memref<128x128xf32, #tpu.memory_space<vmem>>) target(%dma_start3A_132 : memref<128x128xf32, #tpu.memory_space<vmem_shared>>) target_semaphore(%run_scoped3A_124 : memref<!tpu.dma_semaphore, #tpu.memory_space<semaphore_mem>>)
      %dma_wait3A = arith.constant 0 : i32
      %dma_wait3A_137 = arith.constant 0 : i32
      %dma_wait3A_138 = tpu.memref_slice %arg8[%run_scoped3A_19, %dma_wait3A, %dma_wait3A_137] : memref<2x128x128xf32, #tpu.memory_space<vmem>> -> memref<1x128x128xf32, #tpu.memory_space<vmem>>
      %dma_wait3A_139 = tpu.memref_squeeze %dma_wait3A_138 : memref<1x128x128xf32, #tpu.memory_space<vmem>> -> memref<128x128xf32, #tpu.memory_space<vmem>>
      %dma_wait3A_140 = arith.constant 0 : i32
      %dma_wait3A_141 = tpu.memref_slice %arg9[%add3A_18, %dma_wait3A_140] : memref<10240x128xf32, #tpu.memory_space<vmem_shared>> -> memref<128x128xf32, #tpu.memory_space<vmem_shared>>
      %dma_wait3A_142 = arith.constant 0 : i32
      %dma_wait3A_143 = tpu.memref_slice %arg9[%add3A_18, %dma_wait3A_142] : memref<10240x128xf32, #tpu.memory_space<vmem_shared>> -> memref<128x128xf32, #tpu.memory_space<vmem_shared>>
      %dma_wait3A_144 = arith.constant 0 : i32
      %dma_wait3A_145 = arith.constant 0 : i32
      %dma_wait3A_146 = tpu.memref_slice %arg8[%run_scoped3A_19, %dma_wait3A_144, %dma_wait3A_145] : memref<2x128x128xf32, #tpu.memory_space<vmem>> -> memref<1x128x128xf32, #tpu.memory_space<vmem>>
      %dma_wait3A_147 = tpu.memref_squeeze %dma_wait3A_146 : memref<1x128x128xf32, #tpu.memory_space<vmem>> -> memref<128x128xf32, #tpu.memory_space<vmem>>
      tpu.wait_dma2 semaphore(%run_scoped3A_124 : memref<!tpu.dma_semaphore, #tpu.memory_space<semaphore_mem>>) src(%dma_wait3A_147 : memref<128x128xf32, #tpu.memory_space<vmem>>) dst(%dma_wait3A_143 : memref<128x128xf32, #tpu.memory_space<vmem_shared>>)
      tpu.yield
    }) : () -> ()
    %mul3A_20 = arith.constant 640 : i32
    %mul3A_21 = arith.muli %arg1, %mul3A_20 : i32
    %add3A_22 = arith.constant 384 : i32
    %add3A_23 = arith.addi %mul3A_21, %add3A_22 : i32
    %run_scoped3A_24 = arith.constant 0 : i32
    "tpu.region"() ({
      %run_scoped3A_124 = tpu.sem_alloc : memref<!tpu.dma_semaphore, #tpu.memory_space<semaphore_mem>>
      %dma_start3A_125 = arith.constant 0 : i32
      %dma_start3A_126 = arith.constant 0 : i32
      %dma_start3A_127 = tpu.memref_slice %arg8[%run_scoped3A_24, %dma_start3A_125, %dma_start3A_126] : memref<2x128x128xf32, #tpu.memory_space<vmem>> -> memref<1x128x128xf32, #tpu.memory_space<vmem>>
      %dma_start3A_128 = tpu.memref_squeeze %dma_start3A_127 : memref<1x128x128xf32, #tpu.memory_space<vmem>> -> memref<128x128xf32, #tpu.memory_space<vmem>>
      %dma_start3A_129 = arith.constant 0 : i32
      %dma_start3A_130 = tpu.memref_slice %arg9[%add3A_23, %dma_start3A_129] : memref<10240x128xf32, #tpu.memory_space<vmem_shared>> -> memref<128x128xf32, #tpu.memory_space<vmem_shared>>
      %dma_start3A_131 = arith.constant 0 : i32
      %dma_start3A_132 = tpu.memref_slice %arg9[%add3A_23, %dma_start3A_131] : memref<10240x128xf32, #tpu.memory_space<vmem_shared>> -> memref<128x128xf32, #tpu.memory_space<vmem_shared>>
      %dma_start3A_133 = arith.constant 0 : i32
      %dma_start3A_134 = arith.constant 0 : i32
      %dma_start3A_135 = tpu.memref_slice %arg8[%run_scoped3A_24, %dma_start3A_133, %dma_start3A_134] : memref<2x128x128xf32, #tpu.memory_space<vmem>> -> memref<1x128x128xf32, #tpu.memory_space<vmem>>
      %dma_start3A_136 = tpu.memref_squeeze %dma_start3A_135 : memref<1x128x128xf32, #tpu.memory_space<vmem>> -> memref<128x128xf32, #tpu.memory_space<vmem>>
      tpu.enqueue_dma source(%dma_start3A_136 : memref<128x128xf32, #tpu.memory_space<vmem>>) target(%dma_start3A_132 : memref<128x128xf32, #tpu.memory_space<vmem_shared>>) target_semaphore(%run_scoped3A_124 : memref<!tpu.dma_semaphore, #tpu.memory_space<semaphore_mem>>)
      %dma_wait3A = arith.constant 0 : i32
      %dma_wait3A_137 = arith.constant 0 : i32
      %dma_wait3A_138 = tpu.memref_slice %arg8[%run_scoped3A_24, %dma_wait3A, %dma_wait3A_137] : memref<2x128x128xf32, #tpu.memory_space<vmem>> -> memref<1x128x128xf32, #tpu.memory_space<vmem>>
      %dma_wait3A_139 = tpu.memref_squeeze %dma_wait3A_138 : memref<1x128x128xf32, #tpu.memory_space<vmem>> -> memref<128x128xf32, #tpu.memory_space<vmem>>
      %dma_wait3A_140 = arith.constant 0 : i32
      %dma_wait3A_141 = tpu.memref_slice %arg9[%add3A_23, %dma_wait3A_140] : memref<10240x128xf32, #tpu.memory_space<vmem_shared>> -> memref<128x128xf32, #tpu.memory_space<vmem_shared>>
      %dma_wait3A_142 = arith.constant 0 : i32
      %dma_wait3A_143 = tpu.memref_slice %arg9[%add3A_23, %dma_wait3A_142] : memref<10240x128xf32, #tpu.memory_space<vmem_shared>> -> memref<128x128xf32, #tpu.memory_space<vmem_shared>>
      %dma_wait3A_144 = arith.constant 0 : i32
      %dma_wait3A_145 = arith.constant 0 : i32
      %dma_wait3A_146 = tpu.memref_slice %arg8[%run_scoped3A_24, %dma_wait3A_144, %dma_wait3A_145] : memref<2x128x128xf32, #tpu.memory_space<vmem>> -> memref<1x128x128xf32, #tpu.memory_space<vmem>>
      %dma_wait3A_147 = tpu.memref_squeeze %dma_wait3A_146 : memref<1x128x128xf32, #tpu.memory_space<vmem>> -> memref<128x128xf32, #tpu.memory_space<vmem>>
      tpu.wait_dma2 semaphore(%run_scoped3A_124 : memref<!tpu.dma_semaphore, #tpu.memory_space<semaphore_mem>>) src(%dma_wait3A_147 : memref<128x128xf32, #tpu.memory_space<vmem>>) dst(%dma_wait3A_143 : memref<128x128xf32, #tpu.memory_space<vmem_shared>>)
      tpu.yield
    }) : () -> ()
    %mul3A_25 = arith.constant 640 : i32
    %mul3A_26 = arith.muli %arg1, %mul3A_25 : i32
    %add3A_27 = arith.constant 512 : i32
    %add3A_28 = arith.addi %mul3A_26, %add3A_27 : i32
    %run_scoped3A_29 = arith.constant 0 : i32
    "tpu.region"() ({
      %run_scoped3A_124 = tpu.sem_alloc : memref<!tpu.dma_semaphore, #tpu.memory_space<semaphore_mem>>
      %dma_start3A_125 = arith.constant 0 : i32
      %dma_start3A_126 = arith.constant 0 : i32
      %dma_start3A_127 = tpu.memref_slice %arg8[%run_scoped3A_29, %dma_start3A_125, %dma_start3A_126] : memref<2x128x128xf32, #tpu.memory_space<vmem>> -> memref<1x128x128xf32, #tpu.memory_space<vmem>>
      %dma_start3A_128 = tpu.memref_squeeze %dma_start3A_127 : memref<1x128x128xf32, #tpu.memory_space<vmem>> -> memref<128x128xf32, #tpu.memory_space<vmem>>
      %dma_start3A_129 = arith.constant 0 : i32
      %dma_start3A_130 = tpu.memref_slice %arg9[%add3A_28, %dma_start3A_129] : memref<10240x128xf32, #tpu.memory_space<vmem_shared>> -> memref<128x128xf32, #tpu.memory_space<vmem_shared>>
      %dma_start3A_131 = arith.constant 0 : i32
      %dma_start3A_132 = tpu.memref_slice %arg9[%add3A_28, %dma_start3A_131] : memref<10240x128xf32, #tpu.memory_space<vmem_shared>> -> memref<128x128xf32, #tpu.memory_space<vmem_shared>>
      %dma_start3A_133 = arith.constant 0 : i32
      %dma_start3A_134 = arith.constant 0 : i32
      %dma_start3A_135 = tpu.memref_slice %arg8[%run_scoped3A_29, %dma_start3A_133, %dma_start3A_134] : memref<2x128x128xf32, #tpu.memory_space<vmem>> -> memref<1x128x128xf32, #tpu.memory_space<vmem>>
      %dma_start3A_136 = tpu.memref_squeeze %dma_start3A_135 : memref<1x128x128xf32, #tpu.memory_space<vmem>> -> memref<128x128xf32, #tpu.memory_space<vmem>>
      tpu.enqueue_dma source(%dma_start3A_136 : memref<128x128xf32, #tpu.memory_space<vmem>>) target(%dma_start3A_132 : memref<128x128xf32, #tpu.memory_space<vmem_shared>>) target_semaphore(%run_scoped3A_124 : memref<!tpu.dma_semaphore, #tpu.memory_space<semaphore_mem>>)
      %dma_wait3A = arith.constant 0 : i32
      %dma_wait3A_137 = arith.constant 0 : i32
      %dma_wait3A_138 = tpu.memref_slice %arg8[%run_scoped3A_29, %dma_wait3A, %dma_wait3A_137] : memref<2x128x128xf32, #tpu.memory_space<vmem>> -> memref<1x128x128xf32, #tpu.memory_space<vmem>>
      %dma_wait3A_139 = tpu.memref_squeeze %dma_wait3A_138 : memref<1x128x128xf32, #tpu.memory_space<vmem>> -> memref<128x128xf32, #tpu.memory_space<vmem>>
      %dma_wait3A_140 = arith.constant 0 : i32
      %dma_wait3A_141 = tpu.memref_slice %arg9[%add3A_28, %dma_wait3A_140] : memref<10240x128xf32, #tpu.memory_space<vmem_shared>> -> memref<128x128xf32, #tpu.memory_space<vmem_shared>>
      %dma_wait3A_142 = arith.constant 0 : i32
      %dma_wait3A_143 = tpu.memref_slice %arg9[%add3A_28, %dma_wait3A_142] : memref<10240x128xf32, #tpu.memory_space<vmem_shared>> -> memref<128x128xf32, #tpu.memory_space<vmem_shared>>
      %dma_wait3A_144 = arith.constant 0 : i32
      %dma_wait3A_145 = arith.constant 0 : i32
      %dma_wait3A_146 = tpu.memref_slice %arg8[%run_scoped3A_29, %dma_wait3A_144, %dma_wait3A_145] : memref<2x128x128xf32, #tpu.memory_space<vmem>> -> memref<1x128x128xf32, #tpu.memory_space<vmem>>
      %dma_wait3A_147 = tpu.memref_squeeze %dma_wait3A_146 : memref<1x128x128xf32, #tpu.memory_space<vmem>> -> memref<128x128xf32, #tpu.memory_space<vmem>>
      tpu.wait_dma2 semaphore(%run_scoped3A_124 : memref<!tpu.dma_semaphore, #tpu.memory_space<semaphore_mem>>) src(%dma_wait3A_147 : memref<128x128xf32, #tpu.memory_space<vmem>>) dst(%dma_wait3A_143 : memref<128x128xf32, #tpu.memory_space<vmem_shared>>)
      tpu.yield
    }) : () -> ()
    %barrier3A = arith.constant 0 : index
    tpu.barrier barrier_id(%barrier3A)
    "tpu.region"() ({
      %run_scoped3A_124 = tpu.sem_alloc : memref<!tpu.dma_semaphore, #tpu.memory_space<semaphore_mem>>
      %dma_start3A_125 = arith.constant 0 : i32
      %dma_start3A_126 = arith.constant 0 : i32
      %dma_start3A_127 = tpu.memref_slice %arg3[%add3A, %dma_start3A_125, %dma_start3A_126] : memref<32x80x128xi32, #tpu.memory_space<hbm>> -> memref<1x16x128xi32, #tpu.memory_space<hbm>>
      %dma_start3A_128 = tpu.memref_squeeze %dma_start3A_127 : memref<1x16x128xi32, #tpu.memory_space<hbm>> -> memref<16x128xi32, #tpu.memory_space<hbm>>
      %dma_start3A_129 = arith.constant 0 : i32
      %dma_start3A_130 = arith.constant 0 : i32
      %dma_start3A_131 = tpu.memref_slice %arg3[%add3A, %dma_start3A_129, %dma_start3A_130] : memref<32x80x128xi32, #tpu.memory_space<hbm>> -> memref<1x16x128xi32, #tpu.memory_space<hbm>>
      %dma_start3A_132 = tpu.memref_squeeze %dma_start3A_131 : memref<1x16x128xi32, #tpu.memory_space<hbm>> -> memref<16x128xi32, #tpu.memory_space<hbm>>
      tpu.enqueue_dma source(%dma_start3A_132 : memref<16x128xi32, #tpu.memory_space<hbm>>) target(%arg6 : memref<16x128xi32, #tpu.memory_space<vmem>>) target_semaphore(%run_scoped3A_124 : memref<!tpu.dma_semaphore, #tpu.memory_space<semaphore_mem>>)
      %dma_wait3A = arith.constant 0 : i32
      %dma_wait3A_133 = arith.constant 0 : i32
      %dma_wait3A_134 = tpu.memref_slice %arg3[%add3A, %dma_wait3A, %dma_wait3A_133] : memref<32x80x128xi32, #tpu.memory_space<hbm>> -> memref<1x16x128xi32, #tpu.memory_space<hbm>>
      %dma_wait3A_135 = tpu.memref_squeeze %dma_wait3A_134 : memref<1x16x128xi32, #tpu.memory_space<hbm>> -> memref<16x128xi32, #tpu.memory_space<hbm>>
      %dma_wait3A_136 = arith.constant 0 : i32
      %dma_wait3A_137 = arith.constant 0 : i32
      %dma_wait3A_138 = tpu.memref_slice %arg3[%add3A, %dma_wait3A_136, %dma_wait3A_137] : memref<32x80x128xi32, #tpu.memory_space<hbm>> -> memref<1x16x128xi32, #tpu.memory_space<hbm>>
      %dma_wait3A_139 = tpu.memref_squeeze %dma_wait3A_138 : memref<1x16x128xi32, #tpu.memory_space<hbm>> -> memref<16x128xi32, #tpu.memory_space<hbm>>
      tpu.wait_dma2 semaphore(%run_scoped3A_124 : memref<!tpu.dma_semaphore, #tpu.memory_space<semaphore_mem>>) src(%dma_wait3A_139 : memref<16x128xi32, #tpu.memory_space<hbm>>) dst(%arg6 : memref<16x128xi32, #tpu.memory_space<vmem>>)
      tpu.yield
    }) : () -> ()
    "tpu.region"() ({
      %run_scoped3A_124 = tpu.sem_alloc : memref<!tpu.dma_semaphore, #tpu.memory_space<semaphore_mem>>
      %dma_start3A_125 = arith.constant 0 : i32
      %dma_start3A_126 = arith.constant 0 : i32
      %dma_start3A_127 = tpu.memref_slice %arg4[%add3A, %dma_start3A_125, %dma_start3A_126] : memref<32x80x128xi32, #tpu.memory_space<hbm>> -> memref<1x16x128xi32, #tpu.memory_space<hbm>>
      %dma_start3A_128 = tpu.memref_squeeze %dma_start3A_127 : memref<1x16x128xi32, #tpu.memory_space<hbm>> -> memref<16x128xi32, #tpu.memory_space<hbm>>
      %dma_start3A_129 = arith.constant 0 : i32
      %dma_start3A_130 = arith.constant 0 : i32
      %dma_start3A_131 = tpu.memref_slice %arg4[%add3A, %dma_start3A_129, %dma_start3A_130] : memref<32x80x128xi32, #tpu.memory_space<hbm>> -> memref<1x16x128xi32, #tpu.memory_space<hbm>>
      %dma_start3A_132 = tpu.memref_squeeze %dma_start3A_131 : memref<1x16x128xi32, #tpu.memory_space<hbm>> -> memref<16x128xi32, #tpu.memory_space<hbm>>
      tpu.enqueue_dma source(%dma_start3A_132 : memref<16x128xi32, #tpu.memory_space<hbm>>) target(%arg7 : memref<16x128xi32, #tpu.memory_space<vmem>>) target_semaphore(%run_scoped3A_124 : memref<!tpu.dma_semaphore, #tpu.memory_space<semaphore_mem>>)
      %dma_wait3A = arith.constant 0 : i32
      %dma_wait3A_133 = arith.constant 0 : i32
      %dma_wait3A_134 = tpu.memref_slice %arg4[%add3A, %dma_wait3A, %dma_wait3A_133] : memref<32x80x128xi32, #tpu.memory_space<hbm>> -> memref<1x16x128xi32, #tpu.memory_space<hbm>>
      %dma_wait3A_135 = tpu.memref_squeeze %dma_wait3A_134 : memref<1x16x128xi32, #tpu.memory_space<hbm>> -> memref<16x128xi32, #tpu.memory_space<hbm>>
      %dma_wait3A_136 = arith.constant 0 : i32
      %dma_wait3A_137 = arith.constant 0 : i32
      %dma_wait3A_138 = tpu.memref_slice %arg4[%add3A, %dma_wait3A_136, %dma_wait3A_137] : memref<32x80x128xi32, #tpu.memory_space<hbm>> -> memref<1x16x128xi32, #tpu.memory_space<hbm>>
      %dma_wait3A_139 = tpu.memref_squeeze %dma_wait3A_138 : memref<1x16x128xi32, #tpu.memory_space<hbm>> -> memref<16x128xi32, #tpu.memory_space<hbm>>
      tpu.wait_dma2 semaphore(%run_scoped3A_124 : memref<!tpu.dma_semaphore, #tpu.memory_space<semaphore_mem>>) src(%dma_wait3A_139 : memref<16x128xi32, #tpu.memory_space<hbm>>) dst(%arg7 : memref<16x128xi32, #tpu.memory_space<vmem>>)
      tpu.yield
    }) : () -> ()
    %dma_start3A = arith.constant 0 : i32
    %dma_start3A_30 = arith.constant 0 : i32
    %dma_start3A_31 = arith.constant 0 : i32
    %dma_start3A_32 = arith.constant 0 : i32
    %dma_start3A_33 = tpu.memref_slice %arg8[%dma_start3A_30, %dma_start3A_31, %dma_start3A_32] : memref<2x128x128xf32, #tpu.memory_space<vmem>> -> memref<1x128x128xf32, #tpu.memory_space<vmem>>
    %dma_start3A_34 = tpu.memref_squeeze %dma_start3A_33 : memref<1x128x128xf32, #tpu.memory_space<vmem>> -> memref<128x128xf32, #tpu.memory_space<vmem>>
    %dma_start3A_35 = arith.constant 0 : i32
    %dma_start3A_36 = tpu.memref_slice %arg6[%dma_start3A, %dma_start3A_35] : memref<16x128xi32, #tpu.memory_space<vmem>> -> memref<1x128xi32, #tpu.memory_space<vmem>>
    %dma_start3A_37 = tpu.memref_squeeze %dma_start3A_36 : memref<1x128xi32, #tpu.memory_space<vmem>> -> memref<128xi32, #tpu.memory_space<vmem>>
    %dma_start3A_38 = arith.constant 0 : i32
    %dma_start3A_39 = arith.constant 0 : i32
    %dma_start3A_40 = tpu.memref_slice %arg2[%dma_start3A_38, %dma_start3A_39] : memref<10000x128xf32, #tpu.memory_space<hbm>> -> memref<10000x128xf32, #tpu.memory_space<hbm>>
    tpu.enqueue_indirect_dma source(%dma_start3A_40 : memref<10000x128xf32, #tpu.memory_space<hbm>>) target(%dma_start3A_34 : memref<128x128xf32, #tpu.memory_space<vmem>>) offsets(%dma_start3A_37 : memref<128xi32, #tpu.memory_space<vmem>>) semaphore(%arg10 : memref<!tpu.dma_semaphore, #tpu.memory_space<semaphore_mem>>)
    %scan3A_41 = arith.constant 0 : i32
    %scan3A_42 = arith.constant 0 : i32
    %scan3A_43 = arith.constant 8 : i32
    %scan3A_44 = arith.addi %scan3A_42, %scan3A_43 : i32
    %scan3A_45 = arith.constant 1 : i32
    scf.for %scan3A_124 = %scan3A_42 to %scan3A_44 step %scan3A_45  : i32 {
      %mul3A_125 = arith.constant 2 : i32
      %mul3A_126 = arith.muli %scan3A_124, %mul3A_125 : i32
      %add3A_127 = arith.constant 0 : i32
      %add3A_128 = arith.addi %mul3A_126, %add3A_127 : i32
      %add3A_129 = arith.constant 1 : i32
      %add3A_130 = arith.addi %add3A_128, %add3A_129 : i32
      %lt3A = arith.constant 16 : i32
      %lt3A_131 = arith.cmpi slt, %add3A_130, %lt3A : i32
      %convert_element_type3A = arith.extui %lt3A_131 : i1 to i32
      %cond3A = arith.constant 0 : i32
      %cond3A_132 = arith.cmpi ne, %convert_element_type3A, %cond3A : i32
      scf.if %cond3A_132 {
        %add3A_173 = arith.constant 1 : i32
        %add3A_174 = arith.addi %add3A_128, %add3A_173 : i32
        %dma_start3A_175 = arith.constant 1 : i32
        %dma_start3A_176 = arith.constant 0 : i32
        %dma_start3A_177 = arith.constant 0 : i32
        %dma_start3A_178 = tpu.memref_slice %arg8[%dma_start3A_175, %dma_start3A_176, %dma_start3A_177] : memref<2x128x128xf32, #tpu.memory_space<vmem>> -> memref<1x128x128xf32, #tpu.memory_space<vmem>>
        %dma_start3A_179 = tpu.memref_squeeze %dma_start3A_178 : memref<1x128x128xf32, #tpu.memory_space<vmem>> -> memref<128x128xf32, #tpu.memory_space<vmem>>
        %dma_start3A_180 = arith.constant 0 : i32
        %dma_start3A_181 = tpu.memref_slice %arg6[%add3A_174, %dma_start3A_180] : memref<16x128xi32, #tpu.memory_space<vmem>> -> memref<1x128xi32, #tpu.memory_space<vmem>>
        %dma_start3A_182 = tpu.memref_squeeze %dma_start3A_181 : memref<1x128xi32, #tpu.memory_space<vmem>> -> memref<128xi32, #tpu.memory_space<vmem>>
        %dma_start3A_183 = arith.constant 0 : i32
        %dma_start3A_184 = arith.constant 0 : i32
        %dma_start3A_185 = tpu.memref_slice %arg2[%dma_start3A_183, %dma_start3A_184] : memref<10000x128xf32, #tpu.memory_space<hbm>> -> memref<10000x128xf32, #tpu.memory_space<hbm>>
        tpu.enqueue_indirect_dma source(%dma_start3A_185 : memref<10000x128xf32, #tpu.memory_space<hbm>>) target(%dma_start3A_179 : memref<128x128xf32, #tpu.memory_space<vmem>>) offsets(%dma_start3A_182 : memref<128xi32, #tpu.memory_space<vmem>>) semaphore(%arg10 : memref<!tpu.dma_semaphore, #tpu.memory_space<semaphore_mem>>)
      } else {
      }
      %dma_wait3A = arith.constant 0 : i32
      %dma_wait3A_133 = arith.constant 0 : i32
      %dma_wait3A_134 = arith.constant 0 : i32
      %dma_wait3A_135 = tpu.memref_slice %arg8[%dma_wait3A, %dma_wait3A_133, %dma_wait3A_134] : memref<2x128x128xf32, #tpu.memory_space<vmem>> -> memref<1x128x128xf32, #tpu.memory_space<vmem>>
      %dma_wait3A_136 = tpu.memref_squeeze %dma_wait3A_135 : memref<1x128x128xf32, #tpu.memory_space<vmem>> -> memref<128x128xf32, #tpu.memory_space<vmem>>
      %dma_wait3A_137 = arith.constant 0 : i32
      %dma_wait3A_138 = arith.constant 0 : i32
      %dma_wait3A_139 = tpu.memref_slice %arg2[%dma_wait3A_137, %dma_wait3A_138] : memref<10000x128xf32, #tpu.memory_space<hbm>> -> memref<128x128xf32, #tpu.memory_space<hbm>>
      %dma_wait3A_140 = arith.constant 0 : i32
      %dma_wait3A_141 = arith.constant 0 : i32
      %dma_wait3A_142 = tpu.memref_slice %arg8[%dma_wait3A, %dma_wait3A_140, %dma_wait3A_141] : memref<2x128x128xf32, #tpu.memory_space<vmem>> -> memref<1x128x128xf32, #tpu.memory_space<vmem>>
      %dma_wait3A_143 = tpu.memref_squeeze %dma_wait3A_142 : memref<1x128x128xf32, #tpu.memory_space<vmem>> -> memref<128x128xf32, #tpu.memory_space<vmem>>
      %dma_wait3A_144 = arith.constant 0 : i32
      %dma_wait3A_145 = arith.constant 0 : i32
      %dma_wait3A_146 = tpu.memref_slice %arg2[%dma_wait3A_144, %dma_wait3A_145] : memref<10000x128xf32, #tpu.memory_space<hbm>> -> memref<128x128xf32, #tpu.memory_space<hbm>>
      tpu.wait_dma2 semaphore(%arg10 : memref<!tpu.dma_semaphore, #tpu.memory_space<semaphore_mem>>) src(%dma_wait3A_146 : memref<128x128xf32, #tpu.memory_space<hbm>>) dst(%dma_wait3A_143 : memref<128x128xf32, #tpu.memory_space<vmem>>)
      %run_scoped3A_147 = arith.constant 0 : i32
      "tpu.region"() ({
        %run_scoped3A_173 = tpu.sem_alloc : memref<!tpu.dma_semaphore, #tpu.memory_space<semaphore_mem>>
        %dma_start3A_174 = arith.constant 0 : i32
        %dma_start3A_175 = arith.constant 0 : i32
        %dma_start3A_176 = tpu.memref_slice %arg8[%run_scoped3A_147, %dma_start3A_174, %dma_start3A_175] : memref<2x128x128xf32, #tpu.memory_space<vmem>> -> memref<1x128x128xf32, #tpu.memory_space<vmem>>
        %dma_start3A_177 = tpu.memref_squeeze %dma_start3A_176 : memref<1x128x128xf32, #tpu.memory_space<vmem>> -> memref<128x128xf32, #tpu.memory_space<vmem>>
        %dma_start3A_178 = arith.constant 0 : i32
        %dma_start3A_179 = tpu.memref_slice %arg7[%add3A_128, %dma_start3A_178] : memref<16x128xi32, #tpu.memory_space<vmem>> -> memref<1x128xi32, #tpu.memory_space<vmem>>
        %dma_start3A_180 = tpu.memref_squeeze %dma_start3A_179 : memref<1x128xi32, #tpu.memory_space<vmem>> -> memref<128xi32, #tpu.memory_space<vmem>>
        %dma_start3A_181 = arith.constant 0 : i32
        %dma_start3A_182 = arith.constant 0 : i32
        %dma_start3A_183 = tpu.memref_slice %arg9[%dma_start3A_181, %dma_start3A_182] : memref<10240x128xf32, #tpu.memory_space<vmem_shared>> -> memref<10240x128xf32, #tpu.memory_space<vmem_shared>>
        tpu.enqueue_indirect_dma source(%dma_start3A_177 : memref<128x128xf32, #tpu.memory_space<vmem>>) target(%dma_start3A_183 : memref<10240x128xf32, #tpu.memory_space<vmem_shared>>) offsets(%dma_start3A_180 : memref<128xi32, #tpu.memory_space<vmem>>) semaphore(%run_scoped3A_173 : memref<!tpu.dma_semaphore, #tpu.memory_space<semaphore_mem>>) {add = true}
        %dma_wait3A_184 = arith.constant 0 : i32
        %dma_wait3A_185 = arith.constant 0 : i32
        %dma_wait3A_186 = tpu.memref_slice %arg8[%run_scoped3A_147, %dma_wait3A_184, %dma_wait3A_185] : memref<2x128x128xf32, #tpu.memory_space<vmem>> -> memref<1x128x128xf32, #tpu.memory_space<vmem>>
        %dma_wait3A_187 = tpu.memref_squeeze %dma_wait3A_186 : memref<1x128x128xf32, #tpu.memory_space<vmem>> -> memref<128x128xf32, #tpu.memory_space<vmem>>
        %dma_wait3A_188 = arith.constant 0 : i32
        %dma_wait3A_189 = tpu.memref_slice %arg7[%add3A_128, %dma_wait3A_188] : memref<16x128xi32, #tpu.memory_space<vmem>> -> memref<1x128xi32, #tpu.memory_space<vmem>>
        %dma_wait3A_190 = tpu.memref_squeeze %dma_wait3A_189 : memref<1x128xi32, #tpu.memory_space<vmem>> -> memref<128xi32, #tpu.memory_space<vmem>>
        %dma_wait3A_191 = arith.constant 0 : i32
        %dma_wait3A_192 = arith.constant 0 : i32
        %dma_wait3A_193 = tpu.memref_slice %arg9[%dma_wait3A_191, %dma_wait3A_192] : memref<10240x128xf32, #tpu.memory_space<vmem_shared>> -> memref<10240x128xf32, #tpu.memory_space<vmem_shared>>
        tpu.wait_indirect_dma semaphore(%run_scoped3A_173 : memref<!tpu.dma_semaphore, #tpu.memory_space<semaphore_mem>>) src(%dma_wait3A_187 : memref<128x128xf32, #tpu.memory_space<vmem>>) dst(%dma_wait3A_193 : memref<10240x128xf32, #tpu.memory_space<vmem_shared>>)
        tpu.yield
      }) : () -> ()
      %add3A_148 = arith.constant 1 : i32
      %add3A_149 = arith.addi %mul3A_126, %add3A_148 : i32
      %add3A_150 = arith.constant 1 : i32
      %add3A_151 = arith.addi %add3A_149, %add3A_150 : i32
      %lt3A_152 = arith.constant 16 : i32
      %lt3A_153 = arith.cmpi slt, %add3A_151, %lt3A_152 : i32
      %convert_element_type3A_154 = arith.extui %lt3A_153 : i1 to i32
      %cond3A_155 = arith.constant 0 : i32
      %cond3A_156 = arith.cmpi ne, %convert_element_type3A_154, %cond3A_155 : i32
      scf.if %cond3A_156 {
        %add3A_173 = arith.constant 1 : i32
        %add3A_174 = arith.addi %add3A_149, %add3A_173 : i32
        %dma_start3A_175 = arith.constant 0 : i32
        %dma_start3A_176 = arith.constant 0 : i32
        %dma_start3A_177 = arith.constant 0 : i32
        %dma_start3A_178 = tpu.memref_slice %arg8[%dma_start3A_175, %dma_start3A_176, %dma_start3A_177] : memref<2x128x128xf32, #tpu.memory_space<vmem>> -> memref<1x128x128xf32, #tpu.memory_space<vmem>>
        %dma_start3A_179 = tpu.memref_squeeze %dma_start3A_178 : memref<1x128x128xf32, #tpu.memory_space<vmem>> -> memref<128x128xf32, #tpu.memory_space<vmem>>
        %dma_start3A_180 = arith.constant 0 : i32
        %dma_start3A_181 = tpu.memref_slice %arg6[%add3A_174, %dma_start3A_180] : memref<16x128xi32, #tpu.memory_space<vmem>> -> memref<1x128xi32, #tpu.memory_space<vmem>>
        %dma_start3A_182 = tpu.memref_squeeze %dma_start3A_181 : memref<1x128xi32, #tpu.memory_space<vmem>> -> memref<128xi32, #tpu.memory_space<vmem>>
        %dma_start3A_183 = arith.constant 0 : i32
        %dma_start3A_184 = arith.constant 0 : i32
        %dma_start3A_185 = tpu.memref_slice %arg2[%dma_start3A_183, %dma_start3A_184] : memref<10000x128xf32, #tpu.memory_space<hbm>> -> memref<10000x128xf32, #tpu.memory_space<hbm>>
        tpu.enqueue_indirect_dma source(%dma_start3A_185 : memref<10000x128xf32, #tpu.memory_space<hbm>>) target(%dma_start3A_179 : memref<128x128xf32, #tpu.memory_space<vmem>>) offsets(%dma_start3A_182 : memref<128xi32, #tpu.memory_space<vmem>>) semaphore(%arg10 : memref<!tpu.dma_semaphore, #tpu.memory_space<semaphore_mem>>)
      } else {
      }
      %dma_wait3A_157 = arith.constant 0 : i32
      %dma_wait3A_158 = arith.constant 0 : i32
      %dma_wait3A_159 = arith.constant 0 : i32
      %dma_wait3A_160 = tpu.memref_slice %arg8[%dma_wait3A_157, %dma_wait3A_158, %dma_wait3A_159] : memref<2x128x128xf32, #tpu.memory_space<vmem>> -> memref<1x128x128xf32, #tpu.memory_space<vmem>>
      %dma_wait3A_161 = tpu.memref_squeeze %dma_wait3A_160 : memref<1x128x128xf32, #tpu.memory_space<vmem>> -> memref<128x128xf32, #tpu.memory_space<vmem>>
      %dma_wait3A_162 = arith.constant 0 : i32
      %dma_wait3A_163 = arith.constant 0 : i32
      %dma_wait3A_164 = tpu.memref_slice %arg2[%dma_wait3A_162, %dma_wait3A_163] : memref<10000x128xf32, #tpu.memory_space<hbm>> -> memref<128x128xf32, #tpu.memory_space<hbm>>
      %dma_wait3A_165 = arith.constant 0 : i32
      %dma_wait3A_166 = arith.constant 0 : i32
      %dma_wait3A_167 = tpu.memref_slice %arg8[%dma_wait3A_157, %dma_wait3A_165, %dma_wait3A_166] : memref<2x128x128xf32, #tpu.memory_space<vmem>> -> memref<1x128x128xf32, #tpu.memory_space<vmem>>
      %dma_wait3A_168 = tpu.memref_squeeze %dma_wait3A_167 : memref<1x128x128xf32, #tpu.memory_space<vmem>> -> memref<128x128xf32, #tpu.memory_space<vmem>>
      %dma_wait3A_169 = arith.constant 0 : i32
      %dma_wait3A_170 = arith.constant 0 : i32
      %dma_wait3A_171 = tpu.memref_slice %arg2[%dma_wait3A_169, %dma_wait3A_170] : memref<10000x128xf32, #tpu.memory_space<hbm>> -> memref<128x128xf32, #tpu.memory_space<hbm>>
      tpu.wait_dma2 semaphore(%arg10 : memref<!tpu.dma_semaphore, #tpu.memory_space<semaphore_mem>>) src(%dma_wait3A_171 : memref<128x128xf32, #tpu.memory_space<hbm>>) dst(%dma_wait3A_168 : memref<128x128xf32, #tpu.memory_space<vmem>>)
      %run_scoped3A_172 = arith.constant 1 : i32
      "tpu.region"() ({
        %run_scoped3A_173 = tpu.sem_alloc : memref<!tpu.dma_semaphore, #tpu.memory_space<semaphore_mem>>
        %dma_start3A_174 = arith.constant 0 : i32
        %dma_start3A_175 = arith.constant 0 : i32
        %dma_start3A_176 = tpu.memref_slice %arg8[%run_scoped3A_172, %dma_start3A_174, %dma_start3A_175] : memref<2x128x128xf32, #tpu.memory_space<vmem>> -> memref<1x128x128xf32, #tpu.memory_space<vmem>>
        %dma_start3A_177 = tpu.memref_squeeze %dma_start3A_176 : memref<1x128x128xf32, #tpu.memory_space<vmem>> -> memref<128x128xf32, #tpu.memory_space<vmem>>
        %dma_start3A_178 = arith.constant 0 : i32
        %dma_start3A_179 = tpu.memref_slice %arg7[%add3A_149, %dma_start3A_178] : memref<16x128xi32, #tpu.memory_space<vmem>> -> memref<1x128xi32, #tpu.memory_space<vmem>>
        %dma_start3A_180 = tpu.memref_squeeze %dma_start3A_179 : memref<1x128xi32, #tpu.memory_space<vmem>> -> memref<128xi32, #tpu.memory_space<vmem>>
        %dma_start3A_181 = arith.constant 0 : i32
        %dma_start3A_182 = arith.constant 0 : i32
        %dma_start3A_183 = tpu.memref_slice %arg9[%dma_start3A_181, %dma_start3A_182] : memref<10240x128xf32, #tpu.memory_space<vmem_shared>> -> memref<10240x128xf32, #tpu.memory_space<vmem_shared>>
        tpu.enqueue_indirect_dma source(%dma_start3A_177 : memref<128x128xf32, #tpu.memory_space<vmem>>) target(%dma_start3A_183 : memref<10240x128xf32, #tpu.memory_space<vmem_shared>>) offsets(%dma_start3A_180 : memref<128xi32, #tpu.memory_space<vmem>>) semaphore(%run_scoped3A_173 : memref<!tpu.dma_semaphore, #tpu.memory_space<semaphore_mem>>) {add = true}
        %dma_wait3A_184 = arith.constant 0 : i32
        %dma_wait3A_185 = arith.constant 0 : i32
        %dma_wait3A_186 = tpu.memref_slice %arg8[%run_scoped3A_172, %dma_wait3A_184, %dma_wait3A_185] : memref<2x128x128xf32, #tpu.memory_space<vmem>> -> memref<1x128x128xf32, #tpu.memory_space<vmem>>
        %dma_wait3A_187 = tpu.memref_squeeze %dma_wait3A_186 : memref<1x128x128xf32, #tpu.memory_space<vmem>> -> memref<128x128xf32, #tpu.memory_space<vmem>>
        %dma_wait3A_188 = arith.constant 0 : i32
        %dma_wait3A_189 = tpu.memref_slice %arg7[%add3A_149, %dma_wait3A_188] : memref<16x128xi32, #tpu.memory_space<vmem>> -> memref<1x128xi32, #tpu.memory_space<vmem>>
        %dma_wait3A_190 = tpu.memref_squeeze %dma_wait3A_189 : memref<1x128xi32, #tpu.memory_space<vmem>> -> memref<128xi32, #tpu.memory_space<vmem>>
        %dma_wait3A_191 = arith.constant 0 : i32
        %dma_wait3A_192 = arith.constant 0 : i32
        %dma_wait3A_193 = tpu.memref_slice %arg9[%dma_wait3A_191, %dma_wait3A_192] : memref<10240x128xf32, #tpu.memory_space<vmem_shared>> -> memref<10240x128xf32, #tpu.memory_space<vmem_shared>>
        tpu.wait_indirect_dma semaphore(%run_scoped3A_173 : memref<!tpu.dma_semaphore, #tpu.memory_space<semaphore_mem>>) src(%dma_wait3A_187 : memref<128x128xf32, #tpu.memory_space<vmem>>) dst(%dma_wait3A_193 : memref<10240x128xf32, #tpu.memory_space<vmem_shared>>)
        tpu.yield
      }) : () -> ()
    }
    %scan3A_46 = arith.constant 8 : i32
    "tpu.region"() ({
      %run_scoped3A_124 = tpu.sem_alloc : memref<!tpu.dma_semaphore, #tpu.memory_space<semaphore_mem>>
      %dma_start3A_125 = arith.constant 16 : i32
      %dma_start3A_126 = arith.constant 0 : i32
      %dma_start3A_127 = tpu.memref_slice %arg3[%add3A, %dma_start3A_125, %dma_start3A_126] : memref<32x80x128xi32, #tpu.memory_space<hbm>> -> memref<1x16x128xi32, #tpu.memory_space<hbm>>
      %dma_start3A_128 = tpu.memref_squeeze %dma_start3A_127 : memref<1x16x128xi32, #tpu.memory_space<hbm>> -> memref<16x128xi32, #tpu.memory_space<hbm>>
      %dma_start3A_129 = arith.constant 16 : i32
      %dma_start3A_130 = arith.constant 0 : i32
      %dma_start3A_131 = tpu.memref_slice %arg3[%add3A, %dma_start3A_129, %dma_start3A_130] : memref<32x80x128xi32, #tpu.memory_space<hbm>> -> memref<1x16x128xi32, #tpu.memory_space<hbm>>
      %dma_start3A_132 = tpu.memref_squeeze %dma_start3A_131 : memref<1x16x128xi32, #tpu.memory_space<hbm>> -> memref<16x128xi32, #tpu.memory_space<hbm>>
      tpu.enqueue_dma source(%dma_start3A_132 : memref<16x128xi32, #tpu.memory_space<hbm>>) target(%arg6 : memref<16x128xi32, #tpu.memory_space<vmem>>) target_semaphore(%run_scoped3A_124 : memref<!tpu.dma_semaphore, #tpu.memory_space<semaphore_mem>>)
      %dma_wait3A = arith.constant 16 : i32
      %dma_wait3A_133 = arith.constant 0 : i32
      %dma_wait3A_134 = tpu.memref_slice %arg3[%add3A, %dma_wait3A, %dma_wait3A_133] : memref<32x80x128xi32, #tpu.memory_space<hbm>> -> memref<1x16x128xi32, #tpu.memory_space<hbm>>
      %dma_wait3A_135 = tpu.memref_squeeze %dma_wait3A_134 : memref<1x16x128xi32, #tpu.memory_space<hbm>> -> memref<16x128xi32, #tpu.memory_space<hbm>>
      %dma_wait3A_136 = arith.constant 16 : i32
      %dma_wait3A_137 = arith.constant 0 : i32
      %dma_wait3A_138 = tpu.memref_slice %arg3[%add3A, %dma_wait3A_136, %dma_wait3A_137] : memref<32x80x128xi32, #tpu.memory_space<hbm>> -> memref<1x16x128xi32, #tpu.memory_space<hbm>>
      %dma_wait3A_139 = tpu.memref_squeeze %dma_wait3A_138 : memref<1x16x128xi32, #tpu.memory_space<hbm>> -> memref<16x128xi32, #tpu.memory_space<hbm>>
      tpu.wait_dma2 semaphore(%run_scoped3A_124 : memref<!tpu.dma_semaphore, #tpu.memory_space<semaphore_mem>>) src(%dma_wait3A_139 : memref<16x128xi32, #tpu.memory_space<hbm>>) dst(%arg6 : memref<16x128xi32, #tpu.memory_space<vmem>>)
      tpu.yield
    }) : () -> ()
    "tpu.region"() ({
      %run_scoped3A_124 = tpu.sem_alloc : memref<!tpu.dma_semaphore, #tpu.memory_space<semaphore_mem>>
      %dma_start3A_125 = arith.constant 16 : i32
      %dma_start3A_126 = arith.constant 0 : i32
      %dma_start3A_127 = tpu.memref_slice %arg4[%add3A, %dma_start3A_125, %dma_start3A_126] : memref<32x80x128xi32, #tpu.memory_space<hbm>> -> memref<1x16x128xi32, #tpu.memory_space<hbm>>
      %dma_start3A_128 = tpu.memref_squeeze %dma_start3A_127 : memref<1x16x128xi32, #tpu.memory_space<hbm>> -> memref<16x128xi32, #tpu.memory_space<hbm>>
      %dma_start3A_129 = arith.constant 16 : i32
      %dma_start3A_130 = arith.constant 0 : i32
      %dma_start3A_131 = tpu.memref_slice %arg4[%add3A, %dma_start3A_129, %dma_start3A_130] : memref<32x80x128xi32, #tpu.memory_space<hbm>> -> memref<1x16x128xi32, #tpu.memory_space<hbm>>
      %dma_start3A_132 = tpu.memref_squeeze %dma_start3A_131 : memref<1x16x128xi32, #tpu.memory_space<hbm>> -> memref<16x128xi32, #tpu.memory_space<hbm>>
      tpu.enqueue_dma source(%dma_start3A_132 : memref<16x128xi32, #tpu.memory_space<hbm>>) target(%arg7 : memref<16x128xi32, #tpu.memory_space<vmem>>) target_semaphore(%run_scoped3A_124 : memref<!tpu.dma_semaphore, #tpu.memory_space<semaphore_mem>>)
      %dma_wait3A = arith.constant 16 : i32
      %dma_wait3A_133 = arith.constant 0 : i32
      %dma_wait3A_134 = tpu.memref_slice %arg4[%add3A, %dma_wait3A, %dma_wait3A_133] : memref<32x80x128xi32, #tpu.memory_space<hbm>> -> memref<1x16x128xi32, #tpu.memory_space<hbm>>
      %dma_wait3A_135 = tpu.memref_squeeze %dma_wait3A_134 : memref<1x16x128xi32, #tpu.memory_space<hbm>> -> memref<16x128xi32, #tpu.memory_space<hbm>>
      %dma_wait3A_136 = arith.constant 16 : i32
      %dma_wait3A_137 = arith.constant 0 : i32
      %dma_wait3A_138 = tpu.memref_slice %arg4[%add3A, %dma_wait3A_136, %dma_wait3A_137] : memref<32x80x128xi32, #tpu.memory_space<hbm>> -> memref<1x16x128xi32, #tpu.memory_space<hbm>>
      %dma_wait3A_139 = tpu.memref_squeeze %dma_wait3A_138 : memref<1x16x128xi32, #tpu.memory_space<hbm>> -> memref<16x128xi32, #tpu.memory_space<hbm>>
      tpu.wait_dma2 semaphore(%run_scoped3A_124 : memref<!tpu.dma_semaphore, #tpu.memory_space<semaphore_mem>>) src(%dma_wait3A_139 : memref<16x128xi32, #tpu.memory_space<hbm>>) dst(%arg7 : memref<16x128xi32, #tpu.memory_space<vmem>>)
      tpu.yield
    }) : () -> ()
    %dma_start3A_47 = arith.constant 0 : i32
    %dma_start3A_48 = arith.constant 0 : i32
    %dma_start3A_49 = arith.constant 0 : i32
    %dma_start3A_50 = arith.constant 0 : i32
    %dma_start3A_51 = tpu.memref_slice %arg8[%dma_start3A_48, %dma_start3A_49, %dma_start3A_50] : memref<2x128x128xf32, #tpu.memory_space<vmem>> -> memref<1x128x128xf32, #tpu.memory_space<vmem>>
    %dma_start3A_52 = tpu.memref_squeeze %dma_start3A_51 : memref<1x128x128xf32, #tpu.memory_space<vmem>> -> memref<128x128xf32, #tpu.memory_space<vmem>>
    %dma_start3A_53 = arith.constant 0 : i32
    %dma_start3A_54 = tpu.memref_slice %arg6[%dma_start3A_47, %dma_start3A_53] : memref<16x128xi32, #tpu.memory_space<vmem>> -> memref<1x128xi32, #tpu.memory_space<vmem>>
    %dma_start3A_55 = tpu.memref_squeeze %dma_start3A_54 : memref<1x128xi32, #tpu.memory_space<vmem>> -> memref<128xi32, #tpu.memory_space<vmem>>
    %dma_start3A_56 = arith.constant 0 : i32
    %dma_start3A_57 = arith.constant 0 : i32
    %dma_start3A_58 = tpu.memref_slice %arg2[%dma_start3A_56, %dma_start3A_57] : memref<10000x128xf32, #tpu.memory_space<hbm>> -> memref<10000x128xf32, #tpu.memory_space<hbm>>
    tpu.enqueue_indirect_dma source(%dma_start3A_58 : memref<10000x128xf32, #tpu.memory_space<hbm>>) target(%dma_start3A_52 : memref<128x128xf32, #tpu.memory_space<vmem>>) offsets(%dma_start3A_55 : memref<128xi32, #tpu.memory_space<vmem>>) semaphore(%arg10 : memref<!tpu.dma_semaphore, #tpu.memory_space<semaphore_mem>>)
    %scan3A_59 = arith.constant 0 : i32
    %scan3A_60 = arith.constant 0 : i32
    %scan3A_61 = arith.constant 8 : i32
    %scan3A_62 = arith.addi %scan3A_60, %scan3A_61 : i32
    %scan3A_63 = arith.constant 1 : i32
    scf.for %scan3A_124 = %scan3A_60 to %scan3A_62 step %scan3A_63  : i32 {
      %mul3A_125 = arith.constant 2 : i32
      %mul3A_126 = arith.muli %scan3A_124, %mul3A_125 : i32
      %add3A_127 = arith.constant 0 : i32
      %add3A_128 = arith.addi %mul3A_126, %add3A_127 : i32
      %add3A_129 = arith.constant 1 : i32
      %add3A_130 = arith.addi %add3A_128, %add3A_129 : i32
      %lt3A = arith.constant 16 : i32
      %lt3A_131 = arith.cmpi slt, %add3A_130, %lt3A : i32
      %convert_element_type3A = arith.extui %lt3A_131 : i1 to i32
      %cond3A = arith.constant 0 : i32
      %cond3A_132 = arith.cmpi ne, %convert_element_type3A, %cond3A : i32
      scf.if %cond3A_132 {
        %add3A_173 = arith.constant 1 : i32
        %add3A_174 = arith.addi %add3A_128, %add3A_173 : i32
        %dma_start3A_175 = arith.constant 1 : i32
        %dma_start3A_176 = arith.constant 0 : i32
        %dma_start3A_177 = arith.constant 0 : i32
        %dma_start3A_178 = tpu.memref_slice %arg8[%dma_start3A_175, %dma_start3A_176, %dma_start3A_177] : memref<2x128x128xf32, #tpu.memory_space<vmem>> -> memref<1x128x128xf32, #tpu.memory_space<vmem>>
        %dma_start3A_179 = tpu.memref_squeeze %dma_start3A_178 : memref<1x128x128xf32, #tpu.memory_space<vmem>> -> memref<128x128xf32, #tpu.memory_space<vmem>>
        %dma_start3A_180 = arith.constant 0 : i32
        %dma_start3A_181 = tpu.memref_slice %arg6[%add3A_174, %dma_start3A_180] : memref<16x128xi32, #tpu.memory_space<vmem>> -> memref<1x128xi32, #tpu.memory_space<vmem>>
        %dma_start3A_182 = tpu.memref_squeeze %dma_start3A_181 : memref<1x128xi32, #tpu.memory_space<vmem>> -> memref<128xi32, #tpu.memory_space<vmem>>
        %dma_start3A_183 = arith.constant 0 : i32
        %dma_start3A_184 = arith.constant 0 : i32
        %dma_start3A_185 = tpu.memref_slice %arg2[%dma_start3A_183, %dma_start3A_184] : memref<10000x128xf32, #tpu.memory_space<hbm>> -> memref<10000x128xf32, #tpu.memory_space<hbm>>
        tpu.enqueue_indirect_dma source(%dma_start3A_185 : memref<10000x128xf32, #tpu.memory_space<hbm>>) target(%dma_start3A_179 : memref<128x128xf32, #tpu.memory_space<vmem>>) offsets(%dma_start3A_182 : memref<128xi32, #tpu.memory_space<vmem>>) semaphore(%arg10 : memref<!tpu.dma_semaphore, #tpu.memory_space<semaphore_mem>>)
      } else {
      }
      %dma_wait3A = arith.constant 0 : i32
      %dma_wait3A_133 = arith.constant 0 : i32
      %dma_wait3A_134 = arith.constant 0 : i32
      %dma_wait3A_135 = tpu.memref_slice %arg8[%dma_wait3A, %dma_wait3A_133, %dma_wait3A_134] : memref<2x128x128xf32, #tpu.memory_space<vmem>> -> memref<1x128x128xf32, #tpu.memory_space<vmem>>
      %dma_wait3A_136 = tpu.memref_squeeze %dma_wait3A_135 : memref<1x128x128xf32, #tpu.memory_space<vmem>> -> memref<128x128xf32, #tpu.memory_space<vmem>>
      %dma_wait3A_137 = arith.constant 0 : i32
      %dma_wait3A_138 = arith.constant 0 : i32
      %dma_wait3A_139 = tpu.memref_slice %arg2[%dma_wait3A_137, %dma_wait3A_138] : memref<10000x128xf32, #tpu.memory_space<hbm>> -> memref<128x128xf32, #tpu.memory_space<hbm>>
      %dma_wait3A_140 = arith.constant 0 : i32
      %dma_wait3A_141 = arith.constant 0 : i32
      %dma_wait3A_142 = tpu.memref_slice %arg8[%dma_wait3A, %dma_wait3A_140, %dma_wait3A_141] : memref<2x128x128xf32, #tpu.memory_space<vmem>> -> memref<1x128x128xf32, #tpu.memory_space<vmem>>
      %dma_wait3A_143 = tpu.memref_squeeze %dma_wait3A_142 : memref<1x128x128xf32, #tpu.memory_space<vmem>> -> memref<128x128xf32, #tpu.memory_space<vmem>>
      %dma_wait3A_144 = arith.constant 0 : i32
      %dma_wait3A_145 = arith.constant 0 : i32
      %dma_wait3A_146 = tpu.memref_slice %arg2[%dma_wait3A_144, %dma_wait3A_145] : memref<10000x128xf32, #tpu.memory_space<hbm>> -> memref<128x128xf32, #tpu.memory_space<hbm>>
      tpu.wait_dma2 semaphore(%arg10 : memref<!tpu.dma_semaphore, #tpu.memory_space<semaphore_mem>>) src(%dma_wait3A_146 : memref<128x128xf32, #tpu.memory_space<hbm>>) dst(%dma_wait3A_143 : memref<128x128xf32, #tpu.memory_space<vmem>>)
      %run_scoped3A_147 = arith.constant 0 : i32
      "tpu.region"() ({
        %run_scoped3A_173 = tpu.sem_alloc : memref<!tpu.dma_semaphore, #tpu.memory_space<semaphore_mem>>
        %dma_start3A_174 = arith.constant 0 : i32
        %dma_start3A_175 = arith.constant 0 : i32
        %dma_start3A_176 = tpu.memref_slice %arg8[%run_scoped3A_147, %dma_start3A_174, %dma_start3A_175] : memref<2x128x128xf32, #tpu.memory_space<vmem>> -> memref<1x128x128xf32, #tpu.memory_space<vmem>>
        %dma_start3A_177 = tpu.memref_squeeze %dma_start3A_176 : memref<1x128x128xf32, #tpu.memory_space<vmem>> -> memref<128x128xf32, #tpu.memory_space<vmem>>
        %dma_start3A_178 = arith.constant 0 : i32
        %dma_start3A_179 = tpu.memref_slice %arg7[%add3A_128, %dma_start3A_178] : memref<16x128xi32, #tpu.memory_space<vmem>> -> memref<1x128xi32, #tpu.memory_space<vmem>>
        %dma_start3A_180 = tpu.memref_squeeze %dma_start3A_179 : memref<1x128xi32, #tpu.memory_space<vmem>> -> memref<128xi32, #tpu.memory_space<vmem>>
        %dma_start3A_181 = arith.constant 0 : i32
        %dma_start3A_182 = arith.constant 0 : i32
        %dma_start3A_183 = tpu.memref_slice %arg9[%dma_start3A_181, %dma_start3A_182] : memref<10240x128xf32, #tpu.memory_space<vmem_shared>> -> memref<10240x128xf32, #tpu.memory_space<vmem_shared>>
        tpu.enqueue_indirect_dma source(%dma_start3A_177 : memref<128x128xf32, #tpu.memory_space<vmem>>) target(%dma_start3A_183 : memref<10240x128xf32, #tpu.memory_space<vmem_shared>>) offsets(%dma_start3A_180 : memref<128xi32, #tpu.memory_space<vmem>>) semaphore(%run_scoped3A_173 : memref<!tpu.dma_semaphore, #tpu.memory_space<semaphore_mem>>) {add = true}
        %dma_wait3A_184 = arith.constant 0 : i32
        %dma_wait3A_185 = arith.constant 0 : i32
        %dma_wait3A_186 = tpu.memref_slice %arg8[%run_scoped3A_147, %dma_wait3A_184, %dma_wait3A_185] : memref<2x128x128xf32, #tpu.memory_space<vmem>> -> memref<1x128x128xf32, #tpu.memory_space<vmem>>
        %dma_wait3A_187 = tpu.memref_squeeze %dma_wait3A_186 : memref<1x128x128xf32, #tpu.memory_space<vmem>> -> memref<128x128xf32, #tpu.memory_space<vmem>>
        %dma_wait3A_188 = arith.constant 0 : i32
        %dma_wait3A_189 = tpu.memref_slice %arg7[%add3A_128, %dma_wait3A_188] : memref<16x128xi32, #tpu.memory_space<vmem>> -> memref<1x128xi32, #tpu.memory_space<vmem>>
        %dma_wait3A_190 = tpu.memref_squeeze %dma_wait3A_189 : memref<1x128xi32, #tpu.memory_space<vmem>> -> memref<128xi32, #tpu.memory_space<vmem>>
        %dma_wait3A_191 = arith.constant 0 : i32
        %dma_wait3A_192 = arith.constant 0 : i32
        %dma_wait3A_193 = tpu.memref_slice %arg9[%dma_wait3A_191, %dma_wait3A_192] : memref<10240x128xf32, #tpu.memory_space<vmem_shared>> -> memref<10240x128xf32, #tpu.memory_space<vmem_shared>>
        tpu.wait_indirect_dma semaphore(%run_scoped3A_173 : memref<!tpu.dma_semaphore, #tpu.memory_space<semaphore_mem>>) src(%dma_wait3A_187 : memref<128x128xf32, #tpu.memory_space<vmem>>) dst(%dma_wait3A_193 : memref<10240x128xf32, #tpu.memory_space<vmem_shared>>)
        tpu.yield
      }) : () -> ()
      %add3A_148 = arith.constant 1 : i32
      %add3A_149 = arith.addi %mul3A_126, %add3A_148 : i32
      %add3A_150 = arith.constant 1 : i32
      %add3A_151 = arith.addi %add3A_149, %add3A_150 : i32
      %lt3A_152 = arith.constant 16 : i32
      %lt3A_153 = arith.cmpi slt, %add3A_151, %lt3A_152 : i32
      %convert_element_type3A_154 = arith.extui %lt3A_153 : i1 to i32
      %cond3A_155 = arith.constant 0 : i32
      %cond3A_156 = arith.cmpi ne, %convert_element_type3A_154, %cond3A_155 : i32
      scf.if %cond3A_156 {
        %add3A_173 = arith.constant 1 : i32
        %add3A_174 = arith.addi %add3A_149, %add3A_173 : i32
        %dma_start3A_175 = arith.constant 0 : i32
        %dma_start3A_176 = arith.constant 0 : i32
        %dma_start3A_177 = arith.constant 0 : i32
        %dma_start3A_178 = tpu.memref_slice %arg8[%dma_start3A_175, %dma_start3A_176, %dma_start3A_177] : memref<2x128x128xf32, #tpu.memory_space<vmem>> -> memref<1x128x128xf32, #tpu.memory_space<vmem>>
        %dma_start3A_179 = tpu.memref_squeeze %dma_start3A_178 : memref<1x128x128xf32, #tpu.memory_space<vmem>> -> memref<128x128xf32, #tpu.memory_space<vmem>>
        %dma_start3A_180 = arith.constant 0 : i32
        %dma_start3A_181 = tpu.memref_slice %arg6[%add3A_174, %dma_start3A_180] : memref<16x128xi32, #tpu.memory_space<vmem>> -> memref<1x128xi32, #tpu.memory_space<vmem>>
        %dma_start3A_182 = tpu.memref_squeeze %dma_start3A_181 : memref<1x128xi32, #tpu.memory_space<vmem>> -> memref<128xi32, #tpu.memory_space<vmem>>
        %dma_start3A_183 = arith.constant 0 : i32
        %dma_start3A_184 = arith.constant 0 : i32
        %dma_start3A_185 = tpu.memref_slice %arg2[%dma_start3A_183, %dma_start3A_184] : memref<10000x128xf32, #tpu.memory_space<hbm>> -> memref<10000x128xf32, #tpu.memory_space<hbm>>
        tpu.enqueue_indirect_dma source(%dma_start3A_185 : memref<10000x128xf32, #tpu.memory_space<hbm>>) target(%dma_start3A_179 : memref<128x128xf32, #tpu.memory_space<vmem>>) offsets(%dma_start3A_182 : memref<128xi32, #tpu.memory_space<vmem>>) semaphore(%arg10 : memref<!tpu.dma_semaphore, #tpu.memory_space<semaphore_mem>>)
      } else {
      }
      %dma_wait3A_157 = arith.constant 0 : i32
      %dma_wait3A_158 = arith.constant 0 : i32
      %dma_wait3A_159 = arith.constant 0 : i32
      %dma_wait3A_160 = tpu.memref_slice %arg8[%dma_wait3A_157, %dma_wait3A_158, %dma_wait3A_159] : memref<2x128x128xf32, #tpu.memory_space<vmem>> -> memref<1x128x128xf32, #tpu.memory_space<vmem>>
      %dma_wait3A_161 = tpu.memref_squeeze %dma_wait3A_160 : memref<1x128x128xf32, #tpu.memory_space<vmem>> -> memref<128x128xf32, #tpu.memory_space<vmem>>
      %dma_wait3A_162 = arith.constant 0 : i32
      %dma_wait3A_163 = arith.constant 0 : i32
      %dma_wait3A_164 = tpu.memref_slice %arg2[%dma_wait3A_162, %dma_wait3A_163] : memref<10000x128xf32, #tpu.memory_space<hbm>> -> memref<128x128xf32, #tpu.memory_space<hbm>>
      %dma_wait3A_165 = arith.constant 0 : i32
      %dma_wait3A_166 = arith.constant 0 : i32
      %dma_wait3A_167 = tpu.memref_slice %arg8[%dma_wait3A_157, %dma_wait3A_165, %dma_wait3A_166] : memref<2x128x128xf32, #tpu.memory_space<vmem>> -> memref<1x128x128xf32, #tpu.memory_space<vmem>>
      %dma_wait3A_168 = tpu.memref_squeeze %dma_wait3A_167 : memref<1x128x128xf32, #tpu.memory_space<vmem>> -> memref<128x128xf32, #tpu.memory_space<vmem>>
      %dma_wait3A_169 = arith.constant 0 : i32
      %dma_wait3A_170 = arith.constant 0 : i32
      %dma_wait3A_171 = tpu.memref_slice %arg2[%dma_wait3A_169, %dma_wait3A_170] : memref<10000x128xf32, #tpu.memory_space<hbm>> -> memref<128x128xf32, #tpu.memory_space<hbm>>
      tpu.wait_dma2 semaphore(%arg10 : memref<!tpu.dma_semaphore, #tpu.memory_space<semaphore_mem>>) src(%dma_wait3A_171 : memref<128x128xf32, #tpu.memory_space<hbm>>) dst(%dma_wait3A_168 : memref<128x128xf32, #tpu.memory_space<vmem>>)
      %run_scoped3A_172 = arith.constant 1 : i32
      "tpu.region"() ({
        %run_scoped3A_173 = tpu.sem_alloc : memref<!tpu.dma_semaphore, #tpu.memory_space<semaphore_mem>>
        %dma_start3A_174 = arith.constant 0 : i32
        %dma_start3A_175 = arith.constant 0 : i32
        %dma_start3A_176 = tpu.memref_slice %arg8[%run_scoped3A_172, %dma_start3A_174, %dma_start3A_175] : memref<2x128x128xf32, #tpu.memory_space<vmem>> -> memref<1x128x128xf32, #tpu.memory_space<vmem>>
        %dma_start3A_177 = tpu.memref_squeeze %dma_start3A_176 : memref<1x128x128xf32, #tpu.memory_space<vmem>> -> memref<128x128xf32, #tpu.memory_space<vmem>>
        %dma_start3A_178 = arith.constant 0 : i32
        %dma_start3A_179 = tpu.memref_slice %arg7[%add3A_149, %dma_start3A_178] : memref<16x128xi32, #tpu.memory_space<vmem>> -> memref<1x128xi32, #tpu.memory_space<vmem>>
        %dma_start3A_180 = tpu.memref_squeeze %dma_start3A_179 : memref<1x128xi32, #tpu.memory_space<vmem>> -> memref<128xi32, #tpu.memory_space<vmem>>
        %dma_start3A_181 = arith.constant 0 : i32
        %dma_start3A_182 = arith.constant 0 : i32
        %dma_start3A_183 = tpu.memref_slice %arg9[%dma_start3A_181, %dma_start3A_182] : memref<10240x128xf32, #tpu.memory_space<vmem_shared>> -> memref<10240x128xf32, #tpu.memory_space<vmem_shared>>
        tpu.enqueue_indirect_dma source(%dma_start3A_177 : memref<128x128xf32, #tpu.memory_space<vmem>>) target(%dma_start3A_183 : memref<10240x128xf32, #tpu.memory_space<vmem_shared>>) offsets(%dma_start3A_180 : memref<128xi32, #tpu.memory_space<vmem>>) semaphore(%run_scoped3A_173 : memref<!tpu.dma_semaphore, #tpu.memory_space<semaphore_mem>>) {add = true}
        %dma_wait3A_184 = arith.constant 0 : i32
        %dma_wait3A_185 = arith.constant 0 : i32
        %dma_wait3A_186 = tpu.memref_slice %arg8[%run_scoped3A_172, %dma_wait3A_184, %dma_wait3A_185] : memref<2x128x128xf32, #tpu.memory_space<vmem>> -> memref<1x128x128xf32, #tpu.memory_space<vmem>>
        %dma_wait3A_187 = tpu.memref_squeeze %dma_wait3A_186 : memref<1x128x128xf32, #tpu.memory_space<vmem>> -> memref<128x128xf32, #tpu.memory_space<vmem>>
        %dma_wait3A_188 = arith.constant 0 : i32
        %dma_wait3A_189 = tpu.memref_slice %arg7[%add3A_149, %dma_wait3A_188] : memref<16x128xi32, #tpu.memory_space<vmem>> -> memref<1x128xi32, #tpu.memory_space<vmem>>
        %dma_wait3A_190 = tpu.memref_squeeze %dma_wait3A_189 : memref<1x128xi32, #tpu.memory_space<vmem>> -> memref<128xi32, #tpu.memory_space<vmem>>
        %dma_wait3A_191 = arith.constant 0 : i32
        %dma_wait3A_192 = arith.constant 0 : i32
        %dma_wait3A_193 = tpu.memref_slice %arg9[%dma_wait3A_191, %dma_wait3A_192] : memref<10240x128xf32, #tpu.memory_space<vmem_shared>> -> memref<10240x128xf32, #tpu.memory_space<vmem_shared>>
        tpu.wait_indirect_dma semaphore(%run_scoped3A_173 : memref<!tpu.dma_semaphore, #tpu.memory_space<semaphore_mem>>) src(%dma_wait3A_187 : memref<128x128xf32, #tpu.memory_space<vmem>>) dst(%dma_wait3A_193 : memref<10240x128xf32, #tpu.memory_space<vmem_shared>>)
        tpu.yield
      }) : () -> ()
    }
    %scan3A_64 = arith.constant 8 : i32
    "tpu.region"() ({
      %run_scoped3A_124 = tpu.sem_alloc : memref<!tpu.dma_semaphore, #tpu.memory_space<semaphore_mem>>
      %dma_start3A_125 = arith.constant 32 : i32
      %dma_start3A_126 = arith.constant 0 : i32
      %dma_start3A_127 = tpu.memref_slice %arg3[%add3A, %dma_start3A_125, %dma_start3A_126] : memref<32x80x128xi32, #tpu.memory_space<hbm>> -> memref<1x16x128xi32, #tpu.memory_space<hbm>>
      %dma_start3A_128 = tpu.memref_squeeze %dma_start3A_127 : memref<1x16x128xi32, #tpu.memory_space<hbm>> -> memref<16x128xi32, #tpu.memory_space<hbm>>
      %dma_start3A_129 = arith.constant 32 : i32
      %dma_start3A_130 = arith.constant 0 : i32
      %dma_start3A_131 = tpu.memref_slice %arg3[%add3A, %dma_start3A_129, %dma_start3A_130] : memref<32x80x128xi32, #tpu.memory_space<hbm>> -> memref<1x16x128xi32, #tpu.memory_space<hbm>>
      %dma_start3A_132 = tpu.memref_squeeze %dma_start3A_131 : memref<1x16x128xi32, #tpu.memory_space<hbm>> -> memref<16x128xi32, #tpu.memory_space<hbm>>
      tpu.enqueue_dma source(%dma_start3A_132 : memref<16x128xi32, #tpu.memory_space<hbm>>) target(%arg6 : memref<16x128xi32, #tpu.memory_space<vmem>>) target_semaphore(%run_scoped3A_124 : memref<!tpu.dma_semaphore, #tpu.memory_space<semaphore_mem>>)
      %dma_wait3A = arith.constant 32 : i32
      %dma_wait3A_133 = arith.constant 0 : i32
      %dma_wait3A_134 = tpu.memref_slice %arg3[%add3A, %dma_wait3A, %dma_wait3A_133] : memref<32x80x128xi32, #tpu.memory_space<hbm>> -> memref<1x16x128xi32, #tpu.memory_space<hbm>>
      %dma_wait3A_135 = tpu.memref_squeeze %dma_wait3A_134 : memref<1x16x128xi32, #tpu.memory_space<hbm>> -> memref<16x128xi32, #tpu.memory_space<hbm>>
      %dma_wait3A_136 = arith.constant 32 : i32
      %dma_wait3A_137 = arith.constant 0 : i32
      %dma_wait3A_138 = tpu.memref_slice %arg3[%add3A, %dma_wait3A_136, %dma_wait3A_137] : memref<32x80x128xi32, #tpu.memory_space<hbm>> -> memref<1x16x128xi32, #tpu.memory_space<hbm>>
      %dma_wait3A_139 = tpu.memref_squeeze %dma_wait3A_138 : memref<1x16x128xi32, #tpu.memory_space<hbm>> -> memref<16x128xi32, #tpu.memory_space<hbm>>
      tpu.wait_dma2 semaphore(%run_scoped3A_124 : memref<!tpu.dma_semaphore, #tpu.memory_space<semaphore_mem>>) src(%dma_wait3A_139 : memref<16x128xi32, #tpu.memory_space<hbm>>) dst(%arg6 : memref<16x128xi32, #tpu.memory_space<vmem>>)
      tpu.yield
    }) : () -> ()
    "tpu.region"() ({
      %run_scoped3A_124 = tpu.sem_alloc : memref<!tpu.dma_semaphore, #tpu.memory_space<semaphore_mem>>
      %dma_start3A_125 = arith.constant 32 : i32
      %dma_start3A_126 = arith.constant 0 : i32
      %dma_start3A_127 = tpu.memref_slice %arg4[%add3A, %dma_start3A_125, %dma_start3A_126] : memref<32x80x128xi32, #tpu.memory_space<hbm>> -> memref<1x16x128xi32, #tpu.memory_space<hbm>>
      %dma_start3A_128 = tpu.memref_squeeze %dma_start3A_127 : memref<1x16x128xi32, #tpu.memory_space<hbm>> -> memref<16x128xi32, #tpu.memory_space<hbm>>
      %dma_start3A_129 = arith.constant 32 : i32
      %dma_start3A_130 = arith.constant 0 : i32
      %dma_start3A_131 = tpu.memref_slice %arg4[%add3A, %dma_start3A_129, %dma_start3A_130] : memref<32x80x128xi32, #tpu.memory_space<hbm>> -> memref<1x16x128xi32, #tpu.memory_space<hbm>>
      %dma_start3A_132 = tpu.memref_squeeze %dma_start3A_131 : memref<1x16x128xi32, #tpu.memory_space<hbm>> -> memref<16x128xi32, #tpu.memory_space<hbm>>
      tpu.enqueue_dma source(%dma_start3A_132 : memref<16x128xi32, #tpu.memory_space<hbm>>) target(%arg7 : memref<16x128xi32, #tpu.memory_space<vmem>>) target_semaphore(%run_scoped3A_124 : memref<!tpu.dma_semaphore, #tpu.memory_space<semaphore_mem>>)
      %dma_wait3A = arith.constant 32 : i32
      %dma_wait3A_133 = arith.constant 0 : i32
      %dma_wait3A_134 = tpu.memref_slice %arg4[%add3A, %dma_wait3A, %dma_wait3A_133] : memref<32x80x128xi32, #tpu.memory_space<hbm>> -> memref<1x16x128xi32, #tpu.memory_space<hbm>>
      %dma_wait3A_135 = tpu.memref_squeeze %dma_wait3A_134 : memref<1x16x128xi32, #tpu.memory_space<hbm>> -> memref<16x128xi32, #tpu.memory_space<hbm>>
      %dma_wait3A_136 = arith.constant 32 : i32
      %dma_wait3A_137 = arith.constant 0 : i32
      %dma_wait3A_138 = tpu.memref_slice %arg4[%add3A, %dma_wait3A_136, %dma_wait3A_137] : memref<32x80x128xi32, #tpu.memory_space<hbm>> -> memref<1x16x128xi32, #tpu.memory_space<hbm>>
      %dma_wait3A_139 = tpu.memref_squeeze %dma_wait3A_138 : memref<1x16x128xi32, #tpu.memory_space<hbm>> -> memref<16x128xi32, #tpu.memory_space<hbm>>
      tpu.wait_dma2 semaphore(%run_scoped3A_124 : memref<!tpu.dma_semaphore, #tpu.memory_space<semaphore_mem>>) src(%dma_wait3A_139 : memref<16x128xi32, #tpu.memory_space<hbm>>) dst(%arg7 : memref<16x128xi32, #tpu.memory_space<vmem>>)
      tpu.yield
    }) : () -> ()
    %dma_start3A_65 = arith.constant 0 : i32
    %dma_start3A_66 = arith.constant 0 : i32
    %dma_start3A_67 = arith.constant 0 : i32
    %dma_start3A_68 = arith.constant 0 : i32
    %dma_start3A_69 = tpu.memref_slice %arg8[%dma_start3A_66, %dma_start3A_67, %dma_start3A_68] : memref<2x128x128xf32, #tpu.memory_space<vmem>> -> memref<1x128x128xf32, #tpu.memory_space<vmem>>
    %dma_start3A_70 = tpu.memref_squeeze %dma_start3A_69 : memref<1x128x128xf32, #tpu.memory_space<vmem>> -> memref<128x128xf32, #tpu.memory_space<vmem>>
    %dma_start3A_71 = arith.constant 0 : i32
    %dma_start3A_72 = tpu.memref_slice %arg6[%dma_start3A_65, %dma_start3A_71] : memref<16x128xi32, #tpu.memory_space<vmem>> -> memref<1x128xi32, #tpu.memory_space<vmem>>
    %dma_start3A_73 = tpu.memref_squeeze %dma_start3A_72 : memref<1x128xi32, #tpu.memory_space<vmem>> -> memref<128xi32, #tpu.memory_space<vmem>>
    %dma_start3A_74 = arith.constant 0 : i32
    %dma_start3A_75 = arith.constant 0 : i32
    %dma_start3A_76 = tpu.memref_slice %arg2[%dma_start3A_74, %dma_start3A_75] : memref<10000x128xf32, #tpu.memory_space<hbm>> -> memref<10000x128xf32, #tpu.memory_space<hbm>>
    tpu.enqueue_indirect_dma source(%dma_start3A_76 : memref<10000x128xf32, #tpu.memory_space<hbm>>) target(%dma_start3A_70 : memref<128x128xf32, #tpu.memory_space<vmem>>) offsets(%dma_start3A_73 : memref<128xi32, #tpu.memory_space<vmem>>) semaphore(%arg10 : memref<!tpu.dma_semaphore, #tpu.memory_space<semaphore_mem>>)
    %scan3A_77 = arith.constant 0 : i32
    %scan3A_78 = arith.constant 0 : i32
    %scan3A_79 = arith.constant 8 : i32
    %scan3A_80 = arith.addi %scan3A_78, %scan3A_79 : i32
    %scan3A_81 = arith.constant 1 : i32
    scf.for %scan3A_124 = %scan3A_78 to %scan3A_80 step %scan3A_81  : i32 {
      %mul3A_125 = arith.constant 2 : i32
      %mul3A_126 = arith.muli %scan3A_124, %mul3A_125 : i32
      %add3A_127 = arith.constant 0 : i32
      %add3A_128 = arith.addi %mul3A_126, %add3A_127 : i32
      %add3A_129 = arith.constant 1 : i32
      %add3A_130 = arith.addi %add3A_128, %add3A_129 : i32
      %lt3A = arith.constant 16 : i32
      %lt3A_131 = arith.cmpi slt, %add3A_130, %lt3A : i32
      %convert_element_type3A = arith.extui %lt3A_131 : i1 to i32
      %cond3A = arith.constant 0 : i32
      %cond3A_132 = arith.cmpi ne, %convert_element_type3A, %cond3A : i32
      scf.if %cond3A_132 {
        %add3A_173 = arith.constant 1 : i32
        %add3A_174 = arith.addi %add3A_128, %add3A_173 : i32
        %dma_start3A_175 = arith.constant 1 : i32
        %dma_start3A_176 = arith.constant 0 : i32
        %dma_start3A_177 = arith.constant 0 : i32
        %dma_start3A_178 = tpu.memref_slice %arg8[%dma_start3A_175, %dma_start3A_176, %dma_start3A_177] : memref<2x128x128xf32, #tpu.memory_space<vmem>> -> memref<1x128x128xf32, #tpu.memory_space<vmem>>
        %dma_start3A_179 = tpu.memref_squeeze %dma_start3A_178 : memref<1x128x128xf32, #tpu.memory_space<vmem>> -> memref<128x128xf32, #tpu.memory_space<vmem>>
        %dma_start3A_180 = arith.constant 0 : i32
        %dma_start3A_181 = tpu.memref_slice %arg6[%add3A_174, %dma_start3A_180] : memref<16x128xi32, #tpu.memory_space<vmem>> -> memref<1x128xi32, #tpu.memory_space<vmem>>
        %dma_start3A_182 = tpu.memref_squeeze %dma_start3A_181 : memref<1x128xi32, #tpu.memory_space<vmem>> -> memref<128xi32, #tpu.memory_space<vmem>>
        %dma_start3A_183 = arith.constant 0 : i32
        %dma_start3A_184 = arith.constant 0 : i32
        %dma_start3A_185 = tpu.memref_slice %arg2[%dma_start3A_183, %dma_start3A_184] : memref<10000x128xf32, #tpu.memory_space<hbm>> -> memref<10000x128xf32, #tpu.memory_space<hbm>>
        tpu.enqueue_indirect_dma source(%dma_start3A_185 : memref<10000x128xf32, #tpu.memory_space<hbm>>) target(%dma_start3A_179 : memref<128x128xf32, #tpu.memory_space<vmem>>) offsets(%dma_start3A_182 : memref<128xi32, #tpu.memory_space<vmem>>) semaphore(%arg10 : memref<!tpu.dma_semaphore, #tpu.memory_space<semaphore_mem>>)
      } else {
      }
      %dma_wait3A = arith.constant 0 : i32
      %dma_wait3A_133 = arith.constant 0 : i32
      %dma_wait3A_134 = arith.constant 0 : i32
      %dma_wait3A_135 = tpu.memref_slice %arg8[%dma_wait3A, %dma_wait3A_133, %dma_wait3A_134] : memref<2x128x128xf32, #tpu.memory_space<vmem>> -> memref<1x128x128xf32, #tpu.memory_space<vmem>>
      %dma_wait3A_136 = tpu.memref_squeeze %dma_wait3A_135 : memref<1x128x128xf32, #tpu.memory_space<vmem>> -> memref<128x128xf32, #tpu.memory_space<vmem>>
      %dma_wait3A_137 = arith.constant 0 : i32
      %dma_wait3A_138 = arith.constant 0 : i32
      %dma_wait3A_139 = tpu.memref_slice %arg2[%dma_wait3A_137, %dma_wait3A_138] : memref<10000x128xf32, #tpu.memory_space<hbm>> -> memref<128x128xf32, #tpu.memory_space<hbm>>
      %dma_wait3A_140 = arith.constant 0 : i32
      %dma_wait3A_141 = arith.constant 0 : i32
      %dma_wait3A_142 = tpu.memref_slice %arg8[%dma_wait3A, %dma_wait3A_140, %dma_wait3A_141] : memref<2x128x128xf32, #tpu.memory_space<vmem>> -> memref<1x128x128xf32, #tpu.memory_space<vmem>>
      %dma_wait3A_143 = tpu.memref_squeeze %dma_wait3A_142 : memref<1x128x128xf32, #tpu.memory_space<vmem>> -> memref<128x128xf32, #tpu.memory_space<vmem>>
      %dma_wait3A_144 = arith.constant 0 : i32
      %dma_wait3A_145 = arith.constant 0 : i32
      %dma_wait3A_146 = tpu.memref_slice %arg2[%dma_wait3A_144, %dma_wait3A_145] : memref<10000x128xf32, #tpu.memory_space<hbm>> -> memref<128x128xf32, #tpu.memory_space<hbm>>
      tpu.wait_dma2 semaphore(%arg10 : memref<!tpu.dma_semaphore, #tpu.memory_space<semaphore_mem>>) src(%dma_wait3A_146 : memref<128x128xf32, #tpu.memory_space<hbm>>) dst(%dma_wait3A_143 : memref<128x128xf32, #tpu.memory_space<vmem>>)
      %run_scoped3A_147 = arith.constant 0 : i32
      "tpu.region"() ({
        %run_scoped3A_173 = tpu.sem_alloc : memref<!tpu.dma_semaphore, #tpu.memory_space<semaphore_mem>>
        %dma_start3A_174 = arith.constant 0 : i32
        %dma_start3A_175 = arith.constant 0 : i32
        %dma_start3A_176 = tpu.memref_slice %arg8[%run_scoped3A_147, %dma_start3A_174, %dma_start3A_175] : memref<2x128x128xf32, #tpu.memory_space<vmem>> -> memref<1x128x128xf32, #tpu.memory_space<vmem>>
        %dma_start3A_177 = tpu.memref_squeeze %dma_start3A_176 : memref<1x128x128xf32, #tpu.memory_space<vmem>> -> memref<128x128xf32, #tpu.memory_space<vmem>>
        %dma_start3A_178 = arith.constant 0 : i32
        %dma_start3A_179 = tpu.memref_slice %arg7[%add3A_128, %dma_start3A_178] : memref<16x128xi32, #tpu.memory_space<vmem>> -> memref<1x128xi32, #tpu.memory_space<vmem>>
        %dma_start3A_180 = tpu.memref_squeeze %dma_start3A_179 : memref<1x128xi32, #tpu.memory_space<vmem>> -> memref<128xi32, #tpu.memory_space<vmem>>
        %dma_start3A_181 = arith.constant 0 : i32
        %dma_start3A_182 = arith.constant 0 : i32
        %dma_start3A_183 = tpu.memref_slice %arg9[%dma_start3A_181, %dma_start3A_182] : memref<10240x128xf32, #tpu.memory_space<vmem_shared>> -> memref<10240x128xf32, #tpu.memory_space<vmem_shared>>
        tpu.enqueue_indirect_dma source(%dma_start3A_177 : memref<128x128xf32, #tpu.memory_space<vmem>>) target(%dma_start3A_183 : memref<10240x128xf32, #tpu.memory_space<vmem_shared>>) offsets(%dma_start3A_180 : memref<128xi32, #tpu.memory_space<vmem>>) semaphore(%run_scoped3A_173 : memref<!tpu.dma_semaphore, #tpu.memory_space<semaphore_mem>>) {add = true}
        %dma_wait3A_184 = arith.constant 0 : i32
        %dma_wait3A_185 = arith.constant 0 : i32
        %dma_wait3A_186 = tpu.memref_slice %arg8[%run_scoped3A_147, %dma_wait3A_184, %dma_wait3A_185] : memref<2x128x128xf32, #tpu.memory_space<vmem>> -> memref<1x128x128xf32, #tpu.memory_space<vmem>>
        %dma_wait3A_187 = tpu.memref_squeeze %dma_wait3A_186 : memref<1x128x128xf32, #tpu.memory_space<vmem>> -> memref<128x128xf32, #tpu.memory_space<vmem>>
        %dma_wait3A_188 = arith.constant 0 : i32
        %dma_wait3A_189 = tpu.memref_slice %arg7[%add3A_128, %dma_wait3A_188] : memref<16x128xi32, #tpu.memory_space<vmem>> -> memref<1x128xi32, #tpu.memory_space<vmem>>
        %dma_wait3A_190 = tpu.memref_squeeze %dma_wait3A_189 : memref<1x128xi32, #tpu.memory_space<vmem>> -> memref<128xi32, #tpu.memory_space<vmem>>
        %dma_wait3A_191 = arith.constant 0 : i32
        %dma_wait3A_192 = arith.constant 0 : i32
        %dma_wait3A_193 = tpu.memref_slice %arg9[%dma_wait3A_191, %dma_wait3A_192] : memref<10240x128xf32, #tpu.memory_space<vmem_shared>> -> memref<10240x128xf32, #tpu.memory_space<vmem_shared>>
        tpu.wait_indirect_dma semaphore(%run_scoped3A_173 : memref<!tpu.dma_semaphore, #tpu.memory_space<semaphore_mem>>) src(%dma_wait3A_187 : memref<128x128xf32, #tpu.memory_space<vmem>>) dst(%dma_wait3A_193 : memref<10240x128xf32, #tpu.memory_space<vmem_shared>>)
        tpu.yield
      }) : () -> ()
      %add3A_148 = arith.constant 1 : i32
      %add3A_149 = arith.addi %mul3A_126, %add3A_148 : i32
      %add3A_150 = arith.constant 1 : i32
      %add3A_151 = arith.addi %add3A_149, %add3A_150 : i32
      %lt3A_152 = arith.constant 16 : i32
      %lt3A_153 = arith.cmpi slt, %add3A_151, %lt3A_152 : i32
      %convert_element_type3A_154 = arith.extui %lt3A_153 : i1 to i32
      %cond3A_155 = arith.constant 0 : i32
      %cond3A_156 = arith.cmpi ne, %convert_element_type3A_154, %cond3A_155 : i32
      scf.if %cond3A_156 {
        %add3A_173 = arith.constant 1 : i32
        %add3A_174 = arith.addi %add3A_149, %add3A_173 : i32
        %dma_start3A_175 = arith.constant 0 : i32
        %dma_start3A_176 = arith.constant 0 : i32
        %dma_start3A_177 = arith.constant 0 : i32
        %dma_start3A_178 = tpu.memref_slice %arg8[%dma_start3A_175, %dma_start3A_176, %dma_start3A_177] : memref<2x128x128xf32, #tpu.memory_space<vmem>> -> memref<1x128x128xf32, #tpu.memory_space<vmem>>
        %dma_start3A_179 = tpu.memref_squeeze %dma_start3A_178 : memref<1x128x128xf32, #tpu.memory_space<vmem>> -> memref<128x128xf32, #tpu.memory_space<vmem>>
        %dma_start3A_180 = arith.constant 0 : i32
        %dma_start3A_181 = tpu.memref_slice %arg6[%add3A_174, %dma_start3A_180] : memref<16x128xi32, #tpu.memory_space<vmem>> -> memref<1x128xi32, #tpu.memory_space<vmem>>
        %dma_start3A_182 = tpu.memref_squeeze %dma_start3A_181 : memref<1x128xi32, #tpu.memory_space<vmem>> -> memref<128xi32, #tpu.memory_space<vmem>>
        %dma_start3A_183 = arith.constant 0 : i32
        %dma_start3A_184 = arith.constant 0 : i32
        %dma_start3A_185 = tpu.memref_slice %arg2[%dma_start3A_183, %dma_start3A_184] : memref<10000x128xf32, #tpu.memory_space<hbm>> -> memref<10000x128xf32, #tpu.memory_space<hbm>>
        tpu.enqueue_indirect_dma source(%dma_start3A_185 : memref<10000x128xf32, #tpu.memory_space<hbm>>) target(%dma_start3A_179 : memref<128x128xf32, #tpu.memory_space<vmem>>) offsets(%dma_start3A_182 : memref<128xi32, #tpu.memory_space<vmem>>) semaphore(%arg10 : memref<!tpu.dma_semaphore, #tpu.memory_space<semaphore_mem>>)
      } else {
      }
      %dma_wait3A_157 = arith.constant 0 : i32
      %dma_wait3A_158 = arith.constant 0 : i32
      %dma_wait3A_159 = arith.constant 0 : i32
      %dma_wait3A_160 = tpu.memref_slice %arg8[%dma_wait3A_157, %dma_wait3A_158, %dma_wait3A_159] : memref<2x128x128xf32, #tpu.memory_space<vmem>> -> memref<1x128x128xf32, #tpu.memory_space<vmem>>
      %dma_wait3A_161 = tpu.memref_squeeze %dma_wait3A_160 : memref<1x128x128xf32, #tpu.memory_space<vmem>> -> memref<128x128xf32, #tpu.memory_space<vmem>>
      %dma_wait3A_162 = arith.constant 0 : i32
      %dma_wait3A_163 = arith.constant 0 : i32
      %dma_wait3A_164 = tpu.memref_slice %arg2[%dma_wait3A_162, %dma_wait3A_163] : memref<10000x128xf32, #tpu.memory_space<hbm>> -> memref<128x128xf32, #tpu.memory_space<hbm>>
      %dma_wait3A_165 = arith.constant 0 : i32
      %dma_wait3A_166 = arith.constant 0 : i32
      %dma_wait3A_167 = tpu.memref_slice %arg8[%dma_wait3A_157, %dma_wait3A_165, %dma_wait3A_166] : memref<2x128x128xf32, #tpu.memory_space<vmem>> -> memref<1x128x128xf32, #tpu.memory_space<vmem>>
      %dma_wait3A_168 = tpu.memref_squeeze %dma_wait3A_167 : memref<1x128x128xf32, #tpu.memory_space<vmem>> -> memref<128x128xf32, #tpu.memory_space<vmem>>
      %dma_wait3A_169 = arith.constant 0 : i32
      %dma_wait3A_170 = arith.constant 0 : i32
      %dma_wait3A_171 = tpu.memref_slice %arg2[%dma_wait3A_169, %dma_wait3A_170] : memref<10000x128xf32, #tpu.memory_space<hbm>> -> memref<128x128xf32, #tpu.memory_space<hbm>>
      tpu.wait_dma2 semaphore(%arg10 : memref<!tpu.dma_semaphore, #tpu.memory_space<semaphore_mem>>) src(%dma_wait3A_171 : memref<128x128xf32, #tpu.memory_space<hbm>>) dst(%dma_wait3A_168 : memref<128x128xf32, #tpu.memory_space<vmem>>)
      %run_scoped3A_172 = arith.constant 1 : i32
      "tpu.region"() ({
        %run_scoped3A_173 = tpu.sem_alloc : memref<!tpu.dma_semaphore, #tpu.memory_space<semaphore_mem>>
        %dma_start3A_174 = arith.constant 0 : i32
        %dma_start3A_175 = arith.constant 0 : i32
        %dma_start3A_176 = tpu.memref_slice %arg8[%run_scoped3A_172, %dma_start3A_174, %dma_start3A_175] : memref<2x128x128xf32, #tpu.memory_space<vmem>> -> memref<1x128x128xf32, #tpu.memory_space<vmem>>
        %dma_start3A_177 = tpu.memref_squeeze %dma_start3A_176 : memref<1x128x128xf32, #tpu.memory_space<vmem>> -> memref<128x128xf32, #tpu.memory_space<vmem>>
        %dma_start3A_178 = arith.constant 0 : i32
        %dma_start3A_179 = tpu.memref_slice %arg7[%add3A_149, %dma_start3A_178] : memref<16x128xi32, #tpu.memory_space<vmem>> -> memref<1x128xi32, #tpu.memory_space<vmem>>
        %dma_start3A_180 = tpu.memref_squeeze %dma_start3A_179 : memref<1x128xi32, #tpu.memory_space<vmem>> -> memref<128xi32, #tpu.memory_space<vmem>>
        %dma_start3A_181 = arith.constant 0 : i32
        %dma_start3A_182 = arith.constant 0 : i32
        %dma_start3A_183 = tpu.memref_slice %arg9[%dma_start3A_181, %dma_start3A_182] : memref<10240x128xf32, #tpu.memory_space<vmem_shared>> -> memref<10240x128xf32, #tpu.memory_space<vmem_shared>>
        tpu.enqueue_indirect_dma source(%dma_start3A_177 : memref<128x128xf32, #tpu.memory_space<vmem>>) target(%dma_start3A_183 : memref<10240x128xf32, #tpu.memory_space<vmem_shared>>) offsets(%dma_start3A_180 : memref<128xi32, #tpu.memory_space<vmem>>) semaphore(%run_scoped3A_173 : memref<!tpu.dma_semaphore, #tpu.memory_space<semaphore_mem>>) {add = true}
        %dma_wait3A_184 = arith.constant 0 : i32
        %dma_wait3A_185 = arith.constant 0 : i32
        %dma_wait3A_186 = tpu.memref_slice %arg8[%run_scoped3A_172, %dma_wait3A_184, %dma_wait3A_185] : memref<2x128x128xf32, #tpu.memory_space<vmem>> -> memref<1x128x128xf32, #tpu.memory_space<vmem>>
        %dma_wait3A_187 = tpu.memref_squeeze %dma_wait3A_186 : memref<1x128x128xf32, #tpu.memory_space<vmem>> -> memref<128x128xf32, #tpu.memory_space<vmem>>
        %dma_wait3A_188 = arith.constant 0 : i32
        %dma_wait3A_189 = tpu.memref_slice %arg7[%add3A_149, %dma_wait3A_188] : memref<16x128xi32, #tpu.memory_space<vmem>> -> memref<1x128xi32, #tpu.memory_space<vmem>>
        %dma_wait3A_190 = tpu.memref_squeeze %dma_wait3A_189 : memref<1x128xi32, #tpu.memory_space<vmem>> -> memref<128xi32, #tpu.memory_space<vmem>>
        %dma_wait3A_191 = arith.constant 0 : i32
        %dma_wait3A_192 = arith.constant 0 : i32
        %dma_wait3A_193 = tpu.memref_slice %arg9[%dma_wait3A_191, %dma_wait3A_192] : memref<10240x128xf32, #tpu.memory_space<vmem_shared>> -> memref<10240x128xf32, #tpu.memory_space<vmem_shared>>
        tpu.wait_indirect_dma semaphore(%run_scoped3A_173 : memref<!tpu.dma_semaphore, #tpu.memory_space<semaphore_mem>>) src(%dma_wait3A_187 : memref<128x128xf32, #tpu.memory_space<vmem>>) dst(%dma_wait3A_193 : memref<10240x128xf32, #tpu.memory_space<vmem_shared>>)
        tpu.yield
      }) : () -> ()
    }
    %scan3A_82 = arith.constant 8 : i32
    "tpu.region"() ({
      %run_scoped3A_124 = tpu.sem_alloc : memref<!tpu.dma_semaphore, #tpu.memory_space<semaphore_mem>>
      %dma_start3A_125 = arith.constant 48 : i32
      %dma_start3A_126 = arith.constant 0 : i32
      %dma_start3A_127 = tpu.memref_slice %arg3[%add3A, %dma_start3A_125, %dma_start3A_126] : memref<32x80x128xi32, #tpu.memory_space<hbm>> -> memref<1x16x128xi32, #tpu.memory_space<hbm>>
      %dma_start3A_128 = tpu.memref_squeeze %dma_start3A_127 : memref<1x16x128xi32, #tpu.memory_space<hbm>> -> memref<16x128xi32, #tpu.memory_space<hbm>>
      %dma_start3A_129 = arith.constant 48 : i32
      %dma_start3A_130 = arith.constant 0 : i32
      %dma_start3A_131 = tpu.memref_slice %arg3[%add3A, %dma_start3A_129, %dma_start3A_130] : memref<32x80x128xi32, #tpu.memory_space<hbm>> -> memref<1x16x128xi32, #tpu.memory_space<hbm>>
      %dma_start3A_132 = tpu.memref_squeeze %dma_start3A_131 : memref<1x16x128xi32, #tpu.memory_space<hbm>> -> memref<16x128xi32, #tpu.memory_space<hbm>>
      tpu.enqueue_dma source(%dma_start3A_132 : memref<16x128xi32, #tpu.memory_space<hbm>>) target(%arg6 : memref<16x128xi32, #tpu.memory_space<vmem>>) target_semaphore(%run_scoped3A_124 : memref<!tpu.dma_semaphore, #tpu.memory_space<semaphore_mem>>)
      %dma_wait3A = arith.constant 48 : i32
      %dma_wait3A_133 = arith.constant 0 : i32
      %dma_wait3A_134 = tpu.memref_slice %arg3[%add3A, %dma_wait3A, %dma_wait3A_133] : memref<32x80x128xi32, #tpu.memory_space<hbm>> -> memref<1x16x128xi32, #tpu.memory_space<hbm>>
      %dma_wait3A_135 = tpu.memref_squeeze %dma_wait3A_134 : memref<1x16x128xi32, #tpu.memory_space<hbm>> -> memref<16x128xi32, #tpu.memory_space<hbm>>
      %dma_wait3A_136 = arith.constant 48 : i32
      %dma_wait3A_137 = arith.constant 0 : i32
      %dma_wait3A_138 = tpu.memref_slice %arg3[%add3A, %dma_wait3A_136, %dma_wait3A_137] : memref<32x80x128xi32, #tpu.memory_space<hbm>> -> memref<1x16x128xi32, #tpu.memory_space<hbm>>
      %dma_wait3A_139 = tpu.memref_squeeze %dma_wait3A_138 : memref<1x16x128xi32, #tpu.memory_space<hbm>> -> memref<16x128xi32, #tpu.memory_space<hbm>>
      tpu.wait_dma2 semaphore(%run_scoped3A_124 : memref<!tpu.dma_semaphore, #tpu.memory_space<semaphore_mem>>) src(%dma_wait3A_139 : memref<16x128xi32, #tpu.memory_space<hbm>>) dst(%arg6 : memref<16x128xi32, #tpu.memory_space<vmem>>)
      tpu.yield
    }) : () -> ()
    "tpu.region"() ({
      %run_scoped3A_124 = tpu.sem_alloc : memref<!tpu.dma_semaphore, #tpu.memory_space<semaphore_mem>>
      %dma_start3A_125 = arith.constant 48 : i32
      %dma_start3A_126 = arith.constant 0 : i32
      %dma_start3A_127 = tpu.memref_slice %arg4[%add3A, %dma_start3A_125, %dma_start3A_126] : memref<32x80x128xi32, #tpu.memory_space<hbm>> -> memref<1x16x128xi32, #tpu.memory_space<hbm>>
      %dma_start3A_128 = tpu.memref_squeeze %dma_start3A_127 : memref<1x16x128xi32, #tpu.memory_space<hbm>> -> memref<16x128xi32, #tpu.memory_space<hbm>>
      %dma_start3A_129 = arith.constant 48 : i32
      %dma_start3A_130 = arith.constant 0 : i32
      %dma_start3A_131 = tpu.memref_slice %arg4[%add3A, %dma_start3A_129, %dma_start3A_130] : memref<32x80x128xi32, #tpu.memory_space<hbm>> -> memref<1x16x128xi32, #tpu.memory_space<hbm>>
      %dma_start3A_132 = tpu.memref_squeeze %dma_start3A_131 : memref<1x16x128xi32, #tpu.memory_space<hbm>> -> memref<16x128xi32, #tpu.memory_space<hbm>>
      tpu.enqueue_dma source(%dma_start3A_132 : memref<16x128xi32, #tpu.memory_space<hbm>>) target(%arg7 : memref<16x128xi32, #tpu.memory_space<vmem>>) target_semaphore(%run_scoped3A_124 : memref<!tpu.dma_semaphore, #tpu.memory_space<semaphore_mem>>)
      %dma_wait3A = arith.constant 48 : i32
      %dma_wait3A_133 = arith.constant 0 : i32
      %dma_wait3A_134 = tpu.memref_slice %arg4[%add3A, %dma_wait3A, %dma_wait3A_133] : memref<32x80x128xi32, #tpu.memory_space<hbm>> -> memref<1x16x128xi32, #tpu.memory_space<hbm>>
      %dma_wait3A_135 = tpu.memref_squeeze %dma_wait3A_134 : memref<1x16x128xi32, #tpu.memory_space<hbm>> -> memref<16x128xi32, #tpu.memory_space<hbm>>
      %dma_wait3A_136 = arith.constant 48 : i32
      %dma_wait3A_137 = arith.constant 0 : i32
      %dma_wait3A_138 = tpu.memref_slice %arg4[%add3A, %dma_wait3A_136, %dma_wait3A_137] : memref<32x80x128xi32, #tpu.memory_space<hbm>> -> memref<1x16x128xi32, #tpu.memory_space<hbm>>
      %dma_wait3A_139 = tpu.memref_squeeze %dma_wait3A_138 : memref<1x16x128xi32, #tpu.memory_space<hbm>> -> memref<16x128xi32, #tpu.memory_space<hbm>>
      tpu.wait_dma2 semaphore(%run_scoped3A_124 : memref<!tpu.dma_semaphore, #tpu.memory_space<semaphore_mem>>) src(%dma_wait3A_139 : memref<16x128xi32, #tpu.memory_space<hbm>>) dst(%arg7 : memref<16x128xi32, #tpu.memory_space<vmem>>)
      tpu.yield
    }) : () -> ()
    %dma_start3A_83 = arith.constant 0 : i32
    %dma_start3A_84 = arith.constant 0 : i32
    %dma_start3A_85 = arith.constant 0 : i32
    %dma_start3A_86 = arith.constant 0 : i32
    %dma_start3A_87 = tpu.memref_slice %arg8[%dma_start3A_84, %dma_start3A_85, %dma_start3A_86] : memref<2x128x128xf32, #tpu.memory_space<vmem>> -> memref<1x128x128xf32, #tpu.memory_space<vmem>>
    %dma_start3A_88 = tpu.memref_squeeze %dma_start3A_87 : memref<1x128x128xf32, #tpu.memory_space<vmem>> -> memref<128x128xf32, #tpu.memory_space<vmem>>
    %dma_start3A_89 = arith.constant 0 : i32
    %dma_start3A_90 = tpu.memref_slice %arg6[%dma_start3A_83, %dma_start3A_89] : memref<16x128xi32, #tpu.memory_space<vmem>> -> memref<1x128xi32, #tpu.memory_space<vmem>>
    %dma_start3A_91 = tpu.memref_squeeze %dma_start3A_90 : memref<1x128xi32, #tpu.memory_space<vmem>> -> memref<128xi32, #tpu.memory_space<vmem>>
    %dma_start3A_92 = arith.constant 0 : i32
    %dma_start3A_93 = arith.constant 0 : i32
    %dma_start3A_94 = tpu.memref_slice %arg2[%dma_start3A_92, %dma_start3A_93] : memref<10000x128xf32, #tpu.memory_space<hbm>> -> memref<10000x128xf32, #tpu.memory_space<hbm>>
    tpu.enqueue_indirect_dma source(%dma_start3A_94 : memref<10000x128xf32, #tpu.memory_space<hbm>>) target(%dma_start3A_88 : memref<128x128xf32, #tpu.memory_space<vmem>>) offsets(%dma_start3A_91 : memref<128xi32, #tpu.memory_space<vmem>>) semaphore(%arg10 : memref<!tpu.dma_semaphore, #tpu.memory_space<semaphore_mem>>)
    %scan3A_95 = arith.constant 0 : i32
    %scan3A_96 = arith.constant 0 : i32
    %scan3A_97 = arith.constant 8 : i32
    %scan3A_98 = arith.addi %scan3A_96, %scan3A_97 : i32
    %scan3A_99 = arith.constant 1 : i32
    scf.for %scan3A_124 = %scan3A_96 to %scan3A_98 step %scan3A_99  : i32 {
      %mul3A_125 = arith.constant 2 : i32
      %mul3A_126 = arith.muli %scan3A_124, %mul3A_125 : i32
      %add3A_127 = arith.constant 0 : i32
      %add3A_128 = arith.addi %mul3A_126, %add3A_127 : i32
      %add3A_129 = arith.constant 1 : i32
      %add3A_130 = arith.addi %add3A_128, %add3A_129 : i32
      %lt3A = arith.constant 16 : i32
      %lt3A_131 = arith.cmpi slt, %add3A_130, %lt3A : i32
      %convert_element_type3A = arith.extui %lt3A_131 : i1 to i32
      %cond3A = arith.constant 0 : i32
      %cond3A_132 = arith.cmpi ne, %convert_element_type3A, %cond3A : i32
      scf.if %cond3A_132 {
        %add3A_173 = arith.constant 1 : i32
        %add3A_174 = arith.addi %add3A_128, %add3A_173 : i32
        %dma_start3A_175 = arith.constant 1 : i32
        %dma_start3A_176 = arith.constant 0 : i32
        %dma_start3A_177 = arith.constant 0 : i32
        %dma_start3A_178 = tpu.memref_slice %arg8[%dma_start3A_175, %dma_start3A_176, %dma_start3A_177] : memref<2x128x128xf32, #tpu.memory_space<vmem>> -> memref<1x128x128xf32, #tpu.memory_space<vmem>>
        %dma_start3A_179 = tpu.memref_squeeze %dma_start3A_178 : memref<1x128x128xf32, #tpu.memory_space<vmem>> -> memref<128x128xf32, #tpu.memory_space<vmem>>
        %dma_start3A_180 = arith.constant 0 : i32
        %dma_start3A_181 = tpu.memref_slice %arg6[%add3A_174, %dma_start3A_180] : memref<16x128xi32, #tpu.memory_space<vmem>> -> memref<1x128xi32, #tpu.memory_space<vmem>>
        %dma_start3A_182 = tpu.memref_squeeze %dma_start3A_181 : memref<1x128xi32, #tpu.memory_space<vmem>> -> memref<128xi32, #tpu.memory_space<vmem>>
        %dma_start3A_183 = arith.constant 0 : i32
        %dma_start3A_184 = arith.constant 0 : i32
        %dma_start3A_185 = tpu.memref_slice %arg2[%dma_start3A_183, %dma_start3A_184] : memref<10000x128xf32, #tpu.memory_space<hbm>> -> memref<10000x128xf32, #tpu.memory_space<hbm>>
        tpu.enqueue_indirect_dma source(%dma_start3A_185 : memref<10000x128xf32, #tpu.memory_space<hbm>>) target(%dma_start3A_179 : memref<128x128xf32, #tpu.memory_space<vmem>>) offsets(%dma_start3A_182 : memref<128xi32, #tpu.memory_space<vmem>>) semaphore(%arg10 : memref<!tpu.dma_semaphore, #tpu.memory_space<semaphore_mem>>)
      } else {
      }
      %dma_wait3A = arith.constant 0 : i32
      %dma_wait3A_133 = arith.constant 0 : i32
      %dma_wait3A_134 = arith.constant 0 : i32
      %dma_wait3A_135 = tpu.memref_slice %arg8[%dma_wait3A, %dma_wait3A_133, %dma_wait3A_134] : memref<2x128x128xf32, #tpu.memory_space<vmem>> -> memref<1x128x128xf32, #tpu.memory_space<vmem>>
      %dma_wait3A_136 = tpu.memref_squeeze %dma_wait3A_135 : memref<1x128x128xf32, #tpu.memory_space<vmem>> -> memref<128x128xf32, #tpu.memory_space<vmem>>
      %dma_wait3A_137 = arith.constant 0 : i32
      %dma_wait3A_138 = arith.constant 0 : i32
      %dma_wait3A_139 = tpu.memref_slice %arg2[%dma_wait3A_137, %dma_wait3A_138] : memref<10000x128xf32, #tpu.memory_space<hbm>> -> memref<128x128xf32, #tpu.memory_space<hbm>>
      %dma_wait3A_140 = arith.constant 0 : i32
      %dma_wait3A_141 = arith.constant 0 : i32
      %dma_wait3A_142 = tpu.memref_slice %arg8[%dma_wait3A, %dma_wait3A_140, %dma_wait3A_141] : memref<2x128x128xf32, #tpu.memory_space<vmem>> -> memref<1x128x128xf32, #tpu.memory_space<vmem>>
      %dma_wait3A_143 = tpu.memref_squeeze %dma_wait3A_142 : memref<1x128x128xf32, #tpu.memory_space<vmem>> -> memref<128x128xf32, #tpu.memory_space<vmem>>
      %dma_wait3A_144 = arith.constant 0 : i32
      %dma_wait3A_145 = arith.constant 0 : i32
      %dma_wait3A_146 = tpu.memref_slice %arg2[%dma_wait3A_144, %dma_wait3A_145] : memref<10000x128xf32, #tpu.memory_space<hbm>> -> memref<128x128xf32, #tpu.memory_space<hbm>>
      tpu.wait_dma2 semaphore(%arg10 : memref<!tpu.dma_semaphore, #tpu.memory_space<semaphore_mem>>) src(%dma_wait3A_146 : memref<128x128xf32, #tpu.memory_space<hbm>>) dst(%dma_wait3A_143 : memref<128x128xf32, #tpu.memory_space<vmem>>)
      %run_scoped3A_147 = arith.constant 0 : i32
      "tpu.region"() ({
        %run_scoped3A_173 = tpu.sem_alloc : memref<!tpu.dma_semaphore, #tpu.memory_space<semaphore_mem>>
        %dma_start3A_174 = arith.constant 0 : i32
        %dma_start3A_175 = arith.constant 0 : i32
        %dma_start3A_176 = tpu.memref_slice %arg8[%run_scoped3A_147, %dma_start3A_174, %dma_start3A_175] : memref<2x128x128xf32, #tpu.memory_space<vmem>> -> memref<1x128x128xf32, #tpu.memory_space<vmem>>
        %dma_start3A_177 = tpu.memref_squeeze %dma_start3A_176 : memref<1x128x128xf32, #tpu.memory_space<vmem>> -> memref<128x128xf32, #tpu.memory_space<vmem>>
        %dma_start3A_178 = arith.constant 0 : i32
        %dma_start3A_179 = tpu.memref_slice %arg7[%add3A_128, %dma_start3A_178] : memref<16x128xi32, #tpu.memory_space<vmem>> -> memref<1x128xi32, #tpu.memory_space<vmem>>
        %dma_start3A_180 = tpu.memref_squeeze %dma_start3A_179 : memref<1x128xi32, #tpu.memory_space<vmem>> -> memref<128xi32, #tpu.memory_space<vmem>>
        %dma_start3A_181 = arith.constant 0 : i32
        %dma_start3A_182 = arith.constant 0 : i32
        %dma_start3A_183 = tpu.memref_slice %arg9[%dma_start3A_181, %dma_start3A_182] : memref<10240x128xf32, #tpu.memory_space<vmem_shared>> -> memref<10240x128xf32, #tpu.memory_space<vmem_shared>>
        tpu.enqueue_indirect_dma source(%dma_start3A_177 : memref<128x128xf32, #tpu.memory_space<vmem>>) target(%dma_start3A_183 : memref<10240x128xf32, #tpu.memory_space<vmem_shared>>) offsets(%dma_start3A_180 : memref<128xi32, #tpu.memory_space<vmem>>) semaphore(%run_scoped3A_173 : memref<!tpu.dma_semaphore, #tpu.memory_space<semaphore_mem>>) {add = true}
        %dma_wait3A_184 = arith.constant 0 : i32
        %dma_wait3A_185 = arith.constant 0 : i32
        %dma_wait3A_186 = tpu.memref_slice %arg8[%run_scoped3A_147, %dma_wait3A_184, %dma_wait3A_185] : memref<2x128x128xf32, #tpu.memory_space<vmem>> -> memref<1x128x128xf32, #tpu.memory_space<vmem>>
        %dma_wait3A_187 = tpu.memref_squeeze %dma_wait3A_186 : memref<1x128x128xf32, #tpu.memory_space<vmem>> -> memref<128x128xf32, #tpu.memory_space<vmem>>
        %dma_wait3A_188 = arith.constant 0 : i32
        %dma_wait3A_189 = tpu.memref_slice %arg7[%add3A_128, %dma_wait3A_188] : memref<16x128xi32, #tpu.memory_space<vmem>> -> memref<1x128xi32, #tpu.memory_space<vmem>>
        %dma_wait3A_190 = tpu.memref_squeeze %dma_wait3A_189 : memref<1x128xi32, #tpu.memory_space<vmem>> -> memref<128xi32, #tpu.memory_space<vmem>>
        %dma_wait3A_191 = arith.constant 0 : i32
        %dma_wait3A_192 = arith.constant 0 : i32
        %dma_wait3A_193 = tpu.memref_slice %arg9[%dma_wait3A_191, %dma_wait3A_192] : memref<10240x128xf32, #tpu.memory_space<vmem_shared>> -> memref<10240x128xf32, #tpu.memory_space<vmem_shared>>
        tpu.wait_indirect_dma semaphore(%run_scoped3A_173 : memref<!tpu.dma_semaphore, #tpu.memory_space<semaphore_mem>>) src(%dma_wait3A_187 : memref<128x128xf32, #tpu.memory_space<vmem>>) dst(%dma_wait3A_193 : memref<10240x128xf32, #tpu.memory_space<vmem_shared>>)
        tpu.yield
      }) : () -> ()
      %add3A_148 = arith.constant 1 : i32
      %add3A_149 = arith.addi %mul3A_126, %add3A_148 : i32
      %add3A_150 = arith.constant 1 : i32
      %add3A_151 = arith.addi %add3A_149, %add3A_150 : i32
      %lt3A_152 = arith.constant 16 : i32
      %lt3A_153 = arith.cmpi slt, %add3A_151, %lt3A_152 : i32
      %convert_element_type3A_154 = arith.extui %lt3A_153 : i1 to i32
      %cond3A_155 = arith.constant 0 : i32
      %cond3A_156 = arith.cmpi ne, %convert_element_type3A_154, %cond3A_155 : i32
      scf.if %cond3A_156 {
        %add3A_173 = arith.constant 1 : i32
        %add3A_174 = arith.addi %add3A_149, %add3A_173 : i32
        %dma_start3A_175 = arith.constant 0 : i32
        %dma_start3A_176 = arith.constant 0 : i32
        %dma_start3A_177 = arith.constant 0 : i32
        %dma_start3A_178 = tpu.memref_slice %arg8[%dma_start3A_175, %dma_start3A_176, %dma_start3A_177] : memref<2x128x128xf32, #tpu.memory_space<vmem>> -> memref<1x128x128xf32, #tpu.memory_space<vmem>>
        %dma_start3A_179 = tpu.memref_squeeze %dma_start3A_178 : memref<1x128x128xf32, #tpu.memory_space<vmem>> -> memref<128x128xf32, #tpu.memory_space<vmem>>
        %dma_start3A_180 = arith.constant 0 : i32
        %dma_start3A_181 = tpu.memref_slice %arg6[%add3A_174, %dma_start3A_180] : memref<16x128xi32, #tpu.memory_space<vmem>> -> memref<1x128xi32, #tpu.memory_space<vmem>>
        %dma_start3A_182 = tpu.memref_squeeze %dma_start3A_181 : memref<1x128xi32, #tpu.memory_space<vmem>> -> memref<128xi32, #tpu.memory_space<vmem>>
        %dma_start3A_183 = arith.constant 0 : i32
        %dma_start3A_184 = arith.constant 0 : i32
        %dma_start3A_185 = tpu.memref_slice %arg2[%dma_start3A_183, %dma_start3A_184] : memref<10000x128xf32, #tpu.memory_space<hbm>> -> memref<10000x128xf32, #tpu.memory_space<hbm>>
        tpu.enqueue_indirect_dma source(%dma_start3A_185 : memref<10000x128xf32, #tpu.memory_space<hbm>>) target(%dma_start3A_179 : memref<128x128xf32, #tpu.memory_space<vmem>>) offsets(%dma_start3A_182 : memref<128xi32, #tpu.memory_space<vmem>>) semaphore(%arg10 : memref<!tpu.dma_semaphore, #tpu.memory_space<semaphore_mem>>)
      } else {
      }
      %dma_wait3A_157 = arith.constant 0 : i32
      %dma_wait3A_158 = arith.constant 0 : i32
      %dma_wait3A_159 = arith.constant 0 : i32
      %dma_wait3A_160 = tpu.memref_slice %arg8[%dma_wait3A_157, %dma_wait3A_158, %dma_wait3A_159] : memref<2x128x128xf32, #tpu.memory_space<vmem>> -> memref<1x128x128xf32, #tpu.memory_space<vmem>>
      %dma_wait3A_161 = tpu.memref_squeeze %dma_wait3A_160 : memref<1x128x128xf32, #tpu.memory_space<vmem>> -> memref<128x128xf32, #tpu.memory_space<vmem>>
      %dma_wait3A_162 = arith.constant 0 : i32
      %dma_wait3A_163 = arith.constant 0 : i32
      %dma_wait3A_164 = tpu.memref_slice %arg2[%dma_wait3A_162, %dma_wait3A_163] : memref<10000x128xf32, #tpu.memory_space<hbm>> -> memref<128x128xf32, #tpu.memory_space<hbm>>
      %dma_wait3A_165 = arith.constant 0 : i32
      %dma_wait3A_166 = arith.constant 0 : i32
      %dma_wait3A_167 = tpu.memref_slice %arg8[%dma_wait3A_157, %dma_wait3A_165, %dma_wait3A_166] : memref<2x128x128xf32, #tpu.memory_space<vmem>> -> memref<1x128x128xf32, #tpu.memory_space<vmem>>
      %dma_wait3A_168 = tpu.memref_squeeze %dma_wait3A_167 : memref<1x128x128xf32, #tpu.memory_space<vmem>> -> memref<128x128xf32, #tpu.memory_space<vmem>>
      %dma_wait3A_169 = arith.constant 0 : i32
      %dma_wait3A_170 = arith.constant 0 : i32
      %dma_wait3A_171 = tpu.memref_slice %arg2[%dma_wait3A_169, %dma_wait3A_170] : memref<10000x128xf32, #tpu.memory_space<hbm>> -> memref<128x128xf32, #tpu.memory_space<hbm>>
      tpu.wait_dma2 semaphore(%arg10 : memref<!tpu.dma_semaphore, #tpu.memory_space<semaphore_mem>>) src(%dma_wait3A_171 : memref<128x128xf32, #tpu.memory_space<hbm>>) dst(%dma_wait3A_168 : memref<128x128xf32, #tpu.memory_space<vmem>>)
      %run_scoped3A_172 = arith.constant 1 : i32
      "tpu.region"() ({
        %run_scoped3A_173 = tpu.sem_alloc : memref<!tpu.dma_semaphore, #tpu.memory_space<semaphore_mem>>
        %dma_start3A_174 = arith.constant 0 : i32
        %dma_start3A_175 = arith.constant 0 : i32
        %dma_start3A_176 = tpu.memref_slice %arg8[%run_scoped3A_172, %dma_start3A_174, %dma_start3A_175] : memref<2x128x128xf32, #tpu.memory_space<vmem>> -> memref<1x128x128xf32, #tpu.memory_space<vmem>>
        %dma_start3A_177 = tpu.memref_squeeze %dma_start3A_176 : memref<1x128x128xf32, #tpu.memory_space<vmem>> -> memref<128x128xf32, #tpu.memory_space<vmem>>
        %dma_start3A_178 = arith.constant 0 : i32
        %dma_start3A_179 = tpu.memref_slice %arg7[%add3A_149, %dma_start3A_178] : memref<16x128xi32, #tpu.memory_space<vmem>> -> memref<1x128xi32, #tpu.memory_space<vmem>>
        %dma_start3A_180 = tpu.memref_squeeze %dma_start3A_179 : memref<1x128xi32, #tpu.memory_space<vmem>> -> memref<128xi32, #tpu.memory_space<vmem>>
        %dma_start3A_181 = arith.constant 0 : i32
        %dma_start3A_182 = arith.constant 0 : i32
        %dma_start3A_183 = tpu.memref_slice %arg9[%dma_start3A_181, %dma_start3A_182] : memref<10240x128xf32, #tpu.memory_space<vmem_shared>> -> memref<10240x128xf32, #tpu.memory_space<vmem_shared>>
        tpu.enqueue_indirect_dma source(%dma_start3A_177 : memref<128x128xf32, #tpu.memory_space<vmem>>) target(%dma_start3A_183 : memref<10240x128xf32, #tpu.memory_space<vmem_shared>>) offsets(%dma_start3A_180 : memref<128xi32, #tpu.memory_space<vmem>>) semaphore(%run_scoped3A_173 : memref<!tpu.dma_semaphore, #tpu.memory_space<semaphore_mem>>) {add = true}
        %dma_wait3A_184 = arith.constant 0 : i32
        %dma_wait3A_185 = arith.constant 0 : i32
        %dma_wait3A_186 = tpu.memref_slice %arg8[%run_scoped3A_172, %dma_wait3A_184, %dma_wait3A_185] : memref<2x128x128xf32, #tpu.memory_space<vmem>> -> memref<1x128x128xf32, #tpu.memory_space<vmem>>
        %dma_wait3A_187 = tpu.memref_squeeze %dma_wait3A_186 : memref<1x128x128xf32, #tpu.memory_space<vmem>> -> memref<128x128xf32, #tpu.memory_space<vmem>>
        %dma_wait3A_188 = arith.constant 0 : i32
        %dma_wait3A_189 = tpu.memref_slice %arg7[%add3A_149, %dma_wait3A_188] : memref<16x128xi32, #tpu.memory_space<vmem>> -> memref<1x128xi32, #tpu.memory_space<vmem>>
        %dma_wait3A_190 = tpu.memref_squeeze %dma_wait3A_189 : memref<1x128xi32, #tpu.memory_space<vmem>> -> memref<128xi32, #tpu.memory_space<vmem>>
        %dma_wait3A_191 = arith.constant 0 : i32
        %dma_wait3A_192 = arith.constant 0 : i32
        %dma_wait3A_193 = tpu.memref_slice %arg9[%dma_wait3A_191, %dma_wait3A_192] : memref<10240x128xf32, #tpu.memory_space<vmem_shared>> -> memref<10240x128xf32, #tpu.memory_space<vmem_shared>>
        tpu.wait_indirect_dma semaphore(%run_scoped3A_173 : memref<!tpu.dma_semaphore, #tpu.memory_space<semaphore_mem>>) src(%dma_wait3A_187 : memref<128x128xf32, #tpu.memory_space<vmem>>) dst(%dma_wait3A_193 : memref<10240x128xf32, #tpu.memory_space<vmem_shared>>)
        tpu.yield
      }) : () -> ()
    }
    %scan3A_100 = arith.constant 8 : i32
    "tpu.region"() ({
      %run_scoped3A_124 = tpu.sem_alloc : memref<!tpu.dma_semaphore, #tpu.memory_space<semaphore_mem>>
      %dma_start3A_125 = arith.constant 64 : i32
      %dma_start3A_126 = arith.constant 0 : i32
      %dma_start3A_127 = tpu.memref_slice %arg3[%add3A, %dma_start3A_125, %dma_start3A_126] : memref<32x80x128xi32, #tpu.memory_space<hbm>> -> memref<1x16x128xi32, #tpu.memory_space<hbm>>
      %dma_start3A_128 = tpu.memref_squeeze %dma_start3A_127 : memref<1x16x128xi32, #tpu.memory_space<hbm>> -> memref<16x128xi32, #tpu.memory_space<hbm>>
      %dma_start3A_129 = arith.constant 64 : i32
      %dma_start3A_130 = arith.constant 0 : i32
      %dma_start3A_131 = tpu.memref_slice %arg3[%add3A, %dma_start3A_129, %dma_start3A_130] : memref<32x80x128xi32, #tpu.memory_space<hbm>> -> memref<1x16x128xi32, #tpu.memory_space<hbm>>
      %dma_start3A_132 = tpu.memref_squeeze %dma_start3A_131 : memref<1x16x128xi32, #tpu.memory_space<hbm>> -> memref<16x128xi32, #tpu.memory_space<hbm>>
      tpu.enqueue_dma source(%dma_start3A_132 : memref<16x128xi32, #tpu.memory_space<hbm>>) target(%arg6 : memref<16x128xi32, #tpu.memory_space<vmem>>) target_semaphore(%run_scoped3A_124 : memref<!tpu.dma_semaphore, #tpu.memory_space<semaphore_mem>>)
      %dma_wait3A = arith.constant 64 : i32
      %dma_wait3A_133 = arith.constant 0 : i32
      %dma_wait3A_134 = tpu.memref_slice %arg3[%add3A, %dma_wait3A, %dma_wait3A_133] : memref<32x80x128xi32, #tpu.memory_space<hbm>> -> memref<1x16x128xi32, #tpu.memory_space<hbm>>
      %dma_wait3A_135 = tpu.memref_squeeze %dma_wait3A_134 : memref<1x16x128xi32, #tpu.memory_space<hbm>> -> memref<16x128xi32, #tpu.memory_space<hbm>>
      %dma_wait3A_136 = arith.constant 64 : i32
      %dma_wait3A_137 = arith.constant 0 : i32
      %dma_wait3A_138 = tpu.memref_slice %arg3[%add3A, %dma_wait3A_136, %dma_wait3A_137] : memref<32x80x128xi32, #tpu.memory_space<hbm>> -> memref<1x16x128xi32, #tpu.memory_space<hbm>>
      %dma_wait3A_139 = tpu.memref_squeeze %dma_wait3A_138 : memref<1x16x128xi32, #tpu.memory_space<hbm>> -> memref<16x128xi32, #tpu.memory_space<hbm>>
      tpu.wait_dma2 semaphore(%run_scoped3A_124 : memref<!tpu.dma_semaphore, #tpu.memory_space<semaphore_mem>>) src(%dma_wait3A_139 : memref<16x128xi32, #tpu.memory_space<hbm>>) dst(%arg6 : memref<16x128xi32, #tpu.memory_space<vmem>>)
      tpu.yield
    }) : () -> ()
    "tpu.region"() ({
      %run_scoped3A_124 = tpu.sem_alloc : memref<!tpu.dma_semaphore, #tpu.memory_space<semaphore_mem>>
      %dma_start3A_125 = arith.constant 64 : i32
      %dma_start3A_126 = arith.constant 0 : i32
      %dma_start3A_127 = tpu.memref_slice %arg4[%add3A, %dma_start3A_125, %dma_start3A_126] : memref<32x80x128xi32, #tpu.memory_space<hbm>> -> memref<1x16x128xi32, #tpu.memory_space<hbm>>
      %dma_start3A_128 = tpu.memref_squeeze %dma_start3A_127 : memref<1x16x128xi32, #tpu.memory_space<hbm>> -> memref<16x128xi32, #tpu.memory_space<hbm>>
      %dma_start3A_129 = arith.constant 64 : i32
      %dma_start3A_130 = arith.constant 0 : i32
      %dma_start3A_131 = tpu.memref_slice %arg4[%add3A, %dma_start3A_129, %dma_start3A_130] : memref<32x80x128xi32, #tpu.memory_space<hbm>> -> memref<1x16x128xi32, #tpu.memory_space<hbm>>
      %dma_start3A_132 = tpu.memref_squeeze %dma_start3A_131 : memref<1x16x128xi32, #tpu.memory_space<hbm>> -> memref<16x128xi32, #tpu.memory_space<hbm>>
      tpu.enqueue_dma source(%dma_start3A_132 : memref<16x128xi32, #tpu.memory_space<hbm>>) target(%arg7 : memref<16x128xi32, #tpu.memory_space<vmem>>) target_semaphore(%run_scoped3A_124 : memref<!tpu.dma_semaphore, #tpu.memory_space<semaphore_mem>>)
      %dma_wait3A = arith.constant 64 : i32
      %dma_wait3A_133 = arith.constant 0 : i32
      %dma_wait3A_134 = tpu.memref_slice %arg4[%add3A, %dma_wait3A, %dma_wait3A_133] : memref<32x80x128xi32, #tpu.memory_space<hbm>> -> memref<1x16x128xi32, #tpu.memory_space<hbm>>
      %dma_wait3A_135 = tpu.memref_squeeze %dma_wait3A_134 : memref<1x16x128xi32, #tpu.memory_space<hbm>> -> memref<16x128xi32, #tpu.memory_space<hbm>>
      %dma_wait3A_136 = arith.constant 64 : i32
      %dma_wait3A_137 = arith.constant 0 : i32
      %dma_wait3A_138 = tpu.memref_slice %arg4[%add3A, %dma_wait3A_136, %dma_wait3A_137] : memref<32x80x128xi32, #tpu.memory_space<hbm>> -> memref<1x16x128xi32, #tpu.memory_space<hbm>>
      %dma_wait3A_139 = tpu.memref_squeeze %dma_wait3A_138 : memref<1x16x128xi32, #tpu.memory_space<hbm>> -> memref<16x128xi32, #tpu.memory_space<hbm>>
      tpu.wait_dma2 semaphore(%run_scoped3A_124 : memref<!tpu.dma_semaphore, #tpu.memory_space<semaphore_mem>>) src(%dma_wait3A_139 : memref<16x128xi32, #tpu.memory_space<hbm>>) dst(%arg7 : memref<16x128xi32, #tpu.memory_space<vmem>>)
      tpu.yield
    }) : () -> ()
    %dma_start3A_101 = arith.constant 0 : i32
    %dma_start3A_102 = arith.constant 0 : i32
    %dma_start3A_103 = arith.constant 0 : i32
    %dma_start3A_104 = arith.constant 0 : i32
    %dma_start3A_105 = tpu.memref_slice %arg8[%dma_start3A_102, %dma_start3A_103, %dma_start3A_104] : memref<2x128x128xf32, #tpu.memory_space<vmem>> -> memref<1x128x128xf32, #tpu.memory_space<vmem>>
    %dma_start3A_106 = tpu.memref_squeeze %dma_start3A_105 : memref<1x128x128xf32, #tpu.memory_space<vmem>> -> memref<128x128xf32, #tpu.memory_space<vmem>>
    %dma_start3A_107 = arith.constant 0 : i32
    %dma_start3A_108 = tpu.memref_slice %arg6[%dma_start3A_101, %dma_start3A_107] : memref<16x128xi32, #tpu.memory_space<vmem>> -> memref<1x128xi32, #tpu.memory_space<vmem>>
    %dma_start3A_109 = tpu.memref_squeeze %dma_start3A_108 : memref<1x128xi32, #tpu.memory_space<vmem>> -> memref<128xi32, #tpu.memory_space<vmem>>
    %dma_start3A_110 = arith.constant 0 : i32
    %dma_start3A_111 = arith.constant 0 : i32
    %dma_start3A_112 = tpu.memref_slice %arg2[%dma_start3A_110, %dma_start3A_111] : memref<10000x128xf32, #tpu.memory_space<hbm>> -> memref<10000x128xf32, #tpu.memory_space<hbm>>
    tpu.enqueue_indirect_dma source(%dma_start3A_112 : memref<10000x128xf32, #tpu.memory_space<hbm>>) target(%dma_start3A_106 : memref<128x128xf32, #tpu.memory_space<vmem>>) offsets(%dma_start3A_109 : memref<128xi32, #tpu.memory_space<vmem>>) semaphore(%arg10 : memref<!tpu.dma_semaphore, #tpu.memory_space<semaphore_mem>>)
    %scan3A_113 = arith.constant 0 : i32
    %scan3A_114 = arith.constant 0 : i32
    %scan3A_115 = arith.constant 8 : i32
    %scan3A_116 = arith.addi %scan3A_114, %scan3A_115 : i32
    %scan3A_117 = arith.constant 1 : i32
    scf.for %scan3A_124 = %scan3A_114 to %scan3A_116 step %scan3A_117  : i32 {
      %mul3A_125 = arith.constant 2 : i32
      %mul3A_126 = arith.muli %scan3A_124, %mul3A_125 : i32
      %add3A_127 = arith.constant 0 : i32
      %add3A_128 = arith.addi %mul3A_126, %add3A_127 : i32
      %add3A_129 = arith.constant 1 : i32
      %add3A_130 = arith.addi %add3A_128, %add3A_129 : i32
      %lt3A = arith.constant 16 : i32
      %lt3A_131 = arith.cmpi slt, %add3A_130, %lt3A : i32
      %convert_element_type3A = arith.extui %lt3A_131 : i1 to i32
      %cond3A = arith.constant 0 : i32
      %cond3A_132 = arith.cmpi ne, %convert_element_type3A, %cond3A : i32
      scf.if %cond3A_132 {
        %add3A_173 = arith.constant 1 : i32
        %add3A_174 = arith.addi %add3A_128, %add3A_173 : i32
        %dma_start3A_175 = arith.constant 1 : i32
        %dma_start3A_176 = arith.constant 0 : i32
        %dma_start3A_177 = arith.constant 0 : i32
        %dma_start3A_178 = tpu.memref_slice %arg8[%dma_start3A_175, %dma_start3A_176, %dma_start3A_177] : memref<2x128x128xf32, #tpu.memory_space<vmem>> -> memref<1x128x128xf32, #tpu.memory_space<vmem>>
        %dma_start3A_179 = tpu.memref_squeeze %dma_start3A_178 : memref<1x128x128xf32, #tpu.memory_space<vmem>> -> memref<128x128xf32, #tpu.memory_space<vmem>>
        %dma_start3A_180 = arith.constant 0 : i32
        %dma_start3A_181 = tpu.memref_slice %arg6[%add3A_174, %dma_start3A_180] : memref<16x128xi32, #tpu.memory_space<vmem>> -> memref<1x128xi32, #tpu.memory_space<vmem>>
        %dma_start3A_182 = tpu.memref_squeeze %dma_start3A_181 : memref<1x128xi32, #tpu.memory_space<vmem>> -> memref<128xi32, #tpu.memory_space<vmem>>
        %dma_start3A_183 = arith.constant 0 : i32
        %dma_start3A_184 = arith.constant 0 : i32
        %dma_start3A_185 = tpu.memref_slice %arg2[%dma_start3A_183, %dma_start3A_184] : memref<10000x128xf32, #tpu.memory_space<hbm>> -> memref<10000x128xf32, #tpu.memory_space<hbm>>
        tpu.enqueue_indirect_dma source(%dma_start3A_185 : memref<10000x128xf32, #tpu.memory_space<hbm>>) target(%dma_start3A_179 : memref<128x128xf32, #tpu.memory_space<vmem>>) offsets(%dma_start3A_182 : memref<128xi32, #tpu.memory_space<vmem>>) semaphore(%arg10 : memref<!tpu.dma_semaphore, #tpu.memory_space<semaphore_mem>>)
      } else {
      }
      %dma_wait3A = arith.constant 0 : i32
      %dma_wait3A_133 = arith.constant 0 : i32
      %dma_wait3A_134 = arith.constant 0 : i32
      %dma_wait3A_135 = tpu.memref_slice %arg8[%dma_wait3A, %dma_wait3A_133, %dma_wait3A_134] : memref<2x128x128xf32, #tpu.memory_space<vmem>> -> memref<1x128x128xf32, #tpu.memory_space<vmem>>
      %dma_wait3A_136 = tpu.memref_squeeze %dma_wait3A_135 : memref<1x128x128xf32, #tpu.memory_space<vmem>> -> memref<128x128xf32, #tpu.memory_space<vmem>>
      %dma_wait3A_137 = arith.constant 0 : i32
      %dma_wait3A_138 = arith.constant 0 : i32
      %dma_wait3A_139 = tpu.memref_slice %arg2[%dma_wait3A_137, %dma_wait3A_138] : memref<10000x128xf32, #tpu.memory_space<hbm>> -> memref<128x128xf32, #tpu.memory_space<hbm>>
      %dma_wait3A_140 = arith.constant 0 : i32
      %dma_wait3A_141 = arith.constant 0 : i32
      %dma_wait3A_142 = tpu.memref_slice %arg8[%dma_wait3A, %dma_wait3A_140, %dma_wait3A_141] : memref<2x128x128xf32, #tpu.memory_space<vmem>> -> memref<1x128x128xf32, #tpu.memory_space<vmem>>
      %dma_wait3A_143 = tpu.memref_squeeze %dma_wait3A_142 : memref<1x128x128xf32, #tpu.memory_space<vmem>> -> memref<128x128xf32, #tpu.memory_space<vmem>>
      %dma_wait3A_144 = arith.constant 0 : i32
      %dma_wait3A_145 = arith.constant 0 : i32
      %dma_wait3A_146 = tpu.memref_slice %arg2[%dma_wait3A_144, %dma_wait3A_145] : memref<10000x128xf32, #tpu.memory_space<hbm>> -> memref<128x128xf32, #tpu.memory_space<hbm>>
      tpu.wait_dma2 semaphore(%arg10 : memref<!tpu.dma_semaphore, #tpu.memory_space<semaphore_mem>>) src(%dma_wait3A_146 : memref<128x128xf32, #tpu.memory_space<hbm>>) dst(%dma_wait3A_143 : memref<128x128xf32, #tpu.memory_space<vmem>>)
      %run_scoped3A_147 = arith.constant 0 : i32
      "tpu.region"() ({
        %run_scoped3A_173 = tpu.sem_alloc : memref<!tpu.dma_semaphore, #tpu.memory_space<semaphore_mem>>
        %dma_start3A_174 = arith.constant 0 : i32
        %dma_start3A_175 = arith.constant 0 : i32
        %dma_start3A_176 = tpu.memref_slice %arg8[%run_scoped3A_147, %dma_start3A_174, %dma_start3A_175] : memref<2x128x128xf32, #tpu.memory_space<vmem>> -> memref<1x128x128xf32, #tpu.memory_space<vmem>>
        %dma_start3A_177 = tpu.memref_squeeze %dma_start3A_176 : memref<1x128x128xf32, #tpu.memory_space<vmem>> -> memref<128x128xf32, #tpu.memory_space<vmem>>
        %dma_start3A_178 = arith.constant 0 : i32
        %dma_start3A_179 = tpu.memref_slice %arg7[%add3A_128, %dma_start3A_178] : memref<16x128xi32, #tpu.memory_space<vmem>> -> memref<1x128xi32, #tpu.memory_space<vmem>>
        %dma_start3A_180 = tpu.memref_squeeze %dma_start3A_179 : memref<1x128xi32, #tpu.memory_space<vmem>> -> memref<128xi32, #tpu.memory_space<vmem>>
        %dma_start3A_181 = arith.constant 0 : i32
        %dma_start3A_182 = arith.constant 0 : i32
        %dma_start3A_183 = tpu.memref_slice %arg9[%dma_start3A_181, %dma_start3A_182] : memref<10240x128xf32, #tpu.memory_space<vmem_shared>> -> memref<10240x128xf32, #tpu.memory_space<vmem_shared>>
        tpu.enqueue_indirect_dma source(%dma_start3A_177 : memref<128x128xf32, #tpu.memory_space<vmem>>) target(%dma_start3A_183 : memref<10240x128xf32, #tpu.memory_space<vmem_shared>>) offsets(%dma_start3A_180 : memref<128xi32, #tpu.memory_space<vmem>>) semaphore(%run_scoped3A_173 : memref<!tpu.dma_semaphore, #tpu.memory_space<semaphore_mem>>) {add = true}
        %dma_wait3A_184 = arith.constant 0 : i32
        %dma_wait3A_185 = arith.constant 0 : i32
        %dma_wait3A_186 = tpu.memref_slice %arg8[%run_scoped3A_147, %dma_wait3A_184, %dma_wait3A_185] : memref<2x128x128xf32, #tpu.memory_space<vmem>> -> memref<1x128x128xf32, #tpu.memory_space<vmem>>
        %dma_wait3A_187 = tpu.memref_squeeze %dma_wait3A_186 : memref<1x128x128xf32, #tpu.memory_space<vmem>> -> memref<128x128xf32, #tpu.memory_space<vmem>>
        %dma_wait3A_188 = arith.constant 0 : i32
        %dma_wait3A_189 = tpu.memref_slice %arg7[%add3A_128, %dma_wait3A_188] : memref<16x128xi32, #tpu.memory_space<vmem>> -> memref<1x128xi32, #tpu.memory_space<vmem>>
        %dma_wait3A_190 = tpu.memref_squeeze %dma_wait3A_189 : memref<1x128xi32, #tpu.memory_space<vmem>> -> memref<128xi32, #tpu.memory_space<vmem>>
        %dma_wait3A_191 = arith.constant 0 : i32
        %dma_wait3A_192 = arith.constant 0 : i32
        %dma_wait3A_193 = tpu.memref_slice %arg9[%dma_wait3A_191, %dma_wait3A_192] : memref<10240x128xf32, #tpu.memory_space<vmem_shared>> -> memref<10240x128xf32, #tpu.memory_space<vmem_shared>>
        tpu.wait_indirect_dma semaphore(%run_scoped3A_173 : memref<!tpu.dma_semaphore, #tpu.memory_space<semaphore_mem>>) src(%dma_wait3A_187 : memref<128x128xf32, #tpu.memory_space<vmem>>) dst(%dma_wait3A_193 : memref<10240x128xf32, #tpu.memory_space<vmem_shared>>)
        tpu.yield
      }) : () -> ()
      %add3A_148 = arith.constant 1 : i32
      %add3A_149 = arith.addi %mul3A_126, %add3A_148 : i32
      %add3A_150 = arith.constant 1 : i32
      %add3A_151 = arith.addi %add3A_149, %add3A_150 : i32
      %lt3A_152 = arith.constant 16 : i32
      %lt3A_153 = arith.cmpi slt, %add3A_151, %lt3A_152 : i32
      %convert_element_type3A_154 = arith.extui %lt3A_153 : i1 to i32
      %cond3A_155 = arith.constant 0 : i32
      %cond3A_156 = arith.cmpi ne, %convert_element_type3A_154, %cond3A_155 : i32
      scf.if %cond3A_156 {
        %add3A_173 = arith.constant 1 : i32
        %add3A_174 = arith.addi %add3A_149, %add3A_173 : i32
        %dma_start3A_175 = arith.constant 0 : i32
        %dma_start3A_176 = arith.constant 0 : i32
        %dma_start3A_177 = arith.constant 0 : i32
        %dma_start3A_178 = tpu.memref_slice %arg8[%dma_start3A_175, %dma_start3A_176, %dma_start3A_177] : memref<2x128x128xf32, #tpu.memory_space<vmem>> -> memref<1x128x128xf32, #tpu.memory_space<vmem>>
        %dma_start3A_179 = tpu.memref_squeeze %dma_start3A_178 : memref<1x128x128xf32, #tpu.memory_space<vmem>> -> memref<128x128xf32, #tpu.memory_space<vmem>>
        %dma_start3A_180 = arith.constant 0 : i32
        %dma_start3A_181 = tpu.memref_slice %arg6[%add3A_174, %dma_start3A_180] : memref<16x128xi32, #tpu.memory_space<vmem>> -> memref<1x128xi32, #tpu.memory_space<vmem>>
        %dma_start3A_182 = tpu.memref_squeeze %dma_start3A_181 : memref<1x128xi32, #tpu.memory_space<vmem>> -> memref<128xi32, #tpu.memory_space<vmem>>
        %dma_start3A_183 = arith.constant 0 : i32
        %dma_start3A_184 = arith.constant 0 : i32
        %dma_start3A_185 = tpu.memref_slice %arg2[%dma_start3A_183, %dma_start3A_184] : memref<10000x128xf32, #tpu.memory_space<hbm>> -> memref<10000x128xf32, #tpu.memory_space<hbm>>
        tpu.enqueue_indirect_dma source(%dma_start3A_185 : memref<10000x128xf32, #tpu.memory_space<hbm>>) target(%dma_start3A_179 : memref<128x128xf32, #tpu.memory_space<vmem>>) offsets(%dma_start3A_182 : memref<128xi32, #tpu.memory_space<vmem>>) semaphore(%arg10 : memref<!tpu.dma_semaphore, #tpu.memory_space<semaphore_mem>>)
      } else {
      }
      %dma_wait3A_157 = arith.constant 0 : i32
      %dma_wait3A_158 = arith.constant 0 : i32
      %dma_wait3A_159 = arith.constant 0 : i32
      %dma_wait3A_160 = tpu.memref_slice %arg8[%dma_wait3A_157, %dma_wait3A_158, %dma_wait3A_159] : memref<2x128x128xf32, #tpu.memory_space<vmem>> -> memref<1x128x128xf32, #tpu.memory_space<vmem>>
      %dma_wait3A_161 = tpu.memref_squeeze %dma_wait3A_160 : memref<1x128x128xf32, #tpu.memory_space<vmem>> -> memref<128x128xf32, #tpu.memory_space<vmem>>
      %dma_wait3A_162 = arith.constant 0 : i32
      %dma_wait3A_163 = arith.constant 0 : i32
      %dma_wait3A_164 = tpu.memref_slice %arg2[%dma_wait3A_162, %dma_wait3A_163] : memref<10000x128xf32, #tpu.memory_space<hbm>> -> memref<128x128xf32, #tpu.memory_space<hbm>>
      %dma_wait3A_165 = arith.constant 0 : i32
      %dma_wait3A_166 = arith.constant 0 : i32
      %dma_wait3A_167 = tpu.memref_slice %arg8[%dma_wait3A_157, %dma_wait3A_165, %dma_wait3A_166] : memref<2x128x128xf32, #tpu.memory_space<vmem>> -> memref<1x128x128xf32, #tpu.memory_space<vmem>>
      %dma_wait3A_168 = tpu.memref_squeeze %dma_wait3A_167 : memref<1x128x128xf32, #tpu.memory_space<vmem>> -> memref<128x128xf32, #tpu.memory_space<vmem>>
      %dma_wait3A_169 = arith.constant 0 : i32
      %dma_wait3A_170 = arith.constant 0 : i32
      %dma_wait3A_171 = tpu.memref_slice %arg2[%dma_wait3A_169, %dma_wait3A_170] : memref<10000x128xf32, #tpu.memory_space<hbm>> -> memref<128x128xf32, #tpu.memory_space<hbm>>
      tpu.wait_dma2 semaphore(%arg10 : memref<!tpu.dma_semaphore, #tpu.memory_space<semaphore_mem>>) src(%dma_wait3A_171 : memref<128x128xf32, #tpu.memory_space<hbm>>) dst(%dma_wait3A_168 : memref<128x128xf32, #tpu.memory_space<vmem>>)
      %run_scoped3A_172 = arith.constant 1 : i32
      "tpu.region"() ({
        %run_scoped3A_173 = tpu.sem_alloc : memref<!tpu.dma_semaphore, #tpu.memory_space<semaphore_mem>>
        %dma_start3A_174 = arith.constant 0 : i32
        %dma_start3A_175 = arith.constant 0 : i32
        %dma_start3A_176 = tpu.memref_slice %arg8[%run_scoped3A_172, %dma_start3A_174, %dma_start3A_175] : memref<2x128x128xf32, #tpu.memory_space<vmem>> -> memref<1x128x128xf32, #tpu.memory_space<vmem>>
        %dma_start3A_177 = tpu.memref_squeeze %dma_start3A_176 : memref<1x128x128xf32, #tpu.memory_space<vmem>> -> memref<128x128xf32, #tpu.memory_space<vmem>>
        %dma_start3A_178 = arith.constant 0 : i32
        %dma_start3A_179 = tpu.memref_slice %arg7[%add3A_149, %dma_start3A_178] : memref<16x128xi32, #tpu.memory_space<vmem>> -> memref<1x128xi32, #tpu.memory_space<vmem>>
        %dma_start3A_180 = tpu.memref_squeeze %dma_start3A_179 : memref<1x128xi32, #tpu.memory_space<vmem>> -> memref<128xi32, #tpu.memory_space<vmem>>
        %dma_start3A_181 = arith.constant 0 : i32
        %dma_start3A_182 = arith.constant 0 : i32
        %dma_start3A_183 = tpu.memref_slice %arg9[%dma_start3A_181, %dma_start3A_182] : memref<10240x128xf32, #tpu.memory_space<vmem_shared>> -> memref<10240x128xf32, #tpu.memory_space<vmem_shared>>
        tpu.enqueue_indirect_dma source(%dma_start3A_177 : memref<128x128xf32, #tpu.memory_space<vmem>>) target(%dma_start3A_183 : memref<10240x128xf32, #tpu.memory_space<vmem_shared>>) offsets(%dma_start3A_180 : memref<128xi32, #tpu.memory_space<vmem>>) semaphore(%run_scoped3A_173 : memref<!tpu.dma_semaphore, #tpu.memory_space<semaphore_mem>>) {add = true}
        %dma_wait3A_184 = arith.constant 0 : i32
        %dma_wait3A_185 = arith.constant 0 : i32
        %dma_wait3A_186 = tpu.memref_slice %arg8[%run_scoped3A_172, %dma_wait3A_184, %dma_wait3A_185] : memref<2x128x128xf32, #tpu.memory_space<vmem>> -> memref<1x128x128xf32, #tpu.memory_space<vmem>>
        %dma_wait3A_187 = tpu.memref_squeeze %dma_wait3A_186 : memref<1x128x128xf32, #tpu.memory_space<vmem>> -> memref<128x128xf32, #tpu.memory_space<vmem>>
        %dma_wait3A_188 = arith.constant 0 : i32
        %dma_wait3A_189 = tpu.memref_slice %arg7[%add3A_149, %dma_wait3A_188] : memref<16x128xi32, #tpu.memory_space<vmem>> -> memref<1x128xi32, #tpu.memory_space<vmem>>
        %dma_wait3A_190 = tpu.memref_squeeze %dma_wait3A_189 : memref<1x128xi32, #tpu.memory_space<vmem>> -> memref<128xi32, #tpu.memory_space<vmem>>
        %dma_wait3A_191 = arith.constant 0 : i32
        %dma_wait3A_192 = arith.constant 0 : i32
        %dma_wait3A_193 = tpu.memref_slice %arg9[%dma_wait3A_191, %dma_wait3A_192] : memref<10240x128xf32, #tpu.memory_space<vmem_shared>> -> memref<10240x128xf32, #tpu.memory_space<vmem_shared>>
        tpu.wait_indirect_dma semaphore(%run_scoped3A_173 : memref<!tpu.dma_semaphore, #tpu.memory_space<semaphore_mem>>) src(%dma_wait3A_187 : memref<128x128xf32, #tpu.memory_space<vmem>>) dst(%dma_wait3A_193 : memref<10240x128xf32, #tpu.memory_space<vmem_shared>>)
        tpu.yield
      }) : () -> ()
    }
    %scan3A_118 = arith.constant 8 : i32
    %barrier3A_119 = arith.constant 0 : index
    tpu.barrier barrier_id(%barrier3A_119)
    %mul3A_120 = arith.constant 640 : i32
    %mul3A_121 = arith.muli %arg1, %mul3A_120 : i32
    %mul3A_122 = arith.constant 640 : i32
    %mul3A_123 = arith.muli %arg1, %mul3A_122 : i32
    "tpu.region"() ({
      %run_scoped3A_124 = tpu.sem_alloc : memref<!tpu.dma_semaphore, #tpu.memory_space<semaphore_mem>>
      %dma_start3A_125 = arith.constant 0 : i32
      %dma_start3A_126 = tpu.memref_slice %arg5[%arg0, %mul3A_123, %dma_start3A_125] : memref<2x10240x128xf32, #tpu.memory_space<hbm>> -> memref<1x640x128xf32, #tpu.memory_space<hbm>>
      %dma_start3A_127 = tpu.memref_squeeze %dma_start3A_126 : memref<1x640x128xf32, #tpu.memory_space<hbm>> -> memref<640x128xf32, #tpu.memory_space<hbm>>
      %dma_start3A_128 = arith.constant 0 : i32
      %dma_start3A_129 = tpu.memref_slice %arg9[%mul3A_121, %dma_start3A_128] : memref<10240x128xf32, #tpu.memory_space<vmem_shared>> -> memref<640x128xf32, #tpu.memory_space<vmem_shared>>
      tpu.enqueue_dma source(%dma_start3A_129 : memref<640x128xf32, #tpu.memory_space<vmem_shared>>) target(%dma_start3A_127 : memref<640x128xf32, #tpu.memory_space<hbm>>) target_semaphore(%run_scoped3A_124 : memref<!tpu.dma_semaphore, #tpu.memory_space<semaphore_mem>>)
      %dma_wait3A = arith.constant 0 : i32
      %dma_wait3A_130 = tpu.memref_slice %arg5[%arg0, %mul3A_123, %dma_wait3A] : memref<2x10240x128xf32, #tpu.memory_space<hbm>> -> memref<1x640x128xf32, #tpu.memory_space<hbm>>
      %dma_wait3A_131 = tpu.memref_squeeze %dma_wait3A_130 : memref<1x640x128xf32, #tpu.memory_space<hbm>> -> memref<640x128xf32, #tpu.memory_space<hbm>>
      %dma_wait3A_132 = arith.constant 0 : i32
      %dma_wait3A_133 = tpu.memref_slice %arg9[%mul3A_121, %dma_wait3A_132] : memref<10240x128xf32, #tpu.memory_space<vmem_shared>> -> memref<640x128xf32, #tpu.memory_space<vmem_shared>>
      tpu.wait_dma2 semaphore(%run_scoped3A_124 : memref<!tpu.dma_semaphore, #tpu.memory_space<semaphore_mem>>) src(%dma_wait3A_133 : memref<640x128xf32, #tpu.memory_space<vmem_shared>>) dst(%dma_wait3A_131 : memref<640x128xf32, #tpu.memory_space<hbm>>)
      tpu.yield
    }) : () -> ()
    return
  }
}

#map = affine_map<(d0, d1) -> (0, 0)>
#map1 = affine_map<(d0, d1) -> (0, 0, 0)>
module attributes {stable_mosaic.version = 14 : i64} {
  func.func @_seg_sum_body(%arg0: i32, %arg1: i32, %arg2: memref<10000x128xf32, #tpu.memory_space<hbm>>, %arg3: memref<32x80x128xi32, #tpu.memory_space<hbm>>, %arg4: memref<32x80x128xi32, #tpu.memory_space<hbm>>, %arg5: memref<2x10240x128xf32, #tpu.memory_space<hbm>>, %arg6: memref<16x128xi32, #tpu.memory_space<vmem>>, %arg7: memref<16x128xi32, #tpu.memory_space<vmem>>, %arg8: memref<2x128x128xf32, #tpu.memory_space<vmem>>, %arg9: memref<10240x128xf32, #tpu.memory_space<vmem_shared>>, %arg10: memref<!tpu.dma_semaphore, #tpu.memory_space<semaphore_mem>>, %arg11: memref<!tpu.dma_semaphore, #tpu.memory_space<semaphore_mem>>) attributes {dimension_semantics = [#tpu.dimension_semantics<core_parallel>, #tpu.dimension_semantics<subcore_parallel>], iteration_bounds = array<i64: 2, 16>, scalar_prefetch = 0 : i64, scratch_operands = 6 : i64, tpu.core_type = #tpu.core_type<sc_vector_subcore>, window_params = [{transform_indices = #map}, {transform_indices = #map1}, {transform_indices = #map1}, {transform_indices = #map1}]} {
    %mul3A = arith.constant 16 : i32
    %mul3A_0 = arith.muli %arg0, %mul3A : i32
    %add3A = arith.addi %mul3A_0, %arg1 : i32
    %scan3A = arith.constant 0 : i32
    %scan3A_1 = arith.constant 0 : i32
    %scan3A_2 = arith.constant 128 : i32
    %scan3A_3 = arith.addi %scan3A_1, %scan3A_2 : i32
    %scan3A_4 = arith.constant 1 : i32
    scf.for %scan3A_124 = %scan3A_1 to %scan3A_3 step %scan3A_4  : i32 {
      %broadcast_in_dim3A = arith.constant 0.000000e+00 : f32
      %broadcast_in_dim3A_125 = vector.broadcast %broadcast_in_dim3A : f32 to vector<16xf32>
      %swap3A = arith.constant 0 : i32
      %swap3A_126 = arith.index_cast %swap3A : i32 to index
      %swap3A_127 = arith.index_cast %scan3A_124 : i32 to index
      %swap3A_128 = arith.constant 0 : index
      %swap3A_129 = tpu.vector_load %arg8[%swap3A_126, %swap3A_127, %swap3A_128] {strides = array<i32>} : memref<2x128x128xf32, #tpu.memory_space<vmem>>, vector<1x1x16xf32>,
      %swap3A_130 = vector.shape_cast %swap3A_129 : vector<1x1x16xf32> to vector<16xf32>
      %swap3A_131 = vector.shape_cast %broadcast_in_dim3A_125 : vector<16xf32> to vector<1x1x16xf32>
      tpu.vector_store %arg8[%swap3A_126, %swap3A_127, %swap3A_128], %swap3A_131 {strides = array<i32>} : memref<2x128x128xf32, #tpu.memory_space<vmem>>, vector<1x1x16xf32>,
      %broadcast_in_dim3A_132 = arith.constant 0.000000e+00 : f32
      %broadcast_in_dim3A_133 = vector.broadcast %broadcast_in_dim3A_132 : f32 to vector<16xf32>
      %swap3A_134 = arith.constant 0 : i32
      %swap3A_135 = arith.index_cast %swap3A_134 : i32 to index
      %swap3A_136 = arith.index_cast %scan3A_124 : i32 to index
      %swap3A_137 = arith.constant 16 : index
      %swap3A_138 = tpu.vector_load %arg8[%swap3A_135, %swap3A_136, %swap3A_137] {strides = array<i32>} : memref<2x128x128xf32, #tpu.memory_space<vmem>>, vector<1x1x16xf32>,
      %swap3A_139 = vector.shape_cast %swap3A_138 : vector<1x1x16xf32> to vector<16xf32>
      %swap3A_140 = vector.shape_cast %broadcast_in_dim3A_133 : vector<16xf32> to vector<1x1x16xf32>
      tpu.vector_store %arg8[%swap3A_135, %swap3A_136, %swap3A_137], %swap3A_140 {strides = array<i32>} : memref<2x128x128xf32, #tpu.memory_space<vmem>>, vector<1x1x16xf32>,
      %broadcast_in_dim3A_141 = arith.constant 0.000000e+00 : f32
      %broadcast_in_dim3A_142 = vector.broadcast %broadcast_in_dim3A_141 : f32 to vector<16xf32>
      %swap3A_143 = arith.constant 0 : i32
      %swap3A_144 = arith.index_cast %swap3A_143 : i32 to index
      %swap3A_145 = arith.index_cast %scan3A_124 : i32 to index
      %swap3A_146 = arith.constant 32 : index
      %swap3A_147 = tpu.vector_load %arg8[%swap3A_144, %swap3A_145, %swap3A_146] {strides = array<i32>} : memref<2x128x128xf32, #tpu.memory_space<vmem>>, vector<1x1x16xf32>,
      %swap3A_148 = vector.shape_cast %swap3A_147 : vector<1x1x16xf32> to vector<16xf32>
      %swap3A_149 = vector.shape_cast %broadcast_in_dim3A_142 : vector<16xf32> to vector<1x1x16xf32>
      tpu.vector_store %arg8[%swap3A_144, %swap3A_145, %swap3A_146], %swap3A_149 {strides = array<i32>} : memref<2x128x128xf32, #tpu.memory_space<vmem>>, vector<1x1x16xf32>,
      %broadcast_in_dim3A_150 = arith.constant 0.000000e+00 : f32
      %broadcast_in_dim3A_151 = vector.broadcast %broadcast_in_dim3A_150 : f32 to vector<16xf32>
      %swap3A_152 = arith.constant 0 : i32
      %swap3A_153 = arith.index_cast %swap3A_152 : i32 to index
      %swap3A_154 = arith.index_cast %scan3A_124 : i32 to index
      %swap3A_155 = arith.constant 48 : index
      %swap3A_156 = tpu.vector_load %arg8[%swap3A_153, %swap3A_154, %swap3A_155] {strides = array<i32>} : memref<2x128x128xf32, #tpu.memory_space<vmem>>, vector<1x1x16xf32>,
      %swap3A_157 = vector.shape_cast %swap3A_156 : vector<1x1x16xf32> to vector<16xf32>
      %swap3A_158 = vector.shape_cast %broadcast_in_dim3A_151 : vector<16xf32> to vector<1x1x16xf32>
      tpu.vector_store %arg8[%swap3A_153, %swap3A_154, %swap3A_155], %swap3A_158 {strides = array<i32>} : memref<2x128x128xf32, #tpu.memory_space<vmem>>, vector<1x1x16xf32>,
      %broadcast_in_dim3A_159 = arith.constant 0.000000e+00 : f32
      %broadcast_in_dim3A_160 = vector.broadcast %broadcast_in_dim3A_159 : f32 to vector<16xf32>
      %swap3A_161 = arith.constant 0 : i32
      %swap3A_162 = arith.index_cast %swap3A_161 : i32 to index
      %swap3A_163 = arith.index_cast %scan3A_124 : i32 to index
      %swap3A_164 = arith.constant 64 : index
      %swap3A_165 = tpu.vector_load %arg8[%swap3A_162, %swap3A_163, %swap3A_164] {strides = array<i32>} : memref<2x128x128xf32, #tpu.memory_space<vmem>>, vector<1x1x16xf32>,
      %swap3A_166 = vector.shape_cast %swap3A_165 : vector<1x1x16xf32> to vector<16xf32>
      %swap3A_167 = vector.shape_cast %broadcast_in_dim3A_160 : vector<16xf32> to vector<1x1x16xf32>
      tpu.vector_store %arg8[%swap3A_162, %swap3A_163, %swap3A_164], %swap3A_167 {strides = array<i32>} : memref<2x128x128xf32, #tpu.memory_space<vmem>>, vector<1x1x16xf32>,
      %broadcast_in_dim3A_168 = arith.constant 0.000000e+00 : f32
      %broadcast_in_dim3A_169 = vector.broadcast %broadcast_in_dim3A_168 : f32 to vector<16xf32>
      %swap3A_170 = arith.constant 0 : i32
      %swap3A_171 = arith.index_cast %swap3A_170 : i32 to index
      %swap3A_172 = arith.index_cast %scan3A_124 : i32 to index
      %swap3A_173 = arith.constant 80 : index
      %swap3A_174 = tpu.vector_load %arg8[%swap3A_171, %swap3A_172, %swap3A_173] {strides = array<i32>} : memref<2x128x128xf32, #tpu.memory_space<vmem>>, vector<1x1x16xf32>,
      %swap3A_175 = vector.shape_cast %swap3A_174 : vector<1x1x16xf32> to vector<16xf32>
      %swap3A_176 = vector.shape_cast %broadcast_in_dim3A_169 : vector<16xf32> to vector<1x1x16xf32>
      tpu.vector_store %arg8[%swap3A_171, %swap3A_172, %swap3A_173], %swap3A_176 {strides = array<i32>} : memref<2x128x128xf32, #tpu.memory_space<vmem>>, vector<1x1x16xf32>,
      %broadcast_in_dim3A_177 = arith.constant 0.000000e+00 : f32
      %broadcast_in_dim3A_178 = vector.broadcast %broadcast_in_dim3A_177 : f32 to vector<16xf32>
      %swap3A_179 = arith.constant 0 : i32
      %swap3A_180 = arith.index_cast %swap3A_179 : i32 to index
      %swap3A_181 = arith.index_cast %scan3A_124 : i32 to index
      %swap3A_182 = arith.constant 96 : index
      %swap3A_183 = tpu.vector_load %arg8[%swap3A_180, %swap3A_181, %swap3A_182] {strides = array<i32>} : memref<2x128x128xf32, #tpu.memory_space<vmem>>, vector<1x1x16xf32>,
      %swap3A_184 = vector.shape_cast %swap3A_183 : vector<1x1x16xf32> to vector<16xf32>
      %swap3A_185 = vector.shape_cast %broadcast_in_dim3A_178 : vector<16xf32> to vector<1x1x16xf32>
      tpu.vector_store %arg8[%swap3A_180, %swap3A_181, %swap3A_182], %swap3A_185 {strides = array<i32>} : memref<2x128x128xf32, #tpu.memory_space<vmem>>, vector<1x1x16xf32>,
      %broadcast_in_dim3A_186 = arith.constant 0.000000e+00 : f32
      %broadcast_in_dim3A_187 = vector.broadcast %broadcast_in_dim3A_186 : f32 to vector<16xf32>
      %swap3A_188 = arith.constant 0 : i32
      %swap3A_189 = arith.index_cast %swap3A_188 : i32 to index
      %swap3A_190 = arith.index_cast %scan3A_124 : i32 to index
      %swap3A_191 = arith.constant 112 : index
      %swap3A_192 = tpu.vector_load %arg8[%swap3A_189, %swap3A_190, %swap3A_191] {strides = array<i32>} : memref<2x128x128xf32, #tpu.memory_space<vmem>>, vector<1x1x16xf32>,
      %swap3A_193 = vector.shape_cast %swap3A_192 : vector<1x1x16xf32> to vector<16xf32>
      %swap3A_194 = vector.shape_cast %broadcast_in_dim3A_187 : vector<16xf32> to vector<1x1x16xf32>
      tpu.vector_store %arg8[%swap3A_189, %swap3A_190, %swap3A_191], %swap3A_194 {strides = array<i32>} : memref<2x128x128xf32, #tpu.memory_space<vmem>>, vector<1x1x16xf32>,
    }
    %scan3A_5 = arith.constant 128 : i32
    %mul3A_6 = arith.constant 640 : i32
    %mul3A_7 = arith.muli %arg1, %mul3A_6 : i32
    %add3A_8 = arith.constant 0 : i32
    %add3A_9 = arith.addi %mul3A_7, %add3A_8 : i32
    %run_scoped3A = arith.constant 0 : i32
    "tpu.region"() ({
      %run_scoped3A_124 = tpu.sem_alloc : memref<!tpu.dma_semaphore, #tpu.memory_space<semaphore_mem>>
      %dma_start3A_125 = arith.constant 0 : i32
      %dma_start3A_126 = arith.constant 0 : i32
      %dma_start3A_127 = tpu.memref_slice %arg8[%run_scoped3A, %dma_start3A_125, %dma_start3A_126] : memref<2x128x128xf32, #tpu.memory_space<vmem>> -> memref<1x128x128xf32, #tpu.memory_space<vmem>>
      %dma_start3A_128 = tpu.memref_squeeze %dma_start3A_127 : memref<1x128x128xf32, #tpu.memory_space<vmem>> -> memref<128x128xf32, #tpu.memory_space<vmem>>
      %dma_start3A_129 = arith.constant 0 : i32
      %dma_start3A_130 = tpu.memref_slice %arg9[%add3A_9, %dma_start3A_129] : memref<10240x128xf32, #tpu.memory_space<vmem_shared>> -> memref<128x128xf32, #tpu.memory_space<vmem_shared>>
      %dma_start3A_131 = arith.constant 0 : i32
      %dma_start3A_132 = tpu.memref_slice %arg9[%add3A_9, %dma_start3A_131] : memref<10240x128xf32, #tpu.memory_space<vmem_shared>> -> memref<128x128xf32, #tpu.memory_space<vmem_shared>>
      %dma_start3A_133 = arith.constant 0 : i32
      %dma_start3A_134 = arith.constant 0 : i32
      %dma_start3A_135 = tpu.memref_slice %arg8[%run_scoped3A, %dma_start3A_133, %dma_start3A_134] : memref<2x128x128xf32, #tpu.memory_space<vmem>> -> memref<1x128x128xf32, #tpu.memory_space<vmem>>
      %dma_start3A_136 = tpu.memref_squeeze %dma_start3A_135 : memref<1x128x128xf32, #tpu.memory_space<vmem>> -> memref<128x128xf32, #tpu.memory_space<vmem>>
      tpu.enqueue_dma source(%dma_start3A_136 : memref<128x128xf32, #tpu.memory_space<vmem>>) target(%dma_start3A_132 : memref<128x128xf32, #tpu.memory_space<vmem_shared>>) target_semaphore(%run_scoped3A_124 : memref<!tpu.dma_semaphore, #tpu.memory_space<semaphore_mem>>)
      %dma_wait3A = arith.constant 0 : i32
      %dma_wait3A_137 = arith.constant 0 : i32
      %dma_wait3A_138 = tpu.memref_slice %arg8[%run_scoped3A, %dma_wait3A, %dma_wait3A_137] : memref<2x128x128xf32, #tpu.memory_space<vmem>> -> memref<1x128x128xf32, #tpu.memory_space<vmem>>
      %dma_wait3A_139 = tpu.memref_squeeze %dma_wait3A_138 : memref<1x128x128xf32, #tpu.memory_space<vmem>> -> memref<128x128xf32, #tpu.memory_space<vmem>>
      %dma_wait3A_140 = arith.constant 0 : i32
      %dma_wait3A_141 = tpu.memref_slice %arg9[%add3A_9, %dma_wait3A_140] : memref<10240x128xf32, #tpu.memory_space<vmem_shared>> -> memref<128x128xf32, #tpu.memory_space<vmem_shared>>
      %dma_wait3A_142 = arith.constant 0 : i32
      %dma_wait3A_143 = tpu.memref_slice %arg9[%add3A_9, %dma_wait3A_142] : memref<10240x128xf32, #tpu.memory_space<vmem_shared>> -> memref<128x128xf32, #tpu.memory_space<vmem_shared>>
      %dma_wait3A_144 = arith.constant 0 : i32
      %dma_wait3A_145 = arith.constant 0 : i32
      %dma_wait3A_146 = tpu.memref_slice %arg8[%run_scoped3A, %dma_wait3A_144, %dma_wait3A_145] : memref<2x128x128xf32, #tpu.memory_space<vmem>> -> memref<1x128x128xf32, #tpu.memory_space<vmem>>
      %dma_wait3A_147 = tpu.memref_squeeze %dma_wait3A_146 : memref<1x128x128xf32, #tpu.memory_space<vmem>> -> memref<128x128xf32, #tpu.memory_space<vmem>>
      tpu.wait_dma2 semaphore(%run_scoped3A_124 : memref<!tpu.dma_semaphore, #tpu.memory_space<semaphore_mem>>) src(%dma_wait3A_147 : memref<128x128xf32, #tpu.memory_space<vmem>>) dst(%dma_wait3A_143 : memref<128x128xf32, #tpu.memory_space<vmem_shared>>)
      tpu.yield
    }) : () -> ()
    %mul3A_10 = arith.constant 640 : i32
    %mul3A_11 = arith.muli %arg1, %mul3A_10 : i32
    %add3A_12 = arith.constant 128 : i32
    %add3A_13 = arith.addi %mul3A_11, %add3A_12 : i32
    %run_scoped3A_14 = arith.constant 0 : i32
    "tpu.region"() ({
      %run_scoped3A_124 = tpu.sem_alloc : memref<!tpu.dma_semaphore, #tpu.memory_space<semaphore_mem>>
      %dma_start3A_125 = arith.constant 0 : i32
      %dma_start3A_126 = arith.constant 0 : i32
      %dma_start3A_127 = tpu.memref_slice %arg8[%run_scoped3A_14, %dma_start3A_125, %dma_start3A_126] : memref<2x128x128xf32, #tpu.memory_space<vmem>> -> memref<1x128x128xf32, #tpu.memory_space<vmem>>
      %dma_start3A_128 = tpu.memref_squeeze %dma_start3A_127 : memref<1x128x128xf32, #tpu.memory_space<vmem>> -> memref<128x128xf32, #tpu.memory_space<vmem>>
      %dma_start3A_129 = arith.constant 0 : i32
      %dma_start3A_130 = tpu.memref_slice %arg9[%add3A_13, %dma_start3A_129] : memref<10240x128xf32, #tpu.memory_space<vmem_shared>> -> memref<128x128xf32, #tpu.memory_space<vmem_shared>>
      %dma_start3A_131 = arith.constant 0 : i32
      %dma_start3A_132 = tpu.memref_slice %arg9[%add3A_13, %dma_start3A_131] : memref<10240x128xf32, #tpu.memory_space<vmem_shared>> -> memref<128x128xf32, #tpu.memory_space<vmem_shared>>
      %dma_start3A_133 = arith.constant 0 : i32
      %dma_start3A_134 = arith.constant 0 : i32
      %dma_start3A_135 = tpu.memref_slice %arg8[%run_scoped3A_14, %dma_start3A_133, %dma_start3A_134] : memref<2x128x128xf32, #tpu.memory_space<vmem>> -> memref<1x128x128xf32, #tpu.memory_space<vmem>>
      %dma_start3A_136 = tpu.memref_squeeze %dma_start3A_135 : memref<1x128x128xf32, #tpu.memory_space<vmem>> -> memref<128x128xf32, #tpu.memory_space<vmem>>
      tpu.enqueue_dma source(%dma_start3A_136 : memref<128x128xf32, #tpu.memory_space<vmem>>) target(%dma_start3A_132 : memref<128x128xf32, #tpu.memory_space<vmem_shared>>) target_semaphore(%run_scoped3A_124 : memref<!tpu.dma_semaphore, #tpu.memory_space<semaphore_mem>>)
      %dma_wait3A = arith.constant 0 : i32
      %dma_wait3A_137 = arith.constant 0 : i32
      %dma_wait3A_138 = tpu.memref_slice %arg8[%run_scoped3A_14, %dma_wait3A, %dma_wait3A_137] : memref<2x128x128xf32, #tpu.memory_space<vmem>> -> memref<1x128x128xf32, #tpu.memory_space<vmem>>
      %dma_wait3A_139 = tpu.memref_squeeze %dma_wait3A_138 : memref<1x128x128xf32, #tpu.memory_space<vmem>> -> memref<128x128xf32, #tpu.memory_space<vmem>>
      %dma_wait3A_140 = arith.constant 0 : i32
      %dma_wait3A_141 = tpu.memref_slice %arg9[%add3A_13, %dma_wait3A_140] : memref<10240x128xf32, #tpu.memory_space<vmem_shared>> -> memref<128x128xf32, #tpu.memory_space<vmem_shared>>
      %dma_wait3A_142 = arith.constant 0 : i32
      %dma_wait3A_143 = tpu.memref_slice %arg9[%add3A_13, %dma_wait3A_142] : memref<10240x128xf32, #tpu.memory_space<vmem_shared>> -> memref<128x128xf32, #tpu.memory_space<vmem_shared>>
      %dma_wait3A_144 = arith.constant 0 : i32
      %dma_wait3A_145 = arith.constant 0 : i32
      %dma_wait3A_146 = tpu.memref_slice %arg8[%run_scoped3A_14, %dma_wait3A_144, %dma_wait3A_145] : memref<2x128x128xf32, #tpu.memory_space<vmem>> -> memref<1x128x128xf32, #tpu.memory_space<vmem>>
      %dma_wait3A_147 = tpu.memref_squeeze %dma_wait3A_146 : memref<1x128x128xf32, #tpu.memory_space<vmem>> -> memref<128x128xf32, #tpu.memory_space<vmem>>
      tpu.wait_dma2 semaphore(%run_scoped3A_124 : memref<!tpu.dma_semaphore, #tpu.memory_space<semaphore_mem>>) src(%dma_wait3A_147 : memref<128x128xf32, #tpu.memory_space<vmem>>) dst(%dma_wait3A_143 : memref<128x128xf32, #tpu.memory_space<vmem_shared>>)
      tpu.yield
    }) : () -> ()
    %mul3A_15 = arith.constant 640 : i32
    %mul3A_16 = arith.muli %arg1, %mul3A_15 : i32
    %add3A_17 = arith.constant 256 : i32
    %add3A_18 = arith.addi %mul3A_16, %add3A_17 : i32
    %run_scoped3A_19 = arith.constant 0 : i32
    "tpu.region"() ({
      %run_scoped3A_124 = tpu.sem_alloc : memref<!tpu.dma_semaphore, #tpu.memory_space<semaphore_mem>>
      %dma_start3A_125 = arith.constant 0 : i32
      %dma_start3A_126 = arith.constant 0 : i32
      %dma_start3A_127 = tpu.memref_slice %arg8[%run_scoped3A_19, %dma_start3A_125, %dma_start3A_126] : memref<2x128x128xf32, #tpu.memory_space<vmem>> -> memref<1x128x128xf32, #tpu.memory_space<vmem>>
      %dma_start3A_128 = tpu.memref_squeeze %dma_start3A_127 : memref<1x128x128xf32, #tpu.memory_space<vmem>> -> memref<128x128xf32, #tpu.memory_space<vmem>>
      %dma_start3A_129 = arith.constant 0 : i32
      %dma_start3A_130 = tpu.memref_slice %arg9[%add3A_18, %dma_start3A_129] : memref<10240x128xf32, #tpu.memory_space<vmem_shared>> -> memref<128x128xf32, #tpu.memory_space<vmem_shared>>
      %dma_start3A_131 = arith.constant 0 : i32
      %dma_start3A_132 = tpu.memref_slice %arg9[%add3A_18, %dma_start3A_131] : memref<10240x128xf32, #tpu.memory_space<vmem_shared>> -> memref<128x128xf32, #tpu.memory_space<vmem_shared>>
      %dma_start3A_133 = arith.constant 0 : i32
      %dma_start3A_134 = arith.constant 0 : i32
      %dma_start3A_135 = tpu.memref_slice %arg8[%run_scoped3A_19, %dma_start3A_133, %dma_start3A_134] : memref<2x128x128xf32, #tpu.memory_space<vmem>> -> memref<1x128x128xf32, #tpu.memory_space<vmem>>
      %dma_start3A_136 = tpu.memref_squeeze %dma_start3A_135 : memref<1x128x128xf32, #tpu.memory_space<vmem>> -> memref<128x128xf32, #tpu.memory_space<vmem>>
      tpu.enqueue_dma source(%dma_start3A_136 : memref<128x128xf32, #tpu.memory_space<vmem>>) target(%dma_start3A_132 : memref<128x128xf32, #tpu.memory_space<vmem_shared>>) target_semaphore(%run_scoped3A_124 : memref<!tpu.dma_semaphore, #tpu.memory_space<semaphore_mem>>)
      %dma_wait3A = arith.constant 0 : i32
      %dma_wait3A_137 = arith.constant 0 : i32
      %dma_wait3A_138 = tpu.memref_slice %arg8[%run_scoped3A_19, %dma_wait3A, %dma_wait3A_137] : memref<2x128x128xf32, #tpu.memory_space<vmem>> -> memref<1x128x128xf32, #tpu.memory_space<vmem>>
      %dma_wait3A_139 = tpu.memref_squeeze %dma_wait3A_138 : memref<1x128x128xf32, #tpu.memory_space<vmem>> -> memref<128x128xf32, #tpu.memory_space<vmem>>
      %dma_wait3A_140 = arith.constant 0 : i32
      %dma_wait3A_141 = tpu.memref_slice %arg9[%add3A_18, %dma_wait3A_140] : memref<10240x128xf32, #tpu.memory_space<vmem_shared>> -> memref<128x128xf32, #tpu.memory_space<vmem_shared>>
      %dma_wait3A_142 = arith.constant 0 : i32
      %dma_wait3A_143 = tpu.memref_slice %arg9[%add3A_18, %dma_wait3A_142] : memref<10240x128xf32, #tpu.memory_space<vmem_shared>> -> memref<128x128xf32, #tpu.memory_space<vmem_shared>>
      %dma_wait3A_144 = arith.constant 0 : i32
      %dma_wait3A_145 = arith.constant 0 : i32
      %dma_wait3A_146 = tpu.memref_slice %arg8[%run_scoped3A_19, %dma_wait3A_144, %dma_wait3A_145] : memref<2x128x128xf32, #tpu.memory_space<vmem>> -> memref<1x128x128xf32, #tpu.memory_space<vmem>>
      %dma_wait3A_147 = tpu.memref_squeeze %dma_wait3A_146 : memref<1x128x128xf32, #tpu.memory_space<vmem>> -> memref<128x128xf32, #tpu.memory_space<vmem>>
      tpu.wait_dma2 semaphore(%run_scoped3A_124 : memref<!tpu.dma_semaphore, #tpu.memory_space<semaphore_mem>>) src(%dma_wait3A_147 : memref<128x128xf32, #tpu.memory_space<vmem>>) dst(%dma_wait3A_143 : memref<128x128xf32, #tpu.memory_space<vmem_shared>>)
      tpu.yield
    }) : () -> ()
    %mul3A_20 = arith.constant 640 : i32
    %mul3A_21 = arith.muli %arg1, %mul3A_20 : i32
    %add3A_22 = arith.constant 384 : i32
    %add3A_23 = arith.addi %mul3A_21, %add3A_22 : i32
    %run_scoped3A_24 = arith.constant 0 : i32
    "tpu.region"() ({
      %run_scoped3A_124 = tpu.sem_alloc : memref<!tpu.dma_semaphore, #tpu.memory_space<semaphore_mem>>
      %dma_start3A_125 = arith.constant 0 : i32
      %dma_start3A_126 = arith.constant 0 : i32
      %dma_start3A_127 = tpu.memref_slice %arg8[%run_scoped3A_24, %dma_start3A_125, %dma_start3A_126] : memref<2x128x128xf32, #tpu.memory_space<vmem>> -> memref<1x128x128xf32, #tpu.memory_space<vmem>>
      %dma_start3A_128 = tpu.memref_squeeze %dma_start3A_127 : memref<1x128x128xf32, #tpu.memory_space<vmem>> -> memref<128x128xf32, #tpu.memory_space<vmem>>
      %dma_start3A_129 = arith.constant 0 : i32
      %dma_start3A_130 = tpu.memref_slice %arg9[%add3A_23, %dma_start3A_129] : memref<10240x128xf32, #tpu.memory_space<vmem_shared>> -> memref<128x128xf32, #tpu.memory_space<vmem_shared>>
      %dma_start3A_131 = arith.constant 0 : i32
      %dma_start3A_132 = tpu.memref_slice %arg9[%add3A_23, %dma_start3A_131] : memref<10240x128xf32, #tpu.memory_space<vmem_shared>> -> memref<128x128xf32, #tpu.memory_space<vmem_shared>>
      %dma_start3A_133 = arith.constant 0 : i32
      %dma_start3A_134 = arith.constant 0 : i32
      %dma_start3A_135 = tpu.memref_slice %arg8[%run_scoped3A_24, %dma_start3A_133, %dma_start3A_134] : memref<2x128x128xf32, #tpu.memory_space<vmem>> -> memref<1x128x128xf32, #tpu.memory_space<vmem>>
      %dma_start3A_136 = tpu.memref_squeeze %dma_start3A_135 : memref<1x128x128xf32, #tpu.memory_space<vmem>> -> memref<128x128xf32, #tpu.memory_space<vmem>>
      tpu.enqueue_dma source(%dma_start3A_136 : memref<128x128xf32, #tpu.memory_space<vmem>>) target(%dma_start3A_132 : memref<128x128xf32, #tpu.memory_space<vmem_shared>>) target_semaphore(%run_scoped3A_124 : memref<!tpu.dma_semaphore, #tpu.memory_space<semaphore_mem>>)
      %dma_wait3A = arith.constant 0 : i32
      %dma_wait3A_137 = arith.constant 0 : i32
      %dma_wait3A_138 = tpu.memref_slice %arg8[%run_scoped3A_24, %dma_wait3A, %dma_wait3A_137] : memref<2x128x128xf32, #tpu.memory_space<vmem>> -> memref<1x128x128xf32, #tpu.memory_space<vmem>>
      %dma_wait3A_139 = tpu.memref_squeeze %dma_wait3A_138 : memref<1x128x128xf32, #tpu.memory_space<vmem>> -> memref<128x128xf32, #tpu.memory_space<vmem>>
      %dma_wait3A_140 = arith.constant 0 : i32
      %dma_wait3A_141 = tpu.memref_slice %arg9[%add3A_23, %dma_wait3A_140] : memref<10240x128xf32, #tpu.memory_space<vmem_shared>> -> memref<128x128xf32, #tpu.memory_space<vmem_shared>>
      %dma_wait3A_142 = arith.constant 0 : i32
      %dma_wait3A_143 = tpu.memref_slice %arg9[%add3A_23, %dma_wait3A_142] : memref<10240x128xf32, #tpu.memory_space<vmem_shared>> -> memref<128x128xf32, #tpu.memory_space<vmem_shared>>
      %dma_wait3A_144 = arith.constant 0 : i32
      %dma_wait3A_145 = arith.constant 0 : i32
      %dma_wait3A_146 = tpu.memref_slice %arg8[%run_scoped3A_24, %dma_wait3A_144, %dma_wait3A_145] : memref<2x128x128xf32, #tpu.memory_space<vmem>> -> memref<1x128x128xf32, #tpu.memory_space<vmem>>
      %dma_wait3A_147 = tpu.memref_squeeze %dma_wait3A_146 : memref<1x128x128xf32, #tpu.memory_space<vmem>> -> memref<128x128xf32, #tpu.memory_space<vmem>>
      tpu.wait_dma2 semaphore(%run_scoped3A_124 : memref<!tpu.dma_semaphore, #tpu.memory_space<semaphore_mem>>) src(%dma_wait3A_147 : memref<128x128xf32, #tpu.memory_space<vmem>>) dst(%dma_wait3A_143 : memref<128x128xf32, #tpu.memory_space<vmem_shared>>)
      tpu.yield
    }) : () -> ()
    %mul3A_25 = arith.constant 640 : i32
    %mul3A_26 = arith.muli %arg1, %mul3A_25 : i32
    %add3A_27 = arith.constant 512 : i32
    %add3A_28 = arith.addi %mul3A_26, %add3A_27 : i32
    %run_scoped3A_29 = arith.constant 0 : i32
    "tpu.region"() ({
      %run_scoped3A_124 = tpu.sem_alloc : memref<!tpu.dma_semaphore, #tpu.memory_space<semaphore_mem>>
      %dma_start3A_125 = arith.constant 0 : i32
      %dma_start3A_126 = arith.constant 0 : i32
      %dma_start3A_127 = tpu.memref_slice %arg8[%run_scoped3A_29, %dma_start3A_125, %dma_start3A_126] : memref<2x128x128xf32, #tpu.memory_space<vmem>> -> memref<1x128x128xf32, #tpu.memory_space<vmem>>
      %dma_start3A_128 = tpu.memref_squeeze %dma_start3A_127 : memref<1x128x128xf32, #tpu.memory_space<vmem>> -> memref<128x128xf32, #tpu.memory_space<vmem>>
      %dma_start3A_129 = arith.constant 0 : i32
      %dma_start3A_130 = tpu.memref_slice %arg9[%add3A_28, %dma_start3A_129] : memref<10240x128xf32, #tpu.memory_space<vmem_shared>> -> memref<128x128xf32, #tpu.memory_space<vmem_shared>>
      %dma_start3A_131 = arith.constant 0 : i32
      %dma_start3A_132 = tpu.memref_slice %arg9[%add3A_28, %dma_start3A_131] : memref<10240x128xf32, #tpu.memory_space<vmem_shared>> -> memref<128x128xf32, #tpu.memory_space<vmem_shared>>
      %dma_start3A_133 = arith.constant 0 : i32
      %dma_start3A_134 = arith.constant 0 : i32
      %dma_start3A_135 = tpu.memref_slice %arg8[%run_scoped3A_29, %dma_start3A_133, %dma_start3A_134] : memref<2x128x128xf32, #tpu.memory_space<vmem>> -> memref<1x128x128xf32, #tpu.memory_space<vmem>>
      %dma_start3A_136 = tpu.memref_squeeze %dma_start3A_135 : memref<1x128x128xf32, #tpu.memory_space<vmem>> -> memref<128x128xf32, #tpu.memory_space<vmem>>
      tpu.enqueue_dma source(%dma_start3A_136 : memref<128x128xf32, #tpu.memory_space<vmem>>) target(%dma_start3A_132 : memref<128x128xf32, #tpu.memory_space<vmem_shared>>) target_semaphore(%run_scoped3A_124 : memref<!tpu.dma_semaphore, #tpu.memory_space<semaphore_mem>>)
      %dma_wait3A = arith.constant 0 : i32
      %dma_wait3A_137 = arith.constant 0 : i32
      %dma_wait3A_138 = tpu.memref_slice %arg8[%run_scoped3A_29, %dma_wait3A, %dma_wait3A_137] : memref<2x128x128xf32, #tpu.memory_space<vmem>> -> memref<1x128x128xf32, #tpu.memory_space<vmem>>
      %dma_wait3A_139 = tpu.memref_squeeze %dma_wait3A_138 : memref<1x128x128xf32, #tpu.memory_space<vmem>> -> memref<128x128xf32, #tpu.memory_space<vmem>>
      %dma_wait3A_140 = arith.constant 0 : i32
      %dma_wait3A_141 = tpu.memref_slice %arg9[%add3A_28, %dma_wait3A_140] : memref<10240x128xf32, #tpu.memory_space<vmem_shared>> -> memref<128x128xf32, #tpu.memory_space<vmem_shared>>
      %dma_wait3A_142 = arith.constant 0 : i32
      %dma_wait3A_143 = tpu.memref_slice %arg9[%add3A_28, %dma_wait3A_142] : memref<10240x128xf32, #tpu.memory_space<vmem_shared>> -> memref<128x128xf32, #tpu.memory_space<vmem_shared>>
      %dma_wait3A_144 = arith.constant 0 : i32
      %dma_wait3A_145 = arith.constant 0 : i32
      %dma_wait3A_146 = tpu.memref_slice %arg8[%run_scoped3A_29, %dma_wait3A_144, %dma_wait3A_145] : memref<2x128x128xf32, #tpu.memory_space<vmem>> -> memref<1x128x128xf32, #tpu.memory_space<vmem>>
      %dma_wait3A_147 = tpu.memref_squeeze %dma_wait3A_146 : memref<1x128x128xf32, #tpu.memory_space<vmem>> -> memref<128x128xf32, #tpu.memory_space<vmem>>
      tpu.wait_dma2 semaphore(%run_scoped3A_124 : memref<!tpu.dma_semaphore, #tpu.memory_space<semaphore_mem>>) src(%dma_wait3A_147 : memref<128x128xf32, #tpu.memory_space<vmem>>) dst(%dma_wait3A_143 : memref<128x128xf32, #tpu.memory_space<vmem_shared>>)
      tpu.yield
    }) : () -> ()
    %barrier3A = arith.constant 0 : index
    tpu.barrier barrier_id(%barrier3A)
    "tpu.region"() ({
      %run_scoped3A_124 = tpu.sem_alloc : memref<!tpu.dma_semaphore, #tpu.memory_space<semaphore_mem>>
      %dma_start3A_125 = arith.constant 0 : i32
      %dma_start3A_126 = arith.constant 0 : i32
      %dma_start3A_127 = tpu.memref_slice %arg3[%add3A, %dma_start3A_125, %dma_start3A_126] : memref<32x80x128xi32, #tpu.memory_space<hbm>> -> memref<1x16x128xi32, #tpu.memory_space<hbm>>
      %dma_start3A_128 = tpu.memref_squeeze %dma_start3A_127 : memref<1x16x128xi32, #tpu.memory_space<hbm>> -> memref<16x128xi32, #tpu.memory_space<hbm>>
      %dma_start3A_129 = arith.constant 0 : i32
      %dma_start3A_130 = arith.constant 0 : i32
      %dma_start3A_131 = tpu.memref_slice %arg3[%add3A, %dma_start3A_129, %dma_start3A_130] : memref<32x80x128xi32, #tpu.memory_space<hbm>> -> memref<1x16x128xi32, #tpu.memory_space<hbm>>
      %dma_start3A_132 = tpu.memref_squeeze %dma_start3A_131 : memref<1x16x128xi32, #tpu.memory_space<hbm>> -> memref<16x128xi32, #tpu.memory_space<hbm>>
      tpu.enqueue_dma source(%dma_start3A_132 : memref<16x128xi32, #tpu.memory_space<hbm>>) target(%arg6 : memref<16x128xi32, #tpu.memory_space<vmem>>) target_semaphore(%run_scoped3A_124 : memref<!tpu.dma_semaphore, #tpu.memory_space<semaphore_mem>>)
      %dma_wait3A = arith.constant 0 : i32
      %dma_wait3A_133 = arith.constant 0 : i32
      %dma_wait3A_134 = tpu.memref_slice %arg3[%add3A, %dma_wait3A, %dma_wait3A_133] : memref<32x80x128xi32, #tpu.memory_space<hbm>> -> memref<1x16x128xi32, #tpu.memory_space<hbm>>
      %dma_wait3A_135 = tpu.memref_squeeze %dma_wait3A_134 : memref<1x16x128xi32, #tpu.memory_space<hbm>> -> memref<16x128xi32, #tpu.memory_space<hbm>>
      %dma_wait3A_136 = arith.constant 0 : i32
      %dma_wait3A_137 = arith.constant 0 : i32
      %dma_wait3A_138 = tpu.memref_slice %arg3[%add3A, %dma_wait3A_136, %dma_wait3A_137] : memref<32x80x128xi32, #tpu.memory_space<hbm>> -> memref<1x16x128xi32, #tpu.memory_space<hbm>>
      %dma_wait3A_139 = tpu.memref_squeeze %dma_wait3A_138 : memref<1x16x128xi32, #tpu.memory_space<hbm>> -> memref<16x128xi32, #tpu.memory_space<hbm>>
      tpu.wait_dma2 semaphore(%run_scoped3A_124 : memref<!tpu.dma_semaphore, #tpu.memory_space<semaphore_mem>>) src(%dma_wait3A_139 : memref<16x128xi32, #tpu.memory_space<hbm>>) dst(%arg6 : memref<16x128xi32, #tpu.memory_space<vmem>>)
      tpu.yield
    }) : () -> ()
    "tpu.region"() ({
      %run_scoped3A_124 = tpu.sem_alloc : memref<!tpu.dma_semaphore, #tpu.memory_space<semaphore_mem>>
      %dma_start3A_125 = arith.constant 0 : i32
      %dma_start3A_126 = arith.constant 0 : i32
      %dma_start3A_127 = tpu.memref_slice %arg4[%add3A, %dma_start3A_125, %dma_start3A_126] : memref<32x80x128xi32, #tpu.memory_space<hbm>> -> memref<1x16x128xi32, #tpu.memory_space<hbm>>
      %dma_start3A_128 = tpu.memref_squeeze %dma_start3A_127 : memref<1x16x128xi32, #tpu.memory_space<hbm>> -> memref<16x128xi32, #tpu.memory_space<hbm>>
      %dma_start3A_129 = arith.constant 0 : i32
      %dma_start3A_130 = arith.constant 0 : i32
      %dma_start3A_131 = tpu.memref_slice %arg4[%add3A, %dma_start3A_129, %dma_start3A_130] : memref<32x80x128xi32, #tpu.memory_space<hbm>> -> memref<1x16x128xi32, #tpu.memory_space<hbm>>
      %dma_start3A_132 = tpu.memref_squeeze %dma_start3A_131 : memref<1x16x128xi32, #tpu.memory_space<hbm>> -> memref<16x128xi32, #tpu.memory_space<hbm>>
      tpu.enqueue_dma source(%dma_start3A_132 : memref<16x128xi32, #tpu.memory_space<hbm>>) target(%arg7 : memref<16x128xi32, #tpu.memory_space<vmem>>) target_semaphore(%run_scoped3A_124 : memref<!tpu.dma_semaphore, #tpu.memory_space<semaphore_mem>>)
      %dma_wait3A = arith.constant 0 : i32
      %dma_wait3A_133 = arith.constant 0 : i32
      %dma_wait3A_134 = tpu.memref_slice %arg4[%add3A, %dma_wait3A, %dma_wait3A_133] : memref<32x80x128xi32, #tpu.memory_space<hbm>> -> memref<1x16x128xi32, #tpu.memory_space<hbm>>
      %dma_wait3A_135 = tpu.memref_squeeze %dma_wait3A_134 : memref<1x16x128xi32, #tpu.memory_space<hbm>> -> memref<16x128xi32, #tpu.memory_space<hbm>>
      %dma_wait3A_136 = arith.constant 0 : i32
      %dma_wait3A_137 = arith.constant 0 : i32
      %dma_wait3A_138 = tpu.memref_slice %arg4[%add3A, %dma_wait3A_136, %dma_wait3A_137] : memref<32x80x128xi32, #tpu.memory_space<hbm>> -> memref<1x16x128xi32, #tpu.memory_space<hbm>>
      %dma_wait3A_139 = tpu.memref_squeeze %dma_wait3A_138 : memref<1x16x128xi32, #tpu.memory_space<hbm>> -> memref<16x128xi32, #tpu.memory_space<hbm>>
      tpu.wait_dma2 semaphore(%run_scoped3A_124 : memref<!tpu.dma_semaphore, #tpu.memory_space<semaphore_mem>>) src(%dma_wait3A_139 : memref<16x128xi32, #tpu.memory_space<hbm>>) dst(%arg7 : memref<16x128xi32, #tpu.memory_space<vmem>>)
      tpu.yield
    }) : () -> ()
    %dma_start3A = arith.constant 0 : i32
    %dma_start3A_30 = arith.constant 0 : i32
    %dma_start3A_31 = arith.constant 0 : i32
    %dma_start3A_32 = arith.constant 0 : i32
    %dma_start3A_33 = tpu.memref_slice %arg8[%dma_start3A_30, %dma_start3A_31, %dma_start3A_32] : memref<2x128x128xf32, #tpu.memory_space<vmem>> -> memref<1x128x128xf32, #tpu.memory_space<vmem>>
    %dma_start3A_34 = tpu.memref_squeeze %dma_start3A_33 : memref<1x128x128xf32, #tpu.memory_space<vmem>> -> memref<128x128xf32, #tpu.memory_space<vmem>>
    %dma_start3A_35 = arith.constant 0 : i32
    %dma_start3A_36 = tpu.memref_slice %arg6[%dma_start3A, %dma_start3A_35] : memref<16x128xi32, #tpu.memory_space<vmem>> -> memref<1x128xi32, #tpu.memory_space<vmem>>
    %dma_start3A_37 = tpu.memref_squeeze %dma_start3A_36 : memref<1x128xi32, #tpu.memory_space<vmem>> -> memref<128xi32, #tpu.memory_space<vmem>>
    %dma_start3A_38 = arith.constant 0 : i32
    %dma_start3A_39 = arith.constant 0 : i32
    %dma_start3A_40 = tpu.memref_slice %arg2[%dma_start3A_38, %dma_start3A_39] : memref<10000x128xf32, #tpu.memory_space<hbm>> -> memref<10000x128xf32, #tpu.memory_space<hbm>>
    tpu.enqueue_indirect_dma source(%dma_start3A_40 : memref<10000x128xf32, #tpu.memory_space<hbm>>) target(%dma_start3A_34 : memref<128x128xf32, #tpu.memory_space<vmem>>) offsets(%dma_start3A_37 : memref<128xi32, #tpu.memory_space<vmem>>) semaphore(%arg10 : memref<!tpu.dma_semaphore, #tpu.memory_space<semaphore_mem>>)
    %scan3A_41 = arith.constant 0 : i32
    %scan3A_42 = arith.constant 0 : i32
    %scan3A_43 = arith.constant 8 : i32
    %scan3A_44 = arith.addi %scan3A_42, %scan3A_43 : i32
    %scan3A_45 = arith.constant 1 : i32
    scf.for %scan3A_124 = %scan3A_42 to %scan3A_44 step %scan3A_45  : i32 {
      %mul3A_125 = arith.constant 2 : i32
      %mul3A_126 = arith.muli %scan3A_124, %mul3A_125 : i32
      %add3A_127 = arith.constant 0 : i32
      %add3A_128 = arith.addi %mul3A_126, %add3A_127 : i32
      %add3A_129 = arith.constant 1 : i32
      %add3A_130 = arith.addi %add3A_128, %add3A_129 : i32
      %lt3A = arith.constant 16 : i32
      %lt3A_131 = arith.cmpi slt, %add3A_130, %lt3A : i32
      %convert_element_type3A = arith.extui %lt3A_131 : i1 to i32
      %cond3A = arith.constant 0 : i32
      %cond3A_132 = arith.cmpi ne, %convert_element_type3A, %cond3A : i32
      scf.if %cond3A_132 {
        %add3A_173 = arith.constant 1 : i32
        %add3A_174 = arith.addi %add3A_128, %add3A_173 : i32
        %dma_start3A_175 = arith.constant 1 : i32
        %dma_start3A_176 = arith.constant 0 : i32
        %dma_start3A_177 = arith.constant 0 : i32
        %dma_start3A_178 = tpu.memref_slice %arg8[%dma_start3A_175, %dma_start3A_176, %dma_start3A_177] : memref<2x128x128xf32, #tpu.memory_space<vmem>> -> memref<1x128x128xf32, #tpu.memory_space<vmem>>
        %dma_start3A_179 = tpu.memref_squeeze %dma_start3A_178 : memref<1x128x128xf32, #tpu.memory_space<vmem>> -> memref<128x128xf32, #tpu.memory_space<vmem>>
        %dma_start3A_180 = arith.constant 0 : i32
        %dma_start3A_181 = tpu.memref_slice %arg6[%add3A_174, %dma_start3A_180] : memref<16x128xi32, #tpu.memory_space<vmem>> -> memref<1x128xi32, #tpu.memory_space<vmem>>
        %dma_start3A_182 = tpu.memref_squeeze %dma_start3A_181 : memref<1x128xi32, #tpu.memory_space<vmem>> -> memref<128xi32, #tpu.memory_space<vmem>>
        %dma_start3A_183 = arith.constant 0 : i32
        %dma_start3A_184 = arith.constant 0 : i32
        %dma_start3A_185 = tpu.memref_slice %arg2[%dma_start3A_183, %dma_start3A_184] : memref<10000x128xf32, #tpu.memory_space<hbm>> -> memref<10000x128xf32, #tpu.memory_space<hbm>>
        tpu.enqueue_indirect_dma source(%dma_start3A_185 : memref<10000x128xf32, #tpu.memory_space<hbm>>) target(%dma_start3A_179 : memref<128x128xf32, #tpu.memory_space<vmem>>) offsets(%dma_start3A_182 : memref<128xi32, #tpu.memory_space<vmem>>) semaphore(%arg10 : memref<!tpu.dma_semaphore, #tpu.memory_space<semaphore_mem>>)
      } else {
      }
      %dma_wait3A = arith.constant 0 : i32
      %dma_wait3A_133 = arith.constant 0 : i32
      %dma_wait3A_134 = arith.constant 0 : i32
      %dma_wait3A_135 = tpu.memref_slice %arg8[%dma_wait3A, %dma_wait3A_133, %dma_wait3A_134] : memref<2x128x128xf32, #tpu.memory_space<vmem>> -> memref<1x128x128xf32, #tpu.memory_space<vmem>>
      %dma_wait3A_136 = tpu.memref_squeeze %dma_wait3A_135 : memref<1x128x128xf32, #tpu.memory_space<vmem>> -> memref<128x128xf32, #tpu.memory_space<vmem>>
      %dma_wait3A_137 = arith.constant 0 : i32
      %dma_wait3A_138 = arith.constant 0 : i32
      %dma_wait3A_139 = tpu.memref_slice %arg2[%dma_wait3A_137, %dma_wait3A_138] : memref<10000x128xf32, #tpu.memory_space<hbm>> -> memref<128x128xf32, #tpu.memory_space<hbm>>
      %dma_wait3A_140 = arith.constant 0 : i32
      %dma_wait3A_141 = arith.constant 0 : i32
      %dma_wait3A_142 = tpu.memref_slice %arg8[%dma_wait3A, %dma_wait3A_140, %dma_wait3A_141] : memref<2x128x128xf32, #tpu.memory_space<vmem>> -> memref<1x128x128xf32, #tpu.memory_space<vmem>>
      %dma_wait3A_143 = tpu.memref_squeeze %dma_wait3A_142 : memref<1x128x128xf32, #tpu.memory_space<vmem>> -> memref<128x128xf32, #tpu.memory_space<vmem>>
      %dma_wait3A_144 = arith.constant 0 : i32
      %dma_wait3A_145 = arith.constant 0 : i32
      %dma_wait3A_146 = tpu.memref_slice %arg2[%dma_wait3A_144, %dma_wait3A_145] : memref<10000x128xf32, #tpu.memory_space<hbm>> -> memref<128x128xf32, #tpu.memory_space<hbm>>
      tpu.wait_dma2 semaphore(%arg10 : memref<!tpu.dma_semaphore, #tpu.memory_space<semaphore_mem>>) src(%dma_wait3A_146 : memref<128x128xf32, #tpu.memory_space<hbm>>) dst(%dma_wait3A_143 : memref<128x128xf32, #tpu.memory_space<vmem>>)
      %run_scoped3A_147 = arith.constant 0 : i32
      "tpu.region"() ({
        %run_scoped3A_173 = tpu.sem_alloc : memref<!tpu.dma_semaphore, #tpu.memory_space<semaphore_mem>>
        %dma_start3A_174 = arith.constant 0 : i32
        %dma_start3A_175 = arith.constant 0 : i32
        %dma_start3A_176 = tpu.memref_slice %arg8[%run_scoped3A_147, %dma_start3A_174, %dma_start3A_175] : memref<2x128x128xf32, #tpu.memory_space<vmem>> -> memref<1x128x128xf32, #tpu.memory_space<vmem>>
        %dma_start3A_177 = tpu.memref_squeeze %dma_start3A_176 : memref<1x128x128xf32, #tpu.memory_space<vmem>> -> memref<128x128xf32, #tpu.memory_space<vmem>>
        %dma_start3A_178 = arith.constant 0 : i32
        %dma_start3A_179 = tpu.memref_slice %arg7[%add3A_128, %dma_start3A_178] : memref<16x128xi32, #tpu.memory_space<vmem>> -> memref<1x128xi32, #tpu.memory_space<vmem>>
        %dma_start3A_180 = tpu.memref_squeeze %dma_start3A_179 : memref<1x128xi32, #tpu.memory_space<vmem>> -> memref<128xi32, #tpu.memory_space<vmem>>
        %dma_start3A_181 = arith.constant 0 : i32
        %dma_start3A_182 = arith.constant 0 : i32
        %dma_start3A_183 = tpu.memref_slice %arg9[%dma_start3A_181, %dma_start3A_182] : memref<10240x128xf32, #tpu.memory_space<vmem_shared>> -> memref<10240x128xf32, #tpu.memory_space<vmem_shared>>
        tpu.enqueue_indirect_dma source(%dma_start3A_177 : memref<128x128xf32, #tpu.memory_space<vmem>>) target(%dma_start3A_183 : memref<10240x128xf32, #tpu.memory_space<vmem_shared>>) offsets(%dma_start3A_180 : memref<128xi32, #tpu.memory_space<vmem>>) semaphore(%run_scoped3A_173 : memref<!tpu.dma_semaphore, #tpu.memory_space<semaphore_mem>>) {add = true}
        %dma_wait3A_184 = arith.constant 0 : i32
        %dma_wait3A_185 = arith.constant 0 : i32
        %dma_wait3A_186 = tpu.memref_slice %arg8[%run_scoped3A_147, %dma_wait3A_184, %dma_wait3A_185] : memref<2x128x128xf32, #tpu.memory_space<vmem>> -> memref<1x128x128xf32, #tpu.memory_space<vmem>>
        %dma_wait3A_187 = tpu.memref_squeeze %dma_wait3A_186 : memref<1x128x128xf32, #tpu.memory_space<vmem>> -> memref<128x128xf32, #tpu.memory_space<vmem>>
        %dma_wait3A_188 = arith.constant 0 : i32
        %dma_wait3A_189 = tpu.memref_slice %arg7[%add3A_128, %dma_wait3A_188] : memref<16x128xi32, #tpu.memory_space<vmem>> -> memref<1x128xi32, #tpu.memory_space<vmem>>
        %dma_wait3A_190 = tpu.memref_squeeze %dma_wait3A_189 : memref<1x128xi32, #tpu.memory_space<vmem>> -> memref<128xi32, #tpu.memory_space<vmem>>
        %dma_wait3A_191 = arith.constant 0 : i32
        %dma_wait3A_192 = arith.constant 0 : i32
        %dma_wait3A_193 = tpu.memref_slice %arg9[%dma_wait3A_191, %dma_wait3A_192] : memref<10240x128xf32, #tpu.memory_space<vmem_shared>> -> memref<10240x128xf32, #tpu.memory_space<vmem_shared>>
        tpu.wait_indirect_dma semaphore(%run_scoped3A_173 : memref<!tpu.dma_semaphore, #tpu.memory_space<semaphore_mem>>) src(%dma_wait3A_187 : memref<128x128xf32, #tpu.memory_space<vmem>>) dst(%dma_wait3A_193 : memref<10240x128xf32, #tpu.memory_space<vmem_shared>>)
        tpu.yield
      }) : () -> ()
      %add3A_148 = arith.constant 1 : i32
      %add3A_149 = arith.addi %mul3A_126, %add3A_148 : i32
      %add3A_150 = arith.constant 1 : i32
      %add3A_151 = arith.addi %add3A_149, %add3A_150 : i32
      %lt3A_152 = arith.constant 16 : i32
      %lt3A_153 = arith.cmpi slt, %add3A_151, %lt3A_152 : i32
      %convert_element_type3A_154 = arith.extui %lt3A_153 : i1 to i32
      %cond3A_155 = arith.constant 0 : i32
      %cond3A_156 = arith.cmpi ne, %convert_element_type3A_154, %cond3A_155 : i32
      scf.if %cond3A_156 {
        %add3A_173 = arith.constant 1 : i32
        %add3A_174 = arith.addi %add3A_149, %add3A_173 : i32
        %dma_start3A_175 = arith.constant 0 : i32
        %dma_start3A_176 = arith.constant 0 : i32
        %dma_start3A_177 = arith.constant 0 : i32
        %dma_start3A_178 = tpu.memref_slice %arg8[%dma_start3A_175, %dma_start3A_176, %dma_start3A_177] : memref<2x128x128xf32, #tpu.memory_space<vmem>> -> memref<1x128x128xf32, #tpu.memory_space<vmem>>
        %dma_start3A_179 = tpu.memref_squeeze %dma_start3A_178 : memref<1x128x128xf32, #tpu.memory_space<vmem>> -> memref<128x128xf32, #tpu.memory_space<vmem>>
        %dma_start3A_180 = arith.constant 0 : i32
        %dma_start3A_181 = tpu.memref_slice %arg6[%add3A_174, %dma_start3A_180] : memref<16x128xi32, #tpu.memory_space<vmem>> -> memref<1x128xi32, #tpu.memory_space<vmem>>
        %dma_start3A_182 = tpu.memref_squeeze %dma_start3A_181 : memref<1x128xi32, #tpu.memory_space<vmem>> -> memref<128xi32, #tpu.memory_space<vmem>>
        %dma_start3A_183 = arith.constant 0 : i32
        %dma_start3A_184 = arith.constant 0 : i32
        %dma_start3A_185 = tpu.memref_slice %arg2[%dma_start3A_183, %dma_start3A_184] : memref<10000x128xf32, #tpu.memory_space<hbm>> -> memref<10000x128xf32, #tpu.memory_space<hbm>>
        tpu.enqueue_indirect_dma source(%dma_start3A_185 : memref<10000x128xf32, #tpu.memory_space<hbm>>) target(%dma_start3A_179 : memref<128x128xf32, #tpu.memory_space<vmem>>) offsets(%dma_start3A_182 : memref<128xi32, #tpu.memory_space<vmem>>) semaphore(%arg10 : memref<!tpu.dma_semaphore, #tpu.memory_space<semaphore_mem>>)
      } else {
      }
      %dma_wait3A_157 = arith.constant 0 : i32
      %dma_wait3A_158 = arith.constant 0 : i32
      %dma_wait3A_159 = arith.constant 0 : i32
      %dma_wait3A_160 = tpu.memref_slice %arg8[%dma_wait3A_157, %dma_wait3A_158, %dma_wait3A_159] : memref<2x128x128xf32, #tpu.memory_space<vmem>> -> memref<1x128x128xf32, #tpu.memory_space<vmem>>
      %dma_wait3A_161 = tpu.memref_squeeze %dma_wait3A_160 : memref<1x128x128xf32, #tpu.memory_space<vmem>> -> memref<128x128xf32, #tpu.memory_space<vmem>>
      %dma_wait3A_162 = arith.constant 0 : i32
      %dma_wait3A_163 = arith.constant 0 : i32
      %dma_wait3A_164 = tpu.memref_slice %arg2[%dma_wait3A_162, %dma_wait3A_163] : memref<10000x128xf32, #tpu.memory_space<hbm>> -> memref<128x128xf32, #tpu.memory_space<hbm>>
      %dma_wait3A_165 = arith.constant 0 : i32
      %dma_wait3A_166 = arith.constant 0 : i32
      %dma_wait3A_167 = tpu.memref_slice %arg8[%dma_wait3A_157, %dma_wait3A_165, %dma_wait3A_166] : memref<2x128x128xf32, #tpu.memory_space<vmem>> -> memref<1x128x128xf32, #tpu.memory_space<vmem>>
      %dma_wait3A_168 = tpu.memref_squeeze %dma_wait3A_167 : memref<1x128x128xf32, #tpu.memory_space<vmem>> -> memref<128x128xf32, #tpu.memory_space<vmem>>
      %dma_wait3A_169 = arith.constant 0 : i32
      %dma_wait3A_170 = arith.constant 0 : i32
      %dma_wait3A_171 = tpu.memref_slice %arg2[%dma_wait3A_169, %dma_wait3A_170] : memref<10000x128xf32, #tpu.memory_space<hbm>> -> memref<128x128xf32, #tpu.memory_space<hbm>>
      tpu.wait_dma2 semaphore(%arg10 : memref<!tpu.dma_semaphore, #tpu.memory_space<semaphore_mem>>) src(%dma_wait3A_171 : memref<128x128xf32, #tpu.memory_space<hbm>>) dst(%dma_wait3A_168 : memref<128x128xf32, #tpu.memory_space<vmem>>)
      %run_scoped3A_172 = arith.constant 1 : i32
      "tpu.region"() ({
        %run_scoped3A_173 = tpu.sem_alloc : memref<!tpu.dma_semaphore, #tpu.memory_space<semaphore_mem>>
        %dma_start3A_174 = arith.constant 0 : i32
        %dma_start3A_175 = arith.constant 0 : i32
        %dma_start3A_176 = tpu.memref_slice %arg8[%run_scoped3A_172, %dma_start3A_174, %dma_start3A_175] : memref<2x128x128xf32, #tpu.memory_space<vmem>> -> memref<1x128x128xf32, #tpu.memory_space<vmem>>
        %dma_start3A_177 = tpu.memref_squeeze %dma_start3A_176 : memref<1x128x128xf32, #tpu.memory_space<vmem>> -> memref<128x128xf32, #tpu.memory_space<vmem>>
        %dma_start3A_178 = arith.constant 0 : i32
        %dma_start3A_179 = tpu.memref_slice %arg7[%add3A_149, %dma_start3A_178] : memref<16x128xi32, #tpu.memory_space<vmem>> -> memref<1x128xi32, #tpu.memory_space<vmem>>
        %dma_start3A_180 = tpu.memref_squeeze %dma_start3A_179 : memref<1x128xi32, #tpu.memory_space<vmem>> -> memref<128xi32, #tpu.memory_space<vmem>>
        %dma_start3A_181 = arith.constant 0 : i32
        %dma_start3A_182 = arith.constant 0 : i32
        %dma_start3A_183 = tpu.memref_slice %arg9[%dma_start3A_181, %dma_start3A_182] : memref<10240x128xf32, #tpu.memory_space<vmem_shared>> -> memref<10240x128xf32, #tpu.memory_space<vmem_shared>>
        tpu.enqueue_indirect_dma source(%dma_start3A_177 : memref<128x128xf32, #tpu.memory_space<vmem>>) target(%dma_start3A_183 : memref<10240x128xf32, #tpu.memory_space<vmem_shared>>) offsets(%dma_start3A_180 : memref<128xi32, #tpu.memory_space<vmem>>) semaphore(%run_scoped3A_173 : memref<!tpu.dma_semaphore, #tpu.memory_space<semaphore_mem>>) {add = true}
        %dma_wait3A_184 = arith.constant 0 : i32
        %dma_wait3A_185 = arith.constant 0 : i32
        %dma_wait3A_186 = tpu.memref_slice %arg8[%run_scoped3A_172, %dma_wait3A_184, %dma_wait3A_185] : memref<2x128x128xf32, #tpu.memory_space<vmem>> -> memref<1x128x128xf32, #tpu.memory_space<vmem>>
        %dma_wait3A_187 = tpu.memref_squeeze %dma_wait3A_186 : memref<1x128x128xf32, #tpu.memory_space<vmem>> -> memref<128x128xf32, #tpu.memory_space<vmem>>
        %dma_wait3A_188 = arith.constant 0 : i32
        %dma_wait3A_189 = tpu.memref_slice %arg7[%add3A_149, %dma_wait3A_188] : memref<16x128xi32, #tpu.memory_space<vmem>> -> memref<1x128xi32, #tpu.memory_space<vmem>>
        %dma_wait3A_190 = tpu.memref_squeeze %dma_wait3A_189 : memref<1x128xi32, #tpu.memory_space<vmem>> -> memref<128xi32, #tpu.memory_space<vmem>>
        %dma_wait3A_191 = arith.constant 0 : i32
        %dma_wait3A_192 = arith.constant 0 : i32
        %dma_wait3A_193 = tpu.memref_slice %arg9[%dma_wait3A_191, %dma_wait3A_192] : memref<10240x128xf32, #tpu.memory_space<vmem_shared>> -> memref<10240x128xf32, #tpu.memory_space<vmem_shared>>
        tpu.wait_indirect_dma semaphore(%run_scoped3A_173 : memref<!tpu.dma_semaphore, #tpu.memory_space<semaphore_mem>>) src(%dma_wait3A_187 : memref<128x128xf32, #tpu.memory_space<vmem>>) dst(%dma_wait3A_193 : memref<10240x128xf32, #tpu.memory_space<vmem_shared>>)
        tpu.yield
      }) : () -> ()
    }
    %scan3A_46 = arith.constant 8 : i32
    "tpu.region"() ({
      %run_scoped3A_124 = tpu.sem_alloc : memref<!tpu.dma_semaphore, #tpu.memory_space<semaphore_mem>>
      %dma_start3A_125 = arith.constant 16 : i32
      %dma_start3A_126 = arith.constant 0 : i32
      %dma_start3A_127 = tpu.memref_slice %arg3[%add3A, %dma_start3A_125, %dma_start3A_126] : memref<32x80x128xi32, #tpu.memory_space<hbm>> -> memref<1x16x128xi32, #tpu.memory_space<hbm>>
      %dma_start3A_128 = tpu.memref_squeeze %dma_start3A_127 : memref<1x16x128xi32, #tpu.memory_space<hbm>> -> memref<16x128xi32, #tpu.memory_space<hbm>>
      %dma_start3A_129 = arith.constant 16 : i32
      %dma_start3A_130 = arith.constant 0 : i32
      %dma_start3A_131 = tpu.memref_slice %arg3[%add3A, %dma_start3A_129, %dma_start3A_130] : memref<32x80x128xi32, #tpu.memory_space<hbm>> -> memref<1x16x128xi32, #tpu.memory_space<hbm>>
      %dma_start3A_132 = tpu.memref_squeeze %dma_start3A_131 : memref<1x16x128xi32, #tpu.memory_space<hbm>> -> memref<16x128xi32, #tpu.memory_space<hbm>>
      tpu.enqueue_dma source(%dma_start3A_132 : memref<16x128xi32, #tpu.memory_space<hbm>>) target(%arg6 : memref<16x128xi32, #tpu.memory_space<vmem>>) target_semaphore(%run_scoped3A_124 : memref<!tpu.dma_semaphore, #tpu.memory_space<semaphore_mem>>)
      %dma_wait3A = arith.constant 16 : i32
      %dma_wait3A_133 = arith.constant 0 : i32
      %dma_wait3A_134 = tpu.memref_slice %arg3[%add3A, %dma_wait3A, %dma_wait3A_133] : memref<32x80x128xi32, #tpu.memory_space<hbm>> -> memref<1x16x128xi32, #tpu.memory_space<hbm>>
      %dma_wait3A_135 = tpu.memref_squeeze %dma_wait3A_134 : memref<1x16x128xi32, #tpu.memory_space<hbm>> -> memref<16x128xi32, #tpu.memory_space<hbm>>
      %dma_wait3A_136 = arith.constant 16 : i32
      %dma_wait3A_137 = arith.constant 0 : i32
      %dma_wait3A_138 = tpu.memref_slice %arg3[%add3A, %dma_wait3A_136, %dma_wait3A_137] : memref<32x80x128xi32, #tpu.memory_space<hbm>> -> memref<1x16x128xi32, #tpu.memory_space<hbm>>
      %dma_wait3A_139 = tpu.memref_squeeze %dma_wait3A_138 : memref<1x16x128xi32, #tpu.memory_space<hbm>> -> memref<16x128xi32, #tpu.memory_space<hbm>>
      tpu.wait_dma2 semaphore(%run_scoped3A_124 : memref<!tpu.dma_semaphore, #tpu.memory_space<semaphore_mem>>) src(%dma_wait3A_139 : memref<16x128xi32, #tpu.memory_space<hbm>>) dst(%arg6 : memref<16x128xi32, #tpu.memory_space<vmem>>)
      tpu.yield
    }) : () -> ()
    "tpu.region"() ({
      %run_scoped3A_124 = tpu.sem_alloc : memref<!tpu.dma_semaphore, #tpu.memory_space<semaphore_mem>>
      %dma_start3A_125 = arith.constant 16 : i32
      %dma_start3A_126 = arith.constant 0 : i32
      %dma_start3A_127 = tpu.memref_slice %arg4[%add3A, %dma_start3A_125, %dma_start3A_126] : memref<32x80x128xi32, #tpu.memory_space<hbm>> -> memref<1x16x128xi32, #tpu.memory_space<hbm>>
      %dma_start3A_128 = tpu.memref_squeeze %dma_start3A_127 : memref<1x16x128xi32, #tpu.memory_space<hbm>> -> memref<16x128xi32, #tpu.memory_space<hbm>>
      %dma_start3A_129 = arith.constant 16 : i32
      %dma_start3A_130 = arith.constant 0 : i32
      %dma_start3A_131 = tpu.memref_slice %arg4[%add3A, %dma_start3A_129, %dma_start3A_130] : memref<32x80x128xi32, #tpu.memory_space<hbm>> -> memref<1x16x128xi32, #tpu.memory_space<hbm>>
      %dma_start3A_132 = tpu.memref_squeeze %dma_start3A_131 : memref<1x16x128xi32, #tpu.memory_space<hbm>> -> memref<16x128xi32, #tpu.memory_space<hbm>>
      tpu.enqueue_dma source(%dma_start3A_132 : memref<16x128xi32, #tpu.memory_space<hbm>>) target(%arg7 : memref<16x128xi32, #tpu.memory_space<vmem>>) target_semaphore(%run_scoped3A_124 : memref<!tpu.dma_semaphore, #tpu.memory_space<semaphore_mem>>)
      %dma_wait3A = arith.constant 16 : i32
      %dma_wait3A_133 = arith.constant 0 : i32
      %dma_wait3A_134 = tpu.memref_slice %arg4[%add3A, %dma_wait3A, %dma_wait3A_133] : memref<32x80x128xi32, #tpu.memory_space<hbm>> -> memref<1x16x128xi32, #tpu.memory_space<hbm>>
      %dma_wait3A_135 = tpu.memref_squeeze %dma_wait3A_134 : memref<1x16x128xi32, #tpu.memory_space<hbm>> -> memref<16x128xi32, #tpu.memory_space<hbm>>
      %dma_wait3A_136 = arith.constant 16 : i32
      %dma_wait3A_137 = arith.constant 0 : i32
      %dma_wait3A_138 = tpu.memref_slice %arg4[%add3A, %dma_wait3A_136, %dma_wait3A_137] : memref<32x80x128xi32, #tpu.memory_space<hbm>> -> memref<1x16x128xi32, #tpu.memory_space<hbm>>
      %dma_wait3A_139 = tpu.memref_squeeze %dma_wait3A_138 : memref<1x16x128xi32, #tpu.memory_space<hbm>> -> memref<16x128xi32, #tpu.memory_space<hbm>>
      tpu.wait_dma2 semaphore(%run_scoped3A_124 : memref<!tpu.dma_semaphore, #tpu.memory_space<semaphore_mem>>) src(%dma_wait3A_139 : memref<16x128xi32, #tpu.memory_space<hbm>>) dst(%arg7 : memref<16x128xi32, #tpu.memory_space<vmem>>)
      tpu.yield
    }) : () -> ()
    %dma_start3A_47 = arith.constant 0 : i32
    %dma_start3A_48 = arith.constant 0 : i32
    %dma_start3A_49 = arith.constant 0 : i32
    %dma_start3A_50 = arith.constant 0 : i32
    %dma_start3A_51 = tpu.memref_slice %arg8[%dma_start3A_48, %dma_start3A_49, %dma_start3A_50] : memref<2x128x128xf32, #tpu.memory_space<vmem>> -> memref<1x128x128xf32, #tpu.memory_space<vmem>>
    %dma_start3A_52 = tpu.memref_squeeze %dma_start3A_51 : memref<1x128x128xf32, #tpu.memory_space<vmem>> -> memref<128x128xf32, #tpu.memory_space<vmem>>
    %dma_start3A_53 = arith.constant 0 : i32
    %dma_start3A_54 = tpu.memref_slice %arg6[%dma_start3A_47, %dma_start3A_53] : memref<16x128xi32, #tpu.memory_space<vmem>> -> memref<1x128xi32, #tpu.memory_space<vmem>>
    %dma_start3A_55 = tpu.memref_squeeze %dma_start3A_54 : memref<1x128xi32, #tpu.memory_space<vmem>> -> memref<128xi32, #tpu.memory_space<vmem>>
    %dma_start3A_56 = arith.constant 0 : i32
    %dma_start3A_57 = arith.constant 0 : i32
    %dma_start3A_58 = tpu.memref_slice %arg2[%dma_start3A_56, %dma_start3A_57] : memref<10000x128xf32, #tpu.memory_space<hbm>> -> memref<10000x128xf32, #tpu.memory_space<hbm>>
    tpu.enqueue_indirect_dma source(%dma_start3A_58 : memref<10000x128xf32, #tpu.memory_space<hbm>>) target(%dma_start3A_52 : memref<128x128xf32, #tpu.memory_space<vmem>>) offsets(%dma_start3A_55 : memref<128xi32, #tpu.memory_space<vmem>>) semaphore(%arg10 : memref<!tpu.dma_semaphore, #tpu.memory_space<semaphore_mem>>)
    %scan3A_59 = arith.constant 0 : i32
    %scan3A_60 = arith.constant 0 : i32
    %scan3A_61 = arith.constant 8 : i32
    %scan3A_62 = arith.addi %scan3A_60, %scan3A_61 : i32
    %scan3A_63 = arith.constant 1 : i32
    scf.for %scan3A_124 = %scan3A_60 to %scan3A_62 step %scan3A_63  : i32 {
      %mul3A_125 = arith.constant 2 : i32
      %mul3A_126 = arith.muli %scan3A_124, %mul3A_125 : i32
      %add3A_127 = arith.constant 0 : i32
      %add3A_128 = arith.addi %mul3A_126, %add3A_127 : i32
      %add3A_129 = arith.constant 1 : i32
      %add3A_130 = arith.addi %add3A_128, %add3A_129 : i32
      %lt3A = arith.constant 16 : i32
      %lt3A_131 = arith.cmpi slt, %add3A_130, %lt3A : i32
      %convert_element_type3A = arith.extui %lt3A_131 : i1 to i32
      %cond3A = arith.constant 0 : i32
      %cond3A_132 = arith.cmpi ne, %convert_element_type3A, %cond3A : i32
      scf.if %cond3A_132 {
        %add3A_173 = arith.constant 1 : i32
        %add3A_174 = arith.addi %add3A_128, %add3A_173 : i32
        %dma_start3A_175 = arith.constant 1 : i32
        %dma_start3A_176 = arith.constant 0 : i32
        %dma_start3A_177 = arith.constant 0 : i32
        %dma_start3A_178 = tpu.memref_slice %arg8[%dma_start3A_175, %dma_start3A_176, %dma_start3A_177] : memref<2x128x128xf32, #tpu.memory_space<vmem>> -> memref<1x128x128xf32, #tpu.memory_space<vmem>>
        %dma_start3A_179 = tpu.memref_squeeze %dma_start3A_178 : memref<1x128x128xf32, #tpu.memory_space<vmem>> -> memref<128x128xf32, #tpu.memory_space<vmem>>
        %dma_start3A_180 = arith.constant 0 : i32
        %dma_start3A_181 = tpu.memref_slice %arg6[%add3A_174, %dma_start3A_180] : memref<16x128xi32, #tpu.memory_space<vmem>> -> memref<1x128xi32, #tpu.memory_space<vmem>>
        %dma_start3A_182 = tpu.memref_squeeze %dma_start3A_181 : memref<1x128xi32, #tpu.memory_space<vmem>> -> memref<128xi32, #tpu.memory_space<vmem>>
        %dma_start3A_183 = arith.constant 0 : i32
        %dma_start3A_184 = arith.constant 0 : i32
        %dma_start3A_185 = tpu.memref_slice %arg2[%dma_start3A_183, %dma_start3A_184] : memref<10000x128xf32, #tpu.memory_space<hbm>> -> memref<10000x128xf32, #tpu.memory_space<hbm>>
        tpu.enqueue_indirect_dma source(%dma_start3A_185 : memref<10000x128xf32, #tpu.memory_space<hbm>>) target(%dma_start3A_179 : memref<128x128xf32, #tpu.memory_space<vmem>>) offsets(%dma_start3A_182 : memref<128xi32, #tpu.memory_space<vmem>>) semaphore(%arg10 : memref<!tpu.dma_semaphore, #tpu.memory_space<semaphore_mem>>)
      } else {
      }
      %dma_wait3A = arith.constant 0 : i32
      %dma_wait3A_133 = arith.constant 0 : i32
      %dma_wait3A_134 = arith.constant 0 : i32
      %dma_wait3A_135 = tpu.memref_slice %arg8[%dma_wait3A, %dma_wait3A_133, %dma_wait3A_134] : memref<2x128x128xf32, #tpu.memory_space<vmem>> -> memref<1x128x128xf32, #tpu.memory_space<vmem>>
      %dma_wait3A_136 = tpu.memref_squeeze %dma_wait3A_135 : memref<1x128x128xf32, #tpu.memory_space<vmem>> -> memref<128x128xf32, #tpu.memory_space<vmem>>
      %dma_wait3A_137 = arith.constant 0 : i32
      %dma_wait3A_138 = arith.constant 0 : i32
      %dma_wait3A_139 = tpu.memref_slice %arg2[%dma_wait3A_137, %dma_wait3A_138] : memref<10000x128xf32, #tpu.memory_space<hbm>> -> memref<128x128xf32, #tpu.memory_space<hbm>>
      %dma_wait3A_140 = arith.constant 0 : i32
      %dma_wait3A_141 = arith.constant 0 : i32
      %dma_wait3A_142 = tpu.memref_slice %arg8[%dma_wait3A, %dma_wait3A_140, %dma_wait3A_141] : memref<2x128x128xf32, #tpu.memory_space<vmem>> -> memref<1x128x128xf32, #tpu.memory_space<vmem>>
      %dma_wait3A_143 = tpu.memref_squeeze %dma_wait3A_142 : memref<1x128x128xf32, #tpu.memory_space<vmem>> -> memref<128x128xf32, #tpu.memory_space<vmem>>
      %dma_wait3A_144 = arith.constant 0 : i32
      %dma_wait3A_145 = arith.constant 0 : i32
      %dma_wait3A_146 = tpu.memref_slice %arg2[%dma_wait3A_144, %dma_wait3A_145] : memref<10000x128xf32, #tpu.memory_space<hbm>> -> memref<128x128xf32, #tpu.memory_space<hbm>>
      tpu.wait_dma2 semaphore(%arg10 : memref<!tpu.dma_semaphore, #tpu.memory_space<semaphore_mem>>) src(%dma_wait3A_146 : memref<128x128xf32, #tpu.memory_space<hbm>>) dst(%dma_wait3A_143 : memref<128x128xf32, #tpu.memory_space<vmem>>)
      %run_scoped3A_147 = arith.constant 0 : i32
      "tpu.region"() ({
        %run_scoped3A_173 = tpu.sem_alloc : memref<!tpu.dma_semaphore, #tpu.memory_space<semaphore_mem>>
        %dma_start3A_174 = arith.constant 0 : i32
        %dma_start3A_175 = arith.constant 0 : i32
        %dma_start3A_176 = tpu.memref_slice %arg8[%run_scoped3A_147, %dma_start3A_174, %dma_start3A_175] : memref<2x128x128xf32, #tpu.memory_space<vmem>> -> memref<1x128x128xf32, #tpu.memory_space<vmem>>
        %dma_start3A_177 = tpu.memref_squeeze %dma_start3A_176 : memref<1x128x128xf32, #tpu.memory_space<vmem>> -> memref<128x128xf32, #tpu.memory_space<vmem>>
        %dma_start3A_178 = arith.constant 0 : i32
        %dma_start3A_179 = tpu.memref_slice %arg7[%add3A_128, %dma_start3A_178] : memref<16x128xi32, #tpu.memory_space<vmem>> -> memref<1x128xi32, #tpu.memory_space<vmem>>
        %dma_start3A_180 = tpu.memref_squeeze %dma_start3A_179 : memref<1x128xi32, #tpu.memory_space<vmem>> -> memref<128xi32, #tpu.memory_space<vmem>>
        %dma_start3A_181 = arith.constant 0 : i32
        %dma_start3A_182 = arith.constant 0 : i32
        %dma_start3A_183 = tpu.memref_slice %arg9[%dma_start3A_181, %dma_start3A_182] : memref<10240x128xf32, #tpu.memory_space<vmem_shared>> -> memref<10240x128xf32, #tpu.memory_space<vmem_shared>>
        tpu.enqueue_indirect_dma source(%dma_start3A_177 : memref<128x128xf32, #tpu.memory_space<vmem>>) target(%dma_start3A_183 : memref<10240x128xf32, #tpu.memory_space<vmem_shared>>) offsets(%dma_start3A_180 : memref<128xi32, #tpu.memory_space<vmem>>) semaphore(%run_scoped3A_173 : memref<!tpu.dma_semaphore, #tpu.memory_space<semaphore_mem>>) {add = true}
        %dma_wait3A_184 = arith.constant 0 : i32
        %dma_wait3A_185 = arith.constant 0 : i32
        %dma_wait3A_186 = tpu.memref_slice %arg8[%run_scoped3A_147, %dma_wait3A_184, %dma_wait3A_185] : memref<2x128x128xf32, #tpu.memory_space<vmem>> -> memref<1x128x128xf32, #tpu.memory_space<vmem>>
        %dma_wait3A_187 = tpu.memref_squeeze %dma_wait3A_186 : memref<1x128x128xf32, #tpu.memory_space<vmem>> -> memref<128x128xf32, #tpu.memory_space<vmem>>
        %dma_wait3A_188 = arith.constant 0 : i32
        %dma_wait3A_189 = tpu.memref_slice %arg7[%add3A_128, %dma_wait3A_188] : memref<16x128xi32, #tpu.memory_space<vmem>> -> memref<1x128xi32, #tpu.memory_space<vmem>>
        %dma_wait3A_190 = tpu.memref_squeeze %dma_wait3A_189 : memref<1x128xi32, #tpu.memory_space<vmem>> -> memref<128xi32, #tpu.memory_space<vmem>>
        %dma_wait3A_191 = arith.constant 0 : i32
        %dma_wait3A_192 = arith.constant 0 : i32
        %dma_wait3A_193 = tpu.memref_slice %arg9[%dma_wait3A_191, %dma_wait3A_192] : memref<10240x128xf32, #tpu.memory_space<vmem_shared>> -> memref<10240x128xf32, #tpu.memory_space<vmem_shared>>
        tpu.wait_indirect_dma semaphore(%run_scoped3A_173 : memref<!tpu.dma_semaphore, #tpu.memory_space<semaphore_mem>>) src(%dma_wait3A_187 : memref<128x128xf32, #tpu.memory_space<vmem>>) dst(%dma_wait3A_193 : memref<10240x128xf32, #tpu.memory_space<vmem_shared>>)
        tpu.yield
      }) : () -> ()
      %add3A_148 = arith.constant 1 : i32
      %add3A_149 = arith.addi %mul3A_126, %add3A_148 : i32
      %add3A_150 = arith.constant 1 : i32
      %add3A_151 = arith.addi %add3A_149, %add3A_150 : i32
      %lt3A_152 = arith.constant 16 : i32
      %lt3A_153 = arith.cmpi slt, %add3A_151, %lt3A_152 : i32
      %convert_element_type3A_154 = arith.extui %lt3A_153 : i1 to i32
      %cond3A_155 = arith.constant 0 : i32
      %cond3A_156 = arith.cmpi ne, %convert_element_type3A_154, %cond3A_155 : i32
      scf.if %cond3A_156 {
        %add3A_173 = arith.constant 1 : i32
        %add3A_174 = arith.addi %add3A_149, %add3A_173 : i32
        %dma_start3A_175 = arith.constant 0 : i32
        %dma_start3A_176 = arith.constant 0 : i32
        %dma_start3A_177 = arith.constant 0 : i32
        %dma_start3A_178 = tpu.memref_slice %arg8[%dma_start3A_175, %dma_start3A_176, %dma_start3A_177] : memref<2x128x128xf32, #tpu.memory_space<vmem>> -> memref<1x128x128xf32, #tpu.memory_space<vmem>>
        %dma_start3A_179 = tpu.memref_squeeze %dma_start3A_178 : memref<1x128x128xf32, #tpu.memory_space<vmem>> -> memref<128x128xf32, #tpu.memory_space<vmem>>
        %dma_start3A_180 = arith.constant 0 : i32
        %dma_start3A_181 = tpu.memref_slice %arg6[%add3A_174, %dma_start3A_180] : memref<16x128xi32, #tpu.memory_space<vmem>> -> memref<1x128xi32, #tpu.memory_space<vmem>>
        %dma_start3A_182 = tpu.memref_squeeze %dma_start3A_181 : memref<1x128xi32, #tpu.memory_space<vmem>> -> memref<128xi32, #tpu.memory_space<vmem>>
        %dma_start3A_183 = arith.constant 0 : i32
        %dma_start3A_184 = arith.constant 0 : i32
        %dma_start3A_185 = tpu.memref_slice %arg2[%dma_start3A_183, %dma_start3A_184] : memref<10000x128xf32, #tpu.memory_space<hbm>> -> memref<10000x128xf32, #tpu.memory_space<hbm>>
        tpu.enqueue_indirect_dma source(%dma_start3A_185 : memref<10000x128xf32, #tpu.memory_space<hbm>>) target(%dma_start3A_179 : memref<128x128xf32, #tpu.memory_space<vmem>>) offsets(%dma_start3A_182 : memref<128xi32, #tpu.memory_space<vmem>>) semaphore(%arg10 : memref<!tpu.dma_semaphore, #tpu.memory_space<semaphore_mem>>)
      } else {
      }
      %dma_wait3A_157 = arith.constant 0 : i32
      %dma_wait3A_158 = arith.constant 0 : i32
      %dma_wait3A_159 = arith.constant 0 : i32
      %dma_wait3A_160 = tpu.memref_slice %arg8[%dma_wait3A_157, %dma_wait3A_158, %dma_wait3A_159] : memref<2x128x128xf32, #tpu.memory_space<vmem>> -> memref<1x128x128xf32, #tpu.memory_space<vmem>>
      %dma_wait3A_161 = tpu.memref_squeeze %dma_wait3A_160 : memref<1x128x128xf32, #tpu.memory_space<vmem>> -> memref<128x128xf32, #tpu.memory_space<vmem>>
      %dma_wait3A_162 = arith.constant 0 : i32
      %dma_wait3A_163 = arith.constant 0 : i32
      %dma_wait3A_164 = tpu.memref_slice %arg2[%dma_wait3A_162, %dma_wait3A_163] : memref<10000x128xf32, #tpu.memory_space<hbm>> -> memref<128x128xf32, #tpu.memory_space<hbm>>
      %dma_wait3A_165 = arith.constant 0 : i32
      %dma_wait3A_166 = arith.constant 0 : i32
      %dma_wait3A_167 = tpu.memref_slice %arg8[%dma_wait3A_157, %dma_wait3A_165, %dma_wait3A_166] : memref<2x128x128xf32, #tpu.memory_space<vmem>> -> memref<1x128x128xf32, #tpu.memory_space<vmem>>
      %dma_wait3A_168 = tpu.memref_squeeze %dma_wait3A_167 : memref<1x128x128xf32, #tpu.memory_space<vmem>> -> memref<128x128xf32, #tpu.memory_space<vmem>>
      %dma_wait3A_169 = arith.constant 0 : i32
      %dma_wait3A_170 = arith.constant 0 : i32
      %dma_wait3A_171 = tpu.memref_slice %arg2[%dma_wait3A_169, %dma_wait3A_170] : memref<10000x128xf32, #tpu.memory_space<hbm>> -> memref<128x128xf32, #tpu.memory_space<hbm>>
      tpu.wait_dma2 semaphore(%arg10 : memref<!tpu.dma_semaphore, #tpu.memory_space<semaphore_mem>>) src(%dma_wait3A_171 : memref<128x128xf32, #tpu.memory_space<hbm>>) dst(%dma_wait3A_168 : memref<128x128xf32, #tpu.memory_space<vmem>>)
      %run_scoped3A_172 = arith.constant 1 : i32
      "tpu.region"() ({
        %run_scoped3A_173 = tpu.sem_alloc : memref<!tpu.dma_semaphore, #tpu.memory_space<semaphore_mem>>
        %dma_start3A_174 = arith.constant 0 : i32
        %dma_start3A_175 = arith.constant 0 : i32
        %dma_start3A_176 = tpu.memref_slice %arg8[%run_scoped3A_172, %dma_start3A_174, %dma_start3A_175] : memref<2x128x128xf32, #tpu.memory_space<vmem>> -> memref<1x128x128xf32, #tpu.memory_space<vmem>>
        %dma_start3A_177 = tpu.memref_squeeze %dma_start3A_176 : memref<1x128x128xf32, #tpu.memory_space<vmem>> -> memref<128x128xf32, #tpu.memory_space<vmem>>
        %dma_start3A_178 = arith.constant 0 : i32
        %dma_start3A_179 = tpu.memref_slice %arg7[%add3A_149, %dma_start3A_178] : memref<16x128xi32, #tpu.memory_space<vmem>> -> memref<1x128xi32, #tpu.memory_space<vmem>>
        %dma_start3A_180 = tpu.memref_squeeze %dma_start3A_179 : memref<1x128xi32, #tpu.memory_space<vmem>> -> memref<128xi32, #tpu.memory_space<vmem>>
        %dma_start3A_181 = arith.constant 0 : i32
        %dma_start3A_182 = arith.constant 0 : i32
        %dma_start3A_183 = tpu.memref_slice %arg9[%dma_start3A_181, %dma_start3A_182] : memref<10240x128xf32, #tpu.memory_space<vmem_shared>> -> memref<10240x128xf32, #tpu.memory_space<vmem_shared>>
        tpu.enqueue_indirect_dma source(%dma_start3A_177 : memref<128x128xf32, #tpu.memory_space<vmem>>) target(%dma_start3A_183 : memref<10240x128xf32, #tpu.memory_space<vmem_shared>>) offsets(%dma_start3A_180 : memref<128xi32, #tpu.memory_space<vmem>>) semaphore(%run_scoped3A_173 : memref<!tpu.dma_semaphore, #tpu.memory_space<semaphore_mem>>) {add = true}
        %dma_wait3A_184 = arith.constant 0 : i32
        %dma_wait3A_185 = arith.constant 0 : i32
        %dma_wait3A_186 = tpu.memref_slice %arg8[%run_scoped3A_172, %dma_wait3A_184, %dma_wait3A_185] : memref<2x128x128xf32, #tpu.memory_space<vmem>> -> memref<1x128x128xf32, #tpu.memory_space<vmem>>
        %dma_wait3A_187 = tpu.memref_squeeze %dma_wait3A_186 : memref<1x128x128xf32, #tpu.memory_space<vmem>> -> memref<128x128xf32, #tpu.memory_space<vmem>>
        %dma_wait3A_188 = arith.constant 0 : i32
        %dma_wait3A_189 = tpu.memref_slice %arg7[%add3A_149, %dma_wait3A_188] : memref<16x128xi32, #tpu.memory_space<vmem>> -> memref<1x128xi32, #tpu.memory_space<vmem>>
        %dma_wait3A_190 = tpu.memref_squeeze %dma_wait3A_189 : memref<1x128xi32, #tpu.memory_space<vmem>> -> memref<128xi32, #tpu.memory_space<vmem>>
        %dma_wait3A_191 = arith.constant 0 : i32
        %dma_wait3A_192 = arith.constant 0 : i32
        %dma_wait3A_193 = tpu.memref_slice %arg9[%dma_wait3A_191, %dma_wait3A_192] : memref<10240x128xf32, #tpu.memory_space<vmem_shared>> -> memref<10240x128xf32, #tpu.memory_space<vmem_shared>>
        tpu.wait_indirect_dma semaphore(%run_scoped3A_173 : memref<!tpu.dma_semaphore, #tpu.memory_space<semaphore_mem>>) src(%dma_wait3A_187 : memref<128x128xf32, #tpu.memory_space<vmem>>) dst(%dma_wait3A_193 : memref<10240x128xf32, #tpu.memory_space<vmem_shared>>)
        tpu.yield
      }) : () -> ()
    }
    %scan3A_64 = arith.constant 8 : i32
    "tpu.region"() ({
      %run_scoped3A_124 = tpu.sem_alloc : memref<!tpu.dma_semaphore, #tpu.memory_space<semaphore_mem>>
      %dma_start3A_125 = arith.constant 32 : i32
      %dma_start3A_126 = arith.constant 0 : i32
      %dma_start3A_127 = tpu.memref_slice %arg3[%add3A, %dma_start3A_125, %dma_start3A_126] : memref<32x80x128xi32, #tpu.memory_space<hbm>> -> memref<1x16x128xi32, #tpu.memory_space<hbm>>
      %dma_start3A_128 = tpu.memref_squeeze %dma_start3A_127 : memref<1x16x128xi32, #tpu.memory_space<hbm>> -> memref<16x128xi32, #tpu.memory_space<hbm>>
      %dma_start3A_129 = arith.constant 32 : i32
      %dma_start3A_130 = arith.constant 0 : i32
      %dma_start3A_131 = tpu.memref_slice %arg3[%add3A, %dma_start3A_129, %dma_start3A_130] : memref<32x80x128xi32, #tpu.memory_space<hbm>> -> memref<1x16x128xi32, #tpu.memory_space<hbm>>
      %dma_start3A_132 = tpu.memref_squeeze %dma_start3A_131 : memref<1x16x128xi32, #tpu.memory_space<hbm>> -> memref<16x128xi32, #tpu.memory_space<hbm>>
      tpu.enqueue_dma source(%dma_start3A_132 : memref<16x128xi32, #tpu.memory_space<hbm>>) target(%arg6 : memref<16x128xi32, #tpu.memory_space<vmem>>) target_semaphore(%run_scoped3A_124 : memref<!tpu.dma_semaphore, #tpu.memory_space<semaphore_mem>>)
      %dma_wait3A = arith.constant 32 : i32
      %dma_wait3A_133 = arith.constant 0 : i32
      %dma_wait3A_134 = tpu.memref_slice %arg3[%add3A, %dma_wait3A, %dma_wait3A_133] : memref<32x80x128xi32, #tpu.memory_space<hbm>> -> memref<1x16x128xi32, #tpu.memory_space<hbm>>
      %dma_wait3A_135 = tpu.memref_squeeze %dma_wait3A_134 : memref<1x16x128xi32, #tpu.memory_space<hbm>> -> memref<16x128xi32, #tpu.memory_space<hbm>>
      %dma_wait3A_136 = arith.constant 32 : i32
      %dma_wait3A_137 = arith.constant 0 : i32
      %dma_wait3A_138 = tpu.memref_slice %arg3[%add3A, %dma_wait3A_136, %dma_wait3A_137] : memref<32x80x128xi32, #tpu.memory_space<hbm>> -> memref<1x16x128xi32, #tpu.memory_space<hbm>>
      %dma_wait3A_139 = tpu.memref_squeeze %dma_wait3A_138 : memref<1x16x128xi32, #tpu.memory_space<hbm>> -> memref<16x128xi32, #tpu.memory_space<hbm>>
      tpu.wait_dma2 semaphore(%run_scoped3A_124 : memref<!tpu.dma_semaphore, #tpu.memory_space<semaphore_mem>>) src(%dma_wait3A_139 : memref<16x128xi32, #tpu.memory_space<hbm>>) dst(%arg6 : memref<16x128xi32, #tpu.memory_space<vmem>>)
      tpu.yield
    }) : () -> ()
    "tpu.region"() ({
      %run_scoped3A_124 = tpu.sem_alloc : memref<!tpu.dma_semaphore, #tpu.memory_space<semaphore_mem>>
      %dma_start3A_125 = arith.constant 32 : i32
      %dma_start3A_126 = arith.constant 0 : i32
      %dma_start3A_127 = tpu.memref_slice %arg4[%add3A, %dma_start3A_125, %dma_start3A_126] : memref<32x80x128xi32, #tpu.memory_space<hbm>> -> memref<1x16x128xi32, #tpu.memory_space<hbm>>
      %dma_start3A_128 = tpu.memref_squeeze %dma_start3A_127 : memref<1x16x128xi32, #tpu.memory_space<hbm>> -> memref<16x128xi32, #tpu.memory_space<hbm>>
      %dma_start3A_129 = arith.constant 32 : i32
      %dma_start3A_130 = arith.constant 0 : i32
      %dma_start3A_131 = tpu.memref_slice %arg4[%add3A, %dma_start3A_129, %dma_start3A_130] : memref<32x80x128xi32, #tpu.memory_space<hbm>> -> memref<1x16x128xi32, #tpu.memory_space<hbm>>
      %dma_start3A_132 = tpu.memref_squeeze %dma_start3A_131 : memref<1x16x128xi32, #tpu.memory_space<hbm>> -> memref<16x128xi32, #tpu.memory_space<hbm>>
      tpu.enqueue_dma source(%dma_start3A_132 : memref<16x128xi32, #tpu.memory_space<hbm>>) target(%arg7 : memref<16x128xi32, #tpu.memory_space<vmem>>) target_semaphore(%run_scoped3A_124 : memref<!tpu.dma_semaphore, #tpu.memory_space<semaphore_mem>>)
      %dma_wait3A = arith.constant 32 : i32
      %dma_wait3A_133 = arith.constant 0 : i32
      %dma_wait3A_134 = tpu.memref_slice %arg4[%add3A, %dma_wait3A, %dma_wait3A_133] : memref<32x80x128xi32, #tpu.memory_space<hbm>> -> memref<1x16x128xi32, #tpu.memory_space<hbm>>
      %dma_wait3A_135 = tpu.memref_squeeze %dma_wait3A_134 : memref<1x16x128xi32, #tpu.memory_space<hbm>> -> memref<16x128xi32, #tpu.memory_space<hbm>>
      %dma_wait3A_136 = arith.constant 32 : i32
      %dma_wait3A_137 = arith.constant 0 : i32
      %dma_wait3A_138 = tpu.memref_slice %arg4[%add3A, %dma_wait3A_136, %dma_wait3A_137] : memref<32x80x128xi32, #tpu.memory_space<hbm>> -> memref<1x16x128xi32, #tpu.memory_space<hbm>>
      %dma_wait3A_139 = tpu.memref_squeeze %dma_wait3A_138 : memref<1x16x128xi32, #tpu.memory_space<hbm>> -> memref<16x128xi32, #tpu.memory_space<hbm>>
      tpu.wait_dma2 semaphore(%run_scoped3A_124 : memref<!tpu.dma_semaphore, #tpu.memory_space<semaphore_mem>>) src(%dma_wait3A_139 : memref<16x128xi32, #tpu.memory_space<hbm>>) dst(%arg7 : memref<16x128xi32, #tpu.memory_space<vmem>>)
      tpu.yield
    }) : () -> ()
    %dma_start3A_65 = arith.constant 0 : i32
    %dma_start3A_66 = arith.constant 0 : i32
    %dma_start3A_67 = arith.constant 0 : i32
    %dma_start3A_68 = arith.constant 0 : i32
    %dma_start3A_69 = tpu.memref_slice %arg8[%dma_start3A_66, %dma_start3A_67, %dma_start3A_68] : memref<2x128x128xf32, #tpu.memory_space<vmem>> -> memref<1x128x128xf32, #tpu.memory_space<vmem>>
    %dma_start3A_70 = tpu.memref_squeeze %dma_start3A_69 : memref<1x128x128xf32, #tpu.memory_space<vmem>> -> memref<128x128xf32, #tpu.memory_space<vmem>>
    %dma_start3A_71 = arith.constant 0 : i32
    %dma_start3A_72 = tpu.memref_slice %arg6[%dma_start3A_65, %dma_start3A_71] : memref<16x128xi32, #tpu.memory_space<vmem>> -> memref<1x128xi32, #tpu.memory_space<vmem>>
    %dma_start3A_73 = tpu.memref_squeeze %dma_start3A_72 : memref<1x128xi32, #tpu.memory_space<vmem>> -> memref<128xi32, #tpu.memory_space<vmem>>
    %dma_start3A_74 = arith.constant 0 : i32
    %dma_start3A_75 = arith.constant 0 : i32
    %dma_start3A_76 = tpu.memref_slice %arg2[%dma_start3A_74, %dma_start3A_75] : memref<10000x128xf32, #tpu.memory_space<hbm>> -> memref<10000x128xf32, #tpu.memory_space<hbm>>
    tpu.enqueue_indirect_dma source(%dma_start3A_76 : memref<10000x128xf32, #tpu.memory_space<hbm>>) target(%dma_start3A_70 : memref<128x128xf32, #tpu.memory_space<vmem>>) offsets(%dma_start3A_73 : memref<128xi32, #tpu.memory_space<vmem>>) semaphore(%arg10 : memref<!tpu.dma_semaphore, #tpu.memory_space<semaphore_mem>>)
    %scan3A_77 = arith.constant 0 : i32
    %scan3A_78 = arith.constant 0 : i32
    %scan3A_79 = arith.constant 8 : i32
    %scan3A_80 = arith.addi %scan3A_78, %scan3A_79 : i32
    %scan3A_81 = arith.constant 1 : i32
    scf.for %scan3A_124 = %scan3A_78 to %scan3A_80 step %scan3A_81  : i32 {
      %mul3A_125 = arith.constant 2 : i32
      %mul3A_126 = arith.muli %scan3A_124, %mul3A_125 : i32
      %add3A_127 = arith.constant 0 : i32
      %add3A_128 = arith.addi %mul3A_126, %add3A_127 : i32
      %add3A_129 = arith.constant 1 : i32
      %add3A_130 = arith.addi %add3A_128, %add3A_129 : i32
      %lt3A = arith.constant 16 : i32
      %lt3A_131 = arith.cmpi slt, %add3A_130, %lt3A : i32
      %convert_element_type3A = arith.extui %lt3A_131 : i1 to i32
      %cond3A = arith.constant 0 : i32
      %cond3A_132 = arith.cmpi ne, %convert_element_type3A, %cond3A : i32
      scf.if %cond3A_132 {
        %add3A_173 = arith.constant 1 : i32
        %add3A_174 = arith.addi %add3A_128, %add3A_173 : i32
        %dma_start3A_175 = arith.constant 1 : i32
        %dma_start3A_176 = arith.constant 0 : i32
        %dma_start3A_177 = arith.constant 0 : i32
        %dma_start3A_178 = tpu.memref_slice %arg8[%dma_start3A_175, %dma_start3A_176, %dma_start3A_177] : memref<2x128x128xf32, #tpu.memory_space<vmem>> -> memref<1x128x128xf32, #tpu.memory_space<vmem>>
        %dma_start3A_179 = tpu.memref_squeeze %dma_start3A_178 : memref<1x128x128xf32, #tpu.memory_space<vmem>> -> memref<128x128xf32, #tpu.memory_space<vmem>>
        %dma_start3A_180 = arith.constant 0 : i32
        %dma_start3A_181 = tpu.memref_slice %arg6[%add3A_174, %dma_start3A_180] : memref<16x128xi32, #tpu.memory_space<vmem>> -> memref<1x128xi32, #tpu.memory_space<vmem>>
        %dma_start3A_182 = tpu.memref_squeeze %dma_start3A_181 : memref<1x128xi32, #tpu.memory_space<vmem>> -> memref<128xi32, #tpu.memory_space<vmem>>
        %dma_start3A_183 = arith.constant 0 : i32
        %dma_start3A_184 = arith.constant 0 : i32
        %dma_start3A_185 = tpu.memref_slice %arg2[%dma_start3A_183, %dma_start3A_184] : memref<10000x128xf32, #tpu.memory_space<hbm>> -> memref<10000x128xf32, #tpu.memory_space<hbm>>
        tpu.enqueue_indirect_dma source(%dma_start3A_185 : memref<10000x128xf32, #tpu.memory_space<hbm>>) target(%dma_start3A_179 : memref<128x128xf32, #tpu.memory_space<vmem>>) offsets(%dma_start3A_182 : memref<128xi32, #tpu.memory_space<vmem>>) semaphore(%arg10 : memref<!tpu.dma_semaphore, #tpu.memory_space<semaphore_mem>>)
      } else {
      }
      %dma_wait3A = arith.constant 0 : i32
      %dma_wait3A_133 = arith.constant 0 : i32
      %dma_wait3A_134 = arith.constant 0 : i32
      %dma_wait3A_135 = tpu.memref_slice %arg8[%dma_wait3A, %dma_wait3A_133, %dma_wait3A_134] : memref<2x128x128xf32, #tpu.memory_space<vmem>> -> memref<1x128x128xf32, #tpu.memory_space<vmem>>
      %dma_wait3A_136 = tpu.memref_squeeze %dma_wait3A_135 : memref<1x128x128xf32, #tpu.memory_space<vmem>> -> memref<128x128xf32, #tpu.memory_space<vmem>>
      %dma_wait3A_137 = arith.constant 0 : i32
      %dma_wait3A_138 = arith.constant 0 : i32
      %dma_wait3A_139 = tpu.memref_slice %arg2[%dma_wait3A_137, %dma_wait3A_138] : memref<10000x128xf32, #tpu.memory_space<hbm>> -> memref<128x128xf32, #tpu.memory_space<hbm>>
      %dma_wait3A_140 = arith.constant 0 : i32
      %dma_wait3A_141 = arith.constant 0 : i32
      %dma_wait3A_142 = tpu.memref_slice %arg8[%dma_wait3A, %dma_wait3A_140, %dma_wait3A_141] : memref<2x128x128xf32, #tpu.memory_space<vmem>> -> memref<1x128x128xf32, #tpu.memory_space<vmem>>
      %dma_wait3A_143 = tpu.memref_squeeze %dma_wait3A_142 : memref<1x128x128xf32, #tpu.memory_space<vmem>> -> memref<128x128xf32, #tpu.memory_space<vmem>>
      %dma_wait3A_144 = arith.constant 0 : i32
      %dma_wait3A_145 = arith.constant 0 : i32
      %dma_wait3A_146 = tpu.memref_slice %arg2[%dma_wait3A_144, %dma_wait3A_145] : memref<10000x128xf32, #tpu.memory_space<hbm>> -> memref<128x128xf32, #tpu.memory_space<hbm>>
      tpu.wait_dma2 semaphore(%arg10 : memref<!tpu.dma_semaphore, #tpu.memory_space<semaphore_mem>>) src(%dma_wait3A_146 : memref<128x128xf32, #tpu.memory_space<hbm>>) dst(%dma_wait3A_143 : memref<128x128xf32, #tpu.memory_space<vmem>>)
      %run_scoped3A_147 = arith.constant 0 : i32
      "tpu.region"() ({
        %run_scoped3A_173 = tpu.sem_alloc : memref<!tpu.dma_semaphore, #tpu.memory_space<semaphore_mem>>
        %dma_start3A_174 = arith.constant 0 : i32
        %dma_start3A_175 = arith.constant 0 : i32
        %dma_start3A_176 = tpu.memref_slice %arg8[%run_scoped3A_147, %dma_start3A_174, %dma_start3A_175] : memref<2x128x128xf32, #tpu.memory_space<vmem>> -> memref<1x128x128xf32, #tpu.memory_space<vmem>>
        %dma_start3A_177 = tpu.memref_squeeze %dma_start3A_176 : memref<1x128x128xf32, #tpu.memory_space<vmem>> -> memref<128x128xf32, #tpu.memory_space<vmem>>
        %dma_start3A_178 = arith.constant 0 : i32
        %dma_start3A_179 = tpu.memref_slice %arg7[%add3A_128, %dma_start3A_178] : memref<16x128xi32, #tpu.memory_space<vmem>> -> memref<1x128xi32, #tpu.memory_space<vmem>>
        %dma_start3A_180 = tpu.memref_squeeze %dma_start3A_179 : memref<1x128xi32, #tpu.memory_space<vmem>> -> memref<128xi32, #tpu.memory_space<vmem>>
        %dma_start3A_181 = arith.constant 0 : i32
        %dma_start3A_182 = arith.constant 0 : i32
        %dma_start3A_183 = tpu.memref_slice %arg9[%dma_start3A_181, %dma_start3A_182] : memref<10240x128xf32, #tpu.memory_space<vmem_shared>> -> memref<10240x128xf32, #tpu.memory_space<vmem_shared>>
        tpu.enqueue_indirect_dma source(%dma_start3A_177 : memref<128x128xf32, #tpu.memory_space<vmem>>) target(%dma_start3A_183 : memref<10240x128xf32, #tpu.memory_space<vmem_shared>>) offsets(%dma_start3A_180 : memref<128xi32, #tpu.memory_space<vmem>>) semaphore(%run_scoped3A_173 : memref<!tpu.dma_semaphore, #tpu.memory_space<semaphore_mem>>) {add = true}
        %dma_wait3A_184 = arith.constant 0 : i32
        %dma_wait3A_185 = arith.constant 0 : i32
        %dma_wait3A_186 = tpu.memref_slice %arg8[%run_scoped3A_147, %dma_wait3A_184, %dma_wait3A_185] : memref<2x128x128xf32, #tpu.memory_space<vmem>> -> memref<1x128x128xf32, #tpu.memory_space<vmem>>
        %dma_wait3A_187 = tpu.memref_squeeze %dma_wait3A_186 : memref<1x128x128xf32, #tpu.memory_space<vmem>> -> memref<128x128xf32, #tpu.memory_space<vmem>>
        %dma_wait3A_188 = arith.constant 0 : i32
        %dma_wait3A_189 = tpu.memref_slice %arg7[%add3A_128, %dma_wait3A_188] : memref<16x128xi32, #tpu.memory_space<vmem>> -> memref<1x128xi32, #tpu.memory_space<vmem>>
        %dma_wait3A_190 = tpu.memref_squeeze %dma_wait3A_189 : memref<1x128xi32, #tpu.memory_space<vmem>> -> memref<128xi32, #tpu.memory_space<vmem>>
        %dma_wait3A_191 = arith.constant 0 : i32
        %dma_wait3A_192 = arith.constant 0 : i32
        %dma_wait3A_193 = tpu.memref_slice %arg9[%dma_wait3A_191, %dma_wait3A_192] : memref<10240x128xf32, #tpu.memory_space<vmem_shared>> -> memref<10240x128xf32, #tpu.memory_space<vmem_shared>>
        tpu.wait_indirect_dma semaphore(%run_scoped3A_173 : memref<!tpu.dma_semaphore, #tpu.memory_space<semaphore_mem>>) src(%dma_wait3A_187 : memref<128x128xf32, #tpu.memory_space<vmem>>) dst(%dma_wait3A_193 : memref<10240x128xf32, #tpu.memory_space<vmem_shared>>)
        tpu.yield
      }) : () -> ()
      %add3A_148 = arith.constant 1 : i32
      %add3A_149 = arith.addi %mul3A_126, %add3A_148 : i32
      %add3A_150 = arith.constant 1 : i32
      %add3A_151 = arith.addi %add3A_149, %add3A_150 : i32
      %lt3A_152 = arith.constant 16 : i32
      %lt3A_153 = arith.cmpi slt, %add3A_151, %lt3A_152 : i32
      %convert_element_type3A_154 = arith.extui %lt3A_153 : i1 to i32
      %cond3A_155 = arith.constant 0 : i32
      %cond3A_156 = arith.cmpi ne, %convert_element_type3A_154, %cond3A_155 : i32
      scf.if %cond3A_156 {
        %add3A_173 = arith.constant 1 : i32
        %add3A_174 = arith.addi %add3A_149, %add3A_173 : i32
        %dma_start3A_175 = arith.constant 0 : i32
        %dma_start3A_176 = arith.constant 0 : i32
        %dma_start3A_177 = arith.constant 0 : i32
        %dma_start3A_178 = tpu.memref_slice %arg8[%dma_start3A_175, %dma_start3A_176, %dma_start3A_177] : memref<2x128x128xf32, #tpu.memory_space<vmem>> -> memref<1x128x128xf32, #tpu.memory_space<vmem>>
        %dma_start3A_179 = tpu.memref_squeeze %dma_start3A_178 : memref<1x128x128xf32, #tpu.memory_space<vmem>> -> memref<128x128xf32, #tpu.memory_space<vmem>>
        %dma_start3A_180 = arith.constant 0 : i32
        %dma_start3A_181 = tpu.memref_slice %arg6[%add3A_174, %dma_start3A_180] : memref<16x128xi32, #tpu.memory_space<vmem>> -> memref<1x128xi32, #tpu.memory_space<vmem>>
        %dma_start3A_182 = tpu.memref_squeeze %dma_start3A_181 : memref<1x128xi32, #tpu.memory_space<vmem>> -> memref<128xi32, #tpu.memory_space<vmem>>
        %dma_start3A_183 = arith.constant 0 : i32
        %dma_start3A_184 = arith.constant 0 : i32
        %dma_start3A_185 = tpu.memref_slice %arg2[%dma_start3A_183, %dma_start3A_184] : memref<10000x128xf32, #tpu.memory_space<hbm>> -> memref<10000x128xf32, #tpu.memory_space<hbm>>
        tpu.enqueue_indirect_dma source(%dma_start3A_185 : memref<10000x128xf32, #tpu.memory_space<hbm>>) target(%dma_start3A_179 : memref<128x128xf32, #tpu.memory_space<vmem>>) offsets(%dma_start3A_182 : memref<128xi32, #tpu.memory_space<vmem>>) semaphore(%arg10 : memref<!tpu.dma_semaphore, #tpu.memory_space<semaphore_mem>>)
      } else {
      }
      %dma_wait3A_157 = arith.constant 0 : i32
      %dma_wait3A_158 = arith.constant 0 : i32
      %dma_wait3A_159 = arith.constant 0 : i32
      %dma_wait3A_160 = tpu.memref_slice %arg8[%dma_wait3A_157, %dma_wait3A_158, %dma_wait3A_159] : memref<2x128x128xf32, #tpu.memory_space<vmem>> -> memref<1x128x128xf32, #tpu.memory_space<vmem>>
      %dma_wait3A_161 = tpu.memref_squeeze %dma_wait3A_160 : memref<1x128x128xf32, #tpu.memory_space<vmem>> -> memref<128x128xf32, #tpu.memory_space<vmem>>
      %dma_wait3A_162 = arith.constant 0 : i32
      %dma_wait3A_163 = arith.constant 0 : i32
      %dma_wait3A_164 = tpu.memref_slice %arg2[%dma_wait3A_162, %dma_wait3A_163] : memref<10000x128xf32, #tpu.memory_space<hbm>> -> memref<128x128xf32, #tpu.memory_space<hbm>>
      %dma_wait3A_165 = arith.constant 0 : i32
      %dma_wait3A_166 = arith.constant 0 : i32
      %dma_wait3A_167 = tpu.memref_slice %arg8[%dma_wait3A_157, %dma_wait3A_165, %dma_wait3A_166] : memref<2x128x128xf32, #tpu.memory_space<vmem>> -> memref<1x128x128xf32, #tpu.memory_space<vmem>>
      %dma_wait3A_168 = tpu.memref_squeeze %dma_wait3A_167 : memref<1x128x128xf32, #tpu.memory_space<vmem>> -> memref<128x128xf32, #tpu.memory_space<vmem>>
      %dma_wait3A_169 = arith.constant 0 : i32
      %dma_wait3A_170 = arith.constant 0 : i32
      %dma_wait3A_171 = tpu.memref_slice %arg2[%dma_wait3A_169, %dma_wait3A_170] : memref<10000x128xf32, #tpu.memory_space<hbm>> -> memref<128x128xf32, #tpu.memory_space<hbm>>
      tpu.wait_dma2 semaphore(%arg10 : memref<!tpu.dma_semaphore, #tpu.memory_space<semaphore_mem>>) src(%dma_wait3A_171 : memref<128x128xf32, #tpu.memory_space<hbm>>) dst(%dma_wait3A_168 : memref<128x128xf32, #tpu.memory_space<vmem>>)
      %run_scoped3A_172 = arith.constant 1 : i32
      "tpu.region"() ({
        %run_scoped3A_173 = tpu.sem_alloc : memref<!tpu.dma_semaphore, #tpu.memory_space<semaphore_mem>>
        %dma_start3A_174 = arith.constant 0 : i32
        %dma_start3A_175 = arith.constant 0 : i32
        %dma_start3A_176 = tpu.memref_slice %arg8[%run_scoped3A_172, %dma_start3A_174, %dma_start3A_175] : memref<2x128x128xf32, #tpu.memory_space<vmem>> -> memref<1x128x128xf32, #tpu.memory_space<vmem>>
        %dma_start3A_177 = tpu.memref_squeeze %dma_start3A_176 : memref<1x128x128xf32, #tpu.memory_space<vmem>> -> memref<128x128xf32, #tpu.memory_space<vmem>>
        %dma_start3A_178 = arith.constant 0 : i32
        %dma_start3A_179 = tpu.memref_slice %arg7[%add3A_149, %dma_start3A_178] : memref<16x128xi32, #tpu.memory_space<vmem>> -> memref<1x128xi32, #tpu.memory_space<vmem>>
        %dma_start3A_180 = tpu.memref_squeeze %dma_start3A_179 : memref<1x128xi32, #tpu.memory_space<vmem>> -> memref<128xi32, #tpu.memory_space<vmem>>
        %dma_start3A_181 = arith.constant 0 : i32
        %dma_start3A_182 = arith.constant 0 : i32
        %dma_start3A_183 = tpu.memref_slice %arg9[%dma_start3A_181, %dma_start3A_182] : memref<10240x128xf32, #tpu.memory_space<vmem_shared>> -> memref<10240x128xf32, #tpu.memory_space<vmem_shared>>
        tpu.enqueue_indirect_dma source(%dma_start3A_177 : memref<128x128xf32, #tpu.memory_space<vmem>>) target(%dma_start3A_183 : memref<10240x128xf32, #tpu.memory_space<vmem_shared>>) offsets(%dma_start3A_180 : memref<128xi32, #tpu.memory_space<vmem>>) semaphore(%run_scoped3A_173 : memref<!tpu.dma_semaphore, #tpu.memory_space<semaphore_mem>>) {add = true}
        %dma_wait3A_184 = arith.constant 0 : i32
        %dma_wait3A_185 = arith.constant 0 : i32
        %dma_wait3A_186 = tpu.memref_slice %arg8[%run_scoped3A_172, %dma_wait3A_184, %dma_wait3A_185] : memref<2x128x128xf32, #tpu.memory_space<vmem>> -> memref<1x128x128xf32, #tpu.memory_space<vmem>>
        %dma_wait3A_187 = tpu.memref_squeeze %dma_wait3A_186 : memref<1x128x128xf32, #tpu.memory_space<vmem>> -> memref<128x128xf32, #tpu.memory_space<vmem>>
        %dma_wait3A_188 = arith.constant 0 : i32
        %dma_wait3A_189 = tpu.memref_slice %arg7[%add3A_149, %dma_wait3A_188] : memref<16x128xi32, #tpu.memory_space<vmem>> -> memref<1x128xi32, #tpu.memory_space<vmem>>
        %dma_wait3A_190 = tpu.memref_squeeze %dma_wait3A_189 : memref<1x128xi32, #tpu.memory_space<vmem>> -> memref<128xi32, #tpu.memory_space<vmem>>
        %dma_wait3A_191 = arith.constant 0 : i32
        %dma_wait3A_192 = arith.constant 0 : i32
        %dma_wait3A_193 = tpu.memref_slice %arg9[%dma_wait3A_191, %dma_wait3A_192] : memref<10240x128xf32, #tpu.memory_space<vmem_shared>> -> memref<10240x128xf32, #tpu.memory_space<vmem_shared>>
        tpu.wait_indirect_dma semaphore(%run_scoped3A_173 : memref<!tpu.dma_semaphore, #tpu.memory_space<semaphore_mem>>) src(%dma_wait3A_187 : memref<128x128xf32, #tpu.memory_space<vmem>>) dst(%dma_wait3A_193 : memref<10240x128xf32, #tpu.memory_space<vmem_shared>>)
        tpu.yield
      }) : () -> ()
    }
    %scan3A_82 = arith.constant 8 : i32
    "tpu.region"() ({
      %run_scoped3A_124 = tpu.sem_alloc : memref<!tpu.dma_semaphore, #tpu.memory_space<semaphore_mem>>
      %dma_start3A_125 = arith.constant 48 : i32
      %dma_start3A_126 = arith.constant 0 : i32
      %dma_start3A_127 = tpu.memref_slice %arg3[%add3A, %dma_start3A_125, %dma_start3A_126] : memref<32x80x128xi32, #tpu.memory_space<hbm>> -> memref<1x16x128xi32, #tpu.memory_space<hbm>>
      %dma_start3A_128 = tpu.memref_squeeze %dma_start3A_127 : memref<1x16x128xi32, #tpu.memory_space<hbm>> -> memref<16x128xi32, #tpu.memory_space<hbm>>
      %dma_start3A_129 = arith.constant 48 : i32
      %dma_start3A_130 = arith.constant 0 : i32
      %dma_start3A_131 = tpu.memref_slice %arg3[%add3A, %dma_start3A_129, %dma_start3A_130] : memref<32x80x128xi32, #tpu.memory_space<hbm>> -> memref<1x16x128xi32, #tpu.memory_space<hbm>>
      %dma_start3A_132 = tpu.memref_squeeze %dma_start3A_131 : memref<1x16x128xi32, #tpu.memory_space<hbm>> -> memref<16x128xi32, #tpu.memory_space<hbm>>
      tpu.enqueue_dma source(%dma_start3A_132 : memref<16x128xi32, #tpu.memory_space<hbm>>) target(%arg6 : memref<16x128xi32, #tpu.memory_space<vmem>>) target_semaphore(%run_scoped3A_124 : memref<!tpu.dma_semaphore, #tpu.memory_space<semaphore_mem>>)
      %dma_wait3A = arith.constant 48 : i32
      %dma_wait3A_133 = arith.constant 0 : i32
      %dma_wait3A_134 = tpu.memref_slice %arg3[%add3A, %dma_wait3A, %dma_wait3A_133] : memref<32x80x128xi32, #tpu.memory_space<hbm>> -> memref<1x16x128xi32, #tpu.memory_space<hbm>>
      %dma_wait3A_135 = tpu.memref_squeeze %dma_wait3A_134 : memref<1x16x128xi32, #tpu.memory_space<hbm>> -> memref<16x128xi32, #tpu.memory_space<hbm>>
      %dma_wait3A_136 = arith.constant 48 : i32
      %dma_wait3A_137 = arith.constant 0 : i32
      %dma_wait3A_138 = tpu.memref_slice %arg3[%add3A, %dma_wait3A_136, %dma_wait3A_137] : memref<32x80x128xi32, #tpu.memory_space<hbm>> -> memref<1x16x128xi32, #tpu.memory_space<hbm>>
      %dma_wait3A_139 = tpu.memref_squeeze %dma_wait3A_138 : memref<1x16x128xi32, #tpu.memory_space<hbm>> -> memref<16x128xi32, #tpu.memory_space<hbm>>
      tpu.wait_dma2 semaphore(%run_scoped3A_124 : memref<!tpu.dma_semaphore, #tpu.memory_space<semaphore_mem>>) src(%dma_wait3A_139 : memref<16x128xi32, #tpu.memory_space<hbm>>) dst(%arg6 : memref<16x128xi32, #tpu.memory_space<vmem>>)
      tpu.yield
    }) : () -> ()
    "tpu.region"() ({
      %run_scoped3A_124 = tpu.sem_alloc : memref<!tpu.dma_semaphore, #tpu.memory_space<semaphore_mem>>
      %dma_start3A_125 = arith.constant 48 : i32
      %dma_start3A_126 = arith.constant 0 : i32
      %dma_start3A_127 = tpu.memref_slice %arg4[%add3A, %dma_start3A_125, %dma_start3A_126] : memref<32x80x128xi32, #tpu.memory_space<hbm>> -> memref<1x16x128xi32, #tpu.memory_space<hbm>>
      %dma_start3A_128 = tpu.memref_squeeze %dma_start3A_127 : memref<1x16x128xi32, #tpu.memory_space<hbm>> -> memref<16x128xi32, #tpu.memory_space<hbm>>
      %dma_start3A_129 = arith.constant 48 : i32
      %dma_start3A_130 = arith.constant 0 : i32
      %dma_start3A_131 = tpu.memref_slice %arg4[%add3A, %dma_start3A_129, %dma_start3A_130] : memref<32x80x128xi32, #tpu.memory_space<hbm>> -> memref<1x16x128xi32, #tpu.memory_space<hbm>>
      %dma_start3A_132 = tpu.memref_squeeze %dma_start3A_131 : memref<1x16x128xi32, #tpu.memory_space<hbm>> -> memref<16x128xi32, #tpu.memory_space<hbm>>
      tpu.enqueue_dma source(%dma_start3A_132 : memref<16x128xi32, #tpu.memory_space<hbm>>) target(%arg7 : memref<16x128xi32, #tpu.memory_space<vmem>>) target_semaphore(%run_scoped3A_124 : memref<!tpu.dma_semaphore, #tpu.memory_space<semaphore_mem>>)
      %dma_wait3A = arith.constant 48 : i32
      %dma_wait3A_133 = arith.constant 0 : i32
      %dma_wait3A_134 = tpu.memref_slice %arg4[%add3A, %dma_wait3A, %dma_wait3A_133] : memref<32x80x128xi32, #tpu.memory_space<hbm>> -> memref<1x16x128xi32, #tpu.memory_space<hbm>>
      %dma_wait3A_135 = tpu.memref_squeeze %dma_wait3A_134 : memref<1x16x128xi32, #tpu.memory_space<hbm>> -> memref<16x128xi32, #tpu.memory_space<hbm>>
      %dma_wait3A_136 = arith.constant 48 : i32
      %dma_wait3A_137 = arith.constant 0 : i32
      %dma_wait3A_138 = tpu.memref_slice %arg4[%add3A, %dma_wait3A_136, %dma_wait3A_137] : memref<32x80x128xi32, #tpu.memory_space<hbm>> -> memref<1x16x128xi32, #tpu.memory_space<hbm>>
      %dma_wait3A_139 = tpu.memref_squeeze %dma_wait3A_138 : memref<1x16x128xi32, #tpu.memory_space<hbm>> -> memref<16x128xi32, #tpu.memory_space<hbm>>
      tpu.wait_dma2 semaphore(%run_scoped3A_124 : memref<!tpu.dma_semaphore, #tpu.memory_space<semaphore_mem>>) src(%dma_wait3A_139 : memref<16x128xi32, #tpu.memory_space<hbm>>) dst(%arg7 : memref<16x128xi32, #tpu.memory_space<vmem>>)
      tpu.yield
    }) : () -> ()
    %dma_start3A_83 = arith.constant 0 : i32
    %dma_start3A_84 = arith.constant 0 : i32
    %dma_start3A_85 = arith.constant 0 : i32
    %dma_start3A_86 = arith.constant 0 : i32
    %dma_start3A_87 = tpu.memref_slice %arg8[%dma_start3A_84, %dma_start3A_85, %dma_start3A_86] : memref<2x128x128xf32, #tpu.memory_space<vmem>> -> memref<1x128x128xf32, #tpu.memory_space<vmem>>
    %dma_start3A_88 = tpu.memref_squeeze %dma_start3A_87 : memref<1x128x128xf32, #tpu.memory_space<vmem>> -> memref<128x128xf32, #tpu.memory_space<vmem>>
    %dma_start3A_89 = arith.constant 0 : i32
    %dma_start3A_90 = tpu.memref_slice %arg6[%dma_start3A_83, %dma_start3A_89] : memref<16x128xi32, #tpu.memory_space<vmem>> -> memref<1x128xi32, #tpu.memory_space<vmem>>
    %dma_start3A_91 = tpu.memref_squeeze %dma_start3A_90 : memref<1x128xi32, #tpu.memory_space<vmem>> -> memref<128xi32, #tpu.memory_space<vmem>>
    %dma_start3A_92 = arith.constant 0 : i32
    %dma_start3A_93 = arith.constant 0 : i32
    %dma_start3A_94 = tpu.memref_slice %arg2[%dma_start3A_92, %dma_start3A_93] : memref<10000x128xf32, #tpu.memory_space<hbm>> -> memref<10000x128xf32, #tpu.memory_space<hbm>>
    tpu.enqueue_indirect_dma source(%dma_start3A_94 : memref<10000x128xf32, #tpu.memory_space<hbm>>) target(%dma_start3A_88 : memref<128x128xf32, #tpu.memory_space<vmem>>) offsets(%dma_start3A_91 : memref<128xi32, #tpu.memory_space<vmem>>) semaphore(%arg10 : memref<!tpu.dma_semaphore, #tpu.memory_space<semaphore_mem>>)
    %scan3A_95 = arith.constant 0 : i32
    %scan3A_96 = arith.constant 0 : i32
    %scan3A_97 = arith.constant 8 : i32
    %scan3A_98 = arith.addi %scan3A_96, %scan3A_97 : i32
    %scan3A_99 = arith.constant 1 : i32
    scf.for %scan3A_124 = %scan3A_96 to %scan3A_98 step %scan3A_99  : i32 {
      %mul3A_125 = arith.constant 2 : i32
      %mul3A_126 = arith.muli %scan3A_124, %mul3A_125 : i32
      %add3A_127 = arith.constant 0 : i32
      %add3A_128 = arith.addi %mul3A_126, %add3A_127 : i32
      %add3A_129 = arith.constant 1 : i32
      %add3A_130 = arith.addi %add3A_128, %add3A_129 : i32
      %lt3A = arith.constant 16 : i32
      %lt3A_131 = arith.cmpi slt, %add3A_130, %lt3A : i32
      %convert_element_type3A = arith.extui %lt3A_131 : i1 to i32
      %cond3A = arith.constant 0 : i32
      %cond3A_132 = arith.cmpi ne, %convert_element_type3A, %cond3A : i32
      scf.if %cond3A_132 {
        %add3A_173 = arith.constant 1 : i32
        %add3A_174 = arith.addi %add3A_128, %add3A_173 : i32
        %dma_start3A_175 = arith.constant 1 : i32
        %dma_start3A_176 = arith.constant 0 : i32
        %dma_start3A_177 = arith.constant 0 : i32
        %dma_start3A_178 = tpu.memref_slice %arg8[%dma_start3A_175, %dma_start3A_176, %dma_start3A_177] : memref<2x128x128xf32, #tpu.memory_space<vmem>> -> memref<1x128x128xf32, #tpu.memory_space<vmem>>
        %dma_start3A_179 = tpu.memref_squeeze %dma_start3A_178 : memref<1x128x128xf32, #tpu.memory_space<vmem>> -> memref<128x128xf32, #tpu.memory_space<vmem>>
        %dma_start3A_180 = arith.constant 0 : i32
        %dma_start3A_181 = tpu.memref_slice %arg6[%add3A_174, %dma_start3A_180] : memref<16x128xi32, #tpu.memory_space<vmem>> -> memref<1x128xi32, #tpu.memory_space<vmem>>
        %dma_start3A_182 = tpu.memref_squeeze %dma_start3A_181 : memref<1x128xi32, #tpu.memory_space<vmem>> -> memref<128xi32, #tpu.memory_space<vmem>>
        %dma_start3A_183 = arith.constant 0 : i32
        %dma_start3A_184 = arith.constant 0 : i32
        %dma_start3A_185 = tpu.memref_slice %arg2[%dma_start3A_183, %dma_start3A_184] : memref<10000x128xf32, #tpu.memory_space<hbm>> -> memref<10000x128xf32, #tpu.memory_space<hbm>>
        tpu.enqueue_indirect_dma source(%dma_start3A_185 : memref<10000x128xf32, #tpu.memory_space<hbm>>) target(%dma_start3A_179 : memref<128x128xf32, #tpu.memory_space<vmem>>) offsets(%dma_start3A_182 : memref<128xi32, #tpu.memory_space<vmem>>) semaphore(%arg10 : memref<!tpu.dma_semaphore, #tpu.memory_space<semaphore_mem>>)
      } else {
      }
      %dma_wait3A = arith.constant 0 : i32
      %dma_wait3A_133 = arith.constant 0 : i32
      %dma_wait3A_134 = arith.constant 0 : i32
      %dma_wait3A_135 = tpu.memref_slice %arg8[%dma_wait3A, %dma_wait3A_133, %dma_wait3A_134] : memref<2x128x128xf32, #tpu.memory_space<vmem>> -> memref<1x128x128xf32, #tpu.memory_space<vmem>>
      %dma_wait3A_136 = tpu.memref_squeeze %dma_wait3A_135 : memref<1x128x128xf32, #tpu.memory_space<vmem>> -> memref<128x128xf32, #tpu.memory_space<vmem>>
      %dma_wait3A_137 = arith.constant 0 : i32
      %dma_wait3A_138 = arith.constant 0 : i32
      %dma_wait3A_139 = tpu.memref_slice %arg2[%dma_wait3A_137, %dma_wait3A_138] : memref<10000x128xf32, #tpu.memory_space<hbm>> -> memref<128x128xf32, #tpu.memory_space<hbm>>
      %dma_wait3A_140 = arith.constant 0 : i32
      %dma_wait3A_141 = arith.constant 0 : i32
      %dma_wait3A_142 = tpu.memref_slice %arg8[%dma_wait3A, %dma_wait3A_140, %dma_wait3A_141] : memref<2x128x128xf32, #tpu.memory_space<vmem>> -> memref<1x128x128xf32, #tpu.memory_space<vmem>>
      %dma_wait3A_143 = tpu.memref_squeeze %dma_wait3A_142 : memref<1x128x128xf32, #tpu.memory_space<vmem>> -> memref<128x128xf32, #tpu.memory_space<vmem>>
      %dma_wait3A_144 = arith.constant 0 : i32
      %dma_wait3A_145 = arith.constant 0 : i32
      %dma_wait3A_146 = tpu.memref_slice %arg2[%dma_wait3A_144, %dma_wait3A_145] : memref<10000x128xf32, #tpu.memory_space<hbm>> -> memref<128x128xf32, #tpu.memory_space<hbm>>
      tpu.wait_dma2 semaphore(%arg10 : memref<!tpu.dma_semaphore, #tpu.memory_space<semaphore_mem>>) src(%dma_wait3A_146 : memref<128x128xf32, #tpu.memory_space<hbm>>) dst(%dma_wait3A_143 : memref<128x128xf32, #tpu.memory_space<vmem>>)
      %run_scoped3A_147 = arith.constant 0 : i32
      "tpu.region"() ({
        %run_scoped3A_173 = tpu.sem_alloc : memref<!tpu.dma_semaphore, #tpu.memory_space<semaphore_mem>>
        %dma_start3A_174 = arith.constant 0 : i32
        %dma_start3A_175 = arith.constant 0 : i32
        %dma_start3A_176 = tpu.memref_slice %arg8[%run_scoped3A_147, %dma_start3A_174, %dma_start3A_175] : memref<2x128x128xf32, #tpu.memory_space<vmem>> -> memref<1x128x128xf32, #tpu.memory_space<vmem>>
        %dma_start3A_177 = tpu.memref_squeeze %dma_start3A_176 : memref<1x128x128xf32, #tpu.memory_space<vmem>> -> memref<128x128xf32, #tpu.memory_space<vmem>>
        %dma_start3A_178 = arith.constant 0 : i32
        %dma_start3A_179 = tpu.memref_slice %arg7[%add3A_128, %dma_start3A_178] : memref<16x128xi32, #tpu.memory_space<vmem>> -> memref<1x128xi32, #tpu.memory_space<vmem>>
        %dma_start3A_180 = tpu.memref_squeeze %dma_start3A_179 : memref<1x128xi32, #tpu.memory_space<vmem>> -> memref<128xi32, #tpu.memory_space<vmem>>
        %dma_start3A_181 = arith.constant 0 : i32
        %dma_start3A_182 = arith.constant 0 : i32
        %dma_start3A_183 = tpu.memref_slice %arg9[%dma_start3A_181, %dma_start3A_182] : memref<10240x128xf32, #tpu.memory_space<vmem_shared>> -> memref<10240x128xf32, #tpu.memory_space<vmem_shared>>
        tpu.enqueue_indirect_dma source(%dma_start3A_177 : memref<128x128xf32, #tpu.memory_space<vmem>>) target(%dma_start3A_183 : memref<10240x128xf32, #tpu.memory_space<vmem_shared>>) offsets(%dma_start3A_180 : memref<128xi32, #tpu.memory_space<vmem>>) semaphore(%run_scoped3A_173 : memref<!tpu.dma_semaphore, #tpu.memory_space<semaphore_mem>>) {add = true}
        %dma_wait3A_184 = arith.constant 0 : i32
        %dma_wait3A_185 = arith.constant 0 : i32
        %dma_wait3A_186 = tpu.memref_slice %arg8[%run_scoped3A_147, %dma_wait3A_184, %dma_wait3A_185] : memref<2x128x128xf32, #tpu.memory_space<vmem>> -> memref<1x128x128xf32, #tpu.memory_space<vmem>>
        %dma_wait3A_187 = tpu.memref_squeeze %dma_wait3A_186 : memref<1x128x128xf32, #tpu.memory_space<vmem>> -> memref<128x128xf32, #tpu.memory_space<vmem>>
        %dma_wait3A_188 = arith.constant 0 : i32
        %dma_wait3A_189 = tpu.memref_slice %arg7[%add3A_128, %dma_wait3A_188] : memref<16x128xi32, #tpu.memory_space<vmem>> -> memref<1x128xi32, #tpu.memory_space<vmem>>
        %dma_wait3A_190 = tpu.memref_squeeze %dma_wait3A_189 : memref<1x128xi32, #tpu.memory_space<vmem>> -> memref<128xi32, #tpu.memory_space<vmem>>
        %dma_wait3A_191 = arith.constant 0 : i32
        %dma_wait3A_192 = arith.constant 0 : i32
        %dma_wait3A_193 = tpu.memref_slice %arg9[%dma_wait3A_191, %dma_wait3A_192] : memref<10240x128xf32, #tpu.memory_space<vmem_shared>> -> memref<10240x128xf32, #tpu.memory_space<vmem_shared>>
        tpu.wait_indirect_dma semaphore(%run_scoped3A_173 : memref<!tpu.dma_semaphore, #tpu.memory_space<semaphore_mem>>) src(%dma_wait3A_187 : memref<128x128xf32, #tpu.memory_space<vmem>>) dst(%dma_wait3A_193 : memref<10240x128xf32, #tpu.memory_space<vmem_shared>>)
        tpu.yield
      }) : () -> ()
      %add3A_148 = arith.constant 1 : i32
      %add3A_149 = arith.addi %mul3A_126, %add3A_148 : i32
      %add3A_150 = arith.constant 1 : i32
      %add3A_151 = arith.addi %add3A_149, %add3A_150 : i32
      %lt3A_152 = arith.constant 16 : i32
      %lt3A_153 = arith.cmpi slt, %add3A_151, %lt3A_152 : i32
      %convert_element_type3A_154 = arith.extui %lt3A_153 : i1 to i32
      %cond3A_155 = arith.constant 0 : i32
      %cond3A_156 = arith.cmpi ne, %convert_element_type3A_154, %cond3A_155 : i32
      scf.if %cond3A_156 {
        %add3A_173 = arith.constant 1 : i32
        %add3A_174 = arith.addi %add3A_149, %add3A_173 : i32
        %dma_start3A_175 = arith.constant 0 : i32
        %dma_start3A_176 = arith.constant 0 : i32
        %dma_start3A_177 = arith.constant 0 : i32
        %dma_start3A_178 = tpu.memref_slice %arg8[%dma_start3A_175, %dma_start3A_176, %dma_start3A_177] : memref<2x128x128xf32, #tpu.memory_space<vmem>> -> memref<1x128x128xf32, #tpu.memory_space<vmem>>
        %dma_start3A_179 = tpu.memref_squeeze %dma_start3A_178 : memref<1x128x128xf32, #tpu.memory_space<vmem>> -> memref<128x128xf32, #tpu.memory_space<vmem>>
        %dma_start3A_180 = arith.constant 0 : i32
        %dma_start3A_181 = tpu.memref_slice %arg6[%add3A_174, %dma_start3A_180] : memref<16x128xi32, #tpu.memory_space<vmem>> -> memref<1x128xi32, #tpu.memory_space<vmem>>
        %dma_start3A_182 = tpu.memref_squeeze %dma_start3A_181 : memref<1x128xi32, #tpu.memory_space<vmem>> -> memref<128xi32, #tpu.memory_space<vmem>>
        %dma_start3A_183 = arith.constant 0 : i32
        %dma_start3A_184 = arith.constant 0 : i32
        %dma_start3A_185 = tpu.memref_slice %arg2[%dma_start3A_183, %dma_start3A_184] : memref<10000x128xf32, #tpu.memory_space<hbm>> -> memref<10000x128xf32, #tpu.memory_space<hbm>>
        tpu.enqueue_indirect_dma source(%dma_start3A_185 : memref<10000x128xf32, #tpu.memory_space<hbm>>) target(%dma_start3A_179 : memref<128x128xf32, #tpu.memory_space<vmem>>) offsets(%dma_start3A_182 : memref<128xi32, #tpu.memory_space<vmem>>) semaphore(%arg10 : memref<!tpu.dma_semaphore, #tpu.memory_space<semaphore_mem>>)
      } else {
      }
      %dma_wait3A_157 = arith.constant 0 : i32
      %dma_wait3A_158 = arith.constant 0 : i32
      %dma_wait3A_159 = arith.constant 0 : i32
      %dma_wait3A_160 = tpu.memref_slice %arg8[%dma_wait3A_157, %dma_wait3A_158, %dma_wait3A_159] : memref<2x128x128xf32, #tpu.memory_space<vmem>> -> memref<1x128x128xf32, #tpu.memory_space<vmem>>
      %dma_wait3A_161 = tpu.memref_squeeze %dma_wait3A_160 : memref<1x128x128xf32, #tpu.memory_space<vmem>> -> memref<128x128xf32, #tpu.memory_space<vmem>>
      %dma_wait3A_162 = arith.constant 0 : i32
      %dma_wait3A_163 = arith.constant 0 : i32
      %dma_wait3A_164 = tpu.memref_slice %arg2[%dma_wait3A_162, %dma_wait3A_163] : memref<10000x128xf32, #tpu.memory_space<hbm>> -> memref<128x128xf32, #tpu.memory_space<hbm>>
      %dma_wait3A_165 = arith.constant 0 : i32
      %dma_wait3A_166 = arith.constant 0 : i32
      %dma_wait3A_167 = tpu.memref_slice %arg8[%dma_wait3A_157, %dma_wait3A_165, %dma_wait3A_166] : memref<2x128x128xf32, #tpu.memory_space<vmem>> -> memref<1x128x128xf32, #tpu.memory_space<vmem>>
      %dma_wait3A_168 = tpu.memref_squeeze %dma_wait3A_167 : memref<1x128x128xf32, #tpu.memory_space<vmem>> -> memref<128x128xf32, #tpu.memory_space<vmem>>
      %dma_wait3A_169 = arith.constant 0 : i32
      %dma_wait3A_170 = arith.constant 0 : i32
      %dma_wait3A_171 = tpu.memref_slice %arg2[%dma_wait3A_169, %dma_wait3A_170] : memref<10000x128xf32, #tpu.memory_space<hbm>> -> memref<128x128xf32, #tpu.memory_space<hbm>>
      tpu.wait_dma2 semaphore(%arg10 : memref<!tpu.dma_semaphore, #tpu.memory_space<semaphore_mem>>) src(%dma_wait3A_171 : memref<128x128xf32, #tpu.memory_space<hbm>>) dst(%dma_wait3A_168 : memref<128x128xf32, #tpu.memory_space<vmem>>)
      %run_scoped3A_172 = arith.constant 1 : i32
      "tpu.region"() ({
        %run_scoped3A_173 = tpu.sem_alloc : memref<!tpu.dma_semaphore, #tpu.memory_space<semaphore_mem>>
        %dma_start3A_174 = arith.constant 0 : i32
        %dma_start3A_175 = arith.constant 0 : i32
        %dma_start3A_176 = tpu.memref_slice %arg8[%run_scoped3A_172, %dma_start3A_174, %dma_start3A_175] : memref<2x128x128xf32, #tpu.memory_space<vmem>> -> memref<1x128x128xf32, #tpu.memory_space<vmem>>
        %dma_start3A_177 = tpu.memref_squeeze %dma_start3A_176 : memref<1x128x128xf32, #tpu.memory_space<vmem>> -> memref<128x128xf32, #tpu.memory_space<vmem>>
        %dma_start3A_178 = arith.constant 0 : i32
        %dma_start3A_179 = tpu.memref_slice %arg7[%add3A_149, %dma_start3A_178] : memref<16x128xi32, #tpu.memory_space<vmem>> -> memref<1x128xi32, #tpu.memory_space<vmem>>
        %dma_start3A_180 = tpu.memref_squeeze %dma_start3A_179 : memref<1x128xi32, #tpu.memory_space<vmem>> -> memref<128xi32, #tpu.memory_space<vmem>>
        %dma_start3A_181 = arith.constant 0 : i32
        %dma_start3A_182 = arith.constant 0 : i32
        %dma_start3A_183 = tpu.memref_slice %arg9[%dma_start3A_181, %dma_start3A_182] : memref<10240x128xf32, #tpu.memory_space<vmem_shared>> -> memref<10240x128xf32, #tpu.memory_space<vmem_shared>>
        tpu.enqueue_indirect_dma source(%dma_start3A_177 : memref<128x128xf32, #tpu.memory_space<vmem>>) target(%dma_start3A_183 : memref<10240x128xf32, #tpu.memory_space<vmem_shared>>) offsets(%dma_start3A_180 : memref<128xi32, #tpu.memory_space<vmem>>) semaphore(%run_scoped3A_173 : memref<!tpu.dma_semaphore, #tpu.memory_space<semaphore_mem>>) {add = true}
        %dma_wait3A_184 = arith.constant 0 : i32
        %dma_wait3A_185 = arith.constant 0 : i32
        %dma_wait3A_186 = tpu.memref_slice %arg8[%run_scoped3A_172, %dma_wait3A_184, %dma_wait3A_185] : memref<2x128x128xf32, #tpu.memory_space<vmem>> -> memref<1x128x128xf32, #tpu.memory_space<vmem>>
        %dma_wait3A_187 = tpu.memref_squeeze %dma_wait3A_186 : memref<1x128x128xf32, #tpu.memory_space<vmem>> -> memref<128x128xf32, #tpu.memory_space<vmem>>
        %dma_wait3A_188 = arith.constant 0 : i32
        %dma_wait3A_189 = tpu.memref_slice %arg7[%add3A_149, %dma_wait3A_188] : memref<16x128xi32, #tpu.memory_space<vmem>> -> memref<1x128xi32, #tpu.memory_space<vmem>>
        %dma_wait3A_190 = tpu.memref_squeeze %dma_wait3A_189 : memref<1x128xi32, #tpu.memory_space<vmem>> -> memref<128xi32, #tpu.memory_space<vmem>>
        %dma_wait3A_191 = arith.constant 0 : i32
        %dma_wait3A_192 = arith.constant 0 : i32
        %dma_wait3A_193 = tpu.memref_slice %arg9[%dma_wait3A_191, %dma_wait3A_192] : memref<10240x128xf32, #tpu.memory_space<vmem_shared>> -> memref<10240x128xf32, #tpu.memory_space<vmem_shared>>
        tpu.wait_indirect_dma semaphore(%run_scoped3A_173 : memref<!tpu.dma_semaphore, #tpu.memory_space<semaphore_mem>>) src(%dma_wait3A_187 : memref<128x128xf32, #tpu.memory_space<vmem>>) dst(%dma_wait3A_193 : memref<10240x128xf32, #tpu.memory_space<vmem_shared>>)
        tpu.yield
      }) : () -> ()
    }
    %scan3A_100 = arith.constant 8 : i32
    "tpu.region"() ({
      %run_scoped3A_124 = tpu.sem_alloc : memref<!tpu.dma_semaphore, #tpu.memory_space<semaphore_mem>>
      %dma_start3A_125 = arith.constant 64 : i32
      %dma_start3A_126 = arith.constant 0 : i32
      %dma_start3A_127 = tpu.memref_slice %arg3[%add3A, %dma_start3A_125, %dma_start3A_126] : memref<32x80x128xi32, #tpu.memory_space<hbm>> -> memref<1x16x128xi32, #tpu.memory_space<hbm>>
      %dma_start3A_128 = tpu.memref_squeeze %dma_start3A_127 : memref<1x16x128xi32, #tpu.memory_space<hbm>> -> memref<16x128xi32, #tpu.memory_space<hbm>>
      %dma_start3A_129 = arith.constant 64 : i32
      %dma_start3A_130 = arith.constant 0 : i32
      %dma_start3A_131 = tpu.memref_slice %arg3[%add3A, %dma_start3A_129, %dma_start3A_130] : memref<32x80x128xi32, #tpu.memory_space<hbm>> -> memref<1x16x128xi32, #tpu.memory_space<hbm>>
      %dma_start3A_132 = tpu.memref_squeeze %dma_start3A_131 : memref<1x16x128xi32, #tpu.memory_space<hbm>> -> memref<16x128xi32, #tpu.memory_space<hbm>>
      tpu.enqueue_dma source(%dma_start3A_132 : memref<16x128xi32, #tpu.memory_space<hbm>>) target(%arg6 : memref<16x128xi32, #tpu.memory_space<vmem>>) target_semaphore(%run_scoped3A_124 : memref<!tpu.dma_semaphore, #tpu.memory_space<semaphore_mem>>)
      %dma_wait3A = arith.constant 64 : i32
      %dma_wait3A_133 = arith.constant 0 : i32
      %dma_wait3A_134 = tpu.memref_slice %arg3[%add3A, %dma_wait3A, %dma_wait3A_133] : memref<32x80x128xi32, #tpu.memory_space<hbm>> -> memref<1x16x128xi32, #tpu.memory_space<hbm>>
      %dma_wait3A_135 = tpu.memref_squeeze %dma_wait3A_134 : memref<1x16x128xi32, #tpu.memory_space<hbm>> -> memref<16x128xi32, #tpu.memory_space<hbm>>
      %dma_wait3A_136 = arith.constant 64 : i32
      %dma_wait3A_137 = arith.constant 0 : i32
      %dma_wait3A_138 = tpu.memref_slice %arg3[%add3A, %dma_wait3A_136, %dma_wait3A_137] : memref<32x80x128xi32, #tpu.memory_space<hbm>> -> memref<1x16x128xi32, #tpu.memory_space<hbm>>
      %dma_wait3A_139 = tpu.memref_squeeze %dma_wait3A_138 : memref<1x16x128xi32, #tpu.memory_space<hbm>> -> memref<16x128xi32, #tpu.memory_space<hbm>>
      tpu.wait_dma2 semaphore(%run_scoped3A_124 : memref<!tpu.dma_semaphore, #tpu.memory_space<semaphore_mem>>) src(%dma_wait3A_139 : memref<16x128xi32, #tpu.memory_space<hbm>>) dst(%arg6 : memref<16x128xi32, #tpu.memory_space<vmem>>)
      tpu.yield
    }) : () -> ()
    "tpu.region"() ({
      %run_scoped3A_124 = tpu.sem_alloc : memref<!tpu.dma_semaphore, #tpu.memory_space<semaphore_mem>>
      %dma_start3A_125 = arith.constant 64 : i32
      %dma_start3A_126 = arith.constant 0 : i32
      %dma_start3A_127 = tpu.memref_slice %arg4[%add3A, %dma_start3A_125, %dma_start3A_126] : memref<32x80x128xi32, #tpu.memory_space<hbm>> -> memref<1x16x128xi32, #tpu.memory_space<hbm>>
      %dma_start3A_128 = tpu.memref_squeeze %dma_start3A_127 : memref<1x16x128xi32, #tpu.memory_space<hbm>> -> memref<16x128xi32, #tpu.memory_space<hbm>>
      %dma_start3A_129 = arith.constant 64 : i32
      %dma_start3A_130 = arith.constant 0 : i32
      %dma_start3A_131 = tpu.memref_slice %arg4[%add3A, %dma_start3A_129, %dma_start3A_130] : memref<32x80x128xi32, #tpu.memory_space<hbm>> -> memref<1x16x128xi32, #tpu.memory_space<hbm>>
      %dma_start3A_132 = tpu.memref_squeeze %dma_start3A_131 : memref<1x16x128xi32, #tpu.memory_space<hbm>> -> memref<16x128xi32, #tpu.memory_space<hbm>>
      tpu.enqueue_dma source(%dma_start3A_132 : memref<16x128xi32, #tpu.memory_space<hbm>>) target(%arg7 : memref<16x128xi32, #tpu.memory_space<vmem>>) target_semaphore(%run_scoped3A_124 : memref<!tpu.dma_semaphore, #tpu.memory_space<semaphore_mem>>)
      %dma_wait3A = arith.constant 64 : i32
      %dma_wait3A_133 = arith.constant 0 : i32
      %dma_wait3A_134 = tpu.memref_slice %arg4[%add3A, %dma_wait3A, %dma_wait3A_133] : memref<32x80x128xi32, #tpu.memory_space<hbm>> -> memref<1x16x128xi32, #tpu.memory_space<hbm>>
      %dma_wait3A_135 = tpu.memref_squeeze %dma_wait3A_134 : memref<1x16x128xi32, #tpu.memory_space<hbm>> -> memref<16x128xi32, #tpu.memory_space<hbm>>
      %dma_wait3A_136 = arith.constant 64 : i32
      %dma_wait3A_137 = arith.constant 0 : i32
      %dma_wait3A_138 = tpu.memref_slice %arg4[%add3A, %dma_wait3A_136, %dma_wait3A_137] : memref<32x80x128xi32, #tpu.memory_space<hbm>> -> memref<1x16x128xi32, #tpu.memory_space<hbm>>
      %dma_wait3A_139 = tpu.memref_squeeze %dma_wait3A_138 : memref<1x16x128xi32, #tpu.memory_space<hbm>> -> memref<16x128xi32, #tpu.memory_space<hbm>>
      tpu.wait_dma2 semaphore(%run_scoped3A_124 : memref<!tpu.dma_semaphore, #tpu.memory_space<semaphore_mem>>) src(%dma_wait3A_139 : memref<16x128xi32, #tpu.memory_space<hbm>>) dst(%arg7 : memref<16x128xi32, #tpu.memory_space<vmem>>)
      tpu.yield
    }) : () -> ()
    %dma_start3A_101 = arith.constant 0 : i32
    %dma_start3A_102 = arith.constant 0 : i32
    %dma_start3A_103 = arith.constant 0 : i32
    %dma_start3A_104 = arith.constant 0 : i32
    %dma_start3A_105 = tpu.memref_slice %arg8[%dma_start3A_102, %dma_start3A_103, %dma_start3A_104] : memref<2x128x128xf32, #tpu.memory_space<vmem>> -> memref<1x128x128xf32, #tpu.memory_space<vmem>>
    %dma_start3A_106 = tpu.memref_squeeze %dma_start3A_105 : memref<1x128x128xf32, #tpu.memory_space<vmem>> -> memref<128x128xf32, #tpu.memory_space<vmem>>
    %dma_start3A_107 = arith.constant 0 : i32
    %dma_start3A_108 = tpu.memref_slice %arg6[%dma_start3A_101, %dma_start3A_107] : memref<16x128xi32, #tpu.memory_space<vmem>> -> memref<1x128xi32, #tpu.memory_space<vmem>>
    %dma_start3A_109 = tpu.memref_squeeze %dma_start3A_108 : memref<1x128xi32, #tpu.memory_space<vmem>> -> memref<128xi32, #tpu.memory_space<vmem>>
    %dma_start3A_110 = arith.constant 0 : i32
    %dma_start3A_111 = arith.constant 0 : i32
    %dma_start3A_112 = tpu.memref_slice %arg2[%dma_start3A_110, %dma_start3A_111] : memref<10000x128xf32, #tpu.memory_space<hbm>> -> memref<10000x128xf32, #tpu.memory_space<hbm>>
    tpu.enqueue_indirect_dma source(%dma_start3A_112 : memref<10000x128xf32, #tpu.memory_space<hbm>>) target(%dma_start3A_106 : memref<128x128xf32, #tpu.memory_space<vmem>>) offsets(%dma_start3A_109 : memref<128xi32, #tpu.memory_space<vmem>>) semaphore(%arg10 : memref<!tpu.dma_semaphore, #tpu.memory_space<semaphore_mem>>)
    %scan3A_113 = arith.constant 0 : i32
    %scan3A_114 = arith.constant 0 : i32
    %scan3A_115 = arith.constant 8 : i32
    %scan3A_116 = arith.addi %scan3A_114, %scan3A_115 : i32
    %scan3A_117 = arith.constant 1 : i32
    scf.for %scan3A_124 = %scan3A_114 to %scan3A_116 step %scan3A_117  : i32 {
      %mul3A_125 = arith.constant 2 : i32
      %mul3A_126 = arith.muli %scan3A_124, %mul3A_125 : i32
      %add3A_127 = arith.constant 0 : i32
      %add3A_128 = arith.addi %mul3A_126, %add3A_127 : i32
      %add3A_129 = arith.constant 1 : i32
      %add3A_130 = arith.addi %add3A_128, %add3A_129 : i32
      %lt3A = arith.constant 16 : i32
      %lt3A_131 = arith.cmpi slt, %add3A_130, %lt3A : i32
      %convert_element_type3A = arith.extui %lt3A_131 : i1 to i32
      %cond3A = arith.constant 0 : i32
      %cond3A_132 = arith.cmpi ne, %convert_element_type3A, %cond3A : i32
      scf.if %cond3A_132 {
        %add3A_173 = arith.constant 1 : i32
        %add3A_174 = arith.addi %add3A_128, %add3A_173 : i32
        %dma_start3A_175 = arith.constant 1 : i32
        %dma_start3A_176 = arith.constant 0 : i32
        %dma_start3A_177 = arith.constant 0 : i32
        %dma_start3A_178 = tpu.memref_slice %arg8[%dma_start3A_175, %dma_start3A_176, %dma_start3A_177] : memref<2x128x128xf32, #tpu.memory_space<vmem>> -> memref<1x128x128xf32, #tpu.memory_space<vmem>>
        %dma_start3A_179 = tpu.memref_squeeze %dma_start3A_178 : memref<1x128x128xf32, #tpu.memory_space<vmem>> -> memref<128x128xf32, #tpu.memory_space<vmem>>
        %dma_start3A_180 = arith.constant 0 : i32
        %dma_start3A_181 = tpu.memref_slice %arg6[%add3A_174, %dma_start3A_180] : memref<16x128xi32, #tpu.memory_space<vmem>> -> memref<1x128xi32, #tpu.memory_space<vmem>>
        %dma_start3A_182 = tpu.memref_squeeze %dma_start3A_181 : memref<1x128xi32, #tpu.memory_space<vmem>> -> memref<128xi32, #tpu.memory_space<vmem>>
        %dma_start3A_183 = arith.constant 0 : i32
        %dma_start3A_184 = arith.constant 0 : i32
        %dma_start3A_185 = tpu.memref_slice %arg2[%dma_start3A_183, %dma_start3A_184] : memref<10000x128xf32, #tpu.memory_space<hbm>> -> memref<10000x128xf32, #tpu.memory_space<hbm>>
        tpu.enqueue_indirect_dma source(%dma_start3A_185 : memref<10000x128xf32, #tpu.memory_space<hbm>>) target(%dma_start3A_179 : memref<128x128xf32, #tpu.memory_space<vmem>>) offsets(%dma_start3A_182 : memref<128xi32, #tpu.memory_space<vmem>>) semaphore(%arg10 : memref<!tpu.dma_semaphore, #tpu.memory_space<semaphore_mem>>)
      } else {
      }
      %dma_wait3A = arith.constant 0 : i32
      %dma_wait3A_133 = arith.constant 0 : i32
      %dma_wait3A_134 = arith.constant 0 : i32
      %dma_wait3A_135 = tpu.memref_slice %arg8[%dma_wait3A, %dma_wait3A_133, %dma_wait3A_134] : memref<2x128x128xf32, #tpu.memory_space<vmem>> -> memref<1x128x128xf32, #tpu.memory_space<vmem>>
      %dma_wait3A_136 = tpu.memref_squeeze %dma_wait3A_135 : memref<1x128x128xf32, #tpu.memory_space<vmem>> -> memref<128x128xf32, #tpu.memory_space<vmem>>
      %dma_wait3A_137 = arith.constant 0 : i32
      %dma_wait3A_138 = arith.constant 0 : i32
      %dma_wait3A_139 = tpu.memref_slice %arg2[%dma_wait3A_137, %dma_wait3A_138] : memref<10000x128xf32, #tpu.memory_space<hbm>> -> memref<128x128xf32, #tpu.memory_space<hbm>>
      %dma_wait3A_140 = arith.constant 0 : i32
      %dma_wait3A_141 = arith.constant 0 : i32
      %dma_wait3A_142 = tpu.memref_slice %arg8[%dma_wait3A, %dma_wait3A_140, %dma_wait3A_141] : memref<2x128x128xf32, #tpu.memory_space<vmem>> -> memref<1x128x128xf32, #tpu.memory_space<vmem>>
      %dma_wait3A_143 = tpu.memref_squeeze %dma_wait3A_142 : memref<1x128x128xf32, #tpu.memory_space<vmem>> -> memref<128x128xf32, #tpu.memory_space<vmem>>
      %dma_wait3A_144 = arith.constant 0 : i32
      %dma_wait3A_145 = arith.constant 0 : i32
      %dma_wait3A_146 = tpu.memref_slice %arg2[%dma_wait3A_144, %dma_wait3A_145] : memref<10000x128xf32, #tpu.memory_space<hbm>> -> memref<128x128xf32, #tpu.memory_space<hbm>>
      tpu.wait_dma2 semaphore(%arg10 : memref<!tpu.dma_semaphore, #tpu.memory_space<semaphore_mem>>) src(%dma_wait3A_146 : memref<128x128xf32, #tpu.memory_space<hbm>>) dst(%dma_wait3A_143 : memref<128x128xf32, #tpu.memory_space<vmem>>)
      %run_scoped3A_147 = arith.constant 0 : i32
      "tpu.region"() ({
        %run_scoped3A_173 = tpu.sem_alloc : memref<!tpu.dma_semaphore, #tpu.memory_space<semaphore_mem>>
        %dma_start3A_174 = arith.constant 0 : i32
        %dma_start3A_175 = arith.constant 0 : i32
        %dma_start3A_176 = tpu.memref_slice %arg8[%run_scoped3A_147, %dma_start3A_174, %dma_start3A_175] : memref<2x128x128xf32, #tpu.memory_space<vmem>> -> memref<1x128x128xf32, #tpu.memory_space<vmem>>
        %dma_start3A_177 = tpu.memref_squeeze %dma_start3A_176 : memref<1x128x128xf32, #tpu.memory_space<vmem>> -> memref<128x128xf32, #tpu.memory_space<vmem>>
        %dma_start3A_178 = arith.constant 0 : i32
        %dma_start3A_179 = tpu.memref_slice %arg7[%add3A_128, %dma_start3A_178] : memref<16x128xi32, #tpu.memory_space<vmem>> -> memref<1x128xi32, #tpu.memory_space<vmem>>
        %dma_start3A_180 = tpu.memref_squeeze %dma_start3A_179 : memref<1x128xi32, #tpu.memory_space<vmem>> -> memref<128xi32, #tpu.memory_space<vmem>>
        %dma_start3A_181 = arith.constant 0 : i32
        %dma_start3A_182 = arith.constant 0 : i32
        %dma_start3A_183 = tpu.memref_slice %arg9[%dma_start3A_181, %dma_start3A_182] : memref<10240x128xf32, #tpu.memory_space<vmem_shared>> -> memref<10240x128xf32, #tpu.memory_space<vmem_shared>>
        tpu.enqueue_indirect_dma source(%dma_start3A_177 : memref<128x128xf32, #tpu.memory_space<vmem>>) target(%dma_start3A_183 : memref<10240x128xf32, #tpu.memory_space<vmem_shared>>) offsets(%dma_start3A_180 : memref<128xi32, #tpu.memory_space<vmem>>) semaphore(%run_scoped3A_173 : memref<!tpu.dma_semaphore, #tpu.memory_space<semaphore_mem>>) {add = true}
        %dma_wait3A_184 = arith.constant 0 : i32
        %dma_wait3A_185 = arith.constant 0 : i32
        %dma_wait3A_186 = tpu.memref_slice %arg8[%run_scoped3A_147, %dma_wait3A_184, %dma_wait3A_185] : memref<2x128x128xf32, #tpu.memory_space<vmem>> -> memref<1x128x128xf32, #tpu.memory_space<vmem>>
        %dma_wait3A_187 = tpu.memref_squeeze %dma_wait3A_186 : memref<1x128x128xf32, #tpu.memory_space<vmem>> -> memref<128x128xf32, #tpu.memory_space<vmem>>
        %dma_wait3A_188 = arith.constant 0 : i32
        %dma_wait3A_189 = tpu.memref_slice %arg7[%add3A_128, %dma_wait3A_188] : memref<16x128xi32, #tpu.memory_space<vmem>> -> memref<1x128xi32, #tpu.memory_space<vmem>>
        %dma_wait3A_190 = tpu.memref_squeeze %dma_wait3A_189 : memref<1x128xi32, #tpu.memory_space<vmem>> -> memref<128xi32, #tpu.memory_space<vmem>>
        %dma_wait3A_191 = arith.constant 0 : i32
        %dma_wait3A_192 = arith.constant 0 : i32
        %dma_wait3A_193 = tpu.memref_slice %arg9[%dma_wait3A_191, %dma_wait3A_192] : memref<10240x128xf32, #tpu.memory_space<vmem_shared>> -> memref<10240x128xf32, #tpu.memory_space<vmem_shared>>
        tpu.wait_indirect_dma semaphore(%run_scoped3A_173 : memref<!tpu.dma_semaphore, #tpu.memory_space<semaphore_mem>>) src(%dma_wait3A_187 : memref<128x128xf32, #tpu.memory_space<vmem>>) dst(%dma_wait3A_193 : memref<10240x128xf32, #tpu.memory_space<vmem_shared>>)
        tpu.yield
      }) : () -> ()
      %add3A_148 = arith.constant 1 : i32
      %add3A_149 = arith.addi %mul3A_126, %add3A_148 : i32
      %add3A_150 = arith.constant 1 : i32
      %add3A_151 = arith.addi %add3A_149, %add3A_150 : i32
      %lt3A_152 = arith.constant 16 : i32
      %lt3A_153 = arith.cmpi slt, %add3A_151, %lt3A_152 : i32
      %convert_element_type3A_154 = arith.extui %lt3A_153 : i1 to i32
      %cond3A_155 = arith.constant 0 : i32
      %cond3A_156 = arith.cmpi ne, %convert_element_type3A_154, %cond3A_155 : i32
      scf.if %cond3A_156 {
        %add3A_173 = arith.constant 1 : i32
        %add3A_174 = arith.addi %add3A_149, %add3A_173 : i32
        %dma_start3A_175 = arith.constant 0 : i32
        %dma_start3A_176 = arith.constant 0 : i32
        %dma_start3A_177 = arith.constant 0 : i32
        %dma_start3A_178 = tpu.memref_slice %arg8[%dma_start3A_175, %dma_start3A_176, %dma_start3A_177] : memref<2x128x128xf32, #tpu.memory_space<vmem>> -> memref<1x128x128xf32, #tpu.memory_space<vmem>>
        %dma_start3A_179 = tpu.memref_squeeze %dma_start3A_178 : memref<1x128x128xf32, #tpu.memory_space<vmem>> -> memref<128x128xf32, #tpu.memory_space<vmem>>
        %dma_start3A_180 = arith.constant 0 : i32
        %dma_start3A_181 = tpu.memref_slice %arg6[%add3A_174, %dma_start3A_180] : memref<16x128xi32, #tpu.memory_space<vmem>> -> memref<1x128xi32, #tpu.memory_space<vmem>>
        %dma_start3A_182 = tpu.memref_squeeze %dma_start3A_181 : memref<1x128xi32, #tpu.memory_space<vmem>> -> memref<128xi32, #tpu.memory_space<vmem>>
        %dma_start3A_183 = arith.constant 0 : i32
        %dma_start3A_184 = arith.constant 0 : i32
        %dma_start3A_185 = tpu.memref_slice %arg2[%dma_start3A_183, %dma_start3A_184] : memref<10000x128xf32, #tpu.memory_space<hbm>> -> memref<10000x128xf32, #tpu.memory_space<hbm>>
        tpu.enqueue_indirect_dma source(%dma_start3A_185 : memref<10000x128xf32, #tpu.memory_space<hbm>>) target(%dma_start3A_179 : memref<128x128xf32, #tpu.memory_space<vmem>>) offsets(%dma_start3A_182 : memref<128xi32, #tpu.memory_space<vmem>>) semaphore(%arg10 : memref<!tpu.dma_semaphore, #tpu.memory_space<semaphore_mem>>)
      } else {
      }
      %dma_wait3A_157 = arith.constant 0 : i32
      %dma_wait3A_158 = arith.constant 0 : i32
      %dma_wait3A_159 = arith.constant 0 : i32
      %dma_wait3A_160 = tpu.memref_slice %arg8[%dma_wait3A_157, %dma_wait3A_158, %dma_wait3A_159] : memref<2x128x128xf32, #tpu.memory_space<vmem>> -> memref<1x128x128xf32, #tpu.memory_space<vmem>>
      %dma_wait3A_161 = tpu.memref_squeeze %dma_wait3A_160 : memref<1x128x128xf32, #tpu.memory_space<vmem>> -> memref<128x128xf32, #tpu.memory_space<vmem>>
      %dma_wait3A_162 = arith.constant 0 : i32
      %dma_wait3A_163 = arith.constant 0 : i32
      %dma_wait3A_164 = tpu.memref_slice %arg2[%dma_wait3A_162, %dma_wait3A_163] : memref<10000x128xf32, #tpu.memory_space<hbm>> -> memref<128x128xf32, #tpu.memory_space<hbm>>
      %dma_wait3A_165 = arith.constant 0 : i32
      %dma_wait3A_166 = arith.constant 0 : i32
      %dma_wait3A_167 = tpu.memref_slice %arg8[%dma_wait3A_157, %dma_wait3A_165, %dma_wait3A_166] : memref<2x128x128xf32, #tpu.memory_space<vmem>> -> memref<1x128x128xf32, #tpu.memory_space<vmem>>
      %dma_wait3A_168 = tpu.memref_squeeze %dma_wait3A_167 : memref<1x128x128xf32, #tpu.memory_space<vmem>> -> memref<128x128xf32, #tpu.memory_space<vmem>>
      %dma_wait3A_169 = arith.constant 0 : i32
      %dma_wait3A_170 = arith.constant 0 : i32
      %dma_wait3A_171 = tpu.memref_slice %arg2[%dma_wait3A_169, %dma_wait3A_170] : memref<10000x128xf32, #tpu.memory_space<hbm>> -> memref<128x128xf32, #tpu.memory_space<hbm>>
      tpu.wait_dma2 semaphore(%arg10 : memref<!tpu.dma_semaphore, #tpu.memory_space<semaphore_mem>>) src(%dma_wait3A_171 : memref<128x128xf32, #tpu.memory_space<hbm>>) dst(%dma_wait3A_168 : memref<128x128xf32, #tpu.memory_space<vmem>>)
      %run_scoped3A_172 = arith.constant 1 : i32
      "tpu.region"() ({
        %run_scoped3A_173 = tpu.sem_alloc : memref<!tpu.dma_semaphore, #tpu.memory_space<semaphore_mem>>
        %dma_start3A_174 = arith.constant 0 : i32
        %dma_start3A_175 = arith.constant 0 : i32
        %dma_start3A_176 = tpu.memref_slice %arg8[%run_scoped3A_172, %dma_start3A_174, %dma_start3A_175] : memref<2x128x128xf32, #tpu.memory_space<vmem>> -> memref<1x128x128xf32, #tpu.memory_space<vmem>>
        %dma_start3A_177 = tpu.memref_squeeze %dma_start3A_176 : memref<1x128x128xf32, #tpu.memory_space<vmem>> -> memref<128x128xf32, #tpu.memory_space<vmem>>
        %dma_start3A_178 = arith.constant 0 : i32
        %dma_start3A_179 = tpu.memref_slice %arg7[%add3A_149, %dma_start3A_178] : memref<16x128xi32, #tpu.memory_space<vmem>> -> memref<1x128xi32, #tpu.memory_space<vmem>>
        %dma_start3A_180 = tpu.memref_squeeze %dma_start3A_179 : memref<1x128xi32, #tpu.memory_space<vmem>> -> memref<128xi32, #tpu.memory_space<vmem>>
        %dma_start3A_181 = arith.constant 0 : i32
        %dma_start3A_182 = arith.constant 0 : i32
        %dma_start3A_183 = tpu.memref_slice %arg9[%dma_start3A_181, %dma_start3A_182] : memref<10240x128xf32, #tpu.memory_space<vmem_shared>> -> memref<10240x128xf32, #tpu.memory_space<vmem_shared>>
        tpu.enqueue_indirect_dma source(%dma_start3A_177 : memref<128x128xf32, #tpu.memory_space<vmem>>) target(%dma_start3A_183 : memref<10240x128xf32, #tpu.memory_space<vmem_shared>>) offsets(%dma_start3A_180 : memref<128xi32, #tpu.memory_space<vmem>>) semaphore(%run_scoped3A_173 : memref<!tpu.dma_semaphore, #tpu.memory_space<semaphore_mem>>) {add = true}
        %dma_wait3A_184 = arith.constant 0 : i32
        %dma_wait3A_185 = arith.constant 0 : i32
        %dma_wait3A_186 = tpu.memref_slice %arg8[%run_scoped3A_172, %dma_wait3A_184, %dma_wait3A_185] : memref<2x128x128xf32, #tpu.memory_space<vmem>> -> memref<1x128x128xf32, #tpu.memory_space<vmem>>
        %dma_wait3A_187 = tpu.memref_squeeze %dma_wait3A_186 : memref<1x128x128xf32, #tpu.memory_space<vmem>> -> memref<128x128xf32, #tpu.memory_space<vmem>>
        %dma_wait3A_188 = arith.constant 0 : i32
        %dma_wait3A_189 = tpu.memref_slice %arg7[%add3A_149, %dma_wait3A_188] : memref<16x128xi32, #tpu.memory_space<vmem>> -> memref<1x128xi32, #tpu.memory_space<vmem>>
        %dma_wait3A_190 = tpu.memref_squeeze %dma_wait3A_189 : memref<1x128xi32, #tpu.memory_space<vmem>> -> memref<128xi32, #tpu.memory_space<vmem>>
        %dma_wait3A_191 = arith.constant 0 : i32
        %dma_wait3A_192 = arith.constant 0 : i32
        %dma_wait3A_193 = tpu.memref_slice %arg9[%dma_wait3A_191, %dma_wait3A_192] : memref<10240x128xf32, #tpu.memory_space<vmem_shared>> -> memref<10240x128xf32, #tpu.memory_space<vmem_shared>>
        tpu.wait_indirect_dma semaphore(%run_scoped3A_173 : memref<!tpu.dma_semaphore, #tpu.memory_space<semaphore_mem>>) src(%dma_wait3A_187 : memref<128x128xf32, #tpu.memory_space<vmem>>) dst(%dma_wait3A_193 : memref<10240x128xf32, #tpu.memory_space<vmem_shared>>)
        tpu.yield
      }) : () -> ()
    }
    %scan3A_118 = arith.constant 8 : i32
    %barrier3A_119 = arith.constant 0 : index
    tpu.barrier barrier_id(%barrier3A_119)
    %mul3A_120 = arith.constant 640 : i32
    %mul3A_121 = arith.muli %arg1, %mul3A_120 : i32
    %mul3A_122 = arith.constant 640 : i32
    %mul3A_123 = arith.muli %arg1, %mul3A_122 : i32
    "tpu.region"() ({
      %run_scoped3A_124 = tpu.sem_alloc : memref<!tpu.dma_semaphore, #tpu.memory_space<semaphore_mem>>
      %dma_start3A_125 = arith.constant 0 : i32
      %dma_start3A_126 = tpu.memref_slice %arg5[%arg0, %mul3A_123, %dma_start3A_125] : memref<2x10240x128xf32, #tpu.memory_space<hbm>> -> memref<1x640x128xf32, #tpu.memory_space<hbm>>
      %dma_start3A_127 = tpu.memref_squeeze %dma_start3A_126 : memref<1x640x128xf32, #tpu.memory_space<hbm>> -> memref<640x128xf32, #tpu.memory_space<hbm>>
      %dma_start3A_128 = arith.constant 0 : i32
      %dma_start3A_129 = tpu.memref_slice %arg9[%mul3A_121, %dma_start3A_128] : memref<10240x128xf32, #tpu.memory_space<vmem_shared>> -> memref<640x128xf32, #tpu.memory_space<vmem_shared>>
      tpu.enqueue_dma source(%dma_start3A_129 : memref<640x128xf32, #tpu.memory_space<vmem_shared>>) target(%dma_start3A_127 : memref<640x128xf32, #tpu.memory_space<hbm>>) target_semaphore(%run_scoped3A_124 : memref<!tpu.dma_semaphore, #tpu.memory_space<semaphore_mem>>)
      %dma_wait3A = arith.constant 0 : i32
      %dma_wait3A_130 = tpu.memref_slice %arg5[%arg0, %mul3A_123, %dma_wait3A] : memref<2x10240x128xf32, #tpu.memory_space<hbm>> -> memref<1x640x128xf32, #tpu.memory_space<hbm>>
      %dma_wait3A_131 = tpu.memref_squeeze %dma_wait3A_130 : memref<1x640x128xf32, #tpu.memory_space<hbm>> -> memref<640x128xf32, #tpu.memory_space<hbm>>
      %dma_wait3A_132 = arith.constant 0 : i32
      %dma_wait3A_133 = tpu.memref_slice %arg9[%mul3A_121, %dma_wait3A_132] : memref<10240x128xf32, #tpu.memory_space<vmem_shared>> -> memref<640x128xf32, #tpu.memory_space<vmem_shared>>
      tpu.wait_dma2 semaphore(%run_scoped3A_124 : memref<!tpu.dma_semaphore, #tpu.memory_space<semaphore_mem>>) src(%dma_wait3A_133 : memref<640x128xf32, #tpu.memory_space<vmem_shared>>) dst(%dma_wait3A_131 : memref<640x128xf32, #tpu.memory_space<hbm>>)
      tpu.yield
    }) : () -> ()
    return
  }
}

module attributes {stable_mosaic.version = 14 : i64} {
  func.func @_dense1_body(%arg0: i32, %arg1: memref<1x400x128xf32, #tpu.memory_space<vmem>>, %arg2: memref<1x400x128xf32, #tpu.memory_space<vmem>>, %arg3: memref<400x128xf32, #tpu.memory_space<vmem>>, %arg4: memref<128x256xf32, #tpu.memory_space<vmem>>, %arg5: memref<128x256xf32, #tpu.memory_space<vmem>>, %arg6: memref<1x256xf32, #tpu.memory_space<vmem>>, %arg7: memref<1x256xf32, #tpu.memory_space<vmem>>, %arg8: memref<1x256xf32, #tpu.memory_space<vmem>>, %arg9: memref<256x128xf32, #tpu.memory_space<vmem>>, %arg10: memref<256x128xf32, #tpu.memory_space<vmem>>, %arg11: memref<1x128xf32, #tpu.memory_space<vmem>>, %arg12: memref<400x128xf32, #tpu.memory_space<vmem>>, %arg13: memref<400x128xf32, #tpu.memory_space<vmem>>) attributes {dimension_semantics = [#tpu.dimension_semantics<arbitrary>], iteration_bounds = array<i64: 25>, scalar_prefetch = 0 : i64, scratch_operands = 0 : i64, tpu.core_type = #tpu.core_type<tc>, window_params = [{transform_indices = @transform_0, window_bounds = array<i64: 1, 400, 128>}, {transform_indices = @transform_1, window_bounds = array<i64: 1, 400, 128>}, {transform_indices = @transform_2, window_bounds = array<i64: 400, 128>}, {pipeline_mode = #tpu.pipeline_mode<synchronous>, transform_indices = @transform_3, window_bounds = array<i64: 128, 256>}, {pipeline_mode = #tpu.pipeline_mode<synchronous>, transform_indices = @transform_4, window_bounds = array<i64: 128, 256>}, {pipeline_mode = #tpu.pipeline_mode<synchronous>, transform_indices = @transform_5, window_bounds = array<i64: 1, 256>}, {pipeline_mode = #tpu.pipeline_mode<synchronous>, transform_indices = @transform_6, window_bounds = array<i64: 1, 256>}, {pipeline_mode = #tpu.pipeline_mode<synchronous>, transform_indices = @transform_7, window_bounds = array<i64: 1, 256>}, {pipeline_mode = #tpu.pipeline_mode<synchronous>, transform_indices = @transform_8, window_bounds = array<i64: 256, 128>}, {pipeline_mode = #tpu.pipeline_mode<synchronous>, transform_indices = @transform_9, window_bounds = array<i64: 256, 128>}, {pipeline_mode = #tpu.pipeline_mode<synchronous>, transform_indices = @transform_10, window_bounds = array<i64: 1, 128>}, {transform_indices = @transform_11, window_bounds = array<i64: 400, 128>}, {transform_indices = @transform_12, window_bounds = array<i64: 400, 128>}]} {
    %get3A = arith.constant 0 : index
    %get3A_0 = arith.constant 0 : index
    %get3A_1 = arith.constant 0 : index
    %get3A_2 = vector.load %arg1[%get3A, %get3A_0, %get3A_1] : memref<1x400x128xf32, #tpu.memory_space<vmem>>, vector<1x400x128xf32>
    %get3A_3 = vector.shape_cast %get3A_2 : vector<1x400x128xf32> to vector<400x128xf32>
    %get3A_4 = arith.constant 0 : index
    %get3A_5 = arith.constant 0 : index
    %get3A_6 = arith.constant 0 : index
    %get3A_7 = vector.load %arg2[%get3A_4, %get3A_5, %get3A_6] : memref<1x400x128xf32, #tpu.memory_space<vmem>>, vector<1x400x128xf32>
    %get3A_8 = vector.shape_cast %get3A_7 : vector<1x400x128xf32> to vector<400x128xf32>
    %add3A = arith.addf %get3A_3, %get3A_8 : vector<400x128xf32>
    %get3A_9 = arith.constant 0 : index
    %get3A_10 = arith.constant 0 : index
    %get3A_11 = vector.load %arg4[%get3A_9, %get3A_10] : memref<128x256xf32, #tpu.memory_space<vmem>>, vector<128x256xf32>
    %dot_general3A = arith.constant dense<0.000000e+00> : vector<400x256xf32>
    %dot_general3A_12 = tpu.matmul %add3A, %get3A_11, %dot_general3A {dimension_numbers = #tpu.dot_dimension_numbers<[1], [0], [0], [1], [0, 0, 1, 1], [], []>, transpose_lhs_hint = false} : vector<400x128xf32>, vector<128x256xf32>, vector<400x256xf32> -> vector<400x256xf32>
    %get3A_13 = arith.constant 0 : index
    %get3A_14 = arith.constant 0 : index
    %get3A_15 = vector.load %arg3[%get3A_13, %get3A_14] : memref<400x128xf32, #tpu.memory_space<vmem>>, vector<400x128xf32>
    %get3A_16 = arith.constant 0 : index
    %get3A_17 = arith.constant 0 : index
    %get3A_18 = vector.load %arg5[%get3A_16, %get3A_17] : memref<128x256xf32, #tpu.memory_space<vmem>>, vector<128x256xf32>
    %dot_general3A_19 = arith.constant dense<0.000000e+00> : vector<400x256xf32>
    %dot_general3A_20 = tpu.matmul %get3A_15, %get3A_18, %dot_general3A_19 {dimension_numbers = #tpu.dot_dimension_numbers<[1], [0], [0], [1], [0, 0, 1, 1], [], []>, transpose_lhs_hint = false} : vector<400x128xf32>, vector<128x256xf32>, vector<400x256xf32> -> vector<400x256xf32>
    %add3A_21 = arith.addf %dot_general3A_12, %dot_general3A_20 : vector<400x256xf32>
    %get3A_22 = arith.constant 0 : index
    %get3A_23 = arith.constant 0 : index
    %get3A_24 = vector.load %arg6[%get3A_22, %get3A_23] : memref<1x256xf32, #tpu.memory_space<vmem>>, vector<1x256xf32>
    %add3A_25 = vector.broadcast %get3A_24 : vector<1x256xf32> to vector<400x256xf32>
    %add3A_26 = arith.addf %add3A_21, %add3A_25 : vector<400x256xf32>
    %reduce_sum3A = arith.constant dense<0.000000e+00> : vector<400xf32>
    %reduce_sum3A_27 = vector.multi_reduction <add>, %add3A_26, %reduce_sum3A [1] : vector<400x256xf32> to vector<400xf32>
    %broadcast_in_dim3A = vector.shape_cast %reduce_sum3A_27 : vector<400xf32> to vector<400x1xf32>
    %div3A = arith.constant 2.560000e+02 : f32
    %div3A_28 = vector.broadcast %div3A : f32 to vector<400x1xf32>
    %div3A_29 = arith.divf %broadcast_in_dim3A, %div3A_28 : vector<400x1xf32>
    %sub3A = vector.broadcast %div3A_29 : vector<400x1xf32> to vector<400x256xf32>
    %sub3A_30 = arith.subf %add3A_26, %sub3A : vector<400x256xf32>
    %integer_pow3A = arith.mulf %sub3A_30, %sub3A_30 : vector<400x256xf32>
    %reduce_sum3A_31 = arith.constant dense<0.000000e+00> : vector<400xf32>
    %reduce_sum3A_32 = vector.multi_reduction <add>, %integer_pow3A, %reduce_sum3A_31 [1] : vector<400x256xf32> to vector<400xf32>
    %broadcast_in_dim3A_33 = vector.shape_cast %reduce_sum3A_32 : vector<400xf32> to vector<400x1xf32>
    %div3A_34 = arith.constant 2.560000e+02 : f32
    %div3A_35 = vector.broadcast %div3A_34 : f32 to vector<400x1xf32>
    %div3A_36 = arith.divf %broadcast_in_dim3A_33, %div3A_35 : vector<400x1xf32>
    %sub3A_37 = vector.broadcast %div3A_29 : vector<400x1xf32> to vector<400x256xf32>
    %sub3A_38 = arith.subf %add3A_26, %sub3A_37 : vector<400x256xf32>
    %add3A_39 = arith.constant 9.99999974E-6 : f32
    %add3A_40 = vector.broadcast %add3A_39 : f32 to vector<400x1xf32>
    %add3A_41 = arith.addf %div3A_36, %add3A_40 : vector<400x1xf32>
    %rsqrt3A = math.rsqrt %add3A_41 : vector<400x1xf32>
    %mul3A = vector.broadcast %rsqrt3A : vector<400x1xf32> to vector<400x256xf32>
    %mul3A_42 = arith.mulf %sub3A_38, %mul3A : vector<400x256xf32>
    %get3A_43 = arith.constant 0 : index
    %get3A_44 = arith.constant 0 : index
    %get3A_45 = vector.load %arg7[%get3A_43, %get3A_44] : memref<1x256xf32, #tpu.memory_space<vmem>>, vector<1x256xf32>
    %mul3A_46 = vector.broadcast %get3A_45 : vector<1x256xf32> to vector<400x256xf32>
    %mul3A_47 = arith.mulf %mul3A_42, %mul3A_46 : vector<400x256xf32>
    %get3A_48 = arith.constant 0 : index
    %get3A_49 = arith.constant 0 : index
    %get3A_50 = vector.load %arg8[%get3A_48, %get3A_49] : memref<1x256xf32, #tpu.memory_space<vmem>>, vector<1x256xf32>
    %add3A_51 = vector.broadcast %get3A_50 : vector<1x256xf32> to vector<400x256xf32>
    %add3A_52 = arith.addf %mul3A_47, %add3A_51 : vector<400x256xf32>
    %max3A = arith.constant 0.000000e+00 : f32
    %max3A_53 = vector.broadcast %max3A : f32 to vector<400x256xf32>
    %max3A_54 = arith.maximumf %add3A_52, %max3A_53 : vector<400x256xf32>
    %get3A_55 = arith.constant 0 : index
    %get3A_56 = arith.constant 0 : index
    %get3A_57 = vector.load %arg9[%get3A_55, %get3A_56] : memref<256x128xf32, #tpu.memory_space<vmem>>, vector<256x128xf32>
    %dot_general3A_58 = arith.constant dense<0.000000e+00> : vector<400x128xf32>
    %dot_general3A_59 = tpu.matmul %max3A_54, %get3A_57, %dot_general3A_58 {dimension_numbers = #tpu.dot_dimension_numbers<[1], [0], [0], [1], [0, 0, 1, 1], [], []>, transpose_lhs_hint = false} : vector<400x256xf32>, vector<256x128xf32>, vector<400x128xf32> -> vector<400x128xf32>
    %swap3A = arith.constant 0 : index
    %swap3A_60 = arith.constant 0 : index
    %swap3A_61 = vector.load %arg12[%swap3A, %swap3A_60] : memref<400x128xf32, #tpu.memory_space<vmem>>, vector<400x128xf32>
    tpu.vector_store %arg12[%swap3A, %swap3A_60], %dot_general3A_59 {strides = array<i32>} : memref<400x128xf32, #tpu.memory_space<vmem>>, vector<400x128xf32>,
    %get3A_62 = arith.constant 0 : index
    %get3A_63 = arith.constant 0 : index
    %get3A_64 = vector.load %arg10[%get3A_62, %get3A_63] : memref<256x128xf32, #tpu.memory_space<vmem>>, vector<256x128xf32>
    %dot_general3A_65 = arith.constant dense<0.000000e+00> : vector<400x128xf32>
    %dot_general3A_66 = tpu.matmul %max3A_54, %get3A_64, %dot_general3A_65 {dimension_numbers = #tpu.dot_dimension_numbers<[1], [0], [0], [1], [0, 0, 1, 1], [], []>, transpose_lhs_hint = false} : vector<400x256xf32>, vector<256x128xf32>, vector<400x128xf32> -> vector<400x128xf32>
    %get3A_67 = arith.constant 0 : index
    %get3A_68 = arith.constant 0 : index
    %get3A_69 = vector.load %arg11[%get3A_67, %get3A_68] : memref<1x128xf32, #tpu.memory_space<vmem>>, vector<1x128xf32>
    %add3A_70 = vector.broadcast %get3A_69 : vector<1x128xf32> to vector<400x128xf32>
    %add3A_71 = arith.addf %dot_general3A_66, %add3A_70 : vector<400x128xf32>
    %swap3A_72 = arith.constant 0 : index
    %swap3A_73 = arith.constant 0 : index
    %swap3A_74 = vector.load %arg13[%swap3A_72, %swap3A_73] : memref<400x128xf32, #tpu.memory_space<vmem>>, vector<400x128xf32>
    tpu.vector_store %arg13[%swap3A_72, %swap3A_73], %add3A_71 {strides = array<i32>} : memref<400x128xf32, #tpu.memory_space<vmem>>, vector<400x128xf32>,
    return
  }
  func.func @transform_0(%arg0: i32) -> (i32, i32, i32) {
    %c0_i32 = arith.constant 0 : i32
    %c0_i32_0 = arith.constant 0 : i32
    %c0_i32_1 = arith.constant 0 : i32
    return %c0_i32, %arg0, %c0_i32_0 : i32, i32, i32
  }
  func.func @transform_1(%arg0: i32) -> (i32, i32, i32) {
    %c1_i32 = arith.constant 1 : i32
    %c0_i32 = arith.constant 0 : i32
    %c0_i32_0 = arith.constant 0 : i32
    return %c1_i32, %arg0, %c0_i32 : i32, i32, i32
  }
  func.func @transform_2(%arg0: i32) -> (i32, i32) {
    %c0_i32 = arith.constant 0 : i32
    %c0_i32_0 = arith.constant 0 : i32
    return %arg0, %c0_i32 : i32, i32
  }
  func.func @transform_3(%arg0: i32) -> (i32, i32) {
    %c0_i32 = arith.constant 0 : i32
    %c0_i32_0 = arith.constant 0 : i32
    %c0_i32_1 = arith.constant 0 : i32
    return %c0_i32, %c0_i32_0 : i32, i32
  }
  func.func @transform_4(%arg0: i32) -> (i32, i32) {
    %c0_i32 = arith.constant 0 : i32
    %c0_i32_0 = arith.constant 0 : i32
    %c0_i32_1 = arith.constant 0 : i32
    return %c0_i32, %c0_i32_0 : i32, i32
  }
  func.func @transform_5(%arg0: i32) -> (i32, i32) {
    %c0_i32 = arith.constant 0 : i32
    %c0_i32_0 = arith.constant 0 : i32
    %c0_i32_1 = arith.constant 0 : i32
    return %c0_i32, %c0_i32_0 : i32, i32
  }
  func.func @transform_6(%arg0: i32) -> (i32, i32) {
    %c0_i32 = arith.constant 0 : i32
    %c0_i32_0 = arith.constant 0 : i32
    %c0_i32_1 = arith.constant 0 : i32
    return %c0_i32, %c0_i32_0 : i32, i32
  }
  func.func @transform_7(%arg0: i32) -> (i32, i32) {
    %c0_i32 = arith.constant 0 : i32
    %c0_i32_0 = arith.constant 0 : i32
    %c0_i32_1 = arith.constant 0 : i32
    return %c0_i32, %c0_i32_0 : i32, i32
  }
  func.func @transform_8(%arg0: i32) -> (i32, i32) {
    %c0_i32 = arith.constant 0 : i32
    %c0_i32_0 = arith.constant 0 : i32
    %c0_i32_1 = arith.constant 0 : i32
    return %c0_i32, %c0_i32_0 : i32, i32
  }
  func.func @transform_9(%arg0: i32) -> (i32, i32) {
    %c0_i32 = arith.constant 0 : i32
    %c0_i32_0 = arith.constant 0 : i32
    %c0_i32_1 = arith.constant 0 : i32
    return %c0_i32, %c0_i32_0 : i32, i32
  }
  func.func @transform_10(%arg0: i32) -> (i32, i32) {
    %c0_i32 = arith.constant 0 : i32
    %c0_i32_0 = arith.constant 0 : i32
    %c0_i32_1 = arith.constant 0 : i32
    return %c0_i32, %c0_i32_0 : i32, i32
  }
  func.func @transform_11(%arg0: i32) -> (i32, i32) {
    %c0_i32 = arith.constant 0 : i32
    %c0_i32_0 = arith.constant 0 : i32
    return %arg0, %c0_i32 : i32, i32
  }
  func.func @transform_12(%arg0: i32) -> (i32, i32) {
    %c0_i32 = arith.constant 0 : i32
    %c0_i32_0 = arith.constant 0 : i32
    return %arg0, %c0_i32 : i32, i32
  }
}

module attributes {stable_mosaic.version = 14 : i64} {
  func.func @_combine_body(%arg0: i32, %arg1: memref<1x400x128xf32, #tpu.memory_space<vmem>>, %arg2: memref<1x400x128xf32, #tpu.memory_space<vmem>>, %arg3: memref<400x128xf32, #tpu.memory_space<vmem>>, %arg4: memref<400x128xf32, #tpu.memory_space<vmem>>) attributes {dimension_semantics = [#tpu.dimension_semantics<arbitrary>], iteration_bounds = array<i64: 25>, scalar_prefetch = 0 : i64, scratch_operands = 0 : i64, tpu.core_type = #tpu.core_type<tc>, window_params = [{transform_indices = @transform_0, window_bounds = array<i64: 1, 400, 128>}, {transform_indices = @transform_1, window_bounds = array<i64: 1, 400, 128>}, {transform_indices = @transform_2, window_bounds = array<i64: 400, 128>}, {transform_indices = @transform_3, window_bounds = array<i64: 400, 128>}]} {
    %get3A = arith.constant 0 : index
    %get3A_0 = arith.constant 0 : index
    %get3A_1 = arith.constant 0 : index
    %get3A_2 = vector.load %arg1[%get3A, %get3A_0, %get3A_1] : memref<1x400x128xf32, #tpu.memory_space<vmem>>, vector<1x400x128xf32>
    %get3A_3 = vector.shape_cast %get3A_2 : vector<1x400x128xf32> to vector<400x128xf32>
    %get3A_4 = arith.constant 0 : index
    %get3A_5 = arith.constant 0 : index
    %get3A_6 = arith.constant 0 : index
    %get3A_7 = vector.load %arg2[%get3A_4, %get3A_5, %get3A_6] : memref<1x400x128xf32, #tpu.memory_space<vmem>>, vector<1x400x128xf32>
    %get3A_8 = vector.shape_cast %get3A_7 : vector<1x400x128xf32> to vector<400x128xf32>
    %add3A = arith.addf %get3A_3, %get3A_8 : vector<400x128xf32>
    %get3A_9 = arith.constant 0 : index
    %get3A_10 = arith.constant 0 : index
    %get3A_11 = vector.load %arg3[%get3A_9, %get3A_10] : memref<400x128xf32, #tpu.memory_space<vmem>>, vector<400x128xf32>
    %add3A_12 = arith.addf %add3A, %get3A_11 : vector<400x128xf32>
    %swap3A = arith.constant 0 : index
    %swap3A_13 = arith.constant 0 : index
    %swap3A_14 = vector.load %arg4[%swap3A, %swap3A_13] : memref<400x128xf32, #tpu.memory_space<vmem>>, vector<400x128xf32>
    tpu.vector_store %arg4[%swap3A, %swap3A_13], %add3A_12 {strides = array<i32>} : memref<400x128xf32, #tpu.memory_space<vmem>>, vector<400x128xf32>,
    return
  }
  func.func @transform_0(%arg0: i32) -> (i32, i32, i32) {
    %c0_i32 = arith.constant 0 : i32
    %c0_i32_0 = arith.constant 0 : i32
    %c0_i32_1 = arith.constant 0 : i32
    return %c0_i32, %arg0, %c0_i32_0 : i32, i32, i32
  }
  func.func @transform_1(%arg0: i32) -> (i32, i32, i32) {
    %c1_i32 = arith.constant 1 : i32
    %c0_i32 = arith.constant 0 : i32
    %c0_i32_0 = arith.constant 0 : i32
    return %c1_i32, %arg0, %c0_i32 : i32, i32, i32
  }
  func.func @transform_2(%arg0: i32) -> (i32, i32) {
    %c0_i32 = arith.constant 0 : i32
    %c0_i32_0 = arith.constant 0 : i32
    return %arg0, %c0_i32 : i32, i32
  }
  func.func @transform_3(%arg0: i32) -> (i32, i32) {
    %c0_i32 = arith.constant 0 : i32
    %c0_i32_0 = arith.constant 0 : i32
    return %arg0, %c0_i32 : i32, i32
  }
}

</mosaic_0001>

<sc_bundles>
// kernel: kernel.6.cloned.1.call-start
scs
__scs_entry_jumppad:
0x0: {  	(pc) =	sbr.rel $0x88, $3  }
0x1: {  	(tag) =	ssettag $0x0;
	lr =	simm.s32 $0x1  }
0x2: {  	[smem:$0x3F97] =	sst lr;
	_ =	strace $0xD0000000  }
0x3: {  	_ = 	snop  }
0x4: {  	_ = 	snop  }
0x5: {  	_ = 	snop  }
0x6: {  	_ = 	snop  }
0x7: {  	_ = 	snop  }
__scs_overlays_trampoline_lowered:
0x8: {  	[smem:$0x3FA6] =	sst s0  }
0x9: {  	[smem:$0x3FA7] =	sst s1  }
0xa: {  	[smem:$0x3FA8] =	sst s2  }
0xb: {  	[smem:$0x3FA9] =	sst s3  }
0xc: {  	[smem:$0x3FAA] =	sst s4  }
0xd: {  	[smem:$0x3FAB] =	sst s5  }
0xe: {  	[smem:$0x3FAC] =	sst s6  }
0xf: {  	[smem:$0x3FAD] =	sst s7  }
0x10: {  	[smem:$0x3FAE] =	sst s8  }
0x11: {  	[smem:$0x3FAF] =	sst s9;
	s0 =	simm.s32 @!p0 $0x0  }
0x12: {  	s1 =	sld [smem:$0x3F95];
	s0 =	simm.s32 @p0 $0x1  }
0x13: {  	[smem:$0x3FB0] =	sst s0;
	s0 =	simm.s32 @!p1 $0x0  }
0x14: {  	s2 =	sld [smem:$0x3F94];
	s0 =	simm.s32 @p1 $0x1  }
0x15: {  	[smem:$0x3FB1] =	sst s0;
	s0 =	simm.s32 @!p2 $0x0  }
0x16: {  	s3 =	sld [smem:$0x3FDB];
	s0 =	simm.s32 @p2 $0x1  }
0x17: {  	s4 =	simm.s32 $0x1BF5;
	[smem:$0x3FB3] =	sst s0  }
0x18: {  	s0 =	sld [smem:$0x3F96];
	_ =	swait.ge [sflag:s4], $0x0  }
0x19: {  	s7 =	sld [smem:$0x3F97]  }
0x1a: {  	s8 =	sadd.s32 $0xFFFFE003, lr  }
0x1b: {  	s9 =	sadd.s32 $0xFFFFFEF7, lr;
	s5 =	simm.s32 $0xFFFFFFFF;
	p2 =	slt.u32 s8, $0xFFFFF086  }
0x1c: {  	p1 =	slt.u32 s9, $0xF7A;
	s5 =	simm.s32 @!p2 $0x0  }
0x1d: {  	s5 =	simm.s32 @p1 $0x1;
	p0 =	seq.s32 s7, s2  }
0x1e: {  	s7 =	smul.u32 @!p0 $0xF7A, s2;
	p2 =	seq.s32 @!p0 s5, $0x0  }
0x1f: {  	s9 =	smul.u32 $0xF7A, s1;
	s8 =	simm.s32 @!p0 $0x1BF5;
	p2 =	por !p2, p0  }
0x20: {  	[sflag:s8] =	ssyncset.s32 @!p0 $0xFFFFF086;
	s6 =	sadd.s32 @!p0 s3, s7;
	s7 =	simm.s32 @!p0 $0x108  }
0x21: {  	s3 =	sadd.s32 s3, s9;
	s6 =	sadd.s32 @!p0 $0x88, s6;
	s7 =	simm.s32 @p2 $0x1082  }
0x22: {  	[simem:s7], [sflag:s8] =	dma.local @!p0 [hbm:s6], $0xF7A  }
0x23: {  	s9 =	sor.u32 $0xD0000000, s2;
	s6 =	simm.s32 $0x108;
	_ =	swait.ge @!p0 [sflag:s8], $0x0  }
0x24: {  	s3 =	sadd.s32 $0x88, s3;
	s6 =	simm.s32 @!p1 $0x1082;
	[sflag:s4] =	ssyncset.s32 $0xFFFFF086  }
0x25: {  	[simem:s6], [sflag:s4] =	dma.local [hbm:s3], $0xF7A  }
0x26: {  	[smem:$0x3F97] =	sst s1;
	(tag) =	ssettag s2;
	_ =	strace s9  }
0x27: {  	s1 =	sld [smem:$0x3FA7]  }
0x28: {  	s2 =	sld [smem:$0x3FA8]  }
0x29: {  	s4 =	sld [smem:$0x3FAA]  }
0x2a: {  	p0 =	seq.s32 s5, $0x0;
	s5 =	sld [smem:$0x3FAB]  }
0x2b: {  	s6 =	sld [smem:$0x3FAC]  }
0x2c: {  	s7 =	sld [smem:$0x3FAD]  }
0x2d: {  	s3 =	simm.s32 $0x108;
	s8 =	sld [smem:$0x3FAE]  }
0x2e: {  	s3 =	simm.s32 @!p0 $0x1082;
	s9 =	sld [smem:$0x3FAF]  }
0x2f: {  	lr =	sadd.s32 s0, s3;
	s0 =	sld [smem:$0x3FA6]  }
0x30: {  	s3 =	sld [smem:$0x3FA9]  }
0x31: {  	[smem:$0x3FB2] =	sst s10  }
0x32: {  	s10 =	sld [smem:$0x3FB0];
	_ =	sdelay $0x3  }
0x33: {  	p0 =	seq.s32 s10, $0x1;
	s10 =	sld [smem:$0x3FB2];
	_ =	sdelay $0x3  }
0x34: {  	[smem:$0x3FB2] =	sst s10  }
0x35: {  	s10 =	sld [smem:$0x3FB1];
	_ =	sdelay $0x3  }
0x36: {  	p1 =	seq.s32 s10, $0x1;
	s10 =	sld [smem:$0x3FB2];
	_ =	sdelay $0x3  }
0x37: {  	[smem:$0x3FB2] =	sst s10  }
0x38: {  	s10 =	sld [smem:$0x3FB3]  }
0x39: {  	_ = 	snop;
	(pc) =	sbr.ind lr, $3  }
0x3a: {  	_ = 	snop  }
0x3b: {  	_ = 	snop  }
0x3c: {  	p2 =	seq.s32 s10, $0x1;
	s10 =	sld [smem:$0x3FB2]  }
0x3d: {  	_ =	shalt  }
0x3e: {  	_ =	shalt  }
0x3f: {  	_ =	shalt  }
0x40: {  	_ =	shalt  }
0x41: {  	_ =	shalt  }
0x42: {  	_ =	shalt  }
0x43: {  	_ =	shalt  }
0x44: {  	_ =	shalt  }
0x45: {  	_ =	shalt  }
0x46: {  	_ =	shalt  }
0x47: {  	_ =	shalt  }
0x48: {  	_ =	shalt  }
0x49: {  	_ =	shalt  }
0x4a: {  	_ =	shalt  }
0x4b: {  	_ =	shalt  }
0x4c: {  	_ =	shalt  }
0x4d: {  	_ =	shalt  }
0x4e: {  	_ =	shalt  }
0x4f: {  	_ =	shalt  }
0x50: {  	_ =	shalt  }
0x51: {  	_ =	shalt  }
0x52: {  	_ =	shalt  }
0x53: {  	_ =	shalt  }
0x54: {  	_ =	shalt  }
0x55: {  	_ =	shalt  }
0x56: {  	_ =	shalt  }
0x57: {  	_ =	shalt  }
0x58: {  	_ =	shalt  }
0x59: {  	_ =	shalt  }
0x5a: {  	_ =	shalt  }
0x5b: {  	_ =	shalt  }
0x5c: {  	_ =	shalt  }
0x5d: {  	_ =	shalt  }
0x5e: {  	_ =	shalt  }
0x5f: {  	_ =	shalt  }
0x60: {  	_ =	shalt  }
0x61: {  	_ =	shalt  }
0x62: {  	_ =	shalt  }
0x63: {  	_ =	shalt  }
0x64: {  	_ =	shalt  }
0x65: {  	_ =	shalt  }
0x66: {  	_ =	shalt  }
0x67: {  	_ =	shalt  }
0x68: {  	_ =	shalt  }
0x69: {  	_ =	shalt  }
0x6a: {  	_ =	shalt  }
0x6b: {  	_ =	shalt  }
0x6c: {  	_ =	shalt  }
0x6d: {  	_ =	shalt  }
0x6e: {  	_ =	shalt  }
0x6f: {  	_ =	shalt  }
0x70: {  	_ =	shalt  }
0x71: {  	_ =	shalt  }
0x72: {  	_ =	shalt  }
0x73: {  	_ =	shalt  }
0x74: {  	_ =	shalt  }
0x75: {  	_ =	shalt  }
0x76: {  	_ =	shalt  }
0x77: {  	_ =	shalt  }
0x78: {  	_ =	shalt  }
0x79: {  	_ =	shalt  }
0x7a: {  	_ =	shalt  }
0x7b: {  	_ =	shalt  }
0x7c: {  	_ =	shalt  }
0x7d: {  	_ =	shalt  }
0x7e: {  	_ =	shalt  }
0x7f: {  	_ =	shalt  }
0x80: {  	_ =	shalt  }
0x81: {  	_ =	shalt  }
0x82: {  	_ =	shalt  }
0x83: {  	_ =	shalt  }
0x84: {  	_ =	shalt  }
0x85: {  	_ =	shalt  }
0x86: {  	_ =	shalt  }
0x87: {  	_ =	shalt  }
.Lfunc_end0:
.L_simem_size_0:
called_computation_lowered:
.L_overlay_start_0:
0x88: {  	s2 =	sld [smem:$0x3FD9]  }
0x89: {  	s3 =	sld [smem:$0x3FFE];
	_ =	sdelay $0x1  }
0x8a: {  	s1 =	srdreg.scid  }
0x8b: {  	s0 =	sand.u32 $0x1, s1  }
0x8c: {  	s17 =	sshll.u32 s0, $0xA;
	s2 =	sadd.s32 s3, s2  }
0x8d: {  	s2 =	sadd.s32 s2, s17  }
0x8e: {  	[smem:$0x3FBE] =	sst s2  }
0x8f: {  	_ = 	snop  }
0x90: {  	s2 =	sld [smem:$0x3FC9];
	(tm) =	ssettm $0x1  }
0x91: {  	s18 =	sld [smem:$0x3FFB];
	_ =	sdelay $0x3  }
0x92: {  	_ =	strace s18  }
0x93: {  	s3 =	sld [smem:$0x3FFC];
	_ =	sdelay $0x3  }
0x94: {  	_ =	strace s3  }
0x95: {  	s3 =	sld [smem:$0x3FFD];
	_ =	sdelay $0x3  }
0x96: {  	_ =	strace s3  }
0x97: {  	_ =	strace $0x8FFFFFFF  }
0x98: {  	s19 =	sld [smem:$0x3FDB];
	_ =	sdelay $0x1  }
0x99: {  	s4 =	simm.s32 $_scs_section_size  }
0x9a: {  	s5 =	simm.s32 $_size__tile_overlayer_lowered;
	s6 =	simm.s32 $_tile_overlayer_lowered  }
0x9b: {  	s22 =	simm.s32 $0x1BFF;
	s21 =	sshll.u32 s6, $0x1;
	s3 =	sadd.s32 s4, s19  }
0x9c: {  	s7 =	simm.s32 $0x0;
	s20 =	sshll.u32 s5, $0x1;
	s5 =	sadd.s32 s21, s3  }
0x9d: {  	[timem:s7], [sflag:s22] =	dma.local [hbm:s5], s20  }
0x9e: {  	_ =	swait.ge [sflag:s22], s20  }
0x9f: {  	s4 =	ssub.s32 $0x0, s20;
	[sflag:s22] =	ssyncset.done $0x0  }
0xa0: {  	[sflag:s22] =	ssyncadd.s32 s4;
	_ =	sdelay $0x1  }
0xa1: {  	s23 =	simm.s32 $0x1B8B  }
0xa2: {  	_ =	swait.ge [sflag:s23], $0x1  }
0xa3: {  	[sflag:s23] =	ssyncset.done $0x0  }
0xa4: {  	s25 =	simm.s32 $0x1B8E;
	s24 =	sld [smem:$0x3FFE];
	[sflag:s23] =	ssyncadd.s32 $0xFFFFFFFF  }
0xa5: {  	s26 =	simm.s32 $execute0_lowered;
	[smem:$0x3FD2] =	sst s25  }
0xa6: {  	s5 =	sshll.u32 s26, $0x1;
	_ =	strace $0x80000046;
	[dreg:$0x1] =	wrdreg $0xFFFFFFFF  }
0xa7: {  	s28 =	simm.s32 $_size_execute0_lowered;
	s3 =	sadd.s32 s3, s5;
	[dreg:$0x0] =	wrdreg $0x0  }
0xa8: {  	s5 =	sshll.u32 s28, $0x1;
	[dreg:$0x2] =	wrdreg s3  }
0xa9: {  	[dreg:$0x3] =	wrdreg s5  }
0xaa: {  	[dreg:$0x4] =	wrdreg $0xC0  }
0xab: {  	_ =	task [dreg:s7], $0x5FFFF  }
0xac: {  	[dreg:$0x1] =	wrdreg $0xFFFFFFFF  }
0xad: {  	[dreg:$0x0] =	wrdreg $0x60  }
0xae: {  	[dreg:$0x2] =	wrdreg s2  }
0xaf: {  	[dreg:$0x3] =	wrdreg s24  }
0xb0: {  	[dreg:$0x4] =	wrdreg $0x90000  }
0xb1: {  	[dreg:$0x5] =	wrdreg $0x9  }
0xb2: {  	_ =	task.clear_ibuf [dreg:s7], $0x6FFFF;
	_ =	strace $0x90000046  }
0xb3: {  	s29 =	simm.s32 $0x9;
	_ =	strace $0x80000048  }
0xb4: {  	_ =	swait.ge [sflag:s29], $0x1  }
0xb5: {  	[sflag:s29] =	ssyncadd.s32 $0xFFFFFFFF  }
0xb6: {  	_ =	strace $0x90000048  }
0xb7: {  	_ =	sfence  }
0xb8: {  	s30 =	sld [smem:$0x0];
	_ =	sdelay $0x2  }
0xb9: {  	s31 =	sshll.u32 s1, $0xD;
	s1 =	sshrl.u32 s1, $0x2  }
0xba: {  	s3 =	sand.u32 $0x4000, s31;
	s1 =	sadd.s32 s1, s30  }
0xbb: {  	s0 =	sor.u32 s3, s0;
	s1 =	sshll.u32 s1, $0x11  }
0xbc: {  	s0 =	sor.u32 s1, s0  }
0xbd: {  	s0 =	sadd.s32 $0x8F2B, s0  }
0xbe: {  	[sflag:s0] =	ssyncadd.remote.s32 $0x1  }
0xbf: {  	_ =	sfence.sel $0xFFFF  }
0xc0: {  	[dreg:$0x0] =	wrdreg $0xFFFFFFFF;
	(pc) =	sbr.abs _section_cstart, $3  }
0xc1: {  	[dreg:$0x1] =	wrdreg $0xFFFFFFFF  }
0xc2: {  	_ =	task.clear_ibuf [dreg:s7], $0x2FFFF;
	_ =	strace $0x9FFFFFFF  }
0xc3: {  	(tm) =	ssettm $0x7FFFFFFF  }
tec
execute0_lowered:
.L_overlay_start_1:
0x0: {  	(tag) =	ssettag $0x1  }
0x1: {  	s1 =	rddreg [dreg:$0x0]  }
0x2: {  	s0 =	rddreg [dreg:$0x1]  }
0x3: {  	s2 =	rddreg [dreg:$0x2]  }
0x4: {  	s3 =	srdreg.scid;
	s10 =	stileid.u32  }
0x5: {  	s7 =	simm.s32 $0x0;
	s3 =	sand.u32 $0x1, s3;
	s6 =	smul.u32 $0x14000, s10  }
0x6: {  	[smem:$0x7FF] =	sst s7;
	s4 =	sadd.s32 $0x2000, s0;
	s9 =	smul.u32 $0x50000, s10  }
0x7: {  	s8 =	sadd.s32 $0xC000, s0;
	s5 =	smul.u32 $0x140000, s3;
	_ =	strace $0x80000047  }
0x8: {  	s12 =	sshll.u32 s3, $0x4;
	s3 =	ssub.s32 $0x2, s3;
	s9 =	sshrl.u32 s9, $0x2  }
0x9: {  	s13 =	sshrl.u32 s3, $0x1;
	s5 =	sadd.s32 s6, s5;
	s9 =	sadd.s32 s9, s2  }
0xa: {  	s6 =	sor.u32 s10, s12;
	s14 =	sadd.s32 $0x4000, s9;
	[dreg:$0x4] =	wrdreg s9  }
0xb: {  	s3 =	ssub.s32 s3, s13;
	s15 =	sadd.s32 $0x8000, s9;
	[dreg:$0x5] =	wrdreg s14  }
0xc: {  	s5 =	sshrl.u32 s5, $0x3;
	s17 =	sadd.s32 $0xC000, s9;
	[dreg:$0x6] =	wrdreg s15  }
0xd: {  	s6 =	smul.u32 $0x2800, s6;
	s18 =	sadd.s32 $0x10000, s9;
	[dreg:$0x7] =	wrdreg s17  }
0xe: {  	s31 =	smax.u32 s3, $0x1;
	s0 =	sadd.s32 s5, s0;
	[dreg:$0x8] =	wrdreg s18  }
0xf: {  	[dreg:$0x14] =	wrdreg s31;
	s16 =	sshrl.u32 s6, $0x3;
	s0 =	sadd.s32 $0x16000, s0  }
0x10: {  	s19 =	sadd.s32 s4, s16;
	[dreg:$0x13] =	wrdreg s0  }
0x11: {  	s20 =	sadd.s32 s8, s16;
	s21 =	sadd.s32 $0x100, s16;
	[dreg:$0x9] =	wrdreg s19  }
0x12: {  	[dreg:$0xa] =	wrdreg s20;
	s23 =	sadd.s32 s4, s21  }
0x13: {  	s22 =	sadd.s32 $0x200, s16;
	s6 =	sadd.s32 s8, s21;
	[dreg:$0xb] =	wrdreg s23  }
0x14: {  	s28 =	simm.s32 $0x1;
	s24 =	sadd.s32 s4, s22;
	[dreg:$0xc] =	wrdreg s6  }
0x15: {  	s26 =	sadd.s32 $0x300, s16;
	s25 =	sadd.s32 s8, s22;
	[dreg:$0xd] =	wrdreg s24  }
0x16: {  	s5 =	sadd.s32 $0x400, s16;
	s29 =	sadd.s32 s4, s26;
	[dreg:$0xe] =	wrdreg s25  }
0x17: {  	s30 =	sadd.s32 s4, s5;
	s5 =	sadd.s32 s8, s5;
	[dreg:$0xf] =	wrdreg s29  }
0x18: {  	s22 =	simm.s32 $0x1000;
	s6 =	sadd.s32 s8, s26;
	[dreg:$0x11] =	wrdreg s30  }
0x19: {  	[dreg:$0x12] =	wrdreg s5;
	s23 =	simm.s32 $0x2;
	s25 =	simm.s32 $0x80  }
0x1a: {  	v0 =	vimm.f32 $0.0e+00;
	s26 =	simm.s32 $0x5000;
	s8 =	simm.s32 $0x0;
	[dreg:$0x10] =	wrdreg s6  }
.LBB2_1:
0x1b: {  	s9 =	simm.s32 $0x0;
	s10 =	simm.s32 $0x200  }
.LBB2_2:
0x1c: {  	p0 =	sne.s32 s10, $0xFE00;
	[tilespmem:s9+$0x1070] =	vst v0  }
0x1d: {  	[tilespmem:s9+$0x1000] =	vst v0  }
0x1e: {  	[tilespmem:s9+$0x1010] =	vst v0  }
.Ltmp0:
0x1f: {  	[tilespmem:s9+$0x1020] =	vst v0;
	(pc) =	sbr.rel @p0 .LBB2_2-.Ltmp0, $4  }
0x20: {  	[tilespmem:s9+$0x1030] =	vst v0  }
0x21: {  	[tilespmem:s9+$0x1040] =	vst v0  }
0x22: {  	[tilespmem:s9+$0x1050] =	vst v0  }
0x23: {  	[tilespmem:s9+$0x1060] =	vst v0;
	s9 =	sshra.s32 s10, $0x2;
	s10 =	sadd.s32 $0x200, s10  }
0x24: {  	[tilespmem:s9+$0x1070] =	vst v0  }
0x25: {  	[tilespmem:s9+$0x1000] =	vst v0  }
0x26: {  	[tilespmem:s9+$0x1010] =	vst v0  }
0x27: {  	[tilespmem:s9+$0x1020] =	vst v0  }
0x28: {  	[tilespmem:s9+$0x1030] =	vst v0  }
0x29: {  	[tilespmem:s9+$0x1040] =	vst v0  }
0x2a: {  	[tilespmem:s9+$0x1050] =	vst v0  }
0x2b: {  	[tilespmem:s9+$0x1060] =	vst v0;
	s0 =	rddreg [dreg:$0x4]  }
0x2c: {  	[spmem:s0] =	stream.linear.scatter [tilespmem:s22], [sflag:$0x2], $0x4000, $0x38;
	[tilespmem:$0x1D000] =	vst v63  }
0x2d: {  	_ =	swait.ge [sflag:s23], $0x4000  }
0x2e: {  	[sflag:s23] =	ssyncset.done $0x0  }
0x2f: {  	s3 =	rddreg [dreg:$0x5];
	[sflag:s23] =	ssyncadd.s32 $0xFFFFC000  }
0x30: {  	[spmem:s3] =	stream.linear.scatter [tilespmem:s22], [sflag:$0x2], $0x4000, $0x38;
	[tilespmem:$0x1D000] =	vst v63  }
0x31: {  	_ =	swait.ge [sflag:s23], $0x4000  }
0x32: {  	[sflag:s23] =	ssyncset.done $0x0  }
0x33: {  	s4 =	rddreg [dreg:$0x6];
	[sflag:s23] =	ssyncadd.s32 $0xFFFFC000  }
0x34: {  	[spmem:s4] =	stream.linear.scatter [tilespmem:s22], [sflag:$0x2], $0x4000, $0x38;
	[tilespmem:$0x1D000] =	vst v63  }
0x35: {  	_ =	swait.ge [sflag:s23], $0x4000  }
0x36: {  	[sflag:s23] =	ssyncset.done $0x0  }
0x37: {  	s5 =	rddreg [dreg:$0x7];
	[sflag:s23] =	ssyncadd.s32 $0xFFFFC000  }
0x38: {  	[spmem:s5] =	stream.linear.scatter [tilespmem:s22], [sflag:$0x2], $0x4000, $0x38;
	[tilespmem:$0x1D000] =	vst v63  }
0x39: {  	_ =	swait.ge [sflag:s23], $0x4000  }
0x3a: {  	[sflag:s23] =	ssyncset.done $0x0  }
0x3b: {  	s6 =	rddreg [dreg:$0x8];
	[sflag:s23] =	ssyncadd.s32 $0xFFFFC000  }
0x3c: {  	[spmem:s6] =	stream.linear.scatter [tilespmem:s22], [sflag:$0x2], $0x4000, $0x38;
	[tilespmem:$0x1D000] =	vst v63  }
0x3d: {  	_ =	swait.ge [sflag:s23], $0x4000  }
0x3e: {  	[sflag:s23] =	ssyncset.done $0x0  }
0x3f: {  	[sflag:s23] =	ssyncadd.s32 $0xFFFFC000  }
0x40: {  	[bflag:$0x0] =	sbarrier.arrive $0xFFFF  }
0x41: {  	s10 =	rddreg [dreg:$0x9]  }
0x42: {  	[tilespmem:s7], [sflag:$0x2] =	stream.linear.gather [hbm4b:s10+s7], $0x800, $0x38;
	[tilespmem:$0x1D000] =	vst v63  }
0x43: {  	_ =	swait.ge [sflag:s23], $0x800  }
0x44: {  	[sflag:s23] =	ssyncset.done $0x0  }
0x45: {  	s3 =	simm.s32 $0x800;
	s11 =	rddreg [dreg:$0xa];
	[sflag:s23] =	ssyncadd.s32 $0xFFFFF800  }
0x46: {  	[tilespmem:s3], [sflag:$0x2] =	stream.linear.gather [hbm4b:s11+s7], $0x800, $0x38;
	[tilespmem:$0x1D000] =	vst v63  }
0x47: {  	_ =	swait.ge [sflag:s23], $0x800  }
0x48: {  	[sflag:s23] =	ssyncset.done $0x0  }
0x49: {  	[sflag:s23] =	ssyncadd.s32 $0xFFFFF800  }
0x4a: {  	[tilespmem:s22], [sflag:$0x1] =	stream.indirect.gather [hbm4b:s1+s25], $0x80, s7, s25, $0xb8;
	[tilespmem:$0x1D000] =	vst v63  }
0x4b: {  	_ = 	snop  }
0x4c: {  	[tilespmem:s26], [sflag:$0x1] =	stream.indirect.gather [hbm4b:s1+s25], $0x80, s25, s25, $0xb8;
	[tilespmem:$0x1D000] =	vst v63  }
0x4d: {  	_ =	swait.ge [sflag:s28], $0x4000  }
0x4e: {  	[sflag:s28] =	ssyncset.done $0x0  }
0x4f: {  	[sflag:s28] =	ssyncadd.s32 $0xFFFFC000  }
0x50: {  	[spmem:s2] =	stream.indirect.scatter.add.f32 [tilespmem:s22], [sflag:$0x2], $0x80, s3, s25, $0xb8;
	[tilespmem:$0x1D000] =	vst v63  }
0x51: {  	_ =	swait.ge [sflag:s23], $0x4000  }
0x52: {  	[sflag:s23] =	ssyncset.done $0x0  }
0x53: {  	s12 =	simm.s32 $0x100;
	[sflag:s23] =	ssyncadd.s32 $0xFFFFC000  }
0x54: {  	[tilespmem:s22], [sflag:$0x1] =	stream.indirect.gather [hbm4b:s1+s25], $0x80, s12, s25, $0xb8;
	[tilespmem:$0x1D000] =	vst v63  }
0x55: {  	_ =	swait.ge [sflag:s28], $0x4000  }
0x56: {  	[sflag:s28] =	ssyncset.done $0x0  }
0x57: {  	s13 =	simm.s32 $0x880;
	[sflag:s28] =	ssyncadd.s32 $0xFFFFC000  }
0x58: {  	[spmem:s2] =	stream.indirect.scatter.add.f32 [tilespmem:s26], [sflag:$0x2], $0x80, s13, s25, $0xb8;
	[tilespmem:$0x1D000] =	vst v63  }
0x59: {  	_ =	swait.ge [sflag:s23], $0x4000  }
0x5a: {  	[sflag:s23] =	ssyncset.done $0x0  }
0x5b: {  	s14 =	simm.s32 $0x180;
	[sflag:s23] =	ssyncadd.s32 $0xFFFFC000  }
0x5c: {  	[tilespmem:s26], [sflag:$0x1] =	stream.indirect.gather [hbm4b:s1+s25], $0x80, s14, s25, $0xb8;
	[tilespmem:$0x1D000] =	vst v63  }
0x5d: {  	_ =	swait.ge [sflag:s28], $0x4000  }
0x5e: {  	[sflag:s28] =	ssyncset.done $0x0  }
0x5f: {  	s17 =	simm.s32 $0x900;
	[sflag:s28] =	ssyncadd.s32 $0xFFFFC000  }
0x60: {  	[spmem:s2] =	stream.indirect.scatter.add.f32 [tilespmem:s22], [sflag:$0x2], $0x80, s17, s25, $0xb8;
	[tilespmem:$0x1D000] =	vst v63  }
0x61: {  	_ =	swait.ge [sflag:s23], $0x4000  }
0x62: {  	[sflag:s23] =	ssyncset.done $0x0  }
0x63: {  	s18 =	simm.s32 $0x200;
	[sflag:s23] =	ssyncadd.s32 $0xFFFFC000  }
0x64: {  	[tilespmem:s22], [sflag:$0x1] =	stream.indirect.gather [hbm4b:s1+s25], $0x80, s18, s25, $0xb8;
	[tilespmem:$0x1D000] =	vst v63  }
0x65: {  	_ =	swait.ge [sflag:s28], $0x4000  }
0x66: {  	[sflag:s28] =	ssyncset.done $0x0  }
0x67: {  	s19 =	simm.s32 $0x980;
	[sflag:s28] =	ssyncadd.s32 $0xFFFFC000  }
0x68: {  	[spmem:s2] =	stream.indirect.scatter.add.f32 [tilespmem:s26], [sflag:$0x2], $0x80, s19, s25, $0xb8;
	[tilespmem:$0x1D000] =	vst v63  }
0x69: {  	_ =	swait.ge [sflag:s23], $0x4000  }
0x6a: {  	[sflag:s23] =	ssyncset.done $0x0  }
0x6b: {  	s20 =	simm.s32 $0x280;
	[sflag:s23] =	ssyncadd.s32 $0xFFFFC000  }
0x6c: {  	[tilespmem:s26], [sflag:$0x1] =	stream.indirect.gather [hbm4b:s1+s25], $0x80, s20, s25, $0xb8;
	[tilespmem:$0x1D000] =	vst v63  }
0x6d: {  	_ =	swait.ge [sflag:s28], $0x4000  }
0x6e: {  	[sflag:s28] =	ssyncset.done $0x0  }
0x6f: {  	s21 =	simm.s32 $0xA00;
	[sflag:s28] =	ssyncadd.s32 $0xFFFFC000  }
0x70: {  	[spmem:s2] =	stream.indirect.scatter.add.f32 [tilespmem:s22], [sflag:$0x2], $0x80, s21, s25, $0xb8;
	[tilespmem:$0x1D000] =	vst v63  }
0x71: {  	_ =	swait.ge [sflag:s23], $0x4000  }
0x72: {  	[sflag:s23] =	ssyncset.done $0x0  }
0x73: {  	s29 =	simm.s32 $0x300;
	[sflag:s23] =	ssyncadd.s32 $0xFFFFC000  }
0x74: {  	[tilespmem:s22], [sflag:$0x1] =	stream.indirect.gather [hbm4b:s1+s25], $0x80, s29, s25, $0xb8;
	[tilespmem:$0x1D000] =	vst v63  }
0x75: {  	_ =	swait.ge [sflag:s28], $0x4000  }
0x76: {  	[sflag:s28] =	ssyncset.done $0x0  }
0x77: {  	s30 =	simm.s32 $0xA80;
	[sflag:s28] =	ssyncadd.s32 $0xFFFFC000  }
0x78: {  	[spmem:s2] =	stream.indirect.scatter.add.f32 [tilespmem:s26], [sflag:$0x2], $0x80, s30, s25, $0xb8;
	[tilespmem:$0x1D000] =	vst v63  }
0x79: {  	_ =	swait.ge [sflag:s23], $0x4000  }
0x7a: {  	[sflag:s23] =	ssyncset.done $0x0  }
0x7b: {  	s31 =	simm.s32 $0x380;
	[sflag:s23] =	ssyncadd.s32 $0xFFFFC000  }
0x7c: {  	[tilespmem:s26], [sflag:$0x1] =	stream.indirect.gather [hbm4b:s1+s25], $0x80, s31, s25, $0xb8;
	[tilespmem:$0x1D000] =	vst v63  }
0x7d: {  	_ =	swait.ge [sflag:s28], $0x4000  }
0x7e: {  	[sflag:s28] =	ssyncset.done $0x0  }
0x7f: {  	s4 =	simm.s32 $0xB00;
	[sflag:s28] =	ssyncadd.s32 $0xFFFFC000  }
0x80: {  	[spmem:s2] =	stream.indirect.scatter.add.f32 [tilespmem:s22], [sflag:$0x2], $0x80, s4, s25, $0xb8;
	[tilespmem:$0x1D000] =	vst v63  }
0x81: {  	_ =	swait.ge [sflag:s23], $0x4000  }
0x82: {  	[sflag:s23] =	ssyncset.done $0x0  }
0x83: {  	s5 =	simm.s32 $0x400;
	[sflag:s23] =	ssyncadd.s32 $0xFFFFC000  }
0x84: {  	[tilespmem:s22], [sflag:$0x1] =	stream.indirect.gather [hbm4b:s1+s25], $0x80, s5, s25, $0xb8;
	[tilespmem:$0x1D000] =	vst v63  }
0x85: {  	_ =	swait.ge [sflag:s28], $0x4000  }
0x86: {  	[sflag:s28] =	ssyncset.done $0x0  }
0x87: {  	s6 =	simm.s32 $0xB80;
	[sflag:s28] =	ssyncadd.s32 $0xFFFFC000  }
0x88: {  	[spmem:s2] =	stream.indirect.scatter.add.f32 [tilespmem:s26], [sflag:$0x2], $0x80, s6, s25, $0xb8;
	[tilespmem:$0x1D000] =	vst v63  }
0x89: {  	_ =	swait.ge [sflag:s23], $0x4000  }
0x8a: {  	[sflag:s23] =	ssyncset.done $0x0  }
0x8b: {  	s9 =	simm.s32 $0x480;
	[sflag:s23] =	ssyncadd.s32 $0xFFFFC000  }
0x8c: {  	[tilespmem:s26], [sflag:$0x1] =	stream.indirect.gather [hbm4b:s1+s25], $0x80, s9, s25, $0xb8;
	[tilespmem:$0x1D000] =	vst v63  }
0x8d: {  	_ =	swait.ge [sflag:s28], $0x4000  }
0x8e: {  	[sflag:s28] =	ssyncset.done $0x0  }
0x8f: {  	s10 =	simm.s32 $0xC00;
	[sflag:s28] =	ssyncadd.s32 $0xFFFFC000  }
0x90: {  	[spmem:s2] =	stream.indirect.scatter.add.f32 [tilespmem:s22], [sflag:$0x2], $0x80, s10, s25, $0xb8;
	[tilespmem:$0x1D000] =	vst v63  }
0x91: {  	_ =	swait.ge [sflag:s23], $0x4000  }
0x92: {  	[sflag:s23] =	ssyncset.done $0x0  }
0x93: {  	s11 =	simm.s32 $0x500;
	[sflag:s23] =	ssyncadd.s32 $0xFFFFC000  }
0x94: {  	[tilespmem:s22], [sflag:$0x1] =	stream.indirect.gather [hbm4b:s1+s25], $0x80, s11, s25, $0xb8;
	[tilespmem:$0x1D000] =	vst v63  }
0x95: {  	_ =	swait.ge [sflag:s28], $0x4000  }
0x96: {  	[sflag:s28] =	ssyncset.done $0x0  }
0x97: {  	s12 =	simm.s32 $0xC80;
	[sflag:s28] =	ssyncadd.s32 $0xFFFFC000  }
0x98: {  	[spmem:s2] =	stream.indirect.scatter.add.f32 [tilespmem:s26], [sflag:$0x2], $0x80, s12, s25, $0xb8;
	[tilespmem:$0x1D000] =	vst v63  }
0x99: {  	_ =	swait.ge [sflag:s23], $0x4000  }
0x9a: {  	[sflag:s23] =	ssyncset.done $0x0  }
0x9b: {  	s13 =	simm.s32 $0x580;
	[sflag:s23] =	ssyncadd.s32 $0xFFFFC000  }
0x9c: {  	[tilespmem:s26], [sflag:$0x1] =	stream.indirect.gather [hbm4b:s1+s25], $0x80, s13, s25, $0xb8;
	[tilespmem:$0x1D000] =	vst v63  }
0x9d: {  	_ =	swait.ge [sflag:s28], $0x4000  }
0x9e: {  	[sflag:s28] =	ssyncset.done $0x0  }
0x9f: {  	s17 =	simm.s32 $0xD00;
	[sflag:s28] =	ssyncadd.s32 $0xFFFFC000  }
0xa0: {  	[spmem:s2] =	stream.indirect.scatter.add.f32 [tilespmem:s22], [sflag:$0x2], $0x80, s17, s25, $0xb8;
	[tilespmem:$0x1D000] =	vst v63  }
0xa1: {  	_ =	swait.ge [sflag:s23], $0x4000  }
0xa2: {  	[sflag:s23] =	ssyncset.done $0x0  }
0xa3: {  	s18 =	simm.s32 $0x600;
	[sflag:s23] =	ssyncadd.s32 $0xFFFFC000  }
0xa4: {  	[tilespmem:s22], [sflag:$0x1] =	stream.indirect.gather [hbm4b:s1+s25], $0x80, s18, s25, $0xb8;
	[tilespmem:$0x1D000] =	vst v63  }
0xa5: {  	_ =	swait.ge [sflag:s28], $0x4000  }
0xa6: {  	[sflag:s28] =	ssyncset.done $0x0  }
0xa7: {  	s19 =	simm.s32 $0xD80;
	[sflag:s28] =	ssyncadd.s32 $0xFFFFC000  }
0xa8: {  	[spmem:s2] =	stream.indirect.scatter.add.f32 [tilespmem:s26], [sflag:$0x2], $0x80, s19, s25, $0xb8;
	[tilespmem:$0x1D000] =	vst v63  }
0xa9: {  	_ =	swait.ge [sflag:s23], $0x4000  }
0xaa: {  	[sflag:s23] =	ssyncset.done $0x0  }
0xab: {  	s20 =	simm.s32 $0x680;
	[sflag:s23] =	ssyncadd.s32 $0xFFFFC000  }
0xac: {  	[tilespmem:s26], [sflag:$0x1] =	stream.indirect.gather [hbm4b:s1+s25], $0x80, s20, s25, $0xb8;
	[tilespmem:$0x1D000] =	vst v63  }
0xad: {  	_ =	swait.ge [sflag:s28], $0x4000  }
0xae: {  	[sflag:s28] =	ssyncset.done $0x0  }
0xaf: {  	s21 =	simm.s32 $0xE00;
	[sflag:s28] =	ssyncadd.s32 $0xFFFFC000  }
0xb0: {  	[spmem:s2] =	stream.indirect.scatter.add.f32 [tilespmem:s22], [sflag:$0x2], $0x80, s21, s25, $0xb8;
	[tilespmem:$0x1D000] =	vst v63  }
0xb1: {  	_ =	swait.ge [sflag:s23], $0x4000  }
0xb2: {  	[sflag:s23] =	ssyncset.done $0x0  }
0xb3: {  	s29 =	simm.s32 $0x700;
	[sflag:s23] =	ssyncadd.s32 $0xFFFFC000  }
0xb4: {  	[tilespmem:s22], [sflag:$0x1] =	stream.indirect.gather [hbm4b:s1+s25], $0x80, s29, s25, $0xb8;
	[tilespmem:$0x1D000] =	vst v63  }
0xb5: {  	_ =	swait.ge [sflag:s28], $0x4000  }
0xb6: {  	[sflag:s28] =	ssyncset.done $0x0  }
0xb7: {  	s30 =	simm.s32 $0xE80;
	[sflag:s28] =	ssyncadd.s32 $0xFFFFC000  }
0xb8: {  	[spmem:s2] =	stream.indirect.scatter.add.f32 [tilespmem:s26], [sflag:$0x2], $0x80, s30, s25, $0xb8;
	[tilespmem:$0x1D000] =	vst v63  }
0xb9: {  	_ =	swait.ge [sflag:s23], $0x4000  }
0xba: {  	[sflag:s23] =	ssyncset.done $0x0  }
0xbb: {  	s31 =	simm.s32 $0x780;
	[sflag:s23] =	ssyncadd.s32 $0xFFFFC000  }
0xbc: {  	[tilespmem:s26], [sflag:$0x1] =	stream.indirect.gather [hbm4b:s1+s25], $0x80, s31, s25, $0xb8;
	[tilespmem:$0x1D000] =	vst v63  }
0xbd: {  	_ =	swait.ge [sflag:s28], $0x4000  }
0xbe: {  	[sflag:s28] =	ssyncset.done $0x0  }
0xbf: {  	s0 =	simm.s32 $0xF00;
	[sflag:s28] =	ssyncadd.s32 $0xFFFFC000  }
0xc0: {  	[spmem:s2] =	stream.indirect.scatter.add.f32 [tilespmem:s22], [sflag:$0x2], $0x80, s0, s25, $0xb8;
	[tilespmem:$0x1D000] =	vst v63  }
0xc1: {  	_ =	swait.ge [sflag:s23], $0x4000  }
0xc2: {  	[sflag:s23] =	ssyncset.done $0x0  }
0xc3: {  	[sflag:s23] =	ssyncadd.s32 $0xFFFFC000  }
0xc4: {  	_ =	swait.ge [sflag:s28], $0x4000  }
0xc5: {  	[sflag:s28] =	ssyncset.done $0x0  }
0xc6: {  	s4 =	simm.s32 $0xF80;
	[sflag:s28] =	ssyncadd.s32 $0xFFFFC000  }
0xc7: {  	[spmem:s2] =	stream.indirect.scatter.add.f32 [tilespmem:s26], [sflag:$0x2], $0x80, s4, s25, $0xb8;
	[tilespmem:$0x1D000] =	vst v63  }
0xc8: {  	_ =	swait.ge [sflag:s23], $0x4000  }
0xc9: {  	[sflag:s23] =	ssyncset.done $0x0  }
0xca: {  	s5 =	rddreg [dreg:$0xb];
	[sflag:s23] =	ssyncadd.s32 $0xFFFFC000  }
0xcb: {  	[tilespmem:s7], [sflag:$0x2] =	stream.linear.gather [hbm4b:s5+s7], $0x800, $0x38;
	[tilespmem:$0x1D000] =	vst v63  }
0xcc: {  	_ =	swait.ge [sflag:s23], $0x800  }
0xcd: {  	[sflag:s23] =	ssyncset.done $0x0  }
0xce: {  	s6 =	rddreg [dreg:$0xc];
	[sflag:s23] =	ssyncadd.s32 $0xFFFFF800  }
0xcf: {  	[tilespmem:s3], [sflag:$0x2] =	stream.linear.gather [hbm4b:s6+s7], $0x800, $0x38;
	[tilespmem:$0x1D000] =	vst v63  }
0xd0: {  	_ =	swait.ge [sflag:s23], $0x800  }
0xd1: {  	[sflag:s23] =	ssyncset.done $0x0  }
0xd2: {  	[sflag:s23] =	ssyncadd.s32 $0xFFFFF800  }
0xd3: {  	[tilespmem:s22], [sflag:$0x1] =	stream.indirect.gather [hbm4b:s1+s25], $0x80, s7, s25, $0xb8;
	[tilespmem:$0x1D000] =	vst v63  }
0xd4: {  	_ = 	snop  }
0xd5: {  	[tilespmem:s26], [sflag:$0x1] =	stream.indirect.gather [hbm4b:s1+s25], $0x80, s25, s25, $0xb8;
	[tilespmem:$0x1D000] =	vst v63  }
0xd6: {  	_ =	swait.ge [sflag:s28], $0x4000  }
0xd7: {  	[sflag:s28] =	ssyncset.done $0x0  }
0xd8: {  	[sflag:s28] =	ssyncadd.s32 $0xFFFFC000  }
0xd9: {  	[spmem:s2] =	stream.indirect.scatter.add.f32 [tilespmem:s22], [sflag:$0x2], $0x80, s3, s25, $0xb8;
	[tilespmem:$0x1D000] =	vst v63  }
0xda: {  	_ =	swait.ge [sflag:s23], $0x4000  }
0xdb: {  	[sflag:s23] =	ssyncset.done $0x0  }
0xdc: {  	s15 =	simm.s32 $0x100;
	[sflag:s23] =	ssyncadd.s32 $0xFFFFC000  }
0xdd: {  	[tilespmem:s22], [sflag:$0x1] =	stream.indirect.gather [hbm4b:s1+s25], $0x80, s15, s25, $0xb8;
	[tilespmem:$0x1D000] =	vst v63  }
0xde: {  	_ =	swait.ge [sflag:s28], $0x4000  }
0xdf: {  	[sflag:s28] =	ssyncset.done $0x0  }
0xe0: {  	s16 =	simm.s32 $0x880;
	[sflag:s28] =	ssyncadd.s32 $0xFFFFC000  }
0xe1: {  	[spmem:s2] =	stream.indirect.scatter.add.f32 [tilespmem:s26], [sflag:$0x2], $0x80, s16, s25, $0xb8;
	[tilespmem:$0x1D000] =	vst v63  }
0xe2: {  	_ =	swait.ge [sflag:s23], $0x4000  }
0xe3: {  	[sflag:s23] =	ssyncset.done $0x0  }
0xe4: {  	s24 =	simm.s32 $0x180;
	[sflag:s23] =	ssyncadd.s32 $0xFFFFC000  }
0xe5: {  	[tilespmem:s26], [sflag:$0x1] =	stream.indirect.gather [hbm4b:s1+s25], $0x80, s24, s25, $0xb8;
	[tilespmem:$0x1D000] =	vst v63  }
0xe6: {  	_ =	swait.ge [sflag:s28], $0x4000  }
0xe7: {  	[sflag:s28] =	ssyncset.done $0x0  }
0xe8: {  	s18 =	simm.s32 $0x900;
	[sflag:s28] =	ssyncadd.s32 $0xFFFFC000  }
0xe9: {  	[spmem:s2] =	stream.indirect.scatter.add.f32 [tilespmem:s22], [sflag:$0x2], $0x80, s18, s25, $0xb8;
	[tilespmem:$0x1D000] =	vst v63  }
0xea: {  	_ =	swait.ge [sflag:s23], $0x4000  }
0xeb: {  	[sflag:s23] =	ssyncset.done $0x0  }
0xec: {  	s19 =	simm.s32 $0x200;
	[sflag:s23] =	ssyncadd.s32 $0xFFFFC000  }
0xed: {  	[tilespmem:s22], [sflag:$0x1] =	stream.indirect.gather [hbm4b:s1+s25], $0x80, s19, s25, $0xb8;
	[tilespmem:$0x1D000] =	vst v63  }
0xee: {  	_ =	swait.ge [sflag:s28], $0x4000  }
0xef: {  	[sflag:s28] =	ssyncset.done $0x0  }
0xf0: {  	s20 =	simm.s32 $0x980;
	[sflag:s28] =	ssyncadd.s32 $0xFFFFC000  }
0xf1: {  	[spmem:s2] =	stream.indirect.scatter.add.f32 [tilespmem:s26], [sflag:$0x2], $0x80, s20, s25, $0xb8;
	[tilespmem:$0x1D000] =	vst v63  }
0xf2: {  	_ =	swait.ge [sflag:s23], $0x4000  }
0xf3: {  	[sflag:s23] =	ssyncset.done $0x0  }
0xf4: {  	s21 =	simm.s32 $0x280;
	[sflag:s23] =	ssyncadd.s32 $0xFFFFC000  }
0xf5: {  	[tilespmem:s26], [sflag:$0x1] =	stream.indirect.gather [hbm4b:s1+s25], $0x80, s21, s25, $0xb8;
	[tilespmem:$0x1D000] =	vst v63  }
0xf6: {  	_ =	swait.ge [sflag:s28], $0x4000  }
0xf7: {  	[sflag:s28] =	ssyncset.done $0x0  }
0xf8: {  	s29 =	simm.s32 $0xA00;
	[sflag:s28] =	ssyncadd.s32 $0xFFFFC000  }
0xf9: {  	[spmem:s2] =	stream.indirect.scatter.add.f32 [tilespmem:s22], [sflag:$0x2], $0x80, s29, s25, $0xb8;
	[tilespmem:$0x1D000] =	vst v63  }
0xfa: {  	_ =	swait.ge [sflag:s23], $0x4000  }
0xfb: {  	[sflag:s23] =	ssyncset.done $0x0  }
0xfc: {  	s30 =	simm.s32 $0x300;
	[sflag:s23] =	ssyncadd.s32 $0xFFFFC000  }
0xfd: {  	[tilespmem:s22], [sflag:$0x1] =	stream.indirect.gather [hbm4b:s1+s25], $0x80, s30, s25, $0xb8;
	[tilespmem:$0x1D000] =	vst v63  }
0xfe: {  	_ =	swait.ge [sflag:s28], $0x4000  }
0xff: {  	[sflag:s28] =	ssyncset.done $0x0  }
0x100: {  	s31 =	simm.s32 $0xA80;
	[sflag:s28] =	ssyncadd.s32 $0xFFFFC000  }
0x101: {  	[spmem:s2] =	stream.indirect.scatter.add.f32 [tilespmem:s26], [sflag:$0x2], $0x80, s31, s25, $0xb8;
	[tilespmem:$0x1D000] =	vst v63  }
0x102: {  	_ =	swait.ge [sflag:s23], $0x4000  }
0x103: {  	[sflag:s23] =	ssyncset.done $0x0  }
0x104: {  	s0 =	simm.s32 $0x380;
	[sflag:s23] =	ssyncadd.s32 $0xFFFFC000  }
0x105: {  	[tilespmem:s26], [sflag:$0x1] =	stream.indirect.gather [hbm4b:s1+s25], $0x80, s0, s25, $0xb8;
	[tilespmem:$0x1D000] =	vst v63  }
0x106: {  	_ =	swait.ge [sflag:s28], $0x4000  }
0x107: {  	[sflag:s28] =	ssyncset.done $0x0  }
0x108: {  	s14 =	simm.s32 $0xB00;
	[sflag:s28] =	ssyncadd.s32 $0xFFFFC000  }
0x109: {  	[spmem:s2] =	stream.indirect.scatter.add.f32 [tilespmem:s22], [sflag:$0x2], $0x80, s14, s25, $0xb8;
	[tilespmem:$0x1D000] =	vst v63  }
0x10a: {  	_ =	swait.ge [sflag:s23], $0x4000  }
0x10b: {  	[sflag:s23] =	ssyncset.done $0x0  }
0x10c: {  	s4 =	simm.s32 $0x400;
	[sflag:s23] =	ssyncadd.s32 $0xFFFFC000  }
0x10d: {  	[tilespmem:s22], [sflag:$0x1] =	stream.indirect.gather [hbm4b:s1+s25], $0x80, s4, s25, $0xb8;
	[tilespmem:$0x1D000] =	vst v63  }
0x10e: {  	_ =	swait.ge [sflag:s28], $0x4000  }
0x10f: {  	[sflag:s28] =	ssyncset.done $0x0  }
0x110: {  	s5 =	simm.s32 $0xB80;
	[sflag:s28] =	ssyncadd.s32 $0xFFFFC000  }
0x111: {  	[spmem:s2] =	stream.indirect.scatter.add.f32 [tilespmem:s26], [sflag:$0x2], $0x80, s5, s25, $0xb8;
	[tilespmem:$0x1D000] =	vst v63  }
0x112: {  	_ =	swait.ge [sflag:s23], $0x4000  }
0x113: {  	[sflag:s23] =	ssyncset.done $0x0  }
0x114: {  	s6 =	simm.s32 $0x480;
	[sflag:s23] =	ssyncadd.s32 $0xFFFFC000  }
0x115: {  	[tilespmem:s26], [sflag:$0x1] =	stream.indirect.gather [hbm4b:s1+s25], $0x80, s6, s25, $0xb8;
	[tilespmem:$0x1D000] =	vst v63  }
0x116: {  	_ =	swait.ge [sflag:s28], $0x4000  }
0x117: {  	[sflag:s28] =	ssyncset.done $0x0  }
0x118: {  	s24 =	simm.s32 $0xC00;
	[sflag:s28] =	ssyncadd.s32 $0xFFFFC000  }
0x119: {  	[spmem:s2] =	stream.indirect.scatter.add.f32 [tilespmem:s22], [sflag:$0x2], $0x80, s24, s25, $0xb8;
	[tilespmem:$0x1D000] =	vst v63  }
0x11a: {  	_ =	swait.ge [sflag:s23], $0x4000  }
0x11b: {  	[sflag:s23] =	ssyncset.done $0x0  }
0x11c: {  	s14 =	simm.s32 $0x500;
	[sflag:s23] =	ssyncadd.s32 $0xFFFFC000  }
0x11d: {  	[tilespmem:s22], [sflag:$0x1] =	stream.indirect.gather [hbm4b:s1+s25], $0x80, s14, s25, $0xb8;
	[tilespmem:$0x1D000] =	vst v63  }
0x11e: {  	_ =	swait.ge [sflag:s28], $0x4000  }
0x11f: {  	[sflag:s28] =	ssyncset.done $0x0  }
0x120: {  	s15 =	simm.s32 $0xC80;
	[sflag:s28] =	ssyncadd.s32 $0xFFFFC000  }
0x121: {  	[spmem:s2] =	stream.indirect.scatter.add.f32 [tilespmem:s26], [sflag:$0x2], $0x80, s15, s25, $0xb8;
	[tilespmem:$0x1D000] =	vst v63  }
0x122: {  	_ =	swait.ge [sflag:s23], $0x4000  }
0x123: {  	[sflag:s23] =	ssyncset.done $0x0  }
0x124: {  	s16 =	simm.s32 $0x580;
	[sflag:s23] =	ssyncadd.s32 $0xFFFFC000  }
0x125: {  	[tilespmem:s26], [sflag:$0x1] =	stream.indirect.gather [hbm4b:s1+s25], $0x80, s16, s25, $0xb8;
	[tilespmem:$0x1D000] =	vst v63  }
0x126: {  	_ =	swait.ge [sflag:s28], $0x4000  }
0x127: {  	[sflag:s28] =	ssyncset.done $0x0  }
0x128: {  	s17 =	simm.s32 $0xD00;
	[sflag:s28] =	ssyncadd.s32 $0xFFFFC000  }
0x129: {  	[spmem:s2] =	stream.indirect.scatter.add.f32 [tilespmem:s22], [sflag:$0x2], $0x80, s17, s25, $0xb8;
	[tilespmem:$0x1D000] =	vst v63  }
0x12a: {  	_ =	swait.ge [sflag:s23], $0x4000  }
0x12b: {  	[sflag:s23] =	ssyncset.done $0x0  }
0x12c: {  	s17 =	simm.s32 $0x600;
	[sflag:s23] =	ssyncadd.s32 $0xFFFFC000  }
0x12d: {  	[tilespmem:s22], [sflag:$0x1] =	stream.indirect.gather [hbm4b:s1+s25], $0x80, s17, s25, $0xb8;
	[tilespmem:$0x1D000] =	vst v63  }
0x12e: {  	_ =	swait.ge [sflag:s28], $0x4000  }
0x12f: {  	[sflag:s28] =	ssyncset.done $0x0  }
0x130: {  	s9 =	simm.s32 $0xD80;
	[sflag:s28] =	ssyncadd.s32 $0xFFFFC000  }
0x131: {  	[spmem:s2] =	stream.indirect.scatter.add.f32 [tilespmem:s26], [sflag:$0x2], $0x80, s9, s25, $0xb8;
	[tilespmem:$0x1D000] =	vst v63  }
0x132: {  	_ =	swait.ge [sflag:s23], $0x4000  }
0x133: {  	[sflag:s23] =	ssyncset.done $0x0  }
0x134: {  	s9 =	simm.s32 $0x680;
	[sflag:s23] =	ssyncadd.s32 $0xFFFFC000  }
0x135: {  	[tilespmem:s26], [sflag:$0x1] =	stream.indirect.gather [hbm4b:s1+s25], $0x80, s9, s25, $0xb8;
	[tilespmem:$0x1D000] =	vst v63  }
0x136: {  	_ =	swait.ge [sflag:s28], $0x4000  }
0x137: {  	[sflag:s28] =	ssyncset.done $0x0  }
0x138: {  	s9 =	simm.s32 $0xE00;
	[sflag:s28] =	ssyncadd.s32 $0xFFFFC000  }
0x139: {  	[spmem:s2] =	stream.indirect.scatter.add.f32 [tilespmem:s22], [sflag:$0x2], $0x80, s9, s25, $0xb8;
	[tilespmem:$0x1D000] =	vst v63  }
0x13a: {  	_ =	swait.ge [sflag:s23], $0x4000  }
0x13b: {  	[sflag:s23] =	ssyncset.done $0x0  }
0x13c: {  	s9 =	simm.s32 $0x700;
	[sflag:s23] =	ssyncadd.s32 $0xFFFFC000  }
0x13d: {  	[tilespmem:s22], [sflag:$0x1] =	stream.indirect.gather [hbm4b:s1+s25], $0x80, s9, s25, $0xb8;
	[tilespmem:$0x1D000] =	vst v63  }
0x13e: {  	_ =	swait.ge [sflag:s28], $0x4000  }
0x13f: {  	[sflag:s28] =	ssyncset.done $0x0  }
0x140: {  	s10 =	simm.s32 $0xE80;
	[sflag:s28] =	ssyncadd.s32 $0xFFFFC000  }
0x141: {  	[spmem:s2] =	stream.indirect.scatter.add.f32 [tilespmem:s26], [sflag:$0x2], $0x80, s10, s25, $0xb8;
	[tilespmem:$0x1D000] =	vst v63  }
0x142: {  	_ =	swait.ge [sflag:s23], $0x4000  }
0x143: {  	[sflag:s23] =	ssyncset.done $0x0  }
0x144: {  	s11 =	simm.s32 $0x780;
	[sflag:s23] =	ssyncadd.s32 $0xFFFFC000  }
0x145: {  	[tilespmem:s26], [sflag:$0x1] =	stream.indirect.gather [hbm4b:s1+s25], $0x80, s11, s25, $0xb8;
	[tilespmem:$0x1D000] =	vst v63  }
0x146: {  	_ =	swait.ge [sflag:s28], $0x4000  }
0x147: {  	[sflag:s28] =	ssyncset.done $0x0  }
0x148: {  	s12 =	simm.s32 $0xF00;
	[sflag:s28] =	ssyncadd.s32 $0xFFFFC000  }
0x149: {  	[spmem:s2] =	stream.indirect.scatter.add.f32 [tilespmem:s22], [sflag:$0x2], $0x80, s12, s25, $0xb8;
	[tilespmem:$0x1D000] =	vst v63  }
0x14a: {  	_ =	swait.ge [sflag:s23], $0x4000  }
0x14b: {  	[sflag:s23] =	ssyncset.done $0x0  }
0x14c: {  	[sflag:s23] =	ssyncadd.s32 $0xFFFFC000  }
0x14d: {  	_ =	swait.ge [sflag:s28], $0x4000  }
0x14e: {  	[sflag:s28] =	ssyncset.done $0x0  }
0x14f: {  	s13 =	simm.s32 $0xF80;
	[sflag:s28] =	ssyncadd.s32 $0xFFFFC000  }
0x150: {  	[spmem:s2] =	stream.indirect.scatter.add.f32 [tilespmem:s26], [sflag:$0x2], $0x80, s13, s25, $0xb8;
	[tilespmem:$0x1D000] =	vst v63  }
0x151: {  	_ =	swait.ge [sflag:s23], $0x4000  }
0x152: {  	[sflag:s23] =	ssyncset.done $0x0  }
0x153: {  	s9 =	rddreg [dreg:$0xd];
	[sflag:s23] =	ssyncadd.s32 $0xFFFFC000  }
0x154: {  	[tilespmem:s7], [sflag:$0x2] =	stream.linear.gather [hbm4b:s9+s7], $0x800, $0x38;
	[tilespmem:$0x1D000] =	vst v63  }
0x155: {  	_ =	swait.ge [sflag:s23], $0x800  }
0x156: {  	[sflag:s23] =	ssyncset.done $0x0  }
0x157: {  	s9 =	rddreg [dreg:$0xe];
	[sflag:s23] =	ssyncadd.s32 $0xFFFFF800  }
0x158: {  	[tilespmem:s3], [sflag:$0x2] =	stream.linear.gather [hbm4b:s9+s7], $0x800, $0x38;
	[tilespmem:$0x1D000] =	vst v63  }
0x159: {  	_ =	swait.ge [sflag:s23], $0x800  }
0x15a: {  	[sflag:s23] =	ssyncset.done $0x0  }
0x15b: {  	[sflag:s23] =	ssyncadd.s32 $0xFFFFF800  }
0x15c: {  	[tilespmem:s22], [sflag:$0x1] =	stream.indirect.gather [hbm4b:s1+s25], $0x80, s7, s25, $0xb8;
	[tilespmem:$0x1D000] =	vst v63  }
0x15d: {  	_ = 	snop  }
0x15e: {  	[tilespmem:s26], [sflag:$0x1] =	stream.indirect.gather [hbm4b:s1+s25], $0x80, s25, s25, $0xb8;
	[tilespmem:$0x1D000] =	vst v63  }
0x15f: {  	_ =	swait.ge [sflag:s28], $0x4000  }
0x160: {  	[sflag:s28] =	ssyncset.done $0x0  }
0x161: {  	[sflag:s28] =	ssyncadd.s32 $0xFFFFC000  }
0x162: {  	[spmem:s2] =	stream.indirect.scatter.add.f32 [tilespmem:s22], [sflag:$0x2], $0x80, s3, s25, $0xb8;
	[tilespmem:$0x1D000] =	vst v63  }
0x163: {  	_ =	swait.ge [sflag:s23], $0x4000  }
0x164: {  	[sflag:s23] =	ssyncset.done $0x0  }
0x165: {  	s9 =	simm.s32 $0x100;
	[sflag:s23] =	ssyncadd.s32 $0xFFFFC000  }
0x166: {  	[tilespmem:s22], [sflag:$0x1] =	stream.indirect.gather [hbm4b:s1+s25], $0x80, s9, s25, $0xb8;
	[tilespmem:$0x1D000] =	vst v63  }
0x167: {  	_ =	swait.ge [sflag:s28], $0x4000  }
0x168: {  	[sflag:s28] =	ssyncset.done $0x0  }
0x169: {  	s9 =	simm.s32 $0x880;
	[sflag:s28] =	ssyncadd.s32 $0xFFFFC000  }
0x16a: {  	[spmem:s2] =	stream.indirect.scatter.add.f32 [tilespmem:s26], [sflag:$0x2], $0x80, s9, s25, $0xb8;
	[tilespmem:$0x1D000] =	vst v63  }
0x16b: {  	_ =	swait.ge [sflag:s23], $0x4000  }
0x16c: {  	[sflag:s23] =	ssyncset.done $0x0  }
0x16d: {  	s9 =	simm.s32 $0x180;
	[sflag:s23] =	ssyncadd.s32 $0xFFFFC000  }
0x16e: {  	[tilespmem:s26], [sflag:$0x1] =	stream.indirect.gather [hbm4b:s1+s25], $0x80, s9, s25, $0xb8;
	[tilespmem:$0x1D000] =	vst v63  }
0x16f: {  	_ =	swait.ge [sflag:s28], $0x4000  }
0x170: {  	[sflag:s28] =	ssyncset.done $0x0  }
0x171: {  	[sflag:s28] =	ssyncadd.s32 $0xFFFFC000  }
0x172: {  	[spmem:s2] =	stream.indirect.scatter.add.f32 [tilespmem:s22], [sflag:$0x2], $0x80, s18, s25, $0xb8;
	[tilespmem:$0x1D000] =	vst v63  }
0x173: {  	_ =	swait.ge [sflag:s23], $0x4000  }
0x174: {  	[sflag:s23] =	ssyncset.done $0x0  }
0x175: {  	[sflag:s23] =	ssyncadd.s32 $0xFFFFC000  }
0x176: {  	[tilespmem:s22], [sflag:$0x1] =	stream.indirect.gather [hbm4b:s1+s25], $0x80, s19, s25, $0xb8;
	[tilespmem:$0x1D000] =	vst v63  }
0x177: {  	_ =	swait.ge [sflag:s28], $0x4000  }
0x178: {  	[sflag:s28] =	ssyncset.done $0x0  }
0x179: {  	[sflag:s28] =	ssyncadd.s32 $0xFFFFC000  }
0x17a: {  	[spmem:s2] =	stream.indirect.scatter.add.f32 [tilespmem:s26], [sflag:$0x2], $0x80, s20, s25, $0xb8;
	[tilespmem:$0x1D000] =	vst v63  }
0x17b: {  	_ =	swait.ge [sflag:s23], $0x4000  }
0x17c: {  	[sflag:s23] =	ssyncset.done $0x0  }
0x17d: {  	[sflag:s23] =	ssyncadd.s32 $0xFFFFC000  }
0x17e: {  	[tilespmem:s26], [sflag:$0x1] =	stream.indirect.gather [hbm4b:s1+s25], $0x80, s21, s25, $0xb8;
	[tilespmem:$0x1D000] =	vst v63  }
0x17f: {  	_ =	swait.ge [sflag:s28], $0x4000  }
0x180: {  	[sflag:s28] =	ssyncset.done $0x0  }
0x181: {  	[sflag:s28] =	ssyncadd.s32 $0xFFFFC000  }
0x182: {  	[spmem:s2] =	stream.indirect.scatter.add.f32 [tilespmem:s22], [sflag:$0x2], $0x80, s29, s25, $0xb8;
	[tilespmem:$0x1D000] =	vst v63  }
0x183: {  	_ =	swait.ge [sflag:s23], $0x4000  }
0x184: {  	[sflag:s23] =	ssyncset.done $0x0  }
0x185: {  	[sflag:s23] =	ssyncadd.s32 $0xFFFFC000  }
0x186: {  	[tilespmem:s22], [sflag:$0x1] =	stream.indirect.gather [hbm4b:s1+s25], $0x80, s30, s25, $0xb8;
	[tilespmem:$0x1D000] =	vst v63  }
0x187: {  	_ =	swait.ge [sflag:s28], $0x4000  }
0x188: {  	[sflag:s28] =	ssyncset.done $0x0  }
0x189: {  	[sflag:s28] =	ssyncadd.s32 $0xFFFFC000  }
0x18a: {  	[spmem:s2] =	stream.indirect.scatter.add.f32 [tilespmem:s26], [sflag:$0x2], $0x80, s31, s25, $0xb8;
	[tilespmem:$0x1D000] =	vst v63  }
0x18b: {  	_ =	swait.ge [sflag:s23], $0x4000  }
0x18c: {  	[sflag:s23] =	ssyncset.done $0x0  }
0x18d: {  	[sflag:s23] =	ssyncadd.s32 $0xFFFFC000  }
0x18e: {  	[tilespmem:s26], [sflag:$0x1] =	stream.indirect.gather [hbm4b:s1+s25], $0x80, s0, s25, $0xb8;
	[tilespmem:$0x1D000] =	vst v63  }
0x18f: {  	_ =	swait.ge [sflag:s28], $0x4000  }
0x190: {  	[sflag:s28] =	ssyncset.done $0x0  }
0x191: {  	s9 =	simm.s32 $0xB00;
	[sflag:s28] =	ssyncadd.s32 $0xFFFFC000  }
0x192: {  	[spmem:s2] =	stream.indirect.scatter.add.f32 [tilespmem:s22], [sflag:$0x2], $0x80, s9, s25, $0xb8;
	[tilespmem:$0x1D000] =	vst v63  }
0x193: {  	_ =	swait.ge [sflag:s23], $0x4000  }
0x194: {  	[sflag:s23] =	ssyncset.done $0x0  }
0x195: {  	[sflag:s23] =	ssyncadd.s32 $0xFFFFC000  }
0x196: {  	[tilespmem:s22], [sflag:$0x1] =	stream.indirect.gather [hbm4b:s1+s25], $0x80, s4, s25, $0xb8;
	[tilespmem:$0x1D000] =	vst v63  }
0x197: {  	_ =	swait.ge [sflag:s28], $0x4000  }
0x198: {  	[sflag:s28] =	ssyncset.done $0x0  }
0x199: {  	[sflag:s28] =	ssyncadd.s32 $0xFFFFC000  }
0x19a: {  	[spmem:s2] =	stream.indirect.scatter.add.f32 [tilespmem:s26], [sflag:$0x2], $0x80, s5, s25, $0xb8;
	[tilespmem:$0x1D000] =	vst v63  }
0x19b: {  	_ =	swait.ge [sflag:s23], $0x4000  }
0x19c: {  	[sflag:s23] =	ssyncset.done $0x0  }
0x19d: {  	[sflag:s23] =	ssyncadd.s32 $0xFFFFC000  }
0x19e: {  	[tilespmem:s26], [sflag:$0x1] =	stream.indirect.gather [hbm4b:s1+s25], $0x80, s6, s25, $0xb8;
	[tilespmem:$0x1D000] =	vst v63  }
0x19f: {  	_ =	swait.ge [sflag:s28], $0x4000  }
0x1a0: {  	[sflag:s28] =	ssyncset.done $0x0  }
0x1a1: {  	[sflag:s28] =	ssyncadd.s32 $0xFFFFC000  }
0x1a2: {  	[spmem:s2] =	stream.indirect.scatter.add.f32 [tilespmem:s22], [sflag:$0x2], $0x80, s24, s25, $0xb8;
	[tilespmem:$0x1D000] =	vst v63  }
0x1a3: {  	_ =	swait.ge [sflag:s23], $0x4000  }
0x1a4: {  	[sflag:s23] =	ssyncset.done $0x0  }
0x1a5: {  	[sflag:s23] =	ssyncadd.s32 $0xFFFFC000  }
0x1a6: {  	[tilespmem:s22], [sflag:$0x1] =	stream.indirect.gather [hbm4b:s1+s25], $0x80, s14, s25, $0xb8;
	[tilespmem:$0x1D000] =	vst v63  }
0x1a7: {  	_ =	swait.ge [sflag:s28], $0x4000  }
0x1a8: {  	[sflag:s28] =	ssyncset.done $0x0  }
0x1a9: {  	[sflag:s28] =	ssyncadd.s32 $0xFFFFC000  }
0x1aa: {  	[spmem:s2] =	stream.indirect.scatter.add.f32 [tilespmem:s26], [sflag:$0x2], $0x80, s15, s25, $0xb8;
	[tilespmem:$0x1D000] =	vst v63  }
0x1ab: {  	_ =	swait.ge [sflag:s23], $0x4000  }
0x1ac: {  	[sflag:s23] =	ssyncset.done $0x0  }
0x1ad: {  	[sflag:s23] =	ssyncadd.s32 $0xFFFFC000  }
0x1ae: {  	[tilespmem:s26], [sflag:$0x1] =	stream.indirect.gather [hbm4b:s1+s25], $0x80, s16, s25, $0xb8;
	[tilespmem:$0x1D000] =	vst v63  }
0x1af: {  	_ =	swait.ge [sflag:s28], $0x4000  }
0x1b0: {  	[sflag:s28] =	ssyncset.done $0x0  }
0x1b1: {  	s24 =	simm.s32 $0xD00;
	[sflag:s28] =	ssyncadd.s32 $0xFFFFC000  }
0x1b2: {  	[spmem:s2] =	stream.indirect.scatter.add.f32 [tilespmem:s22], [sflag:$0x2], $0x80, s24, s25, $0xb8;
	[tilespmem:$0x1D000] =	vst v63  }
0x1b3: {  	_ =	swait.ge [sflag:s23], $0x4000  }
0x1b4: {  	[sflag:s23] =	ssyncset.done $0x0  }
0x1b5: {  	s17 =	simm.s32 $0x600;
	[sflag:s23] =	ssyncadd.s32 $0xFFFFC000  }
0x1b6: {  	[tilespmem:s22], [sflag:$0x1] =	stream.indirect.gather [hbm4b:s1+s25], $0x80, s17, s25, $0xb8;
	[tilespmem:$0x1D000] =	vst v63  }
0x1b7: {  	_ =	swait.ge [sflag:s28], $0x4000  }
0x1b8: {  	[sflag:s28] =	ssyncset.done $0x0  }
0x1b9: {  	s5 =	simm.s32 $0xD80;
	[sflag:s28] =	ssyncadd.s32 $0xFFFFC000  }
0x1ba: {  	[spmem:s2] =	stream.indirect.scatter.add.f32 [tilespmem:s26], [sflag:$0x2], $0x80, s5, s25, $0xb8;
	[tilespmem:$0x1D000] =	vst v63  }
0x1bb: {  	_ =	swait.ge [sflag:s23], $0x4000  }
0x1bc: {  	[sflag:s23] =	ssyncset.done $0x0  }
0x1bd: {  	s6 =	simm.s32 $0x680;
	[sflag:s23] =	ssyncadd.s32 $0xFFFFC000  }
0x1be: {  	[tilespmem:s26], [sflag:$0x1] =	stream.indirect.gather [hbm4b:s1+s25], $0x80, s6, s25, $0xb8;
	[tilespmem:$0x1D000] =	vst v63  }
0x1bf: {  	_ =	swait.ge [sflag:s28], $0x4000  }
0x1c0: {  	[sflag:s28] =	ssyncset.done $0x0  }
0x1c1: {  	s9 =	simm.s32 $0xE00;
	[sflag:s28] =	ssyncadd.s32 $0xFFFFC000  }
0x1c2: {  	[spmem:s2] =	stream.indirect.scatter.add.f32 [tilespmem:s22], [sflag:$0x2], $0x80, s9, s25, $0xb8;
	[tilespmem:$0x1D000] =	vst v63  }
0x1c3: {  	_ =	swait.ge [sflag:s23], $0x4000  }
0x1c4: {  	[sflag:s23] =	ssyncset.done $0x0  }
0x1c5: {  	s5 =	simm.s32 $0x700;
	[sflag:s23] =	ssyncadd.s32 $0xFFFFC000  }
0x1c6: {  	[tilespmem:s22], [sflag:$0x1] =	stream.indirect.gather [hbm4b:s1+s25], $0x80, s5, s25, $0xb8;
	[tilespmem:$0x1D000] =	vst v63  }
0x1c7: {  	_ =	swait.ge [sflag:s28], $0x4000  }
0x1c8: {  	[sflag:s28] =	ssyncset.done $0x0  }
0x1c9: {  	s10 =	simm.s32 $0xE80;
	[sflag:s28] =	ssyncadd.s32 $0xFFFFC000  }
0x1ca: {  	[spmem:s2] =	stream.indirect.scatter.add.f32 [tilespmem:s26], [sflag:$0x2], $0x80, s10, s25, $0xb8;
	[tilespmem:$0x1D000] =	vst v63  }
0x1cb: {  	_ =	swait.ge [sflag:s23], $0x4000  }
0x1cc: {  	[sflag:s23] =	ssyncset.done $0x0  }
0x1cd: {  	s11 =	simm.s32 $0x780;
	[sflag:s23] =	ssyncadd.s32 $0xFFFFC000  }
0x1ce: {  	[tilespmem:s26], [sflag:$0x1] =	stream.indirect.gather [hbm4b:s1+s25], $0x80, s11, s25, $0xb8;
	[tilespmem:$0x1D000] =	vst v63  }
0x1cf: {  	_ =	swait.ge [sflag:s28], $0x4000  }
0x1d0: {  	[sflag:s28] =	ssyncset.done $0x0  }
0x1d1: {  	s12 =	simm.s32 $0xF00;
	[sflag:s28] =	ssyncadd.s32 $0xFFFFC000  }
0x1d2: {  	[spmem:s2] =	stream.indirect.scatter.add.f32 [tilespmem:s22], [sflag:$0x2], $0x80, s12, s25, $0xb8;
	[tilespmem:$0x1D000] =	vst v63  }
0x1d3: {  	_ =	swait.ge [sflag:s23], $0x4000  }
0x1d4: {  	[sflag:s23] =	ssyncset.done $0x0  }
0x1d5: {  	[sflag:s23] =	ssyncadd.s32 $0xFFFFC000  }
0x1d6: {  	_ =	swait.ge [sflag:s28], $0x4000  }
0x1d7: {  	[sflag:s28] =	ssyncset.done $0x0  }
0x1d8: {  	s13 =	simm.s32 $0xF80;
	[sflag:s28] =	ssyncadd.s32 $0xFFFFC000  }
0x1d9: {  	[spmem:s2] =	stream.indirect.scatter.add.f32 [tilespmem:s26], [sflag:$0x2], $0x80, s13, s25, $0xb8;
	[tilespmem:$0x1D000] =	vst v63  }
0x1da: {  	_ =	swait.ge [sflag:s23], $0x4000  }
0x1db: {  	[sflag:s23] =	ssyncset.done $0x0  }
0x1dc: {  	s6 =	rddreg [dreg:$0xf];
	[sflag:s23] =	ssyncadd.s32 $0xFFFFC000  }
0x1dd: {  	[tilespmem:s7], [sflag:$0x2] =	stream.linear.gather [hbm4b:s6+s7], $0x800, $0x38;
	[tilespmem:$0x1D000] =	vst v63  }
0x1de: {  	_ =	swait.ge [sflag:s23], $0x800  }
0x1df: {  	[sflag:s23] =	ssyncset.done $0x0  }
0x1e0: {  	s10 =	rddreg [dreg:$0x10];
	[sflag:s23] =	ssyncadd.s32 $0xFFFFF800  }
0x1e1: {  	[tilespmem:s3], [sflag:$0x2] =	stream.linear.gather [hbm4b:s10+s7], $0x800, $0x38;
	[tilespmem:$0x1D000] =	vst v63  }
0x1e2: {  	_ =	swait.ge [sflag:s23], $0x800  }
0x1e3: {  	[sflag:s23] =	ssyncset.done $0x0  }
0x1e4: {  	[sflag:s23] =	ssyncadd.s32 $0xFFFFF800  }
0x1e5: {  	[tilespmem:s22], [sflag:$0x1] =	stream.indirect.gather [hbm4b:s1+s25], $0x80, s7, s25, $0xb8;
	[tilespmem:$0x1D000] =	vst v63  }
0x1e6: {  	_ = 	snop  }
0x1e7: {  	[tilespmem:s26], [sflag:$0x1] =	stream.indirect.gather [hbm4b:s1+s25], $0x80, s25, s25, $0xb8;
	[tilespmem:$0x1D000] =	vst v63  }
0x1e8: {  	_ =	swait.ge [sflag:s28], $0x4000  }
0x1e9: {  	[sflag:s28] =	ssyncset.done $0x0  }
0x1ea: {  	[sflag:s28] =	ssyncadd.s32 $0xFFFFC000  }
0x1eb: {  	[spmem:s2] =	stream.indirect.scatter.add.f32 [tilespmem:s22], [sflag:$0x2], $0x80, s3, s25, $0xb8;
	[tilespmem:$0x1D000] =	vst v63  }
0x1ec: {  	_ =	swait.ge [sflag:s23], $0x4000  }
0x1ed: {  	[sflag:s23] =	ssyncset.done $0x0  }
0x1ee: {  	s11 =	simm.s32 $0x100;
	[sflag:s23] =	ssyncadd.s32 $0xFFFFC000  }
0x1ef: {  	[tilespmem:s22], [sflag:$0x1] =	stream.indirect.gather [hbm4b:s1+s25], $0x80, s11, s25, $0xb8;
	[tilespmem:$0x1D000] =	vst v63  }
0x1f0: {  	_ =	swait.ge [sflag:s28], $0x4000  }
0x1f1: {  	[sflag:s28] =	ssyncset.done $0x0  }
0x1f2: {  	s12 =	simm.s32 $0x880;
	[sflag:s28] =	ssyncadd.s32 $0xFFFFC000  }
0x1f3: {  	[spmem:s2] =	stream.indirect.scatter.add.f32 [tilespmem:s26], [sflag:$0x2], $0x80, s12, s25, $0xb8;
	[tilespmem:$0x1D000] =	vst v63  }
0x1f4: {  	_ =	swait.ge [sflag:s23], $0x4000  }
0x1f5: {  	[sflag:s23] =	ssyncset.done $0x0  }
0x1f6: {  	s13 =	simm.s32 $0x180;
	[sflag:s23] =	ssyncadd.s32 $0xFFFFC000  }
0x1f7: {  	[tilespmem:s26], [sflag:$0x1] =	stream.indirect.gather [hbm4b:s1+s25], $0x80, s13, s25, $0xb8;
	[tilespmem:$0x1D000] =	vst v63  }
0x1f8: {  	_ =	swait.ge [sflag:s28], $0x4000  }
0x1f9: {  	[sflag:s28] =	ssyncset.done $0x0  }
0x1fa: {  	s18 =	simm.s32 $0x900;
	[sflag:s28] =	ssyncadd.s32 $0xFFFFC000  }
0x1fb: {  	[spmem:s2] =	stream.indirect.scatter.add.f32 [tilespmem:s22], [sflag:$0x2], $0x80, s18, s25, $0xb8;
	[tilespmem:$0x1D000] =	vst v63  }
0x1fc: {  	_ =	swait.ge [sflag:s23], $0x4000  }
0x1fd: {  	[sflag:s23] =	ssyncset.done $0x0  }
0x1fe: {  	s19 =	simm.s32 $0x200;
	[sflag:s23] =	ssyncadd.s32 $0xFFFFC000  }
0x1ff: {  	[tilespmem:s22], [sflag:$0x1] =	stream.indirect.gather [hbm4b:s1+s25], $0x80, s19, s25, $0xb8;
	[tilespmem:$0x1D000] =	vst v63  }
0x200: {  	_ =	swait.ge [sflag:s28], $0x4000  }
0x201: {  	[sflag:s28] =	ssyncset.done $0x0  }
0x202: {  	s20 =	simm.s32 $0x980;
	[sflag:s28] =	ssyncadd.s32 $0xFFFFC000  }
0x203: {  	[spmem:s2] =	stream.indirect.scatter.add.f32 [tilespmem:s26], [sflag:$0x2], $0x80, s20, s25, $0xb8;
	[tilespmem:$0x1D000] =	vst v63  }
0x204: {  	_ =	swait.ge [sflag:s23], $0x4000  }
0x205: {  	[sflag:s23] =	ssyncset.done $0x0  }
0x206: {  	s21 =	simm.s32 $0x280;
	[sflag:s23] =	ssyncadd.s32 $0xFFFFC000  }
0x207: {  	[tilespmem:s26], [sflag:$0x1] =	stream.indirect.gather [hbm4b:s1+s25], $0x80, s21, s25, $0xb8;
	[tilespmem:$0x1D000] =	vst v63  }
0x208: {  	_ =	swait.ge [sflag:s28], $0x4000  }
0x209: {  	[sflag:s28] =	ssyncset.done $0x0  }
0x20a: {  	s29 =	simm.s32 $0xA00;
	[sflag:s28] =	ssyncadd.s32 $0xFFFFC000  }
0x20b: {  	[spmem:s2] =	stream.indirect.scatter.add.f32 [tilespmem:s22], [sflag:$0x2], $0x80, s29, s25, $0xb8;
	[tilespmem:$0x1D000] =	vst v63  }
0x20c: {  	_ =	swait.ge [sflag:s23], $0x4000  }
0x20d: {  	[sflag:s23] =	ssyncset.done $0x0  }
0x20e: {  	s30 =	simm.s32 $0x300;
	[sflag:s23] =	ssyncadd.s32 $0xFFFFC000  }
0x20f: {  	[tilespmem:s22], [sflag:$0x1] =	stream.indirect.gather [hbm4b:s1+s25], $0x80, s30, s25, $0xb8;
	[tilespmem:$0x1D000] =	vst v63  }
0x210: {  	_ =	swait.ge [sflag:s28], $0x4000  }
0x211: {  	[sflag:s28] =	ssyncset.done $0x0  }
0x212: {  	s31 =	simm.s32 $0xA80;
	[sflag:s28] =	ssyncadd.s32 $0xFFFFC000  }
0x213: {  	[spmem:s2] =	stream.indirect.scatter.add.f32 [tilespmem:s26], [sflag:$0x2], $0x80, s31, s25, $0xb8;
	[tilespmem:$0x1D000] =	vst v63  }
0x214: {  	_ =	swait.ge [sflag:s23], $0x4000  }
0x215: {  	[sflag:s23] =	ssyncset.done $0x0  }
0x216: {  	s5 =	simm.s32 $0x380;
	[sflag:s23] =	ssyncadd.s32 $0xFFFFC000  }
0x217: {  	[tilespmem:s26], [sflag:$0x1] =	stream.indirect.gather [hbm4b:s1+s25], $0x80, s5, s25, $0xb8;
	[tilespmem:$0x1D000] =	vst v63  }
0x218: {  	_ =	swait.ge [sflag:s28], $0x4000  }
0x219: {  	[sflag:s28] =	ssyncset.done $0x0  }
0x21a: {  	s6 =	simm.s32 $0xB00;
	[sflag:s28] =	ssyncadd.s32 $0xFFFFC000  }
0x21b: {  	[spmem:s2] =	stream.indirect.scatter.add.f32 [tilespmem:s22], [sflag:$0x2], $0x80, s6, s25, $0xb8;
	[tilespmem:$0x1D000] =	vst v63  }
0x21c: {  	_ =	swait.ge [sflag:s23], $0x4000  }
0x21d: {  	[sflag:s23] =	ssyncset.done $0x0  }
0x21e: {  	s9 =	simm.s32 $0x400;
	[sflag:s23] =	ssyncadd.s32 $0xFFFFC000  }
0x21f: {  	[tilespmem:s22], [sflag:$0x1] =	stream.indirect.gather [hbm4b:s1+s25], $0x80, s9, s25, $0xb8;
	[tilespmem:$0x1D000] =	vst v63  }
0x220: {  	_ =	swait.ge [sflag:s28], $0x4000  }
0x221: {  	[sflag:s28] =	ssyncset.done $0x0  }
0x222: {  	s10 =	simm.s32 $0xB80;
	[sflag:s28] =	ssyncadd.s32 $0xFFFFC000  }
0x223: {  	[spmem:s2] =	stream.indirect.scatter.add.f32 [tilespmem:s26], [sflag:$0x2], $0x80, s10, s25, $0xb8;
	[tilespmem:$0x1D000] =	vst v63  }
0x224: {  	_ =	swait.ge [sflag:s23], $0x4000  }
0x225: {  	[sflag:s23] =	ssyncset.done $0x0  }
0x226: {  	s11 =	simm.s32 $0x480;
	[sflag:s23] =	ssyncadd.s32 $0xFFFFC000  }
0x227: {  	[tilespmem:s26], [sflag:$0x1] =	stream.indirect.gather [hbm4b:s1+s25], $0x80, s11, s25, $0xb8;
	[tilespmem:$0x1D000] =	vst v63  }
0x228: {  	_ =	swait.ge [sflag:s28], $0x4000  }
0x229: {  	[sflag:s28] =	ssyncset.done $0x0  }
0x22a: {  	s0 =	simm.s32 $0xC00;
	[sflag:s28] =	ssyncadd.s32 $0xFFFFC000  }
0x22b: {  	[spmem:s2] =	stream.indirect.scatter.add.f32 [tilespmem:s22], [sflag:$0x2], $0x80, s0, s25, $0xb8;
	[tilespmem:$0x1D000] =	vst v63  }
0x22c: {  	_ =	swait.ge [sflag:s23], $0x4000  }
0x22d: {  	[sflag:s23] =	ssyncset.done $0x0  }
0x22e: {  	s12 =	simm.s32 $0x500;
	[sflag:s23] =	ssyncadd.s32 $0xFFFFC000  }
0x22f: {  	[tilespmem:s22], [sflag:$0x1] =	stream.indirect.gather [hbm4b:s1+s25], $0x80, s12, s25, $0xb8;
	[tilespmem:$0x1D000] =	vst v63  }
0x230: {  	_ =	swait.ge [sflag:s28], $0x4000  }
0x231: {  	[sflag:s28] =	ssyncset.done $0x0  }
0x232: {  	s15 =	simm.s32 $0xC80;
	[sflag:s28] =	ssyncadd.s32 $0xFFFFC000  }
0x233: {  	[spmem:s2] =	stream.indirect.scatter.add.f32 [tilespmem:s26], [sflag:$0x2], $0x80, s15, s25, $0xb8;
	[tilespmem:$0x1D000] =	vst v63  }
0x234: {  	_ =	swait.ge [sflag:s23], $0x4000  }
0x235: {  	[sflag:s23] =	ssyncset.done $0x0  }
0x236: {  	s16 =	simm.s32 $0x580;
	[sflag:s23] =	ssyncadd.s32 $0xFFFFC000  }
0x237: {  	[tilespmem:s26], [sflag:$0x1] =	stream.indirect.gather [hbm4b:s1+s25], $0x80, s16, s25, $0xb8;
	[tilespmem:$0x1D000] =	vst v63  }
0x238: {  	_ =	swait.ge [sflag:s28], $0x4000  }
0x239: {  	[sflag:s28] =	ssyncset.done $0x0  }
0x23a: {  	s16 =	simm.s32 $0xD00;
	[sflag:s28] =	ssyncadd.s32 $0xFFFFC000  }
0x23b: {  	[spmem:s2] =	stream.indirect.scatter.add.f32 [tilespmem:s22], [sflag:$0x2], $0x80, s16, s25, $0xb8;
	[tilespmem:$0x1D000] =	vst v63  }
0x23c: {  	_ =	swait.ge [sflag:s23], $0x4000  }
0x23d: {  	[sflag:s23] =	ssyncset.done $0x0  }
0x23e: {  	s14 =	simm.s32 $0x600;
	[sflag:s23] =	ssyncadd.s32 $0xFFFFC000  }
0x23f: {  	[tilespmem:s22], [sflag:$0x1] =	stream.indirect.gather [hbm4b:s1+s25], $0x80, s14, s25, $0xb8;
	[tilespmem:$0x1D000] =	vst v63  }
0x240: {  	_ =	swait.ge [sflag:s28], $0x4000  }
0x241: {  	[sflag:s28] =	ssyncset.done $0x0  }
0x242: {  	s17 =	simm.s32 $0xD80;
	[sflag:s28] =	ssyncadd.s32 $0xFFFFC000  }
0x243: {  	[spmem:s2] =	stream.indirect.scatter.add.f32 [tilespmem:s26], [sflag:$0x2], $0x80, s17, s25, $0xb8;
	[tilespmem:$0x1D000] =	vst v63  }
0x244: {  	_ =	swait.ge [sflag:s23], $0x4000  }
0x245: {  	[sflag:s23] =	ssyncset.done $0x0  }
0x246: {  	s24 =	simm.s32 $0x680;
	[sflag:s23] =	ssyncadd.s32 $0xFFFFC000  }
0x247: {  	[tilespmem:s26], [sflag:$0x1] =	stream.indirect.gather [hbm4b:s1+s25], $0x80, s24, s25, $0xb8;
	[tilespmem:$0x1D000] =	vst v63  }
0x248: {  	_ =	swait.ge [sflag:s28], $0x4000  }
0x249: {  	[sflag:s28] =	ssyncset.done $0x0  }
0x24a: {  	s17 =	simm.s32 $0xE00;
	[sflag:s28] =	ssyncadd.s32 $0xFFFFC000  }
0x24b: {  	[spmem:s2] =	stream.indirect.scatter.add.f32 [tilespmem:s22], [sflag:$0x2], $0x80, s17, s25, $0xb8;
	[tilespmem:$0x1D000] =	vst v63  }
0x24c: {  	_ =	swait.ge [sflag:s23], $0x4000  }
0x24d: {  	[sflag:s23] =	ssyncset.done $0x0  }
0x24e: {  	s24 =	simm.s32 $0x700;
	[sflag:s23] =	ssyncadd.s32 $0xFFFFC000  }
0x24f: {  	[tilespmem:s22], [sflag:$0x1] =	stream.indirect.gather [hbm4b:s1+s25], $0x80, s24, s25, $0xb8;
	[tilespmem:$0x1D000] =	vst v63  }
0x250: {  	_ =	swait.ge [sflag:s28], $0x4000  }
0x251: {  	[sflag:s28] =	ssyncset.done $0x0  }
0x252: {  	s9 =	simm.s32 $0xE80;
	[sflag:s28] =	ssyncadd.s32 $0xFFFFC000  }
0x253: {  	[spmem:s2] =	stream.indirect.scatter.add.f32 [tilespmem:s26], [sflag:$0x2], $0x80, s9, s25, $0xb8;
	[tilespmem:$0x1D000] =	vst v63  }
0x254: {  	_ =	swait.ge [sflag:s23], $0x4000  }
0x255: {  	[sflag:s23] =	ssyncset.done $0x0  }
0x256: {  	s9 =	simm.s32 $0x780;
	[sflag:s23] =	ssyncadd.s32 $0xFFFFC000  }
0x257: {  	[tilespmem:s26], [sflag:$0x1] =	stream.indirect.gather [hbm4b:s1+s25], $0x80, s9, s25, $0xb8;
	[tilespmem:$0x1D000] =	vst v63  }
0x258: {  	_ =	swait.ge [sflag:s28], $0x4000  }
0x259: {  	[sflag:s28] =	ssyncset.done $0x0  }
0x25a: {  	s9 =	simm.s32 $0xF00;
	[sflag:s28] =	ssyncadd.s32 $0xFFFFC000  }
0x25b: {  	[spmem:s2] =	stream.indirect.scatter.add.f32 [tilespmem:s22], [sflag:$0x2], $0x80, s9, s25, $0xb8;
	[tilespmem:$0x1D000] =	vst v63  }
0x25c: {  	_ =	swait.ge [sflag:s23], $0x4000  }
0x25d: {  	[sflag:s23] =	ssyncset.done $0x0  }
0x25e: {  	[sflag:s23] =	ssyncadd.s32 $0xFFFFC000  }
0x25f: {  	_ =	swait.ge [sflag:s28], $0x4000  }
0x260: {  	[sflag:s28] =	ssyncset.done $0x0  }
0x261: {  	s9 =	simm.s32 $0xF80;
	[sflag:s28] =	ssyncadd.s32 $0xFFFFC000  }
0x262: {  	[spmem:s2] =	stream.indirect.scatter.add.f32 [tilespmem:s26], [sflag:$0x2], $0x80, s9, s25, $0xb8;
	[tilespmem:$0x1D000] =	vst v63  }
0x263: {  	_ =	swait.ge [sflag:s23], $0x4000  }
0x264: {  	[sflag:s23] =	ssyncset.done $0x0  }
0x265: {  	s9 =	rddreg [dreg:$0x11];
	[sflag:s23] =	ssyncadd.s32 $0xFFFFC000  }
0x266: {  	[tilespmem:s7], [sflag:$0x2] =	stream.linear.gather [hbm4b:s9+s7], $0x800, $0x38;
	[tilespmem:$0x1D000] =	vst v63  }
0x267: {  	_ =	swait.ge [sflag:s23], $0x800  }
0x268: {  	[sflag:s23] =	ssyncset.done $0x0  }
0x269: {  	s9 =	rddreg [dreg:$0x12];
	[sflag:s23] =	ssyncadd.s32 $0xFFFFF800  }
0x26a: {  	[tilespmem:s3], [sflag:$0x2] =	stream.linear.gather [hbm4b:s9+s7], $0x800, $0x38;
	[tilespmem:$0x1D000] =	vst v63  }
0x26b: {  	_ =	swait.ge [sflag:s23], $0x800  }
0x26c: {  	[sflag:s23] =	ssyncset.done $0x0  }
0x26d: {  	[sflag:s23] =	ssyncadd.s32 $0xFFFFF800  }
0x26e: {  	[tilespmem:s22], [sflag:$0x1] =	stream.indirect.gather [hbm4b:s1+s25], $0x80, s7, s25, $0xb8;
	[tilespmem:$0x1D000] =	vst v63  }
0x26f: {  	_ = 	snop  }
0x270: {  	[tilespmem:s26], [sflag:$0x1] =	stream.indirect.gather [hbm4b:s1+s25], $0x80, s25, s25, $0xb8;
	[tilespmem:$0x1D000] =	vst v63  }
0x271: {  	_ =	swait.ge [sflag:s28], $0x4000  }
0x272: {  	[sflag:s28] =	ssyncset.done $0x0  }
0x273: {  	[sflag:s28] =	ssyncadd.s32 $0xFFFFC000  }
0x274: {  	[spmem:s2] =	stream.indirect.scatter.add.f32 [tilespmem:s22], [sflag:$0x2], $0x80, s3, s25, $0xb8;
	[tilespmem:$0x1D000] =	vst v63  }
0x275: {  	_ =	swait.ge [sflag:s23], $0x4000  }
0x276: {  	[sflag:s23] =	ssyncset.done $0x0  }
0x277: {  	s9 =	simm.s32 $0x100;
	[sflag:s23] =	ssyncadd.s32 $0xFFFFC000  }
0x278: {  	[tilespmem:s22], [sflag:$0x1] =	stream.indirect.gather [hbm4b:s1+s25], $0x80, s9, s25, $0xb8;
	[tilespmem:$0x1D000] =	vst v63  }
0x279: {  	_ =	swait.ge [sflag:s28], $0x4000  }
0x27a: {  	[sflag:s28] =	ssyncset.done $0x0  }
0x27b: {  	s9 =	simm.s32 $0x880;
	[sflag:s28] =	ssyncadd.s32 $0xFFFFC000  }
0x27c: {  	[spmem:s2] =	stream.indirect.scatter.add.f32 [tilespmem:s26], [sflag:$0x2], $0x80, s9, s25, $0xb8;
	[tilespmem:$0x1D000] =	vst v63  }
0x27d: {  	_ =	swait.ge [sflag:s23], $0x4000  }
0x27e: {  	[sflag:s23] =	ssyncset.done $0x0  }
0x27f: {  	s9 =	simm.s32 $0x180;
	[sflag:s23] =	ssyncadd.s32 $0xFFFFC000  }
0x280: {  	[tilespmem:s26], [sflag:$0x1] =	stream.indirect.gather [hbm4b:s1+s25], $0x80, s9, s25, $0xb8;
	[tilespmem:$0x1D000] =	vst v63  }
0x281: {  	_ =	swait.ge [sflag:s28], $0x4000  }
0x282: {  	[sflag:s28] =	ssyncset.done $0x0  }
0x283: {  	s4 =	simm.s32 $0x900;
	[sflag:s28] =	ssyncadd.s32 $0xFFFFC000  }
0x284: {  	[spmem:s2] =	stream.indirect.scatter.add.f32 [tilespmem:s22], [sflag:$0x2], $0x80, s4, s25, $0xb8;
	[tilespmem:$0x1D000] =	vst v63  }
0x285: {  	_ =	swait.ge [sflag:s23], $0x4000  }
0x286: {  	[sflag:s23] =	ssyncset.done $0x0  }
0x287: {  	s18 =	simm.s32 $0x200;
	[sflag:s23] =	ssyncadd.s32 $0xFFFFC000  }
0x288: {  	[tilespmem:s22], [sflag:$0x1] =	stream.indirect.gather [hbm4b:s1+s25], $0x80, s18, s25, $0xb8;
	[tilespmem:$0x1D000] =	vst v63  }
0x289: {  	_ =	swait.ge [sflag:s28], $0x4000  }
0x28a: {  	[sflag:s28] =	ssyncset.done $0x0  }
0x28b: {  	s19 =	simm.s32 $0x980;
	[sflag:s28] =	ssyncadd.s32 $0xFFFFC000  }
0x28c: {  	[spmem:s2] =	stream.indirect.scatter.add.f32 [tilespmem:s26], [sflag:$0x2], $0x80, s19, s25, $0xb8;
	[tilespmem:$0x1D000] =	vst v63  }
0x28d: {  	_ =	swait.ge [sflag:s23], $0x4000  }
0x28e: {  	[sflag:s23] =	ssyncset.done $0x0  }
0x28f: {  	s20 =	simm.s32 $0x280;
	[sflag:s23] =	ssyncadd.s32 $0xFFFFC000  }
0x290: {  	[tilespmem:s26], [sflag:$0x1] =	stream.indirect.gather [hbm4b:s1+s25], $0x80, s20, s25, $0xb8;
	[tilespmem:$0x1D000] =	vst v63  }
0x291: {  	_ =	swait.ge [sflag:s28], $0x4000  }
0x292: {  	[sflag:s28] =	ssyncset.done $0x0  }
0x293: {  	s21 =	simm.s32 $0xA00;
	[sflag:s28] =	ssyncadd.s32 $0xFFFFC000  }
0x294: {  	[spmem:s2] =	stream.indirect.scatter.add.f32 [tilespmem:s22], [sflag:$0x2], $0x80, s21, s25, $0xb8;
	[tilespmem:$0x1D000] =	vst v63  }
0x295: {  	_ =	swait.ge [sflag:s23], $0x4000  }
0x296: {  	[sflag:s23] =	ssyncset.done $0x0  }
0x297: {  	s29 =	simm.s32 $0x300;
	[sflag:s23] =	ssyncadd.s32 $0xFFFFC000  }
0x298: {  	[tilespmem:s22], [sflag:$0x1] =	stream.indirect.gather [hbm4b:s1+s25], $0x80, s29, s25, $0xb8;
	[tilespmem:$0x1D000] =	vst v63  }
0x299: {  	_ =	swait.ge [sflag:s28], $0x4000  }
0x29a: {  	[sflag:s28] =	ssyncset.done $0x0  }
0x29b: {  	s30 =	simm.s32 $0xA80;
	[sflag:s28] =	ssyncadd.s32 $0xFFFFC000  }
0x29c: {  	[spmem:s2] =	stream.indirect.scatter.add.f32 [tilespmem:s26], [sflag:$0x2], $0x80, s30, s25, $0xb8;
	[tilespmem:$0x1D000] =	vst v63  }
0x29d: {  	_ =	swait.ge [sflag:s23], $0x4000  }
0x29e: {  	[sflag:s23] =	ssyncset.done $0x0  }
0x29f: {  	s31 =	simm.s32 $0x380;
	[sflag:s23] =	ssyncadd.s32 $0xFFFFC000  }
0x2a0: {  	[tilespmem:s26], [sflag:$0x1] =	stream.indirect.gather [hbm4b:s1+s25], $0x80, s31, s25, $0xb8;
	[tilespmem:$0x1D000] =	vst v63  }
0x2a1: {  	_ =	swait.ge [sflag:s28], $0x4000  }
0x2a2: {  	[sflag:s28] =	ssyncset.done $0x0  }
0x2a3: {  	s9 =	simm.s32 $0xB00;
	[sflag:s28] =	ssyncadd.s32 $0xFFFFC000  }
0x2a4: {  	[spmem:s2] =	stream.indirect.scatter.add.f32 [tilespmem:s22], [sflag:$0x2], $0x80, s9, s25, $0xb8;
	[tilespmem:$0x1D000] =	vst v63  }
0x2a5: {  	_ =	swait.ge [sflag:s23], $0x4000  }
0x2a6: {  	[sflag:s23] =	ssyncset.done $0x0  }
0x2a7: {  	s5 =	simm.s32 $0x400;
	[sflag:s23] =	ssyncadd.s32 $0xFFFFC000  }
0x2a8: {  	[tilespmem:s22], [sflag:$0x1] =	stream.indirect.gather [hbm4b:s1+s25], $0x80, s5, s25, $0xb8;
	[tilespmem:$0x1D000] =	vst v63  }
0x2a9: {  	_ =	swait.ge [sflag:s28], $0x4000  }
0x2aa: {  	[sflag:s28] =	ssyncset.done $0x0  }
0x2ab: {  	s6 =	simm.s32 $0xB80;
	[sflag:s28] =	ssyncadd.s32 $0xFFFFC000  }
0x2ac: {  	[spmem:s2] =	stream.indirect.scatter.add.f32 [tilespmem:s26], [sflag:$0x2], $0x80, s6, s25, $0xb8;
	[tilespmem:$0x1D000] =	vst v63  }
0x2ad: {  	_ =	swait.ge [sflag:s23], $0x4000  }
0x2ae: {  	[sflag:s23] =	ssyncset.done $0x0  }
0x2af: {  	s10 =	simm.s32 $0x480;
	[sflag:s23] =	ssyncadd.s32 $0xFFFFC000  }
0x2b0: {  	[tilespmem:s26], [sflag:$0x1] =	stream.indirect.gather [hbm4b:s1+s25], $0x80, s10, s25, $0xb8;
	[tilespmem:$0x1D000] =	vst v63  }
0x2b1: {  	_ =	swait.ge [sflag:s28], $0x4000  }
0x2b2: {  	[sflag:s28] =	ssyncset.done $0x0  }
0x2b3: {  	s13 =	simm.s32 $0xC00;
	[sflag:s28] =	ssyncadd.s32 $0xFFFFC000  }
0x2b4: {  	[spmem:s2] =	stream.indirect.scatter.add.f32 [tilespmem:s22], [sflag:$0x2], $0x80, s13, s25, $0xb8;
	[tilespmem:$0x1D000] =	vst v63  }
0x2b5: {  	_ =	swait.ge [sflag:s23], $0x4000  }
0x2b6: {  	[sflag:s23] =	ssyncset.done $0x0  }
0x2b7: {  	s12 =	simm.s32 $0x500;
	[sflag:s23] =	ssyncadd.s32 $0xFFFFC000  }
0x2b8: {  	[tilespmem:s22], [sflag:$0x1] =	stream.indirect.gather [hbm4b:s1+s25], $0x80, s12, s25, $0xb8;
	[tilespmem:$0x1D000] =	vst v63  }
0x2b9: {  	_ =	swait.ge [sflag:s28], $0x4000  }
0x2ba: {  	[sflag:s28] =	ssyncset.done $0x0  }
0x2bb: {  	s11 =	simm.s32 $0xC80;
	[sflag:s28] =	ssyncadd.s32 $0xFFFFC000  }
0x2bc: {  	[spmem:s2] =	stream.indirect.scatter.add.f32 [tilespmem:s26], [sflag:$0x2], $0x80, s11, s25, $0xb8;
	[tilespmem:$0x1D000] =	vst v63  }
0x2bd: {  	_ =	swait.ge [sflag:s23], $0x4000  }
0x2be: {  	[sflag:s23] =	ssyncset.done $0x0  }
0x2bf: {  	s15 =	simm.s32 $0x580;
	[sflag:s23] =	ssyncadd.s32 $0xFFFFC000  }
0x2c0: {  	[tilespmem:s26], [sflag:$0x1] =	stream.indirect.gather [hbm4b:s1+s25], $0x80, s15, s25, $0xb8;
	[tilespmem:$0x1D000] =	vst v63  }
0x2c1: {  	_ =	swait.ge [sflag:s28], $0x4000  }
0x2c2: {  	[sflag:s28] =	ssyncset.done $0x0  }
0x2c3: {  	s15 =	simm.s32 $0xD00;
	[sflag:s28] =	ssyncadd.s32 $0xFFFFC000  }
0x2c4: {  	[spmem:s2] =	stream.indirect.scatter.add.f32 [tilespmem:s22], [sflag:$0x2], $0x80, s15, s25, $0xb8;
	[tilespmem:$0x1D000] =	vst v63  }
0x2c5: {  	_ =	swait.ge [sflag:s23], $0x4000  }
0x2c6: {  	[sflag:s23] =	ssyncset.done $0x0  }
0x2c7: {  	s0 =	simm.s32 $0x600;
	[sflag:s23] =	ssyncadd.s32 $0xFFFFC000  }
0x2c8: {  	[tilespmem:s22], [sflag:$0x1] =	stream.indirect.gather [hbm4b:s1+s25], $0x80, s0, s25, $0xb8;
	[tilespmem:$0x1D000] =	vst v63  }
0x2c9: {  	_ =	swait.ge [sflag:s28], $0x4000  }
0x2ca: {  	[sflag:s28] =	ssyncset.done $0x0  }
0x2cb: {  	s14 =	simm.s32 $0xD80;
	[sflag:s28] =	ssyncadd.s32 $0xFFFFC000  }
0x2cc: {  	[spmem:s2] =	stream.indirect.scatter.add.f32 [tilespmem:s26], [sflag:$0x2], $0x80, s14, s25, $0xb8;
	[tilespmem:$0x1D000] =	vst v63  }
0x2cd: {  	_ =	swait.ge [sflag:s23], $0x4000  }
0x2ce: {  	[sflag:s23] =	ssyncset.done $0x0  }
0x2cf: {  	s16 =	simm.s32 $0x680;
	[sflag:s23] =	ssyncadd.s32 $0xFFFFC000  }
0x2d0: {  	[tilespmem:s26], [sflag:$0x1] =	stream.indirect.gather [hbm4b:s1+s25], $0x80, s16, s25, $0xb8;
	[tilespmem:$0x1D000] =	vst v63  }
0x2d1: {  	_ =	swait.ge [sflag:s28], $0x4000  }
0x2d2: {  	[sflag:s28] =	ssyncset.done $0x0  }
0x2d3: {  	s17 =	simm.s32 $0xE00;
	[sflag:s28] =	ssyncadd.s32 $0xFFFFC000  }
0x2d4: {  	[spmem:s2] =	stream.indirect.scatter.add.f32 [tilespmem:s22], [sflag:$0x2], $0x80, s17, s25, $0xb8;
	[tilespmem:$0x1D000] =	vst v63  }
0x2d5: {  	_ =	swait.ge [sflag:s23], $0x4000  }
0x2d6: {  	[sflag:s23] =	ssyncset.done $0x0  }
0x2d7: {  	s24 =	simm.s32 $0x700;
	[sflag:s23] =	ssyncadd.s32 $0xFFFFC000  }
0x2d8: {  	[tilespmem:s22], [sflag:$0x1] =	stream.indirect.gather [hbm4b:s1+s25], $0x80, s24, s25, $0xb8;
	[tilespmem:$0x1D000] =	vst v63  }
0x2d9: {  	_ =	swait.ge [sflag:s28], $0x4000  }
0x2da: {  	[sflag:s28] =	ssyncset.done $0x0  }
0x2db: {  	s17 =	simm.s32 $0xE80;
	[sflag:s28] =	ssyncadd.s32 $0xFFFFC000  }
0x2dc: {  	[spmem:s2] =	stream.indirect.scatter.add.f32 [tilespmem:s26], [sflag:$0x2], $0x80, s17, s25, $0xb8;
	[tilespmem:$0x1D000] =	vst v63  }
0x2dd: {  	_ =	swait.ge [sflag:s23], $0x4000  }
0x2de: {  	[sflag:s23] =	ssyncset.done $0x0  }
0x2df: {  	s18 =	simm.s32 $0x780;
	[sflag:s23] =	ssyncadd.s32 $0xFFFFC000  }
0x2e0: {  	[tilespmem:s26], [sflag:$0x1] =	stream.indirect.gather [hbm4b:s1+s25], $0x80, s18, s25, $0xb8;
	[tilespmem:$0x1D000] =	vst v63  }
0x2e1: {  	_ =	swait.ge [sflag:s28], $0x4000  }
0x2e2: {  	[sflag:s28] =	ssyncset.done $0x0  }
0x2e3: {  	s19 =	simm.s32 $0xF00;
	[sflag:s28] =	ssyncadd.s32 $0xFFFFC000  }
0x2e4: {  	[spmem:s2] =	stream.indirect.scatter.add.f32 [tilespmem:s22], [sflag:$0x2], $0x80, s19, s25, $0xb8;
	[tilespmem:$0x1D000] =	vst v63  }
0x2e5: {  	_ =	swait.ge [sflag:s23], $0x4000  }
0x2e6: {  	[sflag:s23] =	ssyncset.done $0x0  }
0x2e7: {  	[sflag:s23] =	ssyncadd.s32 $0xFFFFC000  }
0x2e8: {  	_ =	swait.ge [sflag:s28], $0x4000  }
0x2e9: {  	[sflag:s28] =	ssyncset.done $0x0  }
0x2ea: {  	s20 =	simm.s32 $0xF80;
	[sflag:s28] =	ssyncadd.s32 $0xFFFFC000  }
0x2eb: {  	[spmem:s2] =	stream.indirect.scatter.add.f32 [tilespmem:s26], [sflag:$0x2], $0x80, s20, s25, $0xb8;
	[tilespmem:$0x1D000] =	vst v63  }
0x2ec: {  	_ =	swait.ge [sflag:s23], $0x4000  }
0x2ed: {  	[sflag:s23] =	ssyncset.done $0x0  }
0x2ee: {  	[sflag:s23] =	ssyncadd.s32 $0xFFFFC000  }
0x2ef: {  	s21 =	stileid.u32;
	[bflag:$0x0] =	sbarrier.arrive $0xFFFF  }
0x2f0: {  	s9 =	sshll.u32 s21, $0x6;
	s24 =	rddreg [dreg:$0x4]  }
0x2f1: {  	s9 =	sor.u32 $0x1C02, s9;
	s30 =	rddreg [dreg:$0x13];
	s29 =	sshrl.u32 s24, $0x3  }
0x2f2: {  	[hbm:s30], [sflag:s9] =	dma.local [spmem:s29], $0x2800  }
0x2f3: {  	_ =	swait.ge [sflag:s23], $0x2800  }
0x2f4: {  	s8 =	sadd.s32 $0x1, s8;
	s31 =	rddreg [dreg:$0x14]  }
0x2f5: {  	p0 =	sne.s32 s8, s31  }
.Ltmp1:
0x2f6: {  	_ = 	snop;
	(pc) =	sbr.rel @p0 .LBB2_1-.Ltmp1, $3  }
0x2f7: {  	_ =	sdelay $0x1  }
0x2f8: {  	[sflag:s23] =	ssyncset.done $0x0  }
0x2f9: {  	[sflag:s23] =	ssyncadd.s32 $0xFFFFD800  }
0x2fa: {  	_ =	sfence.sel $0x180000  }
0x2fb: {  	[bflag:$0x0] =	sbarrier.arrive $0xFFFF  }
0x2fc: {  	_ =	strace $0x90000047  }
0x2fd: {  	s0 =	stileid.u32;
	[bflag:$0x2] =	sbarrier.arrive $0xFFFF  }
0x2fe: {  	p0 =	sne.s32 s0, $0x0;
	s0 =	rddreg [dreg:$0x3]  }
0x2ff: {  	s0 =	sadd.s32 @!p0 $0x100000, s0  }
0x300: {  	[sflag:s0] =	ssyncadd.tile.s32 @!p0 $0x1;
	_ =	shalt  }
.Lfunc_end2:
_tile_overlayer_lowered:
.L_overlay_start_2:
0x301: {  	(tag) =	ssettag $0x2  }
0x302: {  	s0 =	rddreg [dreg:$0x0];
	s2 =	stileid.u32  }
0x303: {  	s1 =	rddreg [dreg:$0x1];
	p0 =	sne.s32 s2, $0x0  }
0x304: {  	s3 =	rddreg [dreg:$0x2];
	[bflag:$0x3] =	sbarrier.arrive $0xFFFF;
	s2 =	simm.s32 @!p0 $0x1C02  }
0x305: {  	[timem:s3], [sflag:s2] =	dma.local @!p0 [hbm:s0], s1  }
0x306: {  	s0 =	simm.s32 @!p0 $0x2  }
0x307: {  	_ =	swait.ge @!p0 [sflag:s0], s1  }
0x308: {  	s1 =	ssub.s32 @!p0 $0x0, s1;
	[sflag:s0] =	ssyncset.done @!p0 $0x0  }
0x309: {  	[sflag:s0] =	ssyncadd.s32 @!p0 s1  }
0x30a: {  	[bflag:$0x3] =	sbarrier.arrive $0xFFFF  }
0x30b: {  	_ =	shalt  }

// kernel: kernel.9.cloned.1.call-start
scs
__scs_entry_jumppad:
0x0: {  	(pc) =	sbr.rel $0x88, $3  }
0x1: {  	(tag) =	ssettag $0x0;
	lr =	simm.s32 $0x1  }
0x2: {  	[smem:$0x3F97] =	sst lr;
	_ =	strace $0xD0000000  }
0x3: {  	_ = 	snop  }
0x4: {  	_ = 	snop  }
0x5: {  	_ = 	snop  }
0x6: {  	_ = 	snop  }
0x7: {  	_ = 	snop  }
__scs_overlays_trampoline_lowered:
0x8: {  	[smem:$0x3FA6] =	sst s0  }
0x9: {  	[smem:$0x3FA7] =	sst s1  }
0xa: {  	[smem:$0x3FA8] =	sst s2  }
0xb: {  	[smem:$0x3FA9] =	sst s3  }
0xc: {  	[smem:$0x3FAA] =	sst s4  }
0xd: {  	[smem:$0x3FAB] =	sst s5  }
0xe: {  	[smem:$0x3FAC] =	sst s6  }
0xf: {  	[smem:$0x3FAD] =	sst s7  }
0x10: {  	[smem:$0x3FAE] =	sst s8  }
0x11: {  	[smem:$0x3FAF] =	sst s9;
	s0 =	simm.s32 @!p0 $0x0  }
0x12: {  	s1 =	sld [smem:$0x3F95];
	s0 =	simm.s32 @p0 $0x1  }
0x13: {  	[smem:$0x3FB0] =	sst s0;
	s0 =	simm.s32 @!p1 $0x0  }
0x14: {  	s2 =	sld [smem:$0x3F94];
	s0 =	simm.s32 @p1 $0x1  }
0x15: {  	[smem:$0x3FB1] =	sst s0;
	s0 =	simm.s32 @!p2 $0x0  }
0x16: {  	s3 =	sld [smem:$0x3FDB];
	s0 =	simm.s32 @p2 $0x1  }
0x17: {  	s4 =	simm.s32 $0x1BF5;
	[smem:$0x3FB3] =	sst s0  }
0x18: {  	s0 =	sld [smem:$0x3F96];
	_ =	swait.ge [sflag:s4], $0x0  }
0x19: {  	s7 =	sld [smem:$0x3F97]  }
0x1a: {  	s8 =	sadd.s32 $0xFFFFE003, lr  }
0x1b: {  	s9 =	sadd.s32 $0xFFFFFEF7, lr;
	s5 =	simm.s32 $0xFFFFFFFF;
	p2 =	slt.u32 s8, $0xFFFFF086  }
0x1c: {  	p1 =	slt.u32 s9, $0xF7A;
	s5 =	simm.s32 @!p2 $0x0  }
0x1d: {  	s5 =	simm.s32 @p1 $0x1;
	p0 =	seq.s32 s7, s2  }
0x1e: {  	s7 =	smul.u32 @!p0 $0xF7A, s2;
	p2 =	seq.s32 @!p0 s5, $0x0  }
0x1f: {  	s9 =	smul.u32 $0xF7A, s1;
	s8 =	simm.s32 @!p0 $0x1BF5;
	p2 =	por !p2, p0  }
0x20: {  	[sflag:s8] =	ssyncset.s32 @!p0 $0xFFFFF086;
	s6 =	sadd.s32 @!p0 s3, s7;
	s7 =	simm.s32 @!p0 $0x108  }
0x21: {  	s3 =	sadd.s32 s3, s9;
	s6 =	sadd.s32 @!p0 $0x88, s6;
	s7 =	simm.s32 @p2 $0x1082  }
0x22: {  	[simem:s7], [sflag:s8] =	dma.local @!p0 [hbm:s6], $0xF7A  }
0x23: {  	s9 =	sor.u32 $0xD0000000, s2;
	s6 =	simm.s32 $0x108;
	_ =	swait.ge @!p0 [sflag:s8], $0x0  }
0x24: {  	s3 =	sadd.s32 $0x88, s3;
	s6 =	simm.s32 @!p1 $0x1082;
	[sflag:s4] =	ssyncset.s32 $0xFFFFF086  }
0x25: {  	[simem:s6], [sflag:s4] =	dma.local [hbm:s3], $0xF7A  }
0x26: {  	[smem:$0x3F97] =	sst s1;
	(tag) =	ssettag s2;
	_ =	strace s9  }
0x27: {  	s1 =	sld [smem:$0x3FA7]  }
0x28: {  	s2 =	sld [smem:$0x3FA8]  }
0x29: {  	s4 =	sld [smem:$0x3FAA]  }
0x2a: {  	p0 =	seq.s32 s5, $0x0;
	s5 =	sld [smem:$0x3FAB]  }
0x2b: {  	s6 =	sld [smem:$0x3FAC]  }
0x2c: {  	s7 =	sld [smem:$0x3FAD]  }
0x2d: {  	s3 =	simm.s32 $0x108;
	s8 =	sld [smem:$0x3FAE]  }
0x2e: {  	s3 =	simm.s32 @!p0 $0x1082;
	s9 =	sld [smem:$0x3FAF]  }
0x2f: {  	lr =	sadd.s32 s0, s3;
	s0 =	sld [smem:$0x3FA6]  }
0x30: {  	s3 =	sld [smem:$0x3FA9]  }
0x31: {  	[smem:$0x3FB2] =	sst s10  }
0x32: {  	s10 =	sld [smem:$0x3FB0];
	_ =	sdelay $0x3  }
0x33: {  	p0 =	seq.s32 s10, $0x1;
	s10 =	sld [smem:$0x3FB2];
	_ =	sdelay $0x3  }
0x34: {  	[smem:$0x3FB2] =	sst s10  }
0x35: {  	s10 =	sld [smem:$0x3FB1];
	_ =	sdelay $0x3  }
0x36: {  	p1 =	seq.s32 s10, $0x1;
	s10 =	sld [smem:$0x3FB2];
	_ =	sdelay $0x3  }
0x37: {  	[smem:$0x3FB2] =	sst s10  }
0x38: {  	s10 =	sld [smem:$0x3FB3]  }
0x39: {  	_ = 	snop;
	(pc) =	sbr.ind lr, $3  }
0x3a: {  	_ = 	snop  }
0x3b: {  	_ = 	snop  }
0x3c: {  	p2 =	seq.s32 s10, $0x1;
	s10 =	sld [smem:$0x3FB2]  }
0x3d: {  	_ =	shalt  }
0x3e: {  	_ =	shalt  }
0x3f: {  	_ =	shalt  }
0x40: {  	_ =	shalt  }
0x41: {  	_ =	shalt  }
0x42: {  	_ =	shalt  }
0x43: {  	_ =	shalt  }
0x44: {  	_ =	shalt  }
0x45: {  	_ =	shalt  }
0x46: {  	_ =	shalt  }
0x47: {  	_ =	shalt  }
0x48: {  	_ =	shalt  }
0x49: {  	_ =	shalt  }
0x4a: {  	_ =	shalt  }
0x4b: {  	_ =	shalt  }
0x4c: {  	_ =	shalt  }
0x4d: {  	_ =	shalt  }
0x4e: {  	_ =	shalt  }
0x4f: {  	_ =	shalt  }
0x50: {  	_ =	shalt  }
0x51: {  	_ =	shalt  }
0x52: {  	_ =	shalt  }
0x53: {  	_ =	shalt  }
0x54: {  	_ =	shalt  }
0x55: {  	_ =	shalt  }
0x56: {  	_ =	shalt  }
0x57: {  	_ =	shalt  }
0x58: {  	_ =	shalt  }
0x59: {  	_ =	shalt  }
0x5a: {  	_ =	shalt  }
0x5b: {  	_ =	shalt  }
0x5c: {  	_ =	shalt  }
0x5d: {  	_ =	shalt  }
0x5e: {  	_ =	shalt  }
0x5f: {  	_ =	shalt  }
0x60: {  	_ =	shalt  }
0x61: {  	_ =	shalt  }
0x62: {  	_ =	shalt  }
0x63: {  	_ =	shalt  }
0x64: {  	_ =	shalt  }
0x65: {  	_ =	shalt  }
0x66: {  	_ =	shalt  }
0x67: {  	_ =	shalt  }
0x68: {  	_ =	shalt  }
0x69: {  	_ =	shalt  }
0x6a: {  	_ =	shalt  }
0x6b: {  	_ =	shalt  }
0x6c: {  	_ =	shalt  }
0x6d: {  	_ =	shalt  }
0x6e: {  	_ =	shalt  }
0x6f: {  	_ =	shalt  }
0x70: {  	_ =	shalt  }
0x71: {  	_ =	shalt  }
0x72: {  	_ =	shalt  }
0x73: {  	_ =	shalt  }
0x74: {  	_ =	shalt  }
0x75: {  	_ =	shalt  }
0x76: {  	_ =	shalt  }
0x77: {  	_ =	shalt  }
0x78: {  	_ =	shalt  }
0x79: {  	_ =	shalt  }
0x7a: {  	_ =	shalt  }
0x7b: {  	_ =	shalt  }
0x7c: {  	_ =	shalt  }
0x7d: {  	_ =	shalt  }
0x7e: {  	_ =	shalt  }
0x7f: {  	_ =	shalt  }
0x80: {  	_ =	shalt  }
0x81: {  	_ =	shalt  }
0x82: {  	_ =	shalt  }
0x83: {  	_ =	shalt  }
0x84: {  	_ =	shalt  }
0x85: {  	_ =	shalt  }
0x86: {  	_ =	shalt  }
0x87: {  	_ =	shalt  }
.Lfunc_end0:
.L_simem_size_0:
called_computation.1_lowered:
.L_overlay_start_0:
0x88: {  	s2 =	sld [smem:$0x3FD9]  }
0x89: {  	s3 =	sld [smem:$0x3FFE];
	_ =	sdelay $0x1  }
0x8a: {  	s1 =	srdreg.scid  }
0x8b: {  	s0 =	sand.u32 $0x1, s1  }
0x8c: {  	s17 =	sshll.u32 s0, $0xA;
	s2 =	sadd.s32 s3, s2  }
0x8d: {  	s2 =	sadd.s32 s2, s17  }
0x8e: {  	[smem:$0x3FBE] =	sst s2  }
0x8f: {  	_ = 	snop  }
0x90: {  	s2 =	sld [smem:$0x3FD0];
	(tm) =	ssettm $0x1  }
0x91: {  	s18 =	sld [smem:$0x3FFB];
	_ =	sdelay $0x3  }
0x92: {  	_ =	strace s18  }
0x93: {  	s3 =	sld [smem:$0x3FFC];
	_ =	sdelay $0x3  }
0x94: {  	_ =	strace s3  }
0x95: {  	s3 =	sld [smem:$0x3FFD];
	_ =	sdelay $0x3  }
0x96: {  	_ =	strace s3  }
0x97: {  	_ =	strace $0x8FFFFFFF  }
0x98: {  	s19 =	sld [smem:$0x3FDB];
	_ =	sdelay $0x1  }
0x99: {  	s4 =	simm.s32 $_scs_section_size  }
0x9a: {  	s5 =	simm.s32 $_size__tile_overlayer_lowered;
	s6 =	simm.s32 $_tile_overlayer_lowered  }
0x9b: {  	s22 =	simm.s32 $0x1BFF;
	s21 =	sshll.u32 s6, $0x1;
	s3 =	sadd.s32 s4, s19  }
0x9c: {  	s7 =	simm.s32 $0x0;
	s20 =	sshll.u32 s5, $0x1;
	s5 =	sadd.s32 s21, s3  }
0x9d: {  	[timem:s7], [sflag:s22] =	dma.local [hbm:s5], s20  }
0x9e: {  	_ =	swait.ge [sflag:s22], s20  }
0x9f: {  	s4 =	ssub.s32 $0x0, s20;
	[sflag:s22] =	ssyncset.done $0x0  }
0xa0: {  	[sflag:s22] =	ssyncadd.s32 s4;
	_ =	sdelay $0x1  }
0xa1: {  	s23 =	simm.s32 $0x1B8B  }
0xa2: {  	_ =	swait.ge [sflag:s23], $0x1  }
0xa3: {  	[sflag:s23] =	ssyncset.done $0x0  }
0xa4: {  	s25 =	simm.s32 $0x1B8E;
	s24 =	sld [smem:$0x3FFE];
	[sflag:s23] =	ssyncadd.s32 $0xFFFFFFFF  }
0xa5: {  	s26 =	simm.s32 $execute0_lowered;
	[smem:$0x3FD2] =	sst s25  }
0xa6: {  	s5 =	sshll.u32 s26, $0x1;
	_ =	strace $0x80000049;
	[dreg:$0x1] =	wrdreg $0xFFFFFFFF  }
0xa7: {  	s28 =	simm.s32 $_size_execute0_lowered;
	s3 =	sadd.s32 s3, s5;
	[dreg:$0x0] =	wrdreg $0x0  }
0xa8: {  	s5 =	sshll.u32 s28, $0x1;
	[dreg:$0x2] =	wrdreg s3  }
0xa9: {  	[dreg:$0x3] =	wrdreg s5  }
0xaa: {  	[dreg:$0x4] =	wrdreg $0xC0  }
0xab: {  	_ =	task [dreg:s7], $0x5FFFF  }
0xac: {  	[dreg:$0x1] =	wrdreg $0xFFFFFFFF  }
0xad: {  	[dreg:$0x0] =	wrdreg $0x60  }
0xae: {  	[dreg:$0x2] =	wrdreg s2  }
0xaf: {  	[dreg:$0x3] =	wrdreg s24  }
0xb0: {  	[dreg:$0x4] =	wrdreg $0x90000  }
0xb1: {  	[dreg:$0x5] =	wrdreg $0x9  }
0xb2: {  	_ =	task.clear_ibuf [dreg:s7], $0x6FFFF;
	_ =	strace $0x90000049  }
0xb3: {  	s29 =	simm.s32 $0x9;
	_ =	strace $0x8000004B  }
0xb4: {  	_ =	swait.ge [sflag:s29], $0x1  }
0xb5: {  	[sflag:s29] =	ssyncadd.s32 $0xFFFFFFFF  }
0xb6: {  	_ =	strace $0x9000004B  }
0xb7: {  	_ =	sfence  }
0xb8: {  	s30 =	sld [smem:$0x0];
	_ =	sdelay $0x2  }
0xb9: {  	s31 =	sshll.u32 s1, $0xD;
	s1 =	sshrl.u32 s1, $0x2  }
0xba: {  	s3 =	sand.u32 $0x4000, s31;
	s1 =	sadd.s32 s1, s30  }
0xbb: {  	s0 =	sor.u32 s3, s0;
	s1 =	sshll.u32 s1, $0x11  }
0xbc: {  	s0 =	sor.u32 s1, s0  }
0xbd: {  	s0 =	sadd.s32 $0x8F2B, s0  }
0xbe: {  	[sflag:s0] =	ssyncadd.remote.s32 $0x1  }
0xbf: {  	_ =	sfence.sel $0xFFFF  }
0xc0: {  	[dreg:$0x0] =	wrdreg $0xFFFFFFFF;
	(pc) =	sbr.abs _section_cstart, $3  }
0xc1: {  	[dreg:$0x1] =	wrdreg $0xFFFFFFFF  }
0xc2: {  	_ =	task.clear_ibuf [dreg:s7], $0x2FFFF;
	_ =	strace $0x9FFFFFFF  }
0xc3: {  	(tm) =	ssettm $0x7FFFFFFF  }
tec
execute0_lowered:
.L_overlay_start_1:
0x0: {  	(tag) =	ssettag $0x1  }
0x1: {  	s1 =	rddreg [dreg:$0x0]  }
0x2: {  	s0 =	rddreg [dreg:$0x1]  }
0x3: {  	s2 =	rddreg [dreg:$0x2]  }
0x4: {  	s3 =	srdreg.scid;
	s10 =	stileid.u32  }
0x5: {  	s7 =	simm.s32 $0x0;
	s3 =	sand.u32 $0x1, s3;
	s6 =	smul.u32 $0x14000, s10  }
0x6: {  	[smem:$0x7FF] =	sst s7;
	s4 =	sadd.s32 $0x2000, s0;
	s9 =	smul.u32 $0x50000, s10  }
0x7: {  	s8 =	sadd.s32 $0xC000, s0;
	s5 =	smul.u32 $0x140000, s3;
	_ =	strace $0x8000004A  }
0x8: {  	s12 =	sshll.u32 s3, $0x4;
	s3 =	ssub.s32 $0x2, s3;
	s9 =	sshrl.u32 s9, $0x2  }
0x9: {  	s13 =	sshrl.u32 s3, $0x1;
	s5 =	sadd.s32 s6, s5;
	s9 =	sadd.s32 s9, s2  }
0xa: {  	s6 =	sor.u32 s10, s12;
	s14 =	sadd.s32 $0x4000, s9;
	[dreg:$0x4] =	wrdreg s9  }
0xb: {  	s3 =	ssub.s32 s3, s13;
	s15 =	sadd.s32 $0x8000, s9;
	[dreg:$0x5] =	wrdreg s14  }
0xc: {  	s5 =	sshrl.u32 s5, $0x3;
	s17 =	sadd.s32 $0xC000, s9;
	[dreg:$0x6] =	wrdreg s15  }
0xd: {  	s6 =	smul.u32 $0x2800, s6;
	s18 =	sadd.s32 $0x10000, s9;
	[dreg:$0x7] =	wrdreg s17  }
0xe: {  	s31 =	smax.u32 s3, $0x1;
	s0 =	sadd.s32 s5, s0;
	[dreg:$0x8] =	wrdreg s18  }
0xf: {  	[dreg:$0x14] =	wrdreg s31;
	s16 =	sshrl.u32 s6, $0x3;
	s0 =	sadd.s32 $0x16000, s0  }
0x10: {  	s19 =	sadd.s32 s4, s16;
	[dreg:$0x13] =	wrdreg s0  }
0x11: {  	s20 =	sadd.s32 s8, s16;
	s21 =	sadd.s32 $0x100, s16;
	[dreg:$0x9] =	wrdreg s19  }
0x12: {  	[dreg:$0xa] =	wrdreg s20;
	s23 =	sadd.s32 s4, s21  }
0x13: {  	s22 =	sadd.s32 $0x200, s16;
	s6 =	sadd.s32 s8, s21;
	[dreg:$0xb] =	wrdreg s23  }
0x14: {  	s28 =	simm.s32 $0x1;
	s24 =	sadd.s32 s4, s22;
	[dreg:$0xc] =	wrdreg s6  }
0x15: {  	s26 =	sadd.s32 $0x300, s16;
	s25 =	sadd.s32 s8, s22;
	[dreg:$0xd] =	wrdreg s24  }
0x16: {  	s5 =	sadd.s32 $0x400, s16;
	s29 =	sadd.s32 s4, s26;
	[dreg:$0xe] =	wrdreg s25  }
0x17: {  	s30 =	sadd.s32 s4, s5;
	s5 =	sadd.s32 s8, s5;
	[dreg:$0xf] =	wrdreg s29  }
0x18: {  	s22 =	simm.s32 $0x1000;
	s6 =	sadd.s32 s8, s26;
	[dreg:$0x11] =	wrdreg s30  }
0x19: {  	[dreg:$0x12] =	wrdreg s5;
	s23 =	simm.s32 $0x2;
	s25 =	simm.s32 $0x80  }
0x1a: {  	v0 =	vimm.f32 $0.0e+00;
	s26 =	simm.s32 $0x5000;
	s8 =	simm.s32 $0x0;
	[dreg:$0x10] =	wrdreg s6  }
.LBB2_1:
0x1b: {  	s9 =	simm.s32 $0x0;
	s10 =	simm.s32 $0x200  }
.LBB2_2:
0x1c: {  	p0 =	sne.s32 s10, $0xFE00;
	[tilespmem:s9+$0x1070] =	vst v0  }
0x1d: {  	[tilespmem:s9+$0x1000] =	vst v0  }
0x1e: {  	[tilespmem:s9+$0x1010] =	vst v0  }
.Ltmp0:
0x1f: {  	[tilespmem:s9+$0x1020] =	vst v0;
	(pc) =	sbr.rel @p0 .LBB2_2-.Ltmp0, $4  }
0x20: {  	[tilespmem:s9+$0x1030] =	vst v0  }
0x21: {  	[tilespmem:s9+$0x1040] =	vst v0  }
0x22: {  	[tilespmem:s9+$0x1050] =	vst v0  }
0x23: {  	[tilespmem:s9+$0x1060] =	vst v0;
	s9 =	sshra.s32 s10, $0x2;
	s10 =	sadd.s32 $0x200, s10  }
0x24: {  	[tilespmem:s9+$0x1070] =	vst v0  }
0x25: {  	[tilespmem:s9+$0x1000] =	vst v0  }
0x26: {  	[tilespmem:s9+$0x1010] =	vst v0  }
0x27: {  	[tilespmem:s9+$0x1020] =	vst v0  }
0x28: {  	[tilespmem:s9+$0x1030] =	vst v0  }
0x29: {  	[tilespmem:s9+$0x1040] =	vst v0  }
0x2a: {  	[tilespmem:s9+$0x1050] =	vst v0  }
0x2b: {  	[tilespmem:s9+$0x1060] =	vst v0;
	s0 =	rddreg [dreg:$0x4]  }
0x2c: {  	[spmem:s0] =	stream.linear.scatter [tilespmem:s22], [sflag:$0x2], $0x4000, $0x38;
	[tilespmem:$0x1D000] =	vst v63  }
0x2d: {  	_ =	swait.ge [sflag:s23], $0x4000  }
0x2e: {  	[sflag:s23] =	ssyncset.done $0x0  }
0x2f: {  	s3 =	rddreg [dreg:$0x5];
	[sflag:s23] =	ssyncadd.s32 $0xFFFFC000  }
0x30: {  	[spmem:s3] =	stream.linear.scatter [tilespmem:s22], [sflag:$0x2], $0x4000, $0x38;
	[tilespmem:$0x1D000] =	vst v63  }
0x31: {  	_ =	swait.ge [sflag:s23], $0x4000  }
0x32: {  	[sflag:s23] =	ssyncset.done $0x0  }
0x33: {  	s4 =	rddreg [dreg:$0x6];
	[sflag:s23] =	ssyncadd.s32 $0xFFFFC000  }
0x34: {  	[spmem:s4] =	stream.linear.scatter [tilespmem:s22], [sflag:$0x2], $0x4000, $0x38;
	[tilespmem:$0x1D000] =	vst v63  }
0x35: {  	_ =	swait.ge [sflag:s23], $0x4000  }
0x36: {  	[sflag:s23] =	ssyncset.done $0x0  }
0x37: {  	s5 =	rddreg [dreg:$0x7];
	[sflag:s23] =	ssyncadd.s32 $0xFFFFC000  }
0x38: {  	[spmem:s5] =	stream.linear.scatter [tilespmem:s22], [sflag:$0x2], $0x4000, $0x38;
	[tilespmem:$0x1D000] =	vst v63  }
0x39: {  	_ =	swait.ge [sflag:s23], $0x4000  }
0x3a: {  	[sflag:s23] =	ssyncset.done $0x0  }
0x3b: {  	s6 =	rddreg [dreg:$0x8];
	[sflag:s23] =	ssyncadd.s32 $0xFFFFC000  }
0x3c: {  	[spmem:s6] =	stream.linear.scatter [tilespmem:s22], [sflag:$0x2], $0x4000, $0x38;
	[tilespmem:$0x1D000] =	vst v63  }
0x3d: {  	_ =	swait.ge [sflag:s23], $0x4000  }
0x3e: {  	[sflag:s23] =	ssyncset.done $0x0  }
0x3f: {  	[sflag:s23] =	ssyncadd.s32 $0xFFFFC000  }
0x40: {  	[bflag:$0x0] =	sbarrier.arrive $0xFFFF  }
0x41: {  	s10 =	rddreg [dreg:$0x9]  }
0x42: {  	[tilespmem:s7], [sflag:$0x2] =	stream.linear.gather [hbm4b:s10+s7], $0x800, $0x38;
	[tilespmem:$0x1D000] =	vst v63  }
0x43: {  	_ =	swait.ge [sflag:s23], $0x800  }
0x44: {  	[sflag:s23] =	ssyncset.done $0x0  }
0x45: {  	s3 =	simm.s32 $0x800;
	s11 =	rddreg [dreg:$0xa];
	[sflag:s23] =	ssyncadd.s32 $0xFFFFF800  }
0x46: {  	[tilespmem:s3], [sflag:$0x2] =	stream.linear.gather [hbm4b:s11+s7], $0x800, $0x38;
	[tilespmem:$0x1D000] =	vst v63  }
0x47: {  	_ =	swait.ge [sflag:s23], $0x800  }
0x48: {  	[sflag:s23] =	ssyncset.done $0x0  }
0x49: {  	[sflag:s23] =	ssyncadd.s32 $0xFFFFF800  }
0x4a: {  	[tilespmem:s22], [sflag:$0x1] =	stream.indirect.gather [hbm4b:s1+s25], $0x80, s7, s25, $0xb8;
	[tilespmem:$0x1D000] =	vst v63  }
0x4b: {  	_ = 	snop  }
0x4c: {  	[tilespmem:s26], [sflag:$0x1] =	stream.indirect.gather [hbm4b:s1+s25], $0x80, s25, s25, $0xb8;
	[tilespmem:$0x1D000] =	vst v63  }
0x4d: {  	_ =	swait.ge [sflag:s28], $0x4000  }
0x4e: {  	[sflag:s28] =	ssyncset.done $0x0  }
0x4f: {  	[sflag:s28] =	ssyncadd.s32 $0xFFFFC000  }
0x50: {  	[spmem:s2] =	stream.indirect.scatter.add.f32 [tilespmem:s22], [sflag:$0x2], $0x80, s3, s25, $0xb8;
	[tilespmem:$0x1D000] =	vst v63  }
0x51: {  	_ =	swait.ge [sflag:s23], $0x4000  }
0x52: {  	[sflag:s23] =	ssyncset.done $0x0  }
0x53: {  	s12 =	simm.s32 $0x100;
	[sflag:s23] =	ssyncadd.s32 $0xFFFFC000  }
0x54: {  	[tilespmem:s22], [sflag:$0x1] =	stream.indirect.gather [hbm4b:s1+s25], $0x80, s12, s25, $0xb8;
	[tilespmem:$0x1D000] =	vst v63  }
0x55: {  	_ =	swait.ge [sflag:s28], $0x4000  }
0x56: {  	[sflag:s28] =	ssyncset.done $0x0  }
0x57: {  	s13 =	simm.s32 $0x880;
	[sflag:s28] =	ssyncadd.s32 $0xFFFFC000  }
0x58: {  	[spmem:s2] =	stream.indirect.scatter.add.f32 [tilespmem:s26], [sflag:$0x2], $0x80, s13, s25, $0xb8;
	[tilespmem:$0x1D000] =	vst v63  }
0x59: {  	_ =	swait.ge [sflag:s23], $0x4000  }
0x5a: {  	[sflag:s23] =	ssyncset.done $0x0  }
0x5b: {  	s14 =	simm.s32 $0x180;
	[sflag:s23] =	ssyncadd.s32 $0xFFFFC000  }
0x5c: {  	[tilespmem:s26], [sflag:$0x1] =	stream.indirect.gather [hbm4b:s1+s25], $0x80, s14, s25, $0xb8;
	[tilespmem:$0x1D000] =	vst v63  }
0x5d: {  	_ =	swait.ge [sflag:s28], $0x4000  }
0x5e: {  	[sflag:s28] =	ssyncset.done $0x0  }
0x5f: {  	s17 =	simm.s32 $0x900;
	[sflag:s28] =	ssyncadd.s32 $0xFFFFC000  }
0x60: {  	[spmem:s2] =	stream.indirect.scatter.add.f32 [tilespmem:s22], [sflag:$0x2], $0x80, s17, s25, $0xb8;
	[tilespmem:$0x1D000] =	vst v63  }
0x61: {  	_ =	swait.ge [sflag:s23], $0x4000  }
0x62: {  	[sflag:s23] =	ssyncset.done $0x0  }
0x63: {  	s18 =	simm.s32 $0x200;
	[sflag:s23] =	ssyncadd.s32 $0xFFFFC000  }
0x64: {  	[tilespmem:s22], [sflag:$0x1] =	stream.indirect.gather [hbm4b:s1+s25], $0x80, s18, s25, $0xb8;
	[tilespmem:$0x1D000] =	vst v63  }
0x65: {  	_ =	swait.ge [sflag:s28], $0x4000  }
0x66: {  	[sflag:s28] =	ssyncset.done $0x0  }
0x67: {  	s19 =	simm.s32 $0x980;
	[sflag:s28] =	ssyncadd.s32 $0xFFFFC000  }
0x68: {  	[spmem:s2] =	stream.indirect.scatter.add.f32 [tilespmem:s26], [sflag:$0x2], $0x80, s19, s25, $0xb8;
	[tilespmem:$0x1D000] =	vst v63  }
0x69: {  	_ =	swait.ge [sflag:s23], $0x4000  }
0x6a: {  	[sflag:s23] =	ssyncset.done $0x0  }
0x6b: {  	s20 =	simm.s32 $0x280;
	[sflag:s23] =	ssyncadd.s32 $0xFFFFC000  }
0x6c: {  	[tilespmem:s26], [sflag:$0x1] =	stream.indirect.gather [hbm4b:s1+s25], $0x80, s20, s25, $0xb8;
	[tilespmem:$0x1D000] =	vst v63  }
0x6d: {  	_ =	swait.ge [sflag:s28], $0x4000  }
0x6e: {  	[sflag:s28] =	ssyncset.done $0x0  }
0x6f: {  	s21 =	simm.s32 $0xA00;
	[sflag:s28] =	ssyncadd.s32 $0xFFFFC000  }
0x70: {  	[spmem:s2] =	stream.indirect.scatter.add.f32 [tilespmem:s22], [sflag:$0x2], $0x80, s21, s25, $0xb8;
	[tilespmem:$0x1D000] =	vst v63  }
0x71: {  	_ =	swait.ge [sflag:s23], $0x4000  }
0x72: {  	[sflag:s23] =	ssyncset.done $0x0  }
0x73: {  	s29 =	simm.s32 $0x300;
	[sflag:s23] =	ssyncadd.s32 $0xFFFFC000  }
0x74: {  	[tilespmem:s22], [sflag:$0x1] =	stream.indirect.gather [hbm4b:s1+s25], $0x80, s29, s25, $0xb8;
	[tilespmem:$0x1D000] =	vst v63  }
0x75: {  	_ =	swait.ge [sflag:s28], $0x4000  }
0x76: {  	[sflag:s28] =	ssyncset.done $0x0  }
0x77: {  	s30 =	simm.s32 $0xA80;
	[sflag:s28] =	ssyncadd.s32 $0xFFFFC000  }
0x78: {  	[spmem:s2] =	stream.indirect.scatter.add.f32 [tilespmem:s26], [sflag:$0x2], $0x80, s30, s25, $0xb8;
	[tilespmem:$0x1D000] =	vst v63  }
0x79: {  	_ =	swait.ge [sflag:s23], $0x4000  }
0x7a: {  	[sflag:s23] =	ssyncset.done $0x0  }
0x7b: {  	s31 =	simm.s32 $0x380;
	[sflag:s23] =	ssyncadd.s32 $0xFFFFC000  }
0x7c: {  	[tilespmem:s26], [sflag:$0x1] =	stream.indirect.gather [hbm4b:s1+s25], $0x80, s31, s25, $0xb8;
	[tilespmem:$0x1D000] =	vst v63  }
0x7d: {  	_ =	swait.ge [sflag:s28], $0x4000  }
0x7e: {  	[sflag:s28] =	ssyncset.done $0x0  }
0x7f: {  	s4 =	simm.s32 $0xB00;
	[sflag:s28] =	ssyncadd.s32 $0xFFFFC000  }
0x80: {  	[spmem:s2] =	stream.indirect.scatter.add.f32 [tilespmem:s22], [sflag:$0x2], $0x80, s4, s25, $0xb8;
	[tilespmem:$0x1D000] =	vst v63  }
0x81: {  	_ =	swait.ge [sflag:s23], $0x4000  }
0x82: {  	[sflag:s23] =	ssyncset.done $0x0  }
0x83: {  	s5 =	simm.s32 $0x400;
	[sflag:s23] =	ssyncadd.s32 $0xFFFFC000  }
0x84: {  	[tilespmem:s22], [sflag:$0x1] =	stream.indirect.gather [hbm4b:s1+s25], $0x80, s5, s25, $0xb8;
	[tilespmem:$0x1D000] =	vst v63  }
0x85: {  	_ =	swait.ge [sflag:s28], $0x4000  }
0x86: {  	[sflag:s28] =	ssyncset.done $0x0  }
0x87: {  	s6 =	simm.s32 $0xB80;
	[sflag:s28] =	ssyncadd.s32 $0xFFFFC000  }
0x88: {  	[spmem:s2] =	stream.indirect.scatter.add.f32 [tilespmem:s26], [sflag:$0x2], $0x80, s6, s25, $0xb8;
	[tilespmem:$0x1D000] =	vst v63  }
0x89: {  	_ =	swait.ge [sflag:s23], $0x4000  }
0x8a: {  	[sflag:s23] =	ssyncset.done $0x0  }
0x8b: {  	s9 =	simm.s32 $0x480;
	[sflag:s23] =	ssyncadd.s32 $0xFFFFC000  }
0x8c: {  	[tilespmem:s26], [sflag:$0x1] =	stream.indirect.gather [hbm4b:s1+s25], $0x80, s9, s25, $0xb8;
	[tilespmem:$0x1D000] =	vst v63  }
0x8d: {  	_ =	swait.ge [sflag:s28], $0x4000  }
0x8e: {  	[sflag:s28] =	ssyncset.done $0x0  }
0x8f: {  	s10 =	simm.s32 $0xC00;
	[sflag:s28] =	ssyncadd.s32 $0xFFFFC000  }
0x90: {  	[spmem:s2] =	stream.indirect.scatter.add.f32 [tilespmem:s22], [sflag:$0x2], $0x80, s10, s25, $0xb8;
	[tilespmem:$0x1D000] =	vst v63  }
0x91: {  	_ =	swait.ge [sflag:s23], $0x4000  }
0x92: {  	[sflag:s23] =	ssyncset.done $0x0  }
0x93: {  	s11 =	simm.s32 $0x500;
	[sflag:s23] =	ssyncadd.s32 $0xFFFFC000  }
0x94: {  	[tilespmem:s22], [sflag:$0x1] =	stream.indirect.gather [hbm4b:s1+s25], $0x80, s11, s25, $0xb8;
	[tilespmem:$0x1D000] =	vst v63  }
0x95: {  	_ =	swait.ge [sflag:s28], $0x4000  }
0x96: {  	[sflag:s28] =	ssyncset.done $0x0  }
0x97: {  	s12 =	simm.s32 $0xC80;
	[sflag:s28] =	ssyncadd.s32 $0xFFFFC000  }
0x98: {  	[spmem:s2] =	stream.indirect.scatter.add.f32 [tilespmem:s26], [sflag:$0x2], $0x80, s12, s25, $0xb8;
	[tilespmem:$0x1D000] =	vst v63  }
0x99: {  	_ =	swait.ge [sflag:s23], $0x4000  }
0x9a: {  	[sflag:s23] =	ssyncset.done $0x0  }
0x9b: {  	s13 =	simm.s32 $0x580;
	[sflag:s23] =	ssyncadd.s32 $0xFFFFC000  }
0x9c: {  	[tilespmem:s26], [sflag:$0x1] =	stream.indirect.gather [hbm4b:s1+s25], $0x80, s13, s25, $0xb8;
	[tilespmem:$0x1D000] =	vst v63  }
0x9d: {  	_ =	swait.ge [sflag:s28], $0x4000  }
0x9e: {  	[sflag:s28] =	ssyncset.done $0x0  }
0x9f: {  	s17 =	simm.s32 $0xD00;
	[sflag:s28] =	ssyncadd.s32 $0xFFFFC000  }
0xa0: {  	[spmem:s2] =	stream.indirect.scatter.add.f32 [tilespmem:s22], [sflag:$0x2], $0x80, s17, s25, $0xb8;
	[tilespmem:$0x1D000] =	vst v63  }
0xa1: {  	_ =	swait.ge [sflag:s23], $0x4000  }
0xa2: {  	[sflag:s23] =	ssyncset.done $0x0  }
0xa3: {  	s18 =	simm.s32 $0x600;
	[sflag:s23] =	ssyncadd.s32 $0xFFFFC000  }
0xa4: {  	[tilespmem:s22], [sflag:$0x1] =	stream.indirect.gather [hbm4b:s1+s25], $0x80, s18, s25, $0xb8;
	[tilespmem:$0x1D000] =	vst v63  }
0xa5: {  	_ =	swait.ge [sflag:s28], $0x4000  }
0xa6: {  	[sflag:s28] =	ssyncset.done $0x0  }
0xa7: {  	s19 =	simm.s32 $0xD80;
	[sflag:s28] =	ssyncadd.s32 $0xFFFFC000  }
0xa8: {  	[spmem:s2] =	stream.indirect.scatter.add.f32 [tilespmem:s26], [sflag:$0x2], $0x80, s19, s25, $0xb8;
	[tilespmem:$0x1D000] =	vst v63  }
0xa9: {  	_ =	swait.ge [sflag:s23], $0x4000  }
0xaa: {  	[sflag:s23] =	ssyncset.done $0x0  }
0xab: {  	s20 =	simm.s32 $0x680;
	[sflag:s23] =	ssyncadd.s32 $0xFFFFC000  }
0xac: {  	[tilespmem:s26], [sflag:$0x1] =	stream.indirect.gather [hbm4b:s1+s25], $0x80, s20, s25, $0xb8;
	[tilespmem:$0x1D000] =	vst v63  }
0xad: {  	_ =	swait.ge [sflag:s28], $0x4000  }
0xae: {  	[sflag:s28] =	ssyncset.done $0x0  }
0xaf: {  	s21 =	simm.s32 $0xE00;
	[sflag:s28] =	ssyncadd.s32 $0xFFFFC000  }
0xb0: {  	[spmem:s2] =	stream.indirect.scatter.add.f32 [tilespmem:s22], [sflag:$0x2], $0x80, s21, s25, $0xb8;
	[tilespmem:$0x1D000] =	vst v63  }
0xb1: {  	_ =	swait.ge [sflag:s23], $0x4000  }
0xb2: {  	[sflag:s23] =	ssyncset.done $0x0  }
0xb3: {  	s29 =	simm.s32 $0x700;
	[sflag:s23] =	ssyncadd.s32 $0xFFFFC000  }
0xb4: {  	[tilespmem:s22], [sflag:$0x1] =	stream.indirect.gather [hbm4b:s1+s25], $0x80, s29, s25, $0xb8;
	[tilespmem:$0x1D000] =	vst v63  }
0xb5: {  	_ =	swait.ge [sflag:s28], $0x4000  }
0xb6: {  	[sflag:s28] =	ssyncset.done $0x0  }
0xb7: {  	s30 =	simm.s32 $0xE80;
	[sflag:s28] =	ssyncadd.s32 $0xFFFFC000  }
0xb8: {  	[spmem:s2] =	stream.indirect.scatter.add.f32 [tilespmem:s26], [sflag:$0x2], $0x80, s30, s25, $0xb8;
	[tilespmem:$0x1D000] =	vst v63  }
0xb9: {  	_ =	swait.ge [sflag:s23], $0x4000  }
0xba: {  	[sflag:s23] =	ssyncset.done $0x0  }
0xbb: {  	s31 =	simm.s32 $0x780;
	[sflag:s23] =	ssyncadd.s32 $0xFFFFC000  }
0xbc: {  	[tilespmem:s26], [sflag:$0x1] =	stream.indirect.gather [hbm4b:s1+s25], $0x80, s31, s25, $0xb8;
	[tilespmem:$0x1D000] =	vst v63  }
0xbd: {  	_ =	swait.ge [sflag:s28], $0x4000  }
0xbe: {  	[sflag:s28] =	ssyncset.done $0x0  }
0xbf: {  	s0 =	simm.s32 $0xF00;
	[sflag:s28] =	ssyncadd.s32 $0xFFFFC000  }
0xc0: {  	[spmem:s2] =	stream.indirect.scatter.add.f32 [tilespmem:s22], [sflag:$0x2], $0x80, s0, s25, $0xb8;
	[tilespmem:$0x1D000] =	vst v63  }
0xc1: {  	_ =	swait.ge [sflag:s23], $0x4000  }
0xc2: {  	[sflag:s23] =	ssyncset.done $0x0  }
0xc3: {  	[sflag:s23] =	ssyncadd.s32 $0xFFFFC000  }
0xc4: {  	_ =	swait.ge [sflag:s28], $0x4000  }
0xc5: {  	[sflag:s28] =	ssyncset.done $0x0  }
0xc6: {  	s4 =	simm.s32 $0xF80;
	[sflag:s28] =	ssyncadd.s32 $0xFFFFC000  }
0xc7: {  	[spmem:s2] =	stream.indirect.scatter.add.f32 [tilespmem:s26], [sflag:$0x2], $0x80, s4, s25, $0xb8;
	[tilespmem:$0x1D000] =	vst v63  }
0xc8: {  	_ =	swait.ge [sflag:s23], $0x4000  }
0xc9: {  	[sflag:s23] =	ssyncset.done $0x0  }
0xca: {  	s5 =	rddreg [dreg:$0xb];
	[sflag:s23] =	ssyncadd.s32 $0xFFFFC000  }
0xcb: {  	[tilespmem:s7], [sflag:$0x2] =	stream.linear.gather [hbm4b:s5+s7], $0x800, $0x38;
	[tilespmem:$0x1D000] =	vst v63  }
0xcc: {  	_ =	swait.ge [sflag:s23], $0x800  }
0xcd: {  	[sflag:s23] =	ssyncset.done $0x0  }
0xce: {  	s6 =	rddreg [dreg:$0xc];
	[sflag:s23] =	ssyncadd.s32 $0xFFFFF800  }
0xcf: {  	[tilespmem:s3], [sflag:$0x2] =	stream.linear.gather [hbm4b:s6+s7], $0x800, $0x38;
	[tilespmem:$0x1D000] =	vst v63  }
0xd0: {  	_ =	swait.ge [sflag:s23], $0x800  }
0xd1: {  	[sflag:s23] =	ssyncset.done $0x0  }
0xd2: {  	[sflag:s23] =	ssyncadd.s32 $0xFFFFF800  }
0xd3: {  	[tilespmem:s22], [sflag:$0x1] =	stream.indirect.gather [hbm4b:s1+s25], $0x80, s7, s25, $0xb8;
	[tilespmem:$0x1D000] =	vst v63  }
0xd4: {  	_ = 	snop  }
0xd5: {  	[tilespmem:s26], [sflag:$0x1] =	stream.indirect.gather [hbm4b:s1+s25], $0x80, s25, s25, $0xb8;
	[tilespmem:$0x1D000] =	vst v63  }
0xd6: {  	_ =	swait.ge [sflag:s28], $0x4000  }
0xd7: {  	[sflag:s28] =	ssyncset.done $0x0  }
0xd8: {  	[sflag:s28] =	ssyncadd.s32 $0xFFFFC000  }
0xd9: {  	[spmem:s2] =	stream.indirect.scatter.add.f32 [tilespmem:s22], [sflag:$0x2], $0x80, s3, s25, $0xb8;
	[tilespmem:$0x1D000] =	vst v63  }
0xda: {  	_ =	swait.ge [sflag:s23], $0x4000  }
0xdb: {  	[sflag:s23] =	ssyncset.done $0x0  }
0xdc: {  	s15 =	simm.s32 $0x100;
	[sflag:s23] =	ssyncadd.s32 $0xFFFFC000  }
0xdd: {  	[tilespmem:s22], [sflag:$0x1] =	stream.indirect.gather [hbm4b:s1+s25], $0x80, s15, s25, $0xb8;
	[tilespmem:$0x1D000] =	vst v63  }
0xde: {  	_ =	swait.ge [sflag:s28], $0x4000  }
0xdf: {  	[sflag:s28] =	ssyncset.done $0x0  }
0xe0: {  	s16 =	simm.s32 $0x880;
	[sflag:s28] =	ssyncadd.s32 $0xFFFFC000  }
0xe1: {  	[spmem:s2] =	stream.indirect.scatter.add.f32 [tilespmem:s26], [sflag:$0x2], $0x80, s16, s25, $0xb8;
	[tilespmem:$0x1D000] =	vst v63  }
0xe2: {  	_ =	swait.ge [sflag:s23], $0x4000  }
0xe3: {  	[sflag:s23] =	ssyncset.done $0x0  }
0xe4: {  	s24 =	simm.s32 $0x180;
	[sflag:s23] =	ssyncadd.s32 $0xFFFFC000  }
0xe5: {  	[tilespmem:s26], [sflag:$0x1] =	stream.indirect.gather [hbm4b:s1+s25], $0x80, s24, s25, $0xb8;
	[tilespmem:$0x1D000] =	vst v63  }
0xe6: {  	_ =	swait.ge [sflag:s28], $0x4000  }
0xe7: {  	[sflag:s28] =	ssyncset.done $0x0  }
0xe8: {  	s18 =	simm.s32 $0x900;
	[sflag:s28] =	ssyncadd.s32 $0xFFFFC000  }
0xe9: {  	[spmem:s2] =	stream.indirect.scatter.add.f32 [tilespmem:s22], [sflag:$0x2], $0x80, s18, s25, $0xb8;
	[tilespmem:$0x1D000] =	vst v63  }
0xea: {  	_ =	swait.ge [sflag:s23], $0x4000  }
0xeb: {  	[sflag:s23] =	ssyncset.done $0x0  }
0xec: {  	s19 =	simm.s32 $0x200;
	[sflag:s23] =	ssyncadd.s32 $0xFFFFC000  }
0xed: {  	[tilespmem:s22], [sflag:$0x1] =	stream.indirect.gather [hbm4b:s1+s25], $0x80, s19, s25, $0xb8;
	[tilespmem:$0x1D000] =	vst v63  }
0xee: {  	_ =	swait.ge [sflag:s28], $0x4000  }
0xef: {  	[sflag:s28] =	ssyncset.done $0x0  }
0xf0: {  	s20 =	simm.s32 $0x980;
	[sflag:s28] =	ssyncadd.s32 $0xFFFFC000  }
0xf1: {  	[spmem:s2] =	stream.indirect.scatter.add.f32 [tilespmem:s26], [sflag:$0x2], $0x80, s20, s25, $0xb8;
	[tilespmem:$0x1D000] =	vst v63  }
0xf2: {  	_ =	swait.ge [sflag:s23], $0x4000  }
0xf3: {  	[sflag:s23] =	ssyncset.done $0x0  }
0xf4: {  	s21 =	simm.s32 $0x280;
	[sflag:s23] =	ssyncadd.s32 $0xFFFFC000  }
0xf5: {  	[tilespmem:s26], [sflag:$0x1] =	stream.indirect.gather [hbm4b:s1+s25], $0x80, s21, s25, $0xb8;
	[tilespmem:$0x1D000] =	vst v63  }
0xf6: {  	_ =	swait.ge [sflag:s28], $0x4000  }
0xf7: {  	[sflag:s28] =	ssyncset.done $0x0  }
0xf8: {  	s29 =	simm.s32 $0xA00;
	[sflag:s28] =	ssyncadd.s32 $0xFFFFC000  }
0xf9: {  	[spmem:s2] =	stream.indirect.scatter.add.f32 [tilespmem:s22], [sflag:$0x2], $0x80, s29, s25, $0xb8;
	[tilespmem:$0x1D000] =	vst v63  }
0xfa: {  	_ =	swait.ge [sflag:s23], $0x4000  }
0xfb: {  	[sflag:s23] =	ssyncset.done $0x0  }
0xfc: {  	s30 =	simm.s32 $0x300;
	[sflag:s23] =	ssyncadd.s32 $0xFFFFC000  }
0xfd: {  	[tilespmem:s22], [sflag:$0x1] =	stream.indirect.gather [hbm4b:s1+s25], $0x80, s30, s25, $0xb8;
	[tilespmem:$0x1D000] =	vst v63  }
0xfe: {  	_ =	swait.ge [sflag:s28], $0x4000  }
0xff: {  	[sflag:s28] =	ssyncset.done $0x0  }
0x100: {  	s31 =	simm.s32 $0xA80;
	[sflag:s28] =	ssyncadd.s32 $0xFFFFC000  }
0x101: {  	[spmem:s2] =	stream.indirect.scatter.add.f32 [tilespmem:s26], [sflag:$0x2], $0x80, s31, s25, $0xb8;
	[tilespmem:$0x1D000] =	vst v63  }
0x102: {  	_ =	swait.ge [sflag:s23], $0x4000  }
0x103: {  	[sflag:s23] =	ssyncset.done $0x0  }
0x104: {  	s0 =	simm.s32 $0x380;
	[sflag:s23] =	ssyncadd.s32 $0xFFFFC000  }
0x105: {  	[tilespmem:s26], [sflag:$0x1] =	stream.indirect.gather [hbm4b:s1+s25], $0x80, s0, s25, $0xb8;
	[tilespmem:$0x1D000] =	vst v63  }
0x106: {  	_ =	swait.ge [sflag:s28], $0x4000  }
0x107: {  	[sflag:s28] =	ssyncset.done $0x0  }
0x108: {  	s14 =	simm.s32 $0xB00;
	[sflag:s28] =	ssyncadd.s32 $0xFFFFC000  }
0x109: {  	[spmem:s2] =	stream.indirect.scatter.add.f32 [tilespmem:s22], [sflag:$0x2], $0x80, s14, s25, $0xb8;
	[tilespmem:$0x1D000] =	vst v63  }
0x10a: {  	_ =	swait.ge [sflag:s23], $0x4000  }
0x10b: {  	[sflag:s23] =	ssyncset.done $0x0  }
0x10c: {  	s4 =	simm.s32 $0x400;
	[sflag:s23] =	ssyncadd.s32 $0xFFFFC000  }
0x10d: {  	[tilespmem:s22], [sflag:$0x1] =	stream.indirect.gather [hbm4b:s1+s25], $0x80, s4, s25, $0xb8;
	[tilespmem:$0x1D000] =	vst v63  }
0x10e: {  	_ =	swait.ge [sflag:s28], $0x4000  }
0x10f: {  	[sflag:s28] =	ssyncset.done $0x0  }
0x110: {  	s5 =	simm.s32 $0xB80;
	[sflag:s28] =	ssyncadd.s32 $0xFFFFC000  }
0x111: {  	[spmem:s2] =	stream.indirect.scatter.add.f32 [tilespmem:s26], [sflag:$0x2], $0x80, s5, s25, $0xb8;
	[tilespmem:$0x1D000] =	vst v63  }
0x112: {  	_ =	swait.ge [sflag:s23], $0x4000  }
0x113: {  	[sflag:s23] =	ssyncset.done $0x0  }
0x114: {  	s6 =	simm.s32 $0x480;
	[sflag:s23] =	ssyncadd.s32 $0xFFFFC000  }
0x115: {  	[tilespmem:s26], [sflag:$0x1] =	stream.indirect.gather [hbm4b:s1+s25], $0x80, s6, s25, $0xb8;
	[tilespmem:$0x1D000] =	vst v63  }
0x116: {  	_ =	swait.ge [sflag:s28], $0x4000  }
0x117: {  	[sflag:s28] =	ssyncset.done $0x0  }
0x118: {  	s24 =	simm.s32 $0xC00;
	[sflag:s28] =	ssyncadd.s32 $0xFFFFC000  }
0x119: {  	[spmem:s2] =	stream.indirect.scatter.add.f32 [tilespmem:s22], [sflag:$0x2], $0x80, s24, s25, $0xb8;
	[tilespmem:$0x1D000] =	vst v63  }
0x11a: {  	_ =	swait.ge [sflag:s23], $0x4000  }
0x11b: {  	[sflag:s23] =	ssyncset.done $0x0  }
0x11c: {  	s14 =	simm.s32 $0x500;
	[sflag:s23] =	ssyncadd.s32 $0xFFFFC000  }
0x11d: {  	[tilespmem:s22], [sflag:$0x1] =	stream.indirect.gather [hbm4b:s1+s25], $0x80, s14, s25, $0xb8;
	[tilespmem:$0x1D000] =	vst v63  }
0x11e: {  	_ =	swait.ge [sflag:s28], $0x4000  }
0x11f: {  	[sflag:s28] =	ssyncset.done $0x0  }
0x120: {  	s15 =	simm.s32 $0xC80;
	[sflag:s28] =	ssyncadd.s32 $0xFFFFC000  }
0x121: {  	[spmem:s2] =	stream.indirect.scatter.add.f32 [tilespmem:s26], [sflag:$0x2], $0x80, s15, s25, $0xb8;
	[tilespmem:$0x1D000] =	vst v63  }
0x122: {  	_ =	swait.ge [sflag:s23], $0x4000  }
0x123: {  	[sflag:s23] =	ssyncset.done $0x0  }
0x124: {  	s16 =	simm.s32 $0x580;
	[sflag:s23] =	ssyncadd.s32 $0xFFFFC000  }
0x125: {  	[tilespmem:s26], [sflag:$0x1] =	stream.indirect.gather [hbm4b:s1+s25], $0x80, s16, s25, $0xb8;
	[tilespmem:$0x1D000] =	vst v63  }
0x126: {  	_ =	swait.ge [sflag:s28], $0x4000  }
0x127: {  	[sflag:s28] =	ssyncset.done $0x0  }
0x128: {  	s17 =	simm.s32 $0xD00;
	[sflag:s28] =	ssyncadd.s32 $0xFFFFC000  }
0x129: {  	[spmem:s2] =	stream.indirect.scatter.add.f32 [tilespmem:s22], [sflag:$0x2], $0x80, s17, s25, $0xb8;
	[tilespmem:$0x1D000] =	vst v63  }
0x12a: {  	_ =	swait.ge [sflag:s23], $0x4000  }
0x12b: {  	[sflag:s23] =	ssyncset.done $0x0  }
0x12c: {  	s17 =	simm.s32 $0x600;
	[sflag:s23] =	ssyncadd.s32 $0xFFFFC000  }
0x12d: {  	[tilespmem:s22], [sflag:$0x1] =	stream.indirect.gather [hbm4b:s1+s25], $0x80, s17, s25, $0xb8;
	[tilespmem:$0x1D000] =	vst v63  }
0x12e: {  	_ =	swait.ge [sflag:s28], $0x4000  }
0x12f: {  	[sflag:s28] =	ssyncset.done $0x0  }
0x130: {  	s9 =	simm.s32 $0xD80;
	[sflag:s28] =	ssyncadd.s32 $0xFFFFC000  }
0x131: {  	[spmem:s2] =	stream.indirect.scatter.add.f32 [tilespmem:s26], [sflag:$0x2], $0x80, s9, s25, $0xb8;
	[tilespmem:$0x1D000] =	vst v63  }
0x132: {  	_ =	swait.ge [sflag:s23], $0x4000  }
0x133: {  	[sflag:s23] =	ssyncset.done $0x0  }
0x134: {  	s9 =	simm.s32 $0x680;
	[sflag:s23] =	ssyncadd.s32 $0xFFFFC000  }
0x135: {  	[tilespmem:s26], [sflag:$0x1] =	stream.indirect.gather [hbm4b:s1+s25], $0x80, s9, s25, $0xb8;
	[tilespmem:$0x1D000] =	vst v63  }
0x136: {  	_ =	swait.ge [sflag:s28], $0x4000  }
0x137: {  	[sflag:s28] =	ssyncset.done $0x0  }
0x138: {  	s9 =	simm.s32 $0xE00;
	[sflag:s28] =	ssyncadd.s32 $0xFFFFC000  }
0x139: {  	[spmem:s2] =	stream.indirect.scatter.add.f32 [tilespmem:s22], [sflag:$0x2], $0x80, s9, s25, $0xb8;
	[tilespmem:$0x1D000] =	vst v63  }
0x13a: {  	_ =	swait.ge [sflag:s23], $0x4000  }
0x13b: {  	[sflag:s23] =	ssyncset.done $0x0  }
0x13c: {  	s9 =	simm.s32 $0x700;
	[sflag:s23] =	ssyncadd.s32 $0xFFFFC000  }
0x13d: {  	[tilespmem:s22], [sflag:$0x1] =	stream.indirect.gather [hbm4b:s1+s25], $0x80, s9, s25, $0xb8;
	[tilespmem:$0x1D000] =	vst v63  }
0x13e: {  	_ =	swait.ge [sflag:s28], $0x4000  }
0x13f: {  	[sflag:s28] =	ssyncset.done $0x0  }
0x140: {  	s10 =	simm.s32 $0xE80;
	[sflag:s28] =	ssyncadd.s32 $0xFFFFC000  }
0x141: {  	[spmem:s2] =	stream.indirect.scatter.add.f32 [tilespmem:s26], [sflag:$0x2], $0x80, s10, s25, $0xb8;
	[tilespmem:$0x1D000] =	vst v63  }
0x142: {  	_ =	swait.ge [sflag:s23], $0x4000  }
0x143: {  	[sflag:s23] =	ssyncset.done $0x0  }
0x144: {  	s11 =	simm.s32 $0x780;
	[sflag:s23] =	ssyncadd.s32 $0xFFFFC000  }
0x145: {  	[tilespmem:s26], [sflag:$0x1] =	stream.indirect.gather [hbm4b:s1+s25], $0x80, s11, s25, $0xb8;
	[tilespmem:$0x1D000] =	vst v63  }
0x146: {  	_ =	swait.ge [sflag:s28], $0x4000  }
0x147: {  	[sflag:s28] =	ssyncset.done $0x0  }
0x148: {  	s12 =	simm.s32 $0xF00;
	[sflag:s28] =	ssyncadd.s32 $0xFFFFC000  }
0x149: {  	[spmem:s2] =	stream.indirect.scatter.add.f32 [tilespmem:s22], [sflag:$0x2], $0x80, s12, s25, $0xb8;
	[tilespmem:$0x1D000] =	vst v63  }
0x14a: {  	_ =	swait.ge [sflag:s23], $0x4000  }
0x14b: {  	[sflag:s23] =	ssyncset.done $0x0  }
0x14c: {  	[sflag:s23] =	ssyncadd.s32 $0xFFFFC000  }
0x14d: {  	_ =	swait.ge [sflag:s28], $0x4000  }
0x14e: {  	[sflag:s28] =	ssyncset.done $0x0  }
0x14f: {  	s13 =	simm.s32 $0xF80;
	[sflag:s28] =	ssyncadd.s32 $0xFFFFC000  }
0x150: {  	[spmem:s2] =	stream.indirect.scatter.add.f32 [tilespmem:s26], [sflag:$0x2], $0x80, s13, s25, $0xb8;
	[tilespmem:$0x1D000] =	vst v63  }
0x151: {  	_ =	swait.ge [sflag:s23], $0x4000  }
0x152: {  	[sflag:s23] =	ssyncset.done $0x0  }
0x153: {  	s9 =	rddreg [dreg:$0xd];
	[sflag:s23] =	ssyncadd.s32 $0xFFFFC000  }
0x154: {  	[tilespmem:s7], [sflag:$0x2] =	stream.linear.gather [hbm4b:s9+s7], $0x800, $0x38;
	[tilespmem:$0x1D000] =	vst v63  }
0x155: {  	_ =	swait.ge [sflag:s23], $0x800  }
0x156: {  	[sflag:s23] =	ssyncset.done $0x0  }
0x157: {  	s9 =	rddreg [dreg:$0xe];
	[sflag:s23] =	ssyncadd.s32 $0xFFFFF800  }
0x158: {  	[tilespmem:s3], [sflag:$0x2] =	stream.linear.gather [hbm4b:s9+s7], $0x800, $0x38;
	[tilespmem:$0x1D000] =	vst v63  }
0x159: {  	_ =	swait.ge [sflag:s23], $0x800  }
0x15a: {  	[sflag:s23] =	ssyncset.done $0x0  }
0x15b: {  	[sflag:s23] =	ssyncadd.s32 $0xFFFFF800  }
0x15c: {  	[tilespmem:s22], [sflag:$0x1] =	stream.indirect.gather [hbm4b:s1+s25], $0x80, s7, s25, $0xb8;
	[tilespmem:$0x1D000] =	vst v63  }
0x15d: {  	_ = 	snop  }
0x15e: {  	[tilespmem:s26], [sflag:$0x1] =	stream.indirect.gather [hbm4b:s1+s25], $0x80, s25, s25, $0xb8;
	[tilespmem:$0x1D000] =	vst v63  }
0x15f: {  	_ =	swait.ge [sflag:s28], $0x4000  }
0x160: {  	[sflag:s28] =	ssyncset.done $0x0  }
0x161: {  	[sflag:s28] =	ssyncadd.s32 $0xFFFFC000  }
0x162: {  	[spmem:s2] =	stream.indirect.scatter.add.f32 [tilespmem:s22], [sflag:$0x2], $0x80, s3, s25, $0xb8;
	[tilespmem:$0x1D000] =	vst v63  }
0x163: {  	_ =	swait.ge [sflag:s23], $0x4000  }
0x164: {  	[sflag:s23] =	ssyncset.done $0x0  }
0x165: {  	s9 =	simm.s32 $0x100;
	[sflag:s23] =	ssyncadd.s32 $0xFFFFC000  }
0x166: {  	[tilespmem:s22], [sflag:$0x1] =	stream.indirect.gather [hbm4b:s1+s25], $0x80, s9, s25, $0xb8;
	[tilespmem:$0x1D000] =	vst v63  }
0x167: {  	_ =	swait.ge [sflag:s28], $0x4000  }
0x168: {  	[sflag:s28] =	ssyncset.done $0x0  }
0x169: {  	s9 =	simm.s32 $0x880;
	[sflag:s28] =	ssyncadd.s32 $0xFFFFC000  }
0x16a: {  	[spmem:s2] =	stream.indirect.scatter.add.f32 [tilespmem:s26], [sflag:$0x2], $0x80, s9, s25, $0xb8;
	[tilespmem:$0x1D000] =	vst v63  }
0x16b: {  	_ =	swait.ge [sflag:s23], $0x4000  }
0x16c: {  	[sflag:s23] =	ssyncset.done $0x0  }
0x16d: {  	s9 =	simm.s32 $0x180;
	[sflag:s23] =	ssyncadd.s32 $0xFFFFC000  }
0x16e: {  	[tilespmem:s26], [sflag:$0x1] =	stream.indirect.gather [hbm4b:s1+s25], $0x80, s9, s25, $0xb8;
	[tilespmem:$0x1D000] =	vst v63  }
0x16f: {  	_ =	swait.ge [sflag:s28], $0x4000  }
0x170: {  	[sflag:s28] =	ssyncset.done $0x0  }
0x171: {  	[sflag:s28] =	ssyncadd.s32 $0xFFFFC000  }
0x172: {  	[spmem:s2] =	stream.indirect.scatter.add.f32 [tilespmem:s22], [sflag:$0x2], $0x80, s18, s25, $0xb8;
	[tilespmem:$0x1D000] =	vst v63  }
0x173: {  	_ =	swait.ge [sflag:s23], $0x4000  }
0x174: {  	[sflag:s23] =	ssyncset.done $0x0  }
0x175: {  	[sflag:s23] =	ssyncadd.s32 $0xFFFFC000  }
0x176: {  	[tilespmem:s22], [sflag:$0x1] =	stream.indirect.gather [hbm4b:s1+s25], $0x80, s19, s25, $0xb8;
	[tilespmem:$0x1D000] =	vst v63  }
0x177: {  	_ =	swait.ge [sflag:s28], $0x4000  }
0x178: {  	[sflag:s28] =	ssyncset.done $0x0  }
0x179: {  	[sflag:s28] =	ssyncadd.s32 $0xFFFFC000  }
0x17a: {  	[spmem:s2] =	stream.indirect.scatter.add.f32 [tilespmem:s26], [sflag:$0x2], $0x80, s20, s25, $0xb8;
	[tilespmem:$0x1D000] =	vst v63  }
0x17b: {  	_ =	swait.ge [sflag:s23], $0x4000  }
0x17c: {  	[sflag:s23] =	ssyncset.done $0x0  }
0x17d: {  	[sflag:s23] =	ssyncadd.s32 $0xFFFFC000  }
0x17e: {  	[tilespmem:s26], [sflag:$0x1] =	stream.indirect.gather [hbm4b:s1+s25], $0x80, s21, s25, $0xb8;
	[tilespmem:$0x1D000] =	vst v63  }
0x17f: {  	_ =	swait.ge [sflag:s28], $0x4000  }
0x180: {  	[sflag:s28] =	ssyncset.done $0x0  }
0x181: {  	[sflag:s28] =	ssyncadd.s32 $0xFFFFC000  }
0x182: {  	[spmem:s2] =	stream.indirect.scatter.add.f32 [tilespmem:s22], [sflag:$0x2], $0x80, s29, s25, $0xb8;
	[tilespmem:$0x1D000] =	vst v63  }
0x183: {  	_ =	swait.ge [sflag:s23], $0x4000  }
0x184: {  	[sflag:s23] =	ssyncset.done $0x0  }
0x185: {  	[sflag:s23] =	ssyncadd.s32 $0xFFFFC000  }
0x186: {  	[tilespmem:s22], [sflag:$0x1] =	stream.indirect.gather [hbm4b:s1+s25], $0x80, s30, s25, $0xb8;
	[tilespmem:$0x1D000] =	vst v63  }
0x187: {  	_ =	swait.ge [sflag:s28], $0x4000  }
0x188: {  	[sflag:s28] =	ssyncset.done $0x0  }
0x189: {  	[sflag:s28] =	ssyncadd.s32 $0xFFFFC000  }
0x18a: {  	[spmem:s2] =	stream.indirect.scatter.add.f32 [tilespmem:s26], [sflag:$0x2], $0x80, s31, s25, $0xb8;
	[tilespmem:$0x1D000] =	vst v63  }
0x18b: {  	_ =	swait.ge [sflag:s23], $0x4000  }
0x18c: {  	[sflag:s23] =	ssyncset.done $0x0  }
0x18d: {  	[sflag:s23] =	ssyncadd.s32 $0xFFFFC000  }
0x18e: {  	[tilespmem:s26], [sflag:$0x1] =	stream.indirect.gather [hbm4b:s1+s25], $0x80, s0, s25, $0xb8;
	[tilespmem:$0x1D000] =	vst v63  }
0x18f: {  	_ =	swait.ge [sflag:s28], $0x4000  }
0x190: {  	[sflag:s28] =	ssyncset.done $0x0  }
0x191: {  	s9 =	simm.s32 $0xB00;
	[sflag:s28] =	ssyncadd.s32 $0xFFFFC000  }
0x192: {  	[spmem:s2] =	stream.indirect.scatter.add.f32 [tilespmem:s22], [sflag:$0x2], $0x80, s9, s25, $0xb8;
	[tilespmem:$0x1D000] =	vst v63  }
0x193: {  	_ =	swait.ge [sflag:s23], $0x4000  }
0x194: {  	[sflag:s23] =	ssyncset.done $0x0  }
0x195: {  	[sflag:s23] =	ssyncadd.s32 $0xFFFFC000  }
0x196: {  	[tilespmem:s22], [sflag:$0x1] =	stream.indirect.gather [hbm4b:s1+s25], $0x80, s4, s25, $0xb8;
	[tilespmem:$0x1D000] =	vst v63  }
0x197: {  	_ =	swait.ge [sflag:s28], $0x4000  }
0x198: {  	[sflag:s28] =	ssyncset.done $0x0  }
0x199: {  	[sflag:s28] =	ssyncadd.s32 $0xFFFFC000  }
0x19a: {  	[spmem:s2] =	stream.indirect.scatter.add.f32 [tilespmem:s26], [sflag:$0x2], $0x80, s5, s25, $0xb8;
	[tilespmem:$0x1D000] =	vst v63  }
0x19b: {  	_ =	swait.ge [sflag:s23], $0x4000  }
0x19c: {  	[sflag:s23] =	ssyncset.done $0x0  }
0x19d: {  	[sflag:s23] =	ssyncadd.s32 $0xFFFFC000  }
0x19e: {  	[tilespmem:s26], [sflag:$0x1] =	stream.indirect.gather [hbm4b:s1+s25], $0x80, s6, s25, $0xb8;
	[tilespmem:$0x1D000] =	vst v63  }
0x19f: {  	_ =	swait.ge [sflag:s28], $0x4000  }
0x1a0: {  	[sflag:s28] =	ssyncset.done $0x0  }
0x1a1: {  	[sflag:s28] =	ssyncadd.s32 $0xFFFFC000  }
0x1a2: {  	[spmem:s2] =	stream.indirect.scatter.add.f32 [tilespmem:s22], [sflag:$0x2], $0x80, s24, s25, $0xb8;
	[tilespmem:$0x1D000] =	vst v63  }
0x1a3: {  	_ =	swait.ge [sflag:s23], $0x4000  }
0x1a4: {  	[sflag:s23] =	ssyncset.done $0x0  }
0x1a5: {  	[sflag:s23] =	ssyncadd.s32 $0xFFFFC000  }
0x1a6: {  	[tilespmem:s22], [sflag:$0x1] =	stream.indirect.gather [hbm4b:s1+s25], $0x80, s14, s25, $0xb8;
	[tilespmem:$0x1D000] =	vst v63  }
0x1a7: {  	_ =	swait.ge [sflag:s28], $0x4000  }
0x1a8: {  	[sflag:s28] =	ssyncset.done $0x0  }
0x1a9: {  	[sflag:s28] =	ssyncadd.s32 $0xFFFFC000  }
0x1aa: {  	[spmem:s2] =	stream.indirect.scatter.add.f32 [tilespmem:s26], [sflag:$0x2], $0x80, s15, s25, $0xb8;
	[tilespmem:$0x1D000] =	vst v63  }
0x1ab: {  	_ =	swait.ge [sflag:s23], $0x4000  }
0x1ac: {  	[sflag:s23] =	ssyncset.done $0x0  }
0x1ad: {  	[sflag:s23] =	ssyncadd.s32 $0xFFFFC000  }
0x1ae: {  	[tilespmem:s26], [sflag:$0x1] =	stream.indirect.gather [hbm4b:s1+s25], $0x80, s16, s25, $0xb8;
	[tilespmem:$0x1D000] =	vst v63  }
0x1af: {  	_ =	swait.ge [sflag:s28], $0x4000  }
0x1b0: {  	[sflag:s28] =	ssyncset.done $0x0  }
0x1b1: {  	s24 =	simm.s32 $0xD00;
	[sflag:s28] =	ssyncadd.s32 $0xFFFFC000  }
0x1b2: {  	[spmem:s2] =	stream.indirect.scatter.add.f32 [tilespmem:s22], [sflag:$0x2], $0x80, s24, s25, $0xb8;
	[tilespmem:$0x1D000] =	vst v63  }
0x1b3: {  	_ =	swait.ge [sflag:s23], $0x4000  }
0x1b4: {  	[sflag:s23] =	ssyncset.done $0x0  }
0x1b5: {  	s17 =	simm.s32 $0x600;
	[sflag:s23] =	ssyncadd.s32 $0xFFFFC000  }
0x1b6: {  	[tilespmem:s22], [sflag:$0x1] =	stream.indirect.gather [hbm4b:s1+s25], $0x80, s17, s25, $0xb8;
	[tilespmem:$0x1D000] =	vst v63  }
0x1b7: {  	_ =	swait.ge [sflag:s28], $0x4000  }
0x1b8: {  	[sflag:s28] =	ssyncset.done $0x0  }
0x1b9: {  	s5 =	simm.s32 $0xD80;
	[sflag:s28] =	ssyncadd.s32 $0xFFFFC000  }
0x1ba: {  	[spmem:s2] =	stream.indirect.scatter.add.f32 [tilespmem:s26], [sflag:$0x2], $0x80, s5, s25, $0xb8;
	[tilespmem:$0x1D000] =	vst v63  }
0x1bb: {  	_ =	swait.ge [sflag:s23], $0x4000  }
0x1bc: {  	[sflag:s23] =	ssyncset.done $0x0  }
0x1bd: {  	s6 =	simm.s32 $0x680;
	[sflag:s23] =	ssyncadd.s32 $0xFFFFC000  }
0x1be: {  	[tilespmem:s26], [sflag:$0x1] =	stream.indirect.gather [hbm4b:s1+s25], $0x80, s6, s25, $0xb8;
	[tilespmem:$0x1D000] =	vst v63  }
0x1bf: {  	_ =	swait.ge [sflag:s28], $0x4000  }
0x1c0: {  	[sflag:s28] =	ssyncset.done $0x0  }
0x1c1: {  	s9 =	simm.s32 $0xE00;
	[sflag:s28] =	ssyncadd.s32 $0xFFFFC000  }
0x1c2: {  	[spmem:s2] =	stream.indirect.scatter.add.f32 [tilespmem:s22], [sflag:$0x2], $0x80, s9, s25, $0xb8;
	[tilespmem:$0x1D000] =	vst v63  }
0x1c3: {  	_ =	swait.ge [sflag:s23], $0x4000  }
0x1c4: {  	[sflag:s23] =	ssyncset.done $0x0  }
0x1c5: {  	s5 =	simm.s32 $0x700;
	[sflag:s23] =	ssyncadd.s32 $0xFFFFC000  }
0x1c6: {  	[tilespmem:s22], [sflag:$0x1] =	stream.indirect.gather [hbm4b:s1+s25], $0x80, s5, s25, $0xb8;
	[tilespmem:$0x1D000] =	vst v63  }
0x1c7: {  	_ =	swait.ge [sflag:s28], $0x4000  }
0x1c8: {  	[sflag:s28] =	ssyncset.done $0x0  }
0x1c9: {  	s10 =	simm.s32 $0xE80;
	[sflag:s28] =	ssyncadd.s32 $0xFFFFC000  }
0x1ca: {  	[spmem:s2] =	stream.indirect.scatter.add.f32 [tilespmem:s26], [sflag:$0x2], $0x80, s10, s25, $0xb8;
	[tilespmem:$0x1D000] =	vst v63  }
0x1cb: {  	_ =	swait.ge [sflag:s23], $0x4000  }
0x1cc: {  	[sflag:s23] =	ssyncset.done $0x0  }
0x1cd: {  	s11 =	simm.s32 $0x780;
	[sflag:s23] =	ssyncadd.s32 $0xFFFFC000  }
0x1ce: {  	[tilespmem:s26], [sflag:$0x1] =	stream.indirect.gather [hbm4b:s1+s25], $0x80, s11, s25, $0xb8;
	[tilespmem:$0x1D000] =	vst v63  }
0x1cf: {  	_ =	swait.ge [sflag:s28], $0x4000  }
0x1d0: {  	[sflag:s28] =	ssyncset.done $0x0  }
0x1d1: {  	s12 =	simm.s32 $0xF00;
	[sflag:s28] =	ssyncadd.s32 $0xFFFFC000  }
0x1d2: {  	[spmem:s2] =	stream.indirect.scatter.add.f32 [tilespmem:s22], [sflag:$0x2], $0x80, s12, s25, $0xb8;
	[tilespmem:$0x1D000] =	vst v63  }
0x1d3: {  	_ =	swait.ge [sflag:s23], $0x4000  }
0x1d4: {  	[sflag:s23] =	ssyncset.done $0x0  }
0x1d5: {  	[sflag:s23] =	ssyncadd.s32 $0xFFFFC000  }
0x1d6: {  	_ =	swait.ge [sflag:s28], $0x4000  }
0x1d7: {  	[sflag:s28] =	ssyncset.done $0x0  }
0x1d8: {  	s13 =	simm.s32 $0xF80;
	[sflag:s28] =	ssyncadd.s32 $0xFFFFC000  }
0x1d9: {  	[spmem:s2] =	stream.indirect.scatter.add.f32 [tilespmem:s26], [sflag:$0x2], $0x80, s13, s25, $0xb8;
	[tilespmem:$0x1D000] =	vst v63  }
0x1da: {  	_ =	swait.ge [sflag:s23], $0x4000  }
0x1db: {  	[sflag:s23] =	ssyncset.done $0x0  }
0x1dc: {  	s6 =	rddreg [dreg:$0xf];
	[sflag:s23] =	ssyncadd.s32 $0xFFFFC000  }
0x1dd: {  	[tilespmem:s7], [sflag:$0x2] =	stream.linear.gather [hbm4b:s6+s7], $0x800, $0x38;
	[tilespmem:$0x1D000] =	vst v63  }
0x1de: {  	_ =	swait.ge [sflag:s23], $0x800  }
0x1df: {  	[sflag:s23] =	ssyncset.done $0x0  }
0x1e0: {  	s10 =	rddreg [dreg:$0x10];
	[sflag:s23] =	ssyncadd.s32 $0xFFFFF800  }
0x1e1: {  	[tilespmem:s3], [sflag:$0x2] =	stream.linear.gather [hbm4b:s10+s7], $0x800, $0x38;
	[tilespmem:$0x1D000] =	vst v63  }
0x1e2: {  	_ =	swait.ge [sflag:s23], $0x800  }
0x1e3: {  	[sflag:s23] =	ssyncset.done $0x0  }
0x1e4: {  	[sflag:s23] =	ssyncadd.s32 $0xFFFFF800  }
0x1e5: {  	[tilespmem:s22], [sflag:$0x1] =	stream.indirect.gather [hbm4b:s1+s25], $0x80, s7, s25, $0xb8;
	[tilespmem:$0x1D000] =	vst v63  }
0x1e6: {  	_ = 	snop  }
0x1e7: {  	[tilespmem:s26], [sflag:$0x1] =	stream.indirect.gather [hbm4b:s1+s25], $0x80, s25, s25, $0xb8;
	[tilespmem:$0x1D000] =	vst v63  }
0x1e8: {  	_ =	swait.ge [sflag:s28], $0x4000  }
0x1e9: {  	[sflag:s28] =	ssyncset.done $0x0  }
0x1ea: {  	[sflag:s28] =	ssyncadd.s32 $0xFFFFC000  }
0x1eb: {  	[spmem:s2] =	stream.indirect.scatter.add.f32 [tilespmem:s22], [sflag:$0x2], $0x80, s3, s25, $0xb8;
	[tilespmem:$0x1D000] =	vst v63  }
0x1ec: {  	_ =	swait.ge [sflag:s23], $0x4000  }
0x1ed: {  	[sflag:s23] =	ssyncset.done $0x0  }
0x1ee: {  	s11 =	simm.s32 $0x100;
	[sflag:s23] =	ssyncadd.s32 $0xFFFFC000  }
0x1ef: {  	[tilespmem:s22], [sflag:$0x1] =	stream.indirect.gather [hbm4b:s1+s25], $0x80, s11, s25, $0xb8;
	[tilespmem:$0x1D000] =	vst v63  }
0x1f0: {  	_ =	swait.ge [sflag:s28], $0x4000  }
0x1f1: {  	[sflag:s28] =	ssyncset.done $0x0  }
0x1f2: {  	s12 =	simm.s32 $0x880;
	[sflag:s28] =	ssyncadd.s32 $0xFFFFC000  }
0x1f3: {  	[spmem:s2] =	stream.indirect.scatter.add.f32 [tilespmem:s26], [sflag:$0x2], $0x80, s12, s25, $0xb8;
	[tilespmem:$0x1D000] =	vst v63  }
0x1f4: {  	_ =	swait.ge [sflag:s23], $0x4000  }
0x1f5: {  	[sflag:s23] =	ssyncset.done $0x0  }
0x1f6: {  	s13 =	simm.s32 $0x180;
	[sflag:s23] =	ssyncadd.s32 $0xFFFFC000  }
0x1f7: {  	[tilespmem:s26], [sflag:$0x1] =	stream.indirect.gather [hbm4b:s1+s25], $0x80, s13, s25, $0xb8;
	[tilespmem:$0x1D000] =	vst v63  }
0x1f8: {  	_ =	swait.ge [sflag:s28], $0x4000  }
0x1f9: {  	[sflag:s28] =	ssyncset.done $0x0  }
0x1fa: {  	s18 =	simm.s32 $0x900;
	[sflag:s28] =	ssyncadd.s32 $0xFFFFC000  }
0x1fb: {  	[spmem:s2] =	stream.indirect.scatter.add.f32 [tilespmem:s22], [sflag:$0x2], $0x80, s18, s25, $0xb8;
	[tilespmem:$0x1D000] =	vst v63  }
0x1fc: {  	_ =	swait.ge [sflag:s23], $0x4000  }
0x1fd: {  	[sflag:s23] =	ssyncset.done $0x0  }
0x1fe: {  	s19 =	simm.s32 $0x200;
	[sflag:s23] =	ssyncadd.s32 $0xFFFFC000  }
0x1ff: {  	[tilespmem:s22], [sflag:$0x1] =	stream.indirect.gather [hbm4b:s1+s25], $0x80, s19, s25, $0xb8;
	[tilespmem:$0x1D000] =	vst v63  }
0x200: {  	_ =	swait.ge [sflag:s28], $0x4000  }
0x201: {  	[sflag:s28] =	ssyncset.done $0x0  }
0x202: {  	s20 =	simm.s32 $0x980;
	[sflag:s28] =	ssyncadd.s32 $0xFFFFC000  }
0x203: {  	[spmem:s2] =	stream.indirect.scatter.add.f32 [tilespmem:s26], [sflag:$0x2], $0x80, s20, s25, $0xb8;
	[tilespmem:$0x1D000] =	vst v63  }
0x204: {  	_ =	swait.ge [sflag:s23], $0x4000  }
0x205: {  	[sflag:s23] =	ssyncset.done $0x0  }
0x206: {  	s21 =	simm.s32 $0x280;
	[sflag:s23] =	ssyncadd.s32 $0xFFFFC000  }
0x207: {  	[tilespmem:s26], [sflag:$0x1] =	stream.indirect.gather [hbm4b:s1+s25], $0x80, s21, s25, $0xb8;
	[tilespmem:$0x1D000] =	vst v63  }
0x208: {  	_ =	swait.ge [sflag:s28], $0x4000  }
0x209: {  	[sflag:s28] =	ssyncset.done $0x0  }
0x20a: {  	s29 =	simm.s32 $0xA00;
	[sflag:s28] =	ssyncadd.s32 $0xFFFFC000  }
0x20b: {  	[spmem:s2] =	stream.indirect.scatter.add.f32 [tilespmem:s22], [sflag:$0x2], $0x80, s29, s25, $0xb8;
	[tilespmem:$0x1D000] =	vst v63  }
0x20c: {  	_ =	swait.ge [sflag:s23], $0x4000  }
0x20d: {  	[sflag:s23] =	ssyncset.done $0x0  }
0x20e: {  	s30 =	simm.s32 $0x300;
	[sflag:s23] =	ssyncadd.s32 $0xFFFFC000  }
0x20f: {  	[tilespmem:s22], [sflag:$0x1] =	stream.indirect.gather [hbm4b:s1+s25], $0x80, s30, s25, $0xb8;
	[tilespmem:$0x1D000] =	vst v63  }
0x210: {  	_ =	swait.ge [sflag:s28], $0x4000  }
0x211: {  	[sflag:s28] =	ssyncset.done $0x0  }
0x212: {  	s31 =	simm.s32 $0xA80;
	[sflag:s28] =	ssyncadd.s32 $0xFFFFC000  }
0x213: {  	[spmem:s2] =	stream.indirect.scatter.add.f32 [tilespmem:s26], [sflag:$0x2], $0x80, s31, s25, $0xb8;
	[tilespmem:$0x1D000] =	vst v63  }
0x214: {  	_ =	swait.ge [sflag:s23], $0x4000  }
0x215: {  	[sflag:s23] =	ssyncset.done $0x0  }
0x216: {  	s5 =	simm.s32 $0x380;
	[sflag:s23] =	ssyncadd.s32 $0xFFFFC000  }
0x217: {  	[tilespmem:s26], [sflag:$0x1] =	stream.indirect.gather [hbm4b:s1+s25], $0x80, s5, s25, $0xb8;
	[tilespmem:$0x1D000] =	vst v63  }
0x218: {  	_ =	swait.ge [sflag:s28], $0x4000  }
0x219: {  	[sflag:s28] =	ssyncset.done $0x0  }
0x21a: {  	s6 =	simm.s32 $0xB00;
	[sflag:s28] =	ssyncadd.s32 $0xFFFFC000  }
0x21b: {  	[spmem:s2] =	stream.indirect.scatter.add.f32 [tilespmem:s22], [sflag:$0x2], $0x80, s6, s25, $0xb8;
	[tilespmem:$0x1D000] =	vst v63  }
0x21c: {  	_ =	swait.ge [sflag:s23], $0x4000  }
0x21d: {  	[sflag:s23] =	ssyncset.done $0x0  }
0x21e: {  	s9 =	simm.s32 $0x400;
	[sflag:s23] =	ssyncadd.s32 $0xFFFFC000  }
0x21f: {  	[tilespmem:s22], [sflag:$0x1] =	stream.indirect.gather [hbm4b:s1+s25], $0x80, s9, s25, $0xb8;
	[tilespmem:$0x1D000] =	vst v63  }
0x220: {  	_ =	swait.ge [sflag:s28], $0x4000  }
0x221: {  	[sflag:s28] =	ssyncset.done $0x0  }
0x222: {  	s10 =	simm.s32 $0xB80;
	[sflag:s28] =	ssyncadd.s32 $0xFFFFC000  }
0x223: {  	[spmem:s2] =	stream.indirect.scatter.add.f32 [tilespmem:s26], [sflag:$0x2], $0x80, s10, s25, $0xb8;
	[tilespmem:$0x1D000] =	vst v63  }
0x224: {  	_ =	swait.ge [sflag:s23], $0x4000  }
0x225: {  	[sflag:s23] =	ssyncset.done $0x0  }
0x226: {  	s11 =	simm.s32 $0x480;
	[sflag:s23] =	ssyncadd.s32 $0xFFFFC000  }
0x227: {  	[tilespmem:s26], [sflag:$0x1] =	stream.indirect.gather [hbm4b:s1+s25], $0x80, s11, s25, $0xb8;
	[tilespmem:$0x1D000] =	vst v63  }
0x228: {  	_ =	swait.ge [sflag:s28], $0x4000  }
0x229: {  	[sflag:s28] =	ssyncset.done $0x0  }
0x22a: {  	s0 =	simm.s32 $0xC00;
	[sflag:s28] =	ssyncadd.s32 $0xFFFFC000  }
0x22b: {  	[spmem:s2] =	stream.indirect.scatter.add.f32 [tilespmem:s22], [sflag:$0x2], $0x80, s0, s25, $0xb8;
	[tilespmem:$0x1D000] =	vst v63  }
0x22c: {  	_ =	swait.ge [sflag:s23], $0x4000  }
0x22d: {  	[sflag:s23] =	ssyncset.done $0x0  }
0x22e: {  	s12 =	simm.s32 $0x500;
	[sflag:s23] =	ssyncadd.s32 $0xFFFFC000  }
0x22f: {  	[tilespmem:s22], [sflag:$0x1] =	stream.indirect.gather [hbm4b:s1+s25], $0x80, s12, s25, $0xb8;
	[tilespmem:$0x1D000] =	vst v63  }
0x230: {  	_ =	swait.ge [sflag:s28], $0x4000  }
0x231: {  	[sflag:s28] =	ssyncset.done $0x0  }
0x232: {  	s15 =	simm.s32 $0xC80;
	[sflag:s28] =	ssyncadd.s32 $0xFFFFC000  }
0x233: {  	[spmem:s2] =	stream.indirect.scatter.add.f32 [tilespmem:s26], [sflag:$0x2], $0x80, s15, s25, $0xb8;
	[tilespmem:$0x1D000] =	vst v63  }
0x234: {  	_ =	swait.ge [sflag:s23], $0x4000  }
0x235: {  	[sflag:s23] =	ssyncset.done $0x0  }
0x236: {  	s16 =	simm.s32 $0x580;
	[sflag:s23] =	ssyncadd.s32 $0xFFFFC000  }
0x237: {  	[tilespmem:s26], [sflag:$0x1] =	stream.indirect.gather [hbm4b:s1+s25], $0x80, s16, s25, $0xb8;
	[tilespmem:$0x1D000] =	vst v63  }
0x238: {  	_ =	swait.ge [sflag:s28], $0x4000  }
0x239: {  	[sflag:s28] =	ssyncset.done $0x0  }
0x23a: {  	s16 =	simm.s32 $0xD00;
	[sflag:s28] =	ssyncadd.s32 $0xFFFFC000  }
0x23b: {  	[spmem:s2] =	stream.indirect.scatter.add.f32 [tilespmem:s22], [sflag:$0x2], $0x80, s16, s25, $0xb8;
	[tilespmem:$0x1D000] =	vst v63  }
0x23c: {  	_ =	swait.ge [sflag:s23], $0x4000  }
0x23d: {  	[sflag:s23] =	ssyncset.done $0x0  }
0x23e: {  	s14 =	simm.s32 $0x600;
	[sflag:s23] =	ssyncadd.s32 $0xFFFFC000  }
0x23f: {  	[tilespmem:s22], [sflag:$0x1] =	stream.indirect.gather [hbm4b:s1+s25], $0x80, s14, s25, $0xb8;
	[tilespmem:$0x1D000] =	vst v63  }
0x240: {  	_ =	swait.ge [sflag:s28], $0x4000  }
0x241: {  	[sflag:s28] =	ssyncset.done $0x0  }
0x242: {  	s17 =	simm.s32 $0xD80;
	[sflag:s28] =	ssyncadd.s32 $0xFFFFC000  }
0x243: {  	[spmem:s2] =	stream.indirect.scatter.add.f32 [tilespmem:s26], [sflag:$0x2], $0x80, s17, s25, $0xb8;
	[tilespmem:$0x1D000] =	vst v63  }
0x244: {  	_ =	swait.ge [sflag:s23], $0x4000  }
0x245: {  	[sflag:s23] =	ssyncset.done $0x0  }
0x246: {  	s24 =	simm.s32 $0x680;
	[sflag:s23] =	ssyncadd.s32 $0xFFFFC000  }
0x247: {  	[tilespmem:s26], [sflag:$0x1] =	stream.indirect.gather [hbm4b:s1+s25], $0x80, s24, s25, $0xb8;
	[tilespmem:$0x1D000] =	vst v63  }
0x248: {  	_ =	swait.ge [sflag:s28], $0x4000  }
0x249: {  	[sflag:s28] =	ssyncset.done $0x0  }
0x24a: {  	s17 =	simm.s32 $0xE00;
	[sflag:s28] =	ssyncadd.s32 $0xFFFFC000  }
0x24b: {  	[spmem:s2] =	stream.indirect.scatter.add.f32 [tilespmem:s22], [sflag:$0x2], $0x80, s17, s25, $0xb8;
	[tilespmem:$0x1D000] =	vst v63  }
0x24c: {  	_ =	swait.ge [sflag:s23], $0x4000  }
0x24d: {  	[sflag:s23] =	ssyncset.done $0x0  }
0x24e: {  	s24 =	simm.s32 $0x700;
	[sflag:s23] =	ssyncadd.s32 $0xFFFFC000  }
0x24f: {  	[tilespmem:s22], [sflag:$0x1] =	stream.indirect.gather [hbm4b:s1+s25], $0x80, s24, s25, $0xb8;
	[tilespmem:$0x1D000] =	vst v63  }
0x250: {  	_ =	swait.ge [sflag:s28], $0x4000  }
0x251: {  	[sflag:s28] =	ssyncset.done $0x0  }
0x252: {  	s9 =	simm.s32 $0xE80;
	[sflag:s28] =	ssyncadd.s32 $0xFFFFC000  }
0x253: {  	[spmem:s2] =	stream.indirect.scatter.add.f32 [tilespmem:s26], [sflag:$0x2], $0x80, s9, s25, $0xb8;
	[tilespmem:$0x1D000] =	vst v63  }
0x254: {  	_ =	swait.ge [sflag:s23], $0x4000  }
0x255: {  	[sflag:s23] =	ssyncset.done $0x0  }
0x256: {  	s9 =	simm.s32 $0x780;
	[sflag:s23] =	ssyncadd.s32 $0xFFFFC000  }
0x257: {  	[tilespmem:s26], [sflag:$0x1] =	stream.indirect.gather [hbm4b:s1+s25], $0x80, s9, s25, $0xb8;
	[tilespmem:$0x1D000] =	vst v63  }
0x258: {  	_ =	swait.ge [sflag:s28], $0x4000  }
0x259: {  	[sflag:s28] =	ssyncset.done $0x0  }
0x25a: {  	s9 =	simm.s32 $0xF00;
	[sflag:s28] =	ssyncadd.s32 $0xFFFFC000  }
0x25b: {  	[spmem:s2] =	stream.indirect.scatter.add.f32 [tilespmem:s22], [sflag:$0x2], $0x80, s9, s25, $0xb8;
	[tilespmem:$0x1D000] =	vst v63  }
0x25c: {  	_ =	swait.ge [sflag:s23], $0x4000  }
0x25d: {  	[sflag:s23] =	ssyncset.done $0x0  }
0x25e: {  	[sflag:s23] =	ssyncadd.s32 $0xFFFFC000  }
0x25f: {  	_ =	swait.ge [sflag:s28], $0x4000  }
0x260: {  	[sflag:s28] =	ssyncset.done $0x0  }
0x261: {  	s9 =	simm.s32 $0xF80;
	[sflag:s28] =	ssyncadd.s32 $0xFFFFC000  }
0x262: {  	[spmem:s2] =	stream.indirect.scatter.add.f32 [tilespmem:s26], [sflag:$0x2], $0x80, s9, s25, $0xb8;
	[tilespmem:$0x1D000] =	vst v63  }
0x263: {  	_ =	swait.ge [sflag:s23], $0x4000  }
0x264: {  	[sflag:s23] =	ssyncset.done $0x0  }
0x265: {  	s9 =	rddreg [dreg:$0x11];
	[sflag:s23] =	ssyncadd.s32 $0xFFFFC000  }
0x266: {  	[tilespmem:s7], [sflag:$0x2] =	stream.linear.gather [hbm4b:s9+s7], $0x800, $0x38;
	[tilespmem:$0x1D000] =	vst v63  }
0x267: {  	_ =	swait.ge [sflag:s23], $0x800  }
0x268: {  	[sflag:s23] =	ssyncset.done $0x0  }
0x269: {  	s9 =	rddreg [dreg:$0x12];
	[sflag:s23] =	ssyncadd.s32 $0xFFFFF800  }
0x26a: {  	[tilespmem:s3], [sflag:$0x2] =	stream.linear.gather [hbm4b:s9+s7], $0x800, $0x38;
	[tilespmem:$0x1D000] =	vst v63  }
0x26b: {  	_ =	swait.ge [sflag:s23], $0x800  }
0x26c: {  	[sflag:s23] =	ssyncset.done $0x0  }
0x26d: {  	[sflag:s23] =	ssyncadd.s32 $0xFFFFF800  }
0x26e: {  	[tilespmem:s22], [sflag:$0x1] =	stream.indirect.gather [hbm4b:s1+s25], $0x80, s7, s25, $0xb8;
	[tilespmem:$0x1D000] =	vst v63  }
0x26f: {  	_ = 	snop  }
0x270: {  	[tilespmem:s26], [sflag:$0x1] =	stream.indirect.gather [hbm4b:s1+s25], $0x80, s25, s25, $0xb8;
	[tilespmem:$0x1D000] =	vst v63  }
0x271: {  	_ =	swait.ge [sflag:s28], $0x4000  }
0x272: {  	[sflag:s28] =	ssyncset.done $0x0  }
0x273: {  	[sflag:s28] =	ssyncadd.s32 $0xFFFFC000  }
0x274: {  	[spmem:s2] =	stream.indirect.scatter.add.f32 [tilespmem:s22], [sflag:$0x2], $0x80, s3, s25, $0xb8;
	[tilespmem:$0x1D000] =	vst v63  }
0x275: {  	_ =	swait.ge [sflag:s23], $0x4000  }
0x276: {  	[sflag:s23] =	ssyncset.done $0x0  }
0x277: {  	s9 =	simm.s32 $0x100;
	[sflag:s23] =	ssyncadd.s32 $0xFFFFC000  }
0x278: {  	[tilespmem:s22], [sflag:$0x1] =	stream.indirect.gather [hbm4b:s1+s25], $0x80, s9, s25, $0xb8;
	[tilespmem:$0x1D000] =	vst v63  }
0x279: {  	_ =	swait.ge [sflag:s28], $0x4000  }
0x27a: {  	[sflag:s28] =	ssyncset.done $0x0  }
0x27b: {  	s9 =	simm.s32 $0x880;
	[sflag:s28] =	ssyncadd.s32 $0xFFFFC000  }
0x27c: {  	[spmem:s2] =	stream.indirect.scatter.add.f32 [tilespmem:s26], [sflag:$0x2], $0x80, s9, s25, $0xb8;
	[tilespmem:$0x1D000] =	vst v63  }
0x27d: {  	_ =	swait.ge [sflag:s23], $0x4000  }
0x27e: {  	[sflag:s23] =	ssyncset.done $0x0  }
0x27f: {  	s9 =	simm.s32 $0x180;
	[sflag:s23] =	ssyncadd.s32 $0xFFFFC000  }
0x280: {  	[tilespmem:s26], [sflag:$0x1] =	stream.indirect.gather [hbm4b:s1+s25], $0x80, s9, s25, $0xb8;
	[tilespmem:$0x1D000] =	vst v63  }
0x281: {  	_ =	swait.ge [sflag:s28], $0x4000  }
0x282: {  	[sflag:s28] =	ssyncset.done $0x0  }
0x283: {  	s4 =	simm.s32 $0x900;
	[sflag:s28] =	ssyncadd.s32 $0xFFFFC000  }
0x284: {  	[spmem:s2] =	stream.indirect.scatter.add.f32 [tilespmem:s22], [sflag:$0x2], $0x80, s4, s25, $0xb8;
	[tilespmem:$0x1D000] =	vst v63  }
0x285: {  	_ =	swait.ge [sflag:s23], $0x4000  }
0x286: {  	[sflag:s23] =	ssyncset.done $0x0  }
0x287: {  	s18 =	simm.s32 $0x200;
	[sflag:s23] =	ssyncadd.s32 $0xFFFFC000  }
0x288: {  	[tilespmem:s22], [sflag:$0x1] =	stream.indirect.gather [hbm4b:s1+s25], $0x80, s18, s25, $0xb8;
	[tilespmem:$0x1D000] =	vst v63  }
0x289: {  	_ =	swait.ge [sflag:s28], $0x4000  }
0x28a: {  	[sflag:s28] =	ssyncset.done $0x0  }
0x28b: {  	s19 =	simm.s32 $0x980;
	[sflag:s28] =	ssyncadd.s32 $0xFFFFC000  }
0x28c: {  	[spmem:s2] =	stream.indirect.scatter.add.f32 [tilespmem:s26], [sflag:$0x2], $0x80, s19, s25, $0xb8;
	[tilespmem:$0x1D000] =	vst v63  }
0x28d: {  	_ =	swait.ge [sflag:s23], $0x4000  }
0x28e: {  	[sflag:s23] =	ssyncset.done $0x0  }
0x28f: {  	s20 =	simm.s32 $0x280;
	[sflag:s23] =	ssyncadd.s32 $0xFFFFC000  }
0x290: {  	[tilespmem:s26], [sflag:$0x1] =	stream.indirect.gather [hbm4b:s1+s25], $0x80, s20, s25, $0xb8;
	[tilespmem:$0x1D000] =	vst v63  }
0x291: {  	_ =	swait.ge [sflag:s28], $0x4000  }
0x292: {  	[sflag:s28] =	ssyncset.done $0x0  }
0x293: {  	s21 =	simm.s32 $0xA00;
	[sflag:s28] =	ssyncadd.s32 $0xFFFFC000  }
0x294: {  	[spmem:s2] =	stream.indirect.scatter.add.f32 [tilespmem:s22], [sflag:$0x2], $0x80, s21, s25, $0xb8;
	[tilespmem:$0x1D000] =	vst v63  }
0x295: {  	_ =	swait.ge [sflag:s23], $0x4000  }
0x296: {  	[sflag:s23] =	ssyncset.done $0x0  }
0x297: {  	s29 =	simm.s32 $0x300;
	[sflag:s23] =	ssyncadd.s32 $0xFFFFC000  }
0x298: {  	[tilespmem:s22], [sflag:$0x1] =	stream.indirect.gather [hbm4b:s1+s25], $0x80, s29, s25, $0xb8;
	[tilespmem:$0x1D000] =	vst v63  }
0x299: {  	_ =	swait.ge [sflag:s28], $0x4000  }
0x29a: {  	[sflag:s28] =	ssyncset.done $0x0  }
0x29b: {  	s30 =	simm.s32 $0xA80;
	[sflag:s28] =	ssyncadd.s32 $0xFFFFC000  }
0x29c: {  	[spmem:s2] =	stream.indirect.scatter.add.f32 [tilespmem:s26], [sflag:$0x2], $0x80, s30, s25, $0xb8;
	[tilespmem:$0x1D000] =	vst v63  }
0x29d: {  	_ =	swait.ge [sflag:s23], $0x4000  }
0x29e: {  	[sflag:s23] =	ssyncset.done $0x0  }
0x29f: {  	s31 =	simm.s32 $0x380;
	[sflag:s23] =	ssyncadd.s32 $0xFFFFC000  }
0x2a0: {  	[tilespmem:s26], [sflag:$0x1] =	stream.indirect.gather [hbm4b:s1+s25], $0x80, s31, s25, $0xb8;
	[tilespmem:$0x1D000] =	vst v63  }
0x2a1: {  	_ =	swait.ge [sflag:s28], $0x4000  }
0x2a2: {  	[sflag:s28] =	ssyncset.done $0x0  }
0x2a3: {  	s9 =	simm.s32 $0xB00;
	[sflag:s28] =	ssyncadd.s32 $0xFFFFC000  }
0x2a4: {  	[spmem:s2] =	stream.indirect.scatter.add.f32 [tilespmem:s22], [sflag:$0x2], $0x80, s9, s25, $0xb8;
	[tilespmem:$0x1D000] =	vst v63  }
0x2a5: {  	_ =	swait.ge [sflag:s23], $0x4000  }
0x2a6: {  	[sflag:s23] =	ssyncset.done $0x0  }
0x2a7: {  	s5 =	simm.s32 $0x400;
	[sflag:s23] =	ssyncadd.s32 $0xFFFFC000  }
0x2a8: {  	[tilespmem:s22], [sflag:$0x1] =	stream.indirect.gather [hbm4b:s1+s25], $0x80, s5, s25, $0xb8;
	[tilespmem:$0x1D000] =	vst v63  }
0x2a9: {  	_ =	swait.ge [sflag:s28], $0x4000  }
0x2aa: {  	[sflag:s28] =	ssyncset.done $0x0  }
0x2ab: {  	s6 =	simm.s32 $0xB80;
	[sflag:s28] =	ssyncadd.s32 $0xFFFFC000  }
0x2ac: {  	[spmem:s2] =	stream.indirect.scatter.add.f32 [tilespmem:s26], [sflag:$0x2], $0x80, s6, s25, $0xb8;
	[tilespmem:$0x1D000] =	vst v63  }
0x2ad: {  	_ =	swait.ge [sflag:s23], $0x4000  }
0x2ae: {  	[sflag:s23] =	ssyncset.done $0x0  }
0x2af: {  	s10 =	simm.s32 $0x480;
	[sflag:s23] =	ssyncadd.s32 $0xFFFFC000  }
0x2b0: {  	[tilespmem:s26], [sflag:$0x1] =	stream.indirect.gather [hbm4b:s1+s25], $0x80, s10, s25, $0xb8;
	[tilespmem:$0x1D000] =	vst v63  }
0x2b1: {  	_ =	swait.ge [sflag:s28], $0x4000  }
0x2b2: {  	[sflag:s28] =	ssyncset.done $0x0  }
0x2b3: {  	s13 =	simm.s32 $0xC00;
	[sflag:s28] =	ssyncadd.s32 $0xFFFFC000  }
0x2b4: {  	[spmem:s2] =	stream.indirect.scatter.add.f32 [tilespmem:s22], [sflag:$0x2], $0x80, s13, s25, $0xb8;
	[tilespmem:$0x1D000] =	vst v63  }
0x2b5: {  	_ =	swait.ge [sflag:s23], $0x4000  }
0x2b6: {  	[sflag:s23] =	ssyncset.done $0x0  }
0x2b7: {  	s12 =	simm.s32 $0x500;
	[sflag:s23] =	ssyncadd.s32 $0xFFFFC000  }
0x2b8: {  	[tilespmem:s22], [sflag:$0x1] =	stream.indirect.gather [hbm4b:s1+s25], $0x80, s12, s25, $0xb8;
	[tilespmem:$0x1D000] =	vst v63  }
0x2b9: {  	_ =	swait.ge [sflag:s28], $0x4000  }
0x2ba: {  	[sflag:s28] =	ssyncset.done $0x0  }
0x2bb: {  	s11 =	simm.s32 $0xC80;
	[sflag:s28] =	ssyncadd.s32 $0xFFFFC000  }
0x2bc: {  	[spmem:s2] =	stream.indirect.scatter.add.f32 [tilespmem:s26], [sflag:$0x2], $0x80, s11, s25, $0xb8;
	[tilespmem:$0x1D000] =	vst v63  }
0x2bd: {  	_ =	swait.ge [sflag:s23], $0x4000  }
0x2be: {  	[sflag:s23] =	ssyncset.done $0x0  }
0x2bf: {  	s15 =	simm.s32 $0x580;
	[sflag:s23] =	ssyncadd.s32 $0xFFFFC000  }
0x2c0: {  	[tilespmem:s26], [sflag:$0x1] =	stream.indirect.gather [hbm4b:s1+s25], $0x80, s15, s25, $0xb8;
	[tilespmem:$0x1D000] =	vst v63  }
0x2c1: {  	_ =	swait.ge [sflag:s28], $0x4000  }
0x2c2: {  	[sflag:s28] =	ssyncset.done $0x0  }
0x2c3: {  	s15 =	simm.s32 $0xD00;
	[sflag:s28] =	ssyncadd.s32 $0xFFFFC000  }
0x2c4: {  	[spmem:s2] =	stream.indirect.scatter.add.f32 [tilespmem:s22], [sflag:$0x2], $0x80, s15, s25, $0xb8;
	[tilespmem:$0x1D000] =	vst v63  }
0x2c5: {  	_ =	swait.ge [sflag:s23], $0x4000  }
0x2c6: {  	[sflag:s23] =	ssyncset.done $0x0  }
0x2c7: {  	s0 =	simm.s32 $0x600;
	[sflag:s23] =	ssyncadd.s32 $0xFFFFC000  }
0x2c8: {  	[tilespmem:s22], [sflag:$0x1] =	stream.indirect.gather [hbm4b:s1+s25], $0x80, s0, s25, $0xb8;
	[tilespmem:$0x1D000] =	vst v63  }
0x2c9: {  	_ =	swait.ge [sflag:s28], $0x4000  }
0x2ca: {  	[sflag:s28] =	ssyncset.done $0x0  }
0x2cb: {  	s14 =	simm.s32 $0xD80;
	[sflag:s28] =	ssyncadd.s32 $0xFFFFC000  }
0x2cc: {  	[spmem:s2] =	stream.indirect.scatter.add.f32 [tilespmem:s26], [sflag:$0x2], $0x80, s14, s25, $0xb8;
	[tilespmem:$0x1D000] =	vst v63  }
0x2cd: {  	_ =	swait.ge [sflag:s23], $0x4000  }
0x2ce: {  	[sflag:s23] =	ssyncset.done $0x0  }
0x2cf: {  	s16 =	simm.s32 $0x680;
	[sflag:s23] =	ssyncadd.s32 $0xFFFFC000  }
0x2d0: {  	[tilespmem:s26], [sflag:$0x1] =	stream.indirect.gather [hbm4b:s1+s25], $0x80, s16, s25, $0xb8;
	[tilespmem:$0x1D000] =	vst v63  }
0x2d1: {  	_ =	swait.ge [sflag:s28], $0x4000  }
0x2d2: {  	[sflag:s28] =	ssyncset.done $0x0  }
0x2d3: {  	s17 =	simm.s32 $0xE00;
	[sflag:s28] =	ssyncadd.s32 $0xFFFFC000  }
0x2d4: {  	[spmem:s2] =	stream.indirect.scatter.add.f32 [tilespmem:s22], [sflag:$0x2], $0x80, s17, s25, $0xb8;
	[tilespmem:$0x1D000] =	vst v63  }
0x2d5: {  	_ =	swait.ge [sflag:s23], $0x4000  }
0x2d6: {  	[sflag:s23] =	ssyncset.done $0x0  }
0x2d7: {  	s24 =	simm.s32 $0x700;
	[sflag:s23] =	ssyncadd.s32 $0xFFFFC000  }
0x2d8: {  	[tilespmem:s22], [sflag:$0x1] =	stream.indirect.gather [hbm4b:s1+s25], $0x80, s24, s25, $0xb8;
	[tilespmem:$0x1D000] =	vst v63  }
0x2d9: {  	_ =	swait.ge [sflag:s28], $0x4000  }
0x2da: {  	[sflag:s28] =	ssyncset.done $0x0  }
0x2db: {  	s17 =	simm.s32 $0xE80;
	[sflag:s28] =	ssyncadd.s32 $0xFFFFC000  }
0x2dc: {  	[spmem:s2] =	stream.indirect.scatter.add.f32 [tilespmem:s26], [sflag:$0x2], $0x80, s17, s25, $0xb8;
	[tilespmem:$0x1D000] =	vst v63  }
0x2dd: {  	_ =	swait.ge [sflag:s23], $0x4000  }
0x2de: {  	[sflag:s23] =	ssyncset.done $0x0  }
0x2df: {  	s18 =	simm.s32 $0x780;
	[sflag:s23] =	ssyncadd.s32 $0xFFFFC000  }
0x2e0: {  	[tilespmem:s26], [sflag:$0x1] =	stream.indirect.gather [hbm4b:s1+s25], $0x80, s18, s25, $0xb8;
	[tilespmem:$0x1D000] =	vst v63  }
0x2e1: {  	_ =	swait.ge [sflag:s28], $0x4000  }
0x2e2: {  	[sflag:s28] =	ssyncset.done $0x0  }
0x2e3: {  	s19 =	simm.s32 $0xF00;
	[sflag:s28] =	ssyncadd.s32 $0xFFFFC000  }
0x2e4: {  	[spmem:s2] =	stream.indirect.scatter.add.f32 [tilespmem:s22], [sflag:$0x2], $0x80, s19, s25, $0xb8;
	[tilespmem:$0x1D000] =	vst v63  }
0x2e5: {  	_ =	swait.ge [sflag:s23], $0x4000  }
0x2e6: {  	[sflag:s23] =	ssyncset.done $0x0  }
0x2e7: {  	[sflag:s23] =	ssyncadd.s32 $0xFFFFC000  }
0x2e8: {  	_ =	swait.ge [sflag:s28], $0x4000  }
0x2e9: {  	[sflag:s28] =	ssyncset.done $0x0  }
0x2ea: {  	s20 =	simm.s32 $0xF80;
	[sflag:s28] =	ssyncadd.s32 $0xFFFFC000  }
0x2eb: {  	[spmem:s2] =	stream.indirect.scatter.add.f32 [tilespmem:s26], [sflag:$0x2], $0x80, s20, s25, $0xb8;
	[tilespmem:$0x1D000] =	vst v63  }
0x2ec: {  	_ =	swait.ge [sflag:s23], $0x4000  }
0x2ed: {  	[sflag:s23] =	ssyncset.done $0x0  }
0x2ee: {  	[sflag:s23] =	ssyncadd.s32 $0xFFFFC000  }
0x2ef: {  	s21 =	stileid.u32;
	[bflag:$0x0] =	sbarrier.arrive $0xFFFF  }
0x2f0: {  	s9 =	sshll.u32 s21, $0x6;
	s24 =	rddreg [dreg:$0x4]  }
0x2f1: {  	s9 =	sor.u32 $0x1C02, s9;
	s30 =	rddreg [dreg:$0x13];
	s29 =	sshrl.u32 s24, $0x3  }
0x2f2: {  	[hbm:s30], [sflag:s9] =	dma.local [spmem:s29], $0x2800  }
0x2f3: {  	_ =	swait.ge [sflag:s23], $0x2800  }
0x2f4: {  	s8 =	sadd.s32 $0x1, s8;
	s31 =	rddreg [dreg:$0x14]  }
0x2f5: {  	p0 =	sne.s32 s8, s31  }
.Ltmp1:
0x2f6: {  	_ = 	snop;
	(pc) =	sbr.rel @p0 .LBB2_1-.Ltmp1, $3  }
0x2f7: {  	_ =	sdelay $0x1  }
0x2f8: {  	[sflag:s23] =	ssyncset.done $0x0  }
0x2f9: {  	[sflag:s23] =	ssyncadd.s32 $0xFFFFD800  }
0x2fa: {  	_ =	sfence.sel $0x180000  }
0x2fb: {  	[bflag:$0x0] =	sbarrier.arrive $0xFFFF  }
0x2fc: {  	_ =	strace $0x9000004A  }
0x2fd: {  	s0 =	stileid.u32;
	[bflag:$0x2] =	sbarrier.arrive $0xFFFF  }
0x2fe: {  	p0 =	sne.s32 s0, $0x0;
	s0 =	rddreg [dreg:$0x3]  }
0x2ff: {  	s0 =	sadd.s32 @!p0 $0x100000, s0  }
0x300: {  	[sflag:s0] =	ssyncadd.tile.s32 @!p0 $0x1;
	_ =	shalt  }
.Lfunc_end2:
_tile_overlayer_lowered:
.L_overlay_start_2:
0x301: {  	(tag) =	ssettag $0x2  }
0x302: {  	s0 =	rddreg [dreg:$0x0];
	s2 =	stileid.u32  }
0x303: {  	s1 =	rddreg [dreg:$0x1];
	p0 =	sne.s32 s2, $0x0  }
0x304: {  	s3 =	rddreg [dreg:$0x2];
	[bflag:$0x3] =	sbarrier.arrive $0xFFFF;
	s2 =	simm.s32 @!p0 $0x1C02  }
0x305: {  	[timem:s3], [sflag:s2] =	dma.local @!p0 [hbm:s0], s1  }
0x306: {  	s0 =	simm.s32 @!p0 $0x2  }
0x307: {  	_ =	swait.ge @!p0 [sflag:s0], s1  }
0x308: {  	s1 =	ssub.s32 @!p0 $0x0, s1;
	[sflag:s0] =	ssyncset.done @!p0 $0x0  }
0x309: {  	[sflag:s0] =	ssyncadd.s32 @!p0 s1  }
0x30a: {  	[bflag:$0x3] =	sbarrier.arrive $0xFFFF  }
0x30b: {  	_ =	shalt  }

</sc_bundles>
